<compile_context>
chip_gen: v7x
topology: tpu7x:2x2x1
jax: 0.10.2.dev20260603
libtpu: 0.0.44.dev20260713+nightly
codegen_flags: <defaults>
</compile_context>

<pallas_src>
import functools
import jax
import jax.numpy as jnp
from jax import lax
from jax.experimental import pallas as pl
from jax.experimental.pallas import tpu as pltpu
from jax.experimental.pallas import tpu_sc as plsc

MAX_SEQ = 8192
SEQ = 512
NH = 8
HD = 128
R = 4096

NW = 32
RPW = R // NW
CH = 32

BLK = 512


def _sc_body(ipos, vv, vc, v1, idx_v, buf0, buf1):
    w = lax.axis_index("s") * 2 + lax.axis_index("c")
    base = w * RPW

    pltpu.sync_copy(ipos.at[pl.ds(0, 16)], idx_v)
    start = idx_v[...][0]

    bufs = (buf0, buf1)
    for t in range(RPW // CH):
        buf = bufs[t % 2]
        c0 = base + t * CH
        full_in = jnp.logical_and(c0 >= start, c0 + CH <= start + SEQ)
        voff = jnp.maximum(c0 - start, 0)

        @pl.when(full_in)
        def _():
            pltpu.sync_copy(vv.at[0, pl.ds(voff, CH)], buf)

        @pl.when(jnp.logical_not(full_in))
        def _():
            pltpu.sync_copy(vc.at[0, pl.ds(c0, CH)], buf)

        pltpu.sync_copy(buf, v1.at[0, pl.ds(c0, CH)])


def _ring(start, val, cache, out, row0, nch, buf, sem_in, sem_out, d, lag):

    def start_in(j):
        b = j % d
        c0 = row0 + j * BLK
        full_in = jnp.logical_and(c0 >= start, c0 + BLK <= start + SEQ)
        voff = jnp.clip(c0 - start, 0, SEQ - BLK) if BLK < SEQ else 0

        @pl.when(full_in)
        def _():
            pltpu.make_async_copy(
                val.at[0, pl.ds(voff, BLK)], buf.at[b], sem_in.at[b]).start()

        @pl.when(jnp.logical_not(full_in))
        def _():
            pltpu.make_async_copy(
                cache.at[0, pl.ds(c0, BLK)], buf.at[b], sem_in.at[b]).start()

    def wait_in(j):
        b = j % d
        pltpu.make_async_copy(
            cache.at[0, pl.ds(row0 + j * BLK, BLK)], buf.at[b],
            sem_in.at[b]).wait()

    def out_copy(j):
        b = j % d
        return pltpu.make_async_copy(
            buf.at[b], out.at[0, pl.ds(row0 + j * BLK, BLK)], sem_out.at[b])

    for j in range(min(d, nch)):
        start_in(j)
    for j in range(nch):
        wait_in(j)
        out_copy(j).start()
        if j >= lag and j - lag + d < nch:
            out_copy(j - lag).wait()
            start_in(j - lag + d)
    for j in range(max(0, nch - d), nch):
        out_copy(j).wait()


def _tc_k_body(s_ref, kv, kc, ko, buf, sem_in, sem_out, sem2):
    start = pl.multiple_of(s_ref[0], 8)
    _ring(start, kv, kc, ko, 0, MAX_SEQ // BLK, buf, sem_in, sem_out, 12, 6)

    @pl.when(jax.lax.rem(start, BLK) != 0)
    def _():
        cp = pltpu.make_async_copy(kv.at[0], ko.at[0, pl.ds(start, SEQ)], sem2)
        cp.start()
        cp.wait()


def _tc_vtail_body(s_ref, vv, vc, v1, vo, buf, sem_in, sem_out, sem2):
    start = pl.multiple_of(s_ref[0], 8)
    _ring(start, vv, vc, vo, R, (MAX_SEQ - R) // BLK, buf, sem_in, sem_out,
          8, 4)

    @pl.when(jax.lax.rem(start, BLK) != 0)
    def _():
        cp = pltpu.make_async_copy(vv.at[0], vo.at[0, pl.ds(start, SEQ)], sem2)
        cp.start()
        cp.wait()


def kernel(input_pos, k_val, v_val, k_cache, v_cache):
    shp = k_cache.shape
    start = jnp.clip(input_pos[0], 0, MAX_SEQ - SEQ).reshape(1).astype(jnp.int32)

    mesh = plsc.VectorSubcoreMesh(core_axis_name="c", subcore_axis_name="s")
    v1 = pl.kernel(
        _sc_body,
        mesh=mesh,
        out_type=jax.ShapeDtypeStruct(shp, jnp.float32),
        scratch_types=[
            pltpu.VMEM((16,), jnp.int32),
            pltpu.VMEM((CH, NH, HD), jnp.float32),
            pltpu.VMEM((CH, NH, HD), jnp.float32),
        ],
    )(input_pos, v_val, v_cache)

    hbm = pl.BlockSpec(memory_space=pltpu.MemorySpace.HBM)

    def tc_call(body, n_in, d, aliases):
        return pl.pallas_call(
            body,
            grid_spec=pltpu.PrefetchScalarGridSpec(
                num_scalar_prefetch=1,
                grid=(1,),
                in_specs=[hbm] * n_in,
                out_specs=hbm,
                scratch_shapes=[
                    pltpu.VMEM((d, BLK, NH, HD), jnp.float32),
                    pltpu.SemaphoreType.DMA((d,)),
                    pltpu.SemaphoreType.DMA((d,)),
                    pltpu.SemaphoreType.DMA,
                ],
            ),
            out_shape=jax.ShapeDtypeStruct(shp, jnp.float32),
            input_output_aliases=aliases,
        )

    ko = tc_call(_tc_k_body, 2, 12, {})(start, k_val, k_cache)
    vo = tc_call(_tc_vtail_body, 3, 8, {3: 0})(start, v_val, v_cache, v1)
    return (ko, vo)

# --- scband reference (transcript-rebuilt; emitter-appended) ---
"""Pipeline reference for scband-kvcache-25262997635620 (READ-ONLY COPY).

The authoritative reference and input builder live on the scoring server;
editing this copy changes nothing except your own understanding.
"""

import jax, jax.numpy as jnp
import numpy as np

MAX_SEQ_LEN = 8192
N_KV_HEADS = 8
HEAD_DIM = 128
SEQ_LEN = 512
B = 1

def setup_inputs(seed: int = 0) -> dict:
    key = jax.random.key(seed)
    k1, k2 = jax.random.split(key)
    return {
        "input_pos": jnp.arange(SEQ_LEN, dtype=jnp.int32),
        "k_val": jax.random.normal(k1, (B, SEQ_LEN, N_KV_HEADS, HEAD_DIM), dtype=jnp.float32),
        "v_val": jax.random.normal(k2, (B, SEQ_LEN, N_KV_HEADS, HEAD_DIM), dtype=jnp.float32),
        "k_cache": jnp.zeros((B, MAX_SEQ_LEN, N_KV_HEADS, HEAD_DIM), dtype=jnp.float32),
        "v_cache": jnp.zeros((B, MAX_SEQ_LEN, N_KV_HEADS, HEAD_DIM), dtype=jnp.float32),
    }

def reference(input_pos, k_val, v_val, k_cache, v_cache):
    # torch.ops.llama.update_cache: contiguous write of k_val/v_val into the cache
    # starting at start_pos = input_pos[0]; returns the full updated caches.
    start_pos = input_pos[0]
    zero = jnp.array(0, dtype=start_pos.dtype)
    k_new = jax.lax.dynamic_update_slice(k_cache, k_val, (zero, start_pos, zero, zero))
    v_new = jax.lax.dynamic_update_slice(v_cache, v_val, (zero, start_pos, zero, zero))
    return (k_new, v_new)

if __name__ == "__main__":
    import jax
    _d = setup_inputs()
    print(jax.jit(kernel)(*tuple(_d.values())))

</pallas_src>

<mosaic_0001>
#map = affine_map<(d0, d1) -> (0)>
#map1 = affine_map<(d0, d1) -> (0, 0, 0, 0)>
module attributes {stable_mosaic.version = 14 : i64} {
  func.func @_sc_body(%arg0: i32, %arg1: i32, %arg2: memref<512xi32, #tpu.memory_space<hbm>>, %arg3: memref<1x512x8x128xf32, #tpu.memory_space<hbm>>, %arg4: memref<1x8192x8x128xf32, #tpu.memory_space<hbm>>, %arg5: memref<1x8192x8x128xf32, #tpu.memory_space<hbm>>, %arg6: memref<16xi32, #tpu.memory_space<vmem>>, %arg7: memref<32x8x128xf32, #tpu.memory_space<vmem>>, %arg8: memref<32x8x128xf32, #tpu.memory_space<vmem>>) attributes {dimension_semantics = [#tpu.dimension_semantics<core_parallel>, #tpu.dimension_semantics<subcore_parallel>], iteration_bounds = array<i64: 2, 16>, scalar_prefetch = 0 : i64, scratch_operands = 3 : i64, tpu.core_type = #tpu.core_type<sc_vector_subcore>, window_params = [{transform_indices = #map}, {transform_indices = #map1}, {transform_indices = #map1}, {transform_indices = #map1}]} {
    %mul3A = arith.constant 2 : i32
    %mul3A_0 = arith.muli %arg1, %mul3A : i32
    %add3A = arith.addi %mul3A_0, %arg0 : i32
    %mul3A_1 = arith.constant 128 : i32
    %mul3A_2 = arith.muli %add3A, %mul3A_1 : i32
    "tpu.region"() ({
      %run_scoped3A_80 = tpu.sem_alloc : memref<!tpu.dma_semaphore, #tpu.memory_space<semaphore_mem>>
      %dma_start3A = arith.constant 0 : i32
      %dma_start3A_81 = tpu.memref_slice %arg2[%dma_start3A] : memref<512xi32, #tpu.memory_space<hbm>> -> memref<16xi32, #tpu.memory_space<hbm>>
      %dma_start3A_82 = arith.constant 0 : i32
      %dma_start3A_83 = tpu.memref_slice %arg2[%dma_start3A_82] : memref<512xi32, #tpu.memory_space<hbm>> -> memref<16xi32, #tpu.memory_space<hbm>>
      tpu.enqueue_dma source(%dma_start3A_83 : memref<16xi32, #tpu.memory_space<hbm>>) target(%arg6 : memref<16xi32, #tpu.memory_space<vmem>>) target_semaphore(%run_scoped3A_80 : memref<!tpu.dma_semaphore, #tpu.memory_space<semaphore_mem>>)
      %dma_wait3A = arith.constant 0 : i32
      %dma_wait3A_84 = tpu.memref_slice %arg2[%dma_wait3A] : memref<512xi32, #tpu.memory_space<hbm>> -> memref<16xi32, #tpu.memory_space<hbm>>
      %dma_wait3A_85 = arith.constant 0 : i32
      %dma_wait3A_86 = tpu.memref_slice %arg2[%dma_wait3A_85] : memref<512xi32, #tpu.memory_space<hbm>> -> memref<16xi32, #tpu.memory_space<hbm>>
      tpu.wait_dma2 semaphore(%run_scoped3A_80 : memref<!tpu.dma_semaphore, #tpu.memory_space<semaphore_mem>>) src(%dma_wait3A_86 : memref<16xi32, #tpu.memory_space<hbm>>) dst(%arg6 : memref<16xi32, #tpu.memory_space<vmem>>)
      tpu.yield
    }) : () -> ()
    %get3A = arith.constant 0 : index
    %get3A_3 = tpu.vector_load %arg6[%get3A] {strides = array<i32>} : memref<16xi32, #tpu.memory_space<vmem>>, vector<16xi32>,
    %get3A_4 = vector.shape_cast %get3A_3 : vector<16xi32> to vector<16xi32>
    %slice3A = vector.extract_strided_slice %get3A_4 {offsets = [0], sizes = [1], strides = [1]} : vector<16xi32> to vector<1xi32>
    %squeeze3A = vector.extract %slice3A[0] : i32 from vector<1xi32>
    %add3A_5 = arith.constant 0 : i32
    %add3A_6 = arith.addi %mul3A_2, %add3A_5 : i32
    %ge3A = arith.cmpi sge, %add3A_6, %squeeze3A : i32
    %add3A_7 = arith.constant 32 : i32
    %add3A_8 = arith.addi %add3A_6, %add3A_7 : i32
    %add3A_9 = arith.constant 512 : i32
    %add3A_10 = arith.addi %squeeze3A, %add3A_9 : i32
    %le3A = arith.cmpi sle, %add3A_8, %add3A_10 : i32
    %and3A = arith.andi %ge3A, %le3A : i1
    %sub3A = arith.subi %add3A_6, %squeeze3A : i32
    %max3A = arith.constant 0 : i32
    %max3A_11 = arith.maxsi %sub3A, %max3A : i32
    %convert_element_type3A = arith.extui %and3A : i1 to i32
    %cond3A = arith.constant 0 : i32
    %cond3A_12 = arith.cmpi ne, %convert_element_type3A, %cond3A : i32
    scf.if %cond3A_12 {
      %run_scoped3A_80 = arith.constant 0 : i32
      "tpu.region"() ({
        %run_scoped3A_81 = tpu.sem_alloc : memref<!tpu.dma_semaphore, #tpu.memory_space<semaphore_mem>>
        %dma_start3A = arith.constant 0 : i32
        %dma_start3A_82 = arith.constant 0 : i32
        %dma_start3A_83 = tpu.memref_slice %arg3[%run_scoped3A_80, %max3A_11, %dma_start3A, %dma_start3A_82] : memref<1x512x8x128xf32, #tpu.memory_space<hbm>> -> memref<1x32x8x128xf32, #tpu.memory_space<hbm>>
        %dma_start3A_84 = tpu.memref_squeeze %dma_start3A_83 : memref<1x32x8x128xf32, #tpu.memory_space<hbm>> -> memref<32x8x128xf32, #tpu.memory_space<hbm>>
        %dma_start3A_85 = arith.constant 0 : i32
        %dma_start3A_86 = arith.constant 0 : i32
        %dma_start3A_87 = tpu.memref_slice %arg3[%run_scoped3A_80, %max3A_11, %dma_start3A_85, %dma_start3A_86] : memref<1x512x8x128xf32, #tpu.memory_space<hbm>> -> memref<1x32x8x128xf32, #tpu.memory_space<hbm>>
        %dma_start3A_88 = tpu.memref_squeeze %dma_start3A_87 : memref<1x32x8x128xf32, #tpu.memory_space<hbm>> -> memref<32x8x128xf32, #tpu.memory_space<hbm>>
        tpu.enqueue_dma source(%dma_start3A_88 : memref<32x8x128xf32, #tpu.memory_space<hbm>>) target(%arg7 : memref<32x8x128xf32, #tpu.memory_space<vmem>>) target_semaphore(%run_scoped3A_81 : memref<!tpu.dma_semaphore, #tpu.memory_space<semaphore_mem>>)
        %dma_wait3A = arith.constant 0 : i32
        %dma_wait3A_89 = arith.constant 0 : i32
        %dma_wait3A_90 = tpu.memref_slice %arg3[%run_scoped3A_80, %max3A_11, %dma_wait3A, %dma_wait3A_89] : memref<1x512x8x128xf32, #tpu.memory_space<hbm>> -> memref<1x32x8x128xf32, #tpu.memory_space<hbm>>
        %dma_wait3A_91 = tpu.memref_squeeze %dma_wait3A_90 : memref<1x32x8x128xf32, #tpu.memory_space<hbm>> -> memref<32x8x128xf32, #tpu.memory_space<hbm>>
        %dma_wait3A_92 = arith.constant 0 : i32
        %dma_wait3A_93 = arith.constant 0 : i32
        %dma_wait3A_94 = tpu.memref_slice %arg3[%run_scoped3A_80, %max3A_11, %dma_wait3A_92, %dma_wait3A_93] : memref<1x512x8x128xf32, #tpu.memory_space<hbm>> -> memref<1x32x8x128xf32, #tpu.memory_space<hbm>>
        %dma_wait3A_95 = tpu.memref_squeeze %dma_wait3A_94 : memref<1x32x8x128xf32, #tpu.memory_space<hbm>> -> memref<32x8x128xf32, #tpu.memory_space<hbm>>
        tpu.wait_dma2 semaphore(%run_scoped3A_81 : memref<!tpu.dma_semaphore, #tpu.memory_space<semaphore_mem>>) src(%dma_wait3A_95 : memref<32x8x128xf32, #tpu.memory_space<hbm>>) dst(%arg7 : memref<32x8x128xf32, #tpu.memory_space<vmem>>)
        tpu.yield
      }) : () -> ()
    } else {
    }
    %not3A = arith.constant true
    %not3A_13 = arith.xori %and3A, %not3A : i1
    %convert_element_type3A_14 = arith.extui %not3A_13 : i1 to i32
    %cond3A_15 = arith.constant 0 : i32
    %cond3A_16 = arith.cmpi ne, %convert_element_type3A_14, %cond3A_15 : i32
    scf.if %cond3A_16 {
      %run_scoped3A_80 = arith.constant 0 : i32
      "tpu.region"() ({
        %run_scoped3A_81 = tpu.sem_alloc : memref<!tpu.dma_semaphore, #tpu.memory_space<semaphore_mem>>
        %dma_start3A = arith.constant 0 : i32
        %dma_start3A_82 = arith.constant 0 : i32
        %dma_start3A_83 = tpu.memref_slice %arg4[%run_scoped3A_80, %add3A_6, %dma_start3A, %dma_start3A_82] : memref<1x8192x8x128xf32, #tpu.memory_space<hbm>> -> memref<1x32x8x128xf32, #tpu.memory_space<hbm>>
        %dma_start3A_84 = tpu.memref_squeeze %dma_start3A_83 : memref<1x32x8x128xf32, #tpu.memory_space<hbm>> -> memref<32x8x128xf32, #tpu.memory_space<hbm>>
        %dma_start3A_85 = arith.constant 0 : i32
        %dma_start3A_86 = arith.constant 0 : i32
        %dma_start3A_87 = tpu.memref_slice %arg4[%run_scoped3A_80, %add3A_6, %dma_start3A_85, %dma_start3A_86] : memref<1x8192x8x128xf32, #tpu.memory_space<hbm>> -> memref<1x32x8x128xf32, #tpu.memory_space<hbm>>
        %dma_start3A_88 = tpu.memref_squeeze %dma_start3A_87 : memref<1x32x8x128xf32, #tpu.memory_space<hbm>> -> memref<32x8x128xf32, #tpu.memory_space<hbm>>
        tpu.enqueue_dma source(%dma_start3A_88 : memref<32x8x128xf32, #tpu.memory_space<hbm>>) target(%arg7 : memref<32x8x128xf32, #tpu.memory_space<vmem>>) target_semaphore(%run_scoped3A_81 : memref<!tpu.dma_semaphore, #tpu.memory_space<semaphore_mem>>)
        %dma_wait3A = arith.constant 0 : i32
        %dma_wait3A_89 = arith.constant 0 : i32
        %dma_wait3A_90 = tpu.memref_slice %arg4[%run_scoped3A_80, %add3A_6, %dma_wait3A, %dma_wait3A_89] : memref<1x8192x8x128xf32, #tpu.memory_space<hbm>> -> memref<1x32x8x128xf32, #tpu.memory_space<hbm>>
        %dma_wait3A_91 = tpu.memref_squeeze %dma_wait3A_90 : memref<1x32x8x128xf32, #tpu.memory_space<hbm>> -> memref<32x8x128xf32, #tpu.memory_space<hbm>>
        %dma_wait3A_92 = arith.constant 0 : i32
        %dma_wait3A_93 = arith.constant 0 : i32
        %dma_wait3A_94 = tpu.memref_slice %arg4[%run_scoped3A_80, %add3A_6, %dma_wait3A_92, %dma_wait3A_93] : memref<1x8192x8x128xf32, #tpu.memory_space<hbm>> -> memref<1x32x8x128xf32, #tpu.memory_space<hbm>>
        %dma_wait3A_95 = tpu.memref_squeeze %dma_wait3A_94 : memref<1x32x8x128xf32, #tpu.memory_space<hbm>> -> memref<32x8x128xf32, #tpu.memory_space<hbm>>
        tpu.wait_dma2 semaphore(%run_scoped3A_81 : memref<!tpu.dma_semaphore, #tpu.memory_space<semaphore_mem>>) src(%dma_wait3A_95 : memref<32x8x128xf32, #tpu.memory_space<hbm>>) dst(%arg7 : memref<32x8x128xf32, #tpu.memory_space<vmem>>)
        tpu.yield
      }) : () -> ()
    } else {
    }
    %run_scoped3A = arith.constant 0 : i32
    "tpu.region"() ({
      %run_scoped3A_80 = tpu.sem_alloc : memref<!tpu.dma_semaphore, #tpu.memory_space<semaphore_mem>>
      %dma_start3A = arith.constant 0 : i32
      %dma_start3A_81 = arith.constant 0 : i32
      %dma_start3A_82 = tpu.memref_slice %arg5[%run_scoped3A, %add3A_6, %dma_start3A, %dma_start3A_81] : memref<1x8192x8x128xf32, #tpu.memory_space<hbm>> -> memref<1x32x8x128xf32, #tpu.memory_space<hbm>>
      %dma_start3A_83 = tpu.memref_squeeze %dma_start3A_82 : memref<1x32x8x128xf32, #tpu.memory_space<hbm>> -> memref<32x8x128xf32, #tpu.memory_space<hbm>>
      %dma_start3A_84 = arith.constant 0 : i32
      %dma_start3A_85 = arith.constant 0 : i32
      %dma_start3A_86 = tpu.memref_slice %arg5[%run_scoped3A, %add3A_6, %dma_start3A_84, %dma_start3A_85] : memref<1x8192x8x128xf32, #tpu.memory_space<hbm>> -> memref<1x32x8x128xf32, #tpu.memory_space<hbm>>
      %dma_start3A_87 = tpu.memref_squeeze %dma_start3A_86 : memref<1x32x8x128xf32, #tpu.memory_space<hbm>> -> memref<32x8x128xf32, #tpu.memory_space<hbm>>
      tpu.enqueue_dma source(%arg7 : memref<32x8x128xf32, #tpu.memory_space<vmem>>) target(%dma_start3A_87 : memref<32x8x128xf32, #tpu.memory_space<hbm>>) target_semaphore(%run_scoped3A_80 : memref<!tpu.dma_semaphore, #tpu.memory_space<semaphore_mem>>)
      %dma_wait3A = arith.constant 0 : i32
      %dma_wait3A_88 = arith.constant 0 : i32
      %dma_wait3A_89 = tpu.memref_slice %arg5[%run_scoped3A, %add3A_6, %dma_wait3A, %dma_wait3A_88] : memref<1x8192x8x128xf32, #tpu.memory_space<hbm>> -> memref<1x32x8x128xf32, #tpu.memory_space<hbm>>
      %dma_wait3A_90 = tpu.memref_squeeze %dma_wait3A_89 : memref<1x32x8x128xf32, #tpu.memory_space<hbm>> -> memref<32x8x128xf32, #tpu.memory_space<hbm>>
      %dma_wait3A_91 = arith.constant 0 : i32
      %dma_wait3A_92 = arith.constant 0 : i32
      %dma_wait3A_93 = tpu.memref_slice %arg5[%run_scoped3A, %add3A_6, %dma_wait3A_91, %dma_wait3A_92] : memref<1x8192x8x128xf32, #tpu.memory_space<hbm>> -> memref<1x32x8x128xf32, #tpu.memory_space<hbm>>
      %dma_wait3A_94 = tpu.memref_squeeze %dma_wait3A_93 : memref<1x32x8x128xf32, #tpu.memory_space<hbm>> -> memref<32x8x128xf32, #tpu.memory_space<hbm>>
      tpu.wait_dma2 semaphore(%run_scoped3A_80 : memref<!tpu.dma_semaphore, #tpu.memory_space<semaphore_mem>>) src(%arg7 : memref<32x8x128xf32, #tpu.memory_space<vmem>>) dst(%dma_wait3A_94 : memref<32x8x128xf32, #tpu.memory_space<hbm>>)
      tpu.yield
    }) : () -> ()
    %add3A_17 = arith.constant 32 : i32
    %add3A_18 = arith.addi %mul3A_2, %add3A_17 : i32
    %ge3A_19 = arith.cmpi sge, %add3A_18, %squeeze3A : i32
    %add3A_20 = arith.constant 32 : i32
    %add3A_21 = arith.addi %add3A_18, %add3A_20 : i32
    %add3A_22 = arith.constant 512 : i32
    %add3A_23 = arith.addi %squeeze3A, %add3A_22 : i32
    %le3A_24 = arith.cmpi sle, %add3A_21, %add3A_23 : i32
    %and3A_25 = arith.andi %ge3A_19, %le3A_24 : i1
    %sub3A_26 = arith.subi %add3A_18, %squeeze3A : i32
    %max3A_27 = arith.constant 0 : i32
    %max3A_28 = arith.maxsi %sub3A_26, %max3A_27 : i32
    %convert_element_type3A_29 = arith.extui %and3A_25 : i1 to i32
    %cond3A_30 = arith.constant 0 : i32
    %cond3A_31 = arith.cmpi ne, %convert_element_type3A_29, %cond3A_30 : i32
    scf.if %cond3A_31 {
      %run_scoped3A_80 = arith.constant 0 : i32
      "tpu.region"() ({
        %run_scoped3A_81 = tpu.sem_alloc : memref<!tpu.dma_semaphore, #tpu.memory_space<semaphore_mem>>
        %dma_start3A = arith.constant 0 : i32
        %dma_start3A_82 = arith.constant 0 : i32
        %dma_start3A_83 = tpu.memref_slice %arg3[%run_scoped3A_80, %max3A_28, %dma_start3A, %dma_start3A_82] : memref<1x512x8x128xf32, #tpu.memory_space<hbm>> -> memref<1x32x8x128xf32, #tpu.memory_space<hbm>>
        %dma_start3A_84 = tpu.memref_squeeze %dma_start3A_83 : memref<1x32x8x128xf32, #tpu.memory_space<hbm>> -> memref<32x8x128xf32, #tpu.memory_space<hbm>>
        %dma_start3A_85 = arith.constant 0 : i32
        %dma_start3A_86 = arith.constant 0 : i32
        %dma_start3A_87 = tpu.memref_slice %arg3[%run_scoped3A_80, %max3A_28, %dma_start3A_85, %dma_start3A_86] : memref<1x512x8x128xf32, #tpu.memory_space<hbm>> -> memref<1x32x8x128xf32, #tpu.memory_space<hbm>>
        %dma_start3A_88 = tpu.memref_squeeze %dma_start3A_87 : memref<1x32x8x128xf32, #tpu.memory_space<hbm>> -> memref<32x8x128xf32, #tpu.memory_space<hbm>>
        tpu.enqueue_dma source(%dma_start3A_88 : memref<32x8x128xf32, #tpu.memory_space<hbm>>) target(%arg8 : memref<32x8x128xf32, #tpu.memory_space<vmem>>) target_semaphore(%run_scoped3A_81 : memref<!tpu.dma_semaphore, #tpu.memory_space<semaphore_mem>>)
        %dma_wait3A = arith.constant 0 : i32
        %dma_wait3A_89 = arith.constant 0 : i32
        %dma_wait3A_90 = tpu.memref_slice %arg3[%run_scoped3A_80, %max3A_28, %dma_wait3A, %dma_wait3A_89] : memref<1x512x8x128xf32, #tpu.memory_space<hbm>> -> memref<1x32x8x128xf32, #tpu.memory_space<hbm>>
        %dma_wait3A_91 = tpu.memref_squeeze %dma_wait3A_90 : memref<1x32x8x128xf32, #tpu.memory_space<hbm>> -> memref<32x8x128xf32, #tpu.memory_space<hbm>>
        %dma_wait3A_92 = arith.constant 0 : i32
        %dma_wait3A_93 = arith.constant 0 : i32
        %dma_wait3A_94 = tpu.memref_slice %arg3[%run_scoped3A_80, %max3A_28, %dma_wait3A_92, %dma_wait3A_93] : memref<1x512x8x128xf32, #tpu.memory_space<hbm>> -> memref<1x32x8x128xf32, #tpu.memory_space<hbm>>
        %dma_wait3A_95 = tpu.memref_squeeze %dma_wait3A_94 : memref<1x32x8x128xf32, #tpu.memory_space<hbm>> -> memref<32x8x128xf32, #tpu.memory_space<hbm>>
        tpu.wait_dma2 semaphore(%run_scoped3A_81 : memref<!tpu.dma_semaphore, #tpu.memory_space<semaphore_mem>>) src(%dma_wait3A_95 : memref<32x8x128xf32, #tpu.memory_space<hbm>>) dst(%arg8 : memref<32x8x128xf32, #tpu.memory_space<vmem>>)
        tpu.yield
      }) : () -> ()
    } else {
    }
    %not3A_32 = arith.constant true
    %not3A_33 = arith.xori %and3A_25, %not3A_32 : i1
    %convert_element_type3A_34 = arith.extui %not3A_33 : i1 to i32
    %cond3A_35 = arith.constant 0 : i32
    %cond3A_36 = arith.cmpi ne, %convert_element_type3A_34, %cond3A_35 : i32
    scf.if %cond3A_36 {
      %run_scoped3A_80 = arith.constant 0 : i32
      "tpu.region"() ({
        %run_scoped3A_81 = tpu.sem_alloc : memref<!tpu.dma_semaphore, #tpu.memory_space<semaphore_mem>>
        %dma_start3A = arith.constant 0 : i32
        %dma_start3A_82 = arith.constant 0 : i32
        %dma_start3A_83 = tpu.memref_slice %arg4[%run_scoped3A_80, %add3A_18, %dma_start3A, %dma_start3A_82] : memref<1x8192x8x128xf32, #tpu.memory_space<hbm>> -> memref<1x32x8x128xf32, #tpu.memory_space<hbm>>
        %dma_start3A_84 = tpu.memref_squeeze %dma_start3A_83 : memref<1x32x8x128xf32, #tpu.memory_space<hbm>> -> memref<32x8x128xf32, #tpu.memory_space<hbm>>
        %dma_start3A_85 = arith.constant 0 : i32
        %dma_start3A_86 = arith.constant 0 : i32
        %dma_start3A_87 = tpu.memref_slice %arg4[%run_scoped3A_80, %add3A_18, %dma_start3A_85, %dma_start3A_86] : memref<1x8192x8x128xf32, #tpu.memory_space<hbm>> -> memref<1x32x8x128xf32, #tpu.memory_space<hbm>>
        %dma_start3A_88 = tpu.memref_squeeze %dma_start3A_87 : memref<1x32x8x128xf32, #tpu.memory_space<hbm>> -> memref<32x8x128xf32, #tpu.memory_space<hbm>>
        tpu.enqueue_dma source(%dma_start3A_88 : memref<32x8x128xf32, #tpu.memory_space<hbm>>) target(%arg8 : memref<32x8x128xf32, #tpu.memory_space<vmem>>) target_semaphore(%run_scoped3A_81 : memref<!tpu.dma_semaphore, #tpu.memory_space<semaphore_mem>>)
        %dma_wait3A = arith.constant 0 : i32
        %dma_wait3A_89 = arith.constant 0 : i32
        %dma_wait3A_90 = tpu.memref_slice %arg4[%run_scoped3A_80, %add3A_18, %dma_wait3A, %dma_wait3A_89] : memref<1x8192x8x128xf32, #tpu.memory_space<hbm>> -> memref<1x32x8x128xf32, #tpu.memory_space<hbm>>
        %dma_wait3A_91 = tpu.memref_squeeze %dma_wait3A_90 : memref<1x32x8x128xf32, #tpu.memory_space<hbm>> -> memref<32x8x128xf32, #tpu.memory_space<hbm>>
        %dma_wait3A_92 = arith.constant 0 : i32
        %dma_wait3A_93 = arith.constant 0 : i32
        %dma_wait3A_94 = tpu.memref_slice %arg4[%run_scoped3A_80, %add3A_18, %dma_wait3A_92, %dma_wait3A_93] : memref<1x8192x8x128xf32, #tpu.memory_space<hbm>> -> memref<1x32x8x128xf32, #tpu.memory_space<hbm>>
        %dma_wait3A_95 = tpu.memref_squeeze %dma_wait3A_94 : memref<1x32x8x128xf32, #tpu.memory_space<hbm>> -> memref<32x8x128xf32, #tpu.memory_space<hbm>>
        tpu.wait_dma2 semaphore(%run_scoped3A_81 : memref<!tpu.dma_semaphore, #tpu.memory_space<semaphore_mem>>) src(%dma_wait3A_95 : memref<32x8x128xf32, #tpu.memory_space<hbm>>) dst(%arg8 : memref<32x8x128xf32, #tpu.memory_space<vmem>>)
        tpu.yield
      }) : () -> ()
    } else {
    }
    %run_scoped3A_37 = arith.constant 0 : i32
    "tpu.region"() ({
      %run_scoped3A_80 = tpu.sem_alloc : memref<!tpu.dma_semaphore, #tpu.memory_space<semaphore_mem>>
      %dma_start3A = arith.constant 0 : i32
      %dma_start3A_81 = arith.constant 0 : i32
      %dma_start3A_82 = tpu.memref_slice %arg5[%run_scoped3A_37, %add3A_18, %dma_start3A, %dma_start3A_81] : memref<1x8192x8x128xf32, #tpu.memory_space<hbm>> -> memref<1x32x8x128xf32, #tpu.memory_space<hbm>>
      %dma_start3A_83 = tpu.memref_squeeze %dma_start3A_82 : memref<1x32x8x128xf32, #tpu.memory_space<hbm>> -> memref<32x8x128xf32, #tpu.memory_space<hbm>>
      %dma_start3A_84 = arith.constant 0 : i32
      %dma_start3A_85 = arith.constant 0 : i32
      %dma_start3A_86 = tpu.memref_slice %arg5[%run_scoped3A_37, %add3A_18, %dma_start3A_84, %dma_start3A_85] : memref<1x8192x8x128xf32, #tpu.memory_space<hbm>> -> memref<1x32x8x128xf32, #tpu.memory_space<hbm>>
      %dma_start3A_87 = tpu.memref_squeeze %dma_start3A_86 : memref<1x32x8x128xf32, #tpu.memory_space<hbm>> -> memref<32x8x128xf32, #tpu.memory_space<hbm>>
      tpu.enqueue_dma source(%arg8 : memref<32x8x128xf32, #tpu.memory_space<vmem>>) target(%dma_start3A_87 : memref<32x8x128xf32, #tpu.memory_space<hbm>>) target_semaphore(%run_scoped3A_80 : memref<!tpu.dma_semaphore, #tpu.memory_space<semaphore_mem>>)
      %dma_wait3A = arith.constant 0 : i32
      %dma_wait3A_88 = arith.constant 0 : i32
      %dma_wait3A_89 = tpu.memref_slice %arg5[%run_scoped3A_37, %add3A_18, %dma_wait3A, %dma_wait3A_88] : memref<1x8192x8x128xf32, #tpu.memory_space<hbm>> -> memref<1x32x8x128xf32, #tpu.memory_space<hbm>>
      %dma_wait3A_90 = tpu.memref_squeeze %dma_wait3A_89 : memref<1x32x8x128xf32, #tpu.memory_space<hbm>> -> memref<32x8x128xf32, #tpu.memory_space<hbm>>
      %dma_wait3A_91 = arith.constant 0 : i32
      %dma_wait3A_92 = arith.constant 0 : i32
      %dma_wait3A_93 = tpu.memref_slice %arg5[%run_scoped3A_37, %add3A_18, %dma_wait3A_91, %dma_wait3A_92] : memref<1x8192x8x128xf32, #tpu.memory_space<hbm>> -> memref<1x32x8x128xf32, #tpu.memory_space<hbm>>
      %dma_wait3A_94 = tpu.memref_squeeze %dma_wait3A_93 : memref<1x32x8x128xf32, #tpu.memory_space<hbm>> -> memref<32x8x128xf32, #tpu.memory_space<hbm>>
      tpu.wait_dma2 semaphore(%run_scoped3A_80 : memref<!tpu.dma_semaphore, #tpu.memory_space<semaphore_mem>>) src(%arg8 : memref<32x8x128xf32, #tpu.memory_space<vmem>>) dst(%dma_wait3A_94 : memref<32x8x128xf32, #tpu.memory_space<hbm>>)
      tpu.yield
    }) : () -> ()
    %add3A_38 = arith.constant 64 : i32
    %add3A_39 = arith.addi %mul3A_2, %add3A_38 : i32
    %ge3A_40 = arith.cmpi sge, %add3A_39, %squeeze3A : i32
    %add3A_41 = arith.constant 32 : i32
    %add3A_42 = arith.addi %add3A_39, %add3A_41 : i32
    %add3A_43 = arith.constant 512 : i32
    %add3A_44 = arith.addi %squeeze3A, %add3A_43 : i32
    %le3A_45 = arith.cmpi sle, %add3A_42, %add3A_44 : i32
    %and3A_46 = arith.andi %ge3A_40, %le3A_45 : i1
    %sub3A_47 = arith.subi %add3A_39, %squeeze3A : i32
    %max3A_48 = arith.constant 0 : i32
    %max3A_49 = arith.maxsi %sub3A_47, %max3A_48 : i32
    %convert_element_type3A_50 = arith.extui %and3A_46 : i1 to i32
    %cond3A_51 = arith.constant 0 : i32
    %cond3A_52 = arith.cmpi ne, %convert_element_type3A_50, %cond3A_51 : i32
    scf.if %cond3A_52 {
      %run_scoped3A_80 = arith.constant 0 : i32
      "tpu.region"() ({
        %run_scoped3A_81 = tpu.sem_alloc : memref<!tpu.dma_semaphore, #tpu.memory_space<semaphore_mem>>
        %dma_start3A = arith.constant 0 : i32
        %dma_start3A_82 = arith.constant 0 : i32
        %dma_start3A_83 = tpu.memref_slice %arg3[%run_scoped3A_80, %max3A_49, %dma_start3A, %dma_start3A_82] : memref<1x512x8x128xf32, #tpu.memory_space<hbm>> -> memref<1x32x8x128xf32, #tpu.memory_space<hbm>>
        %dma_start3A_84 = tpu.memref_squeeze %dma_start3A_83 : memref<1x32x8x128xf32, #tpu.memory_space<hbm>> -> memref<32x8x128xf32, #tpu.memory_space<hbm>>
        %dma_start3A_85 = arith.constant 0 : i32
        %dma_start3A_86 = arith.constant 0 : i32
        %dma_start3A_87 = tpu.memref_slice %arg3[%run_scoped3A_80, %max3A_49, %dma_start3A_85, %dma_start3A_86] : memref<1x512x8x128xf32, #tpu.memory_space<hbm>> -> memref<1x32x8x128xf32, #tpu.memory_space<hbm>>
        %dma_start3A_88 = tpu.memref_squeeze %dma_start3A_87 : memref<1x32x8x128xf32, #tpu.memory_space<hbm>> -> memref<32x8x128xf32, #tpu.memory_space<hbm>>
        tpu.enqueue_dma source(%dma_start3A_88 : memref<32x8x128xf32, #tpu.memory_space<hbm>>) target(%arg7 : memref<32x8x128xf32, #tpu.memory_space<vmem>>) target_semaphore(%run_scoped3A_81 : memref<!tpu.dma_semaphore, #tpu.memory_space<semaphore_mem>>)
        %dma_wait3A = arith.constant 0 : i32
        %dma_wait3A_89 = arith.constant 0 : i32
        %dma_wait3A_90 = tpu.memref_slice %arg3[%run_scoped3A_80, %max3A_49, %dma_wait3A, %dma_wait3A_89] : memref<1x512x8x128xf32, #tpu.memory_space<hbm>> -> memref<1x32x8x128xf32, #tpu.memory_space<hbm>>
        %dma_wait3A_91 = tpu.memref_squeeze %dma_wait3A_90 : memref<1x32x8x128xf32, #tpu.memory_space<hbm>> -> memref<32x8x128xf32, #tpu.memory_space<hbm>>
        %dma_wait3A_92 = arith.constant 0 : i32
        %dma_wait3A_93 = arith.constant 0 : i32
        %dma_wait3A_94 = tpu.memref_slice %arg3[%run_scoped3A_80, %max3A_49, %dma_wait3A_92, %dma_wait3A_93] : memref<1x512x8x128xf32, #tpu.memory_space<hbm>> -> memref<1x32x8x128xf32, #tpu.memory_space<hbm>>
        %dma_wait3A_95 = tpu.memref_squeeze %dma_wait3A_94 : memref<1x32x8x128xf32, #tpu.memory_space<hbm>> -> memref<32x8x128xf32, #tpu.memory_space<hbm>>
        tpu.wait_dma2 semaphore(%run_scoped3A_81 : memref<!tpu.dma_semaphore, #tpu.memory_space<semaphore_mem>>) src(%dma_wait3A_95 : memref<32x8x128xf32, #tpu.memory_space<hbm>>) dst(%arg7 : memref<32x8x128xf32, #tpu.memory_space<vmem>>)
        tpu.yield
      }) : () -> ()
    } else {
    }
    %not3A_53 = arith.constant true
    %not3A_54 = arith.xori %and3A_46, %not3A_53 : i1
    %convert_element_type3A_55 = arith.extui %not3A_54 : i1 to i32
    %cond3A_56 = arith.constant 0 : i32
    %cond3A_57 = arith.cmpi ne, %convert_element_type3A_55, %cond3A_56 : i32
    scf.if %cond3A_57 {
      %run_scoped3A_80 = arith.constant 0 : i32
      "tpu.region"() ({
        %run_scoped3A_81 = tpu.sem_alloc : memref<!tpu.dma_semaphore, #tpu.memory_space<semaphore_mem>>
        %dma_start3A = arith.constant 0 : i32
        %dma_start3A_82 = arith.constant 0 : i32
        %dma_start3A_83 = tpu.memref_slice %arg4[%run_scoped3A_80, %add3A_39, %dma_start3A, %dma_start3A_82] : memref<1x8192x8x128xf32, #tpu.memory_space<hbm>> -> memref<1x32x8x128xf32, #tpu.memory_space<hbm>>
        %dma_start3A_84 = tpu.memref_squeeze %dma_start3A_83 : memref<1x32x8x128xf32, #tpu.memory_space<hbm>> -> memref<32x8x128xf32, #tpu.memory_space<hbm>>
        %dma_start3A_85 = arith.constant 0 : i32
        %dma_start3A_86 = arith.constant 0 : i32
        %dma_start3A_87 = tpu.memref_slice %arg4[%run_scoped3A_80, %add3A_39, %dma_start3A_85, %dma_start3A_86] : memref<1x8192x8x128xf32, #tpu.memory_space<hbm>> -> memref<1x32x8x128xf32, #tpu.memory_space<hbm>>
        %dma_start3A_88 = tpu.memref_squeeze %dma_start3A_87 : memref<1x32x8x128xf32, #tpu.memory_space<hbm>> -> memref<32x8x128xf32, #tpu.memory_space<hbm>>
        tpu.enqueue_dma source(%dma_start3A_88 : memref<32x8x128xf32, #tpu.memory_space<hbm>>) target(%arg7 : memref<32x8x128xf32, #tpu.memory_space<vmem>>) target_semaphore(%run_scoped3A_81 : memref<!tpu.dma_semaphore, #tpu.memory_space<semaphore_mem>>)
        %dma_wait3A = arith.constant 0 : i32
        %dma_wait3A_89 = arith.constant 0 : i32
        %dma_wait3A_90 = tpu.memref_slice %arg4[%run_scoped3A_80, %add3A_39, %dma_wait3A, %dma_wait3A_89] : memref<1x8192x8x128xf32, #tpu.memory_space<hbm>> -> memref<1x32x8x128xf32, #tpu.memory_space<hbm>>
        %dma_wait3A_91 = tpu.memref_squeeze %dma_wait3A_90 : memref<1x32x8x128xf32, #tpu.memory_space<hbm>> -> memref<32x8x128xf32, #tpu.memory_space<hbm>>
        %dma_wait3A_92 = arith.constant 0 : i32
        %dma_wait3A_93 = arith.constant 0 : i32
        %dma_wait3A_94 = tpu.memref_slice %arg4[%run_scoped3A_80, %add3A_39, %dma_wait3A_92, %dma_wait3A_93] : memref<1x8192x8x128xf32, #tpu.memory_space<hbm>> -> memref<1x32x8x128xf32, #tpu.memory_space<hbm>>
        %dma_wait3A_95 = tpu.memref_squeeze %dma_wait3A_94 : memref<1x32x8x128xf32, #tpu.memory_space<hbm>> -> memref<32x8x128xf32, #tpu.memory_space<hbm>>
        tpu.wait_dma2 semaphore(%run_scoped3A_81 : memref<!tpu.dma_semaphore, #tpu.memory_space<semaphore_mem>>) src(%dma_wait3A_95 : memref<32x8x128xf32, #tpu.memory_space<hbm>>) dst(%arg7 : memref<32x8x128xf32, #tpu.memory_space<vmem>>)
        tpu.yield
      }) : () -> ()
    } else {
    }
    %run_scoped3A_58 = arith.constant 0 : i32
    "tpu.region"() ({
      %run_scoped3A_80 = tpu.sem_alloc : memref<!tpu.dma_semaphore, #tpu.memory_space<semaphore_mem>>
      %dma_start3A = arith.constant 0 : i32
      %dma_start3A_81 = arith.constant 0 : i32
      %dma_start3A_82 = tpu.memref_slice %arg5[%run_scoped3A_58, %add3A_39, %dma_start3A, %dma_start3A_81] : memref<1x8192x8x128xf32, #tpu.memory_space<hbm>> -> memref<1x32x8x128xf32, #tpu.memory_space<hbm>>
      %dma_start3A_83 = tpu.memref_squeeze %dma_start3A_82 : memref<1x32x8x128xf32, #tpu.memory_space<hbm>> -> memref<32x8x128xf32, #tpu.memory_space<hbm>>
      %dma_start3A_84 = arith.constant 0 : i32
      %dma_start3A_85 = arith.constant 0 : i32
      %dma_start3A_86 = tpu.memref_slice %arg5[%run_scoped3A_58, %add3A_39, %dma_start3A_84, %dma_start3A_85] : memref<1x8192x8x128xf32, #tpu.memory_space<hbm>> -> memref<1x32x8x128xf32, #tpu.memory_space<hbm>>
      %dma_start3A_87 = tpu.memref_squeeze %dma_start3A_86 : memref<1x32x8x128xf32, #tpu.memory_space<hbm>> -> memref<32x8x128xf32, #tpu.memory_space<hbm>>
      tpu.enqueue_dma source(%arg7 : memref<32x8x128xf32, #tpu.memory_space<vmem>>) target(%dma_start3A_87 : memref<32x8x128xf32, #tpu.memory_space<hbm>>) target_semaphore(%run_scoped3A_80 : memref<!tpu.dma_semaphore, #tpu.memory_space<semaphore_mem>>)
      %dma_wait3A = arith.constant 0 : i32
      %dma_wait3A_88 = arith.constant 0 : i32
      %dma_wait3A_89 = tpu.memref_slice %arg5[%run_scoped3A_58, %add3A_39, %dma_wait3A, %dma_wait3A_88] : memref<1x8192x8x128xf32, #tpu.memory_space<hbm>> -> memref<1x32x8x128xf32, #tpu.memory_space<hbm>>
      %dma_wait3A_90 = tpu.memref_squeeze %dma_wait3A_89 : memref<1x32x8x128xf32, #tpu.memory_space<hbm>> -> memref<32x8x128xf32, #tpu.memory_space<hbm>>
      %dma_wait3A_91 = arith.constant 0 : i32
      %dma_wait3A_92 = arith.constant 0 : i32
      %dma_wait3A_93 = tpu.memref_slice %arg5[%run_scoped3A_58, %add3A_39, %dma_wait3A_91, %dma_wait3A_92] : memref<1x8192x8x128xf32, #tpu.memory_space<hbm>> -> memref<1x32x8x128xf32, #tpu.memory_space<hbm>>
      %dma_wait3A_94 = tpu.memref_squeeze %dma_wait3A_93 : memref<1x32x8x128xf32, #tpu.memory_space<hbm>> -> memref<32x8x128xf32, #tpu.memory_space<hbm>>
      tpu.wait_dma2 semaphore(%run_scoped3A_80 : memref<!tpu.dma_semaphore, #tpu.memory_space<semaphore_mem>>) src(%arg7 : memref<32x8x128xf32, #tpu.memory_space<vmem>>) dst(%dma_wait3A_94 : memref<32x8x128xf32, #tpu.memory_space<hbm>>)
      tpu.yield
    }) : () -> ()
    %add3A_59 = arith.constant 96 : i32
    %add3A_60 = arith.addi %mul3A_2, %add3A_59 : i32
    %ge3A_61 = arith.cmpi sge, %add3A_60, %squeeze3A : i32
    %add3A_62 = arith.constant 32 : i32
    %add3A_63 = arith.addi %add3A_60, %add3A_62 : i32
    %add3A_64 = arith.constant 512 : i32
    %add3A_65 = arith.addi %squeeze3A, %add3A_64 : i32
    %le3A_66 = arith.cmpi sle, %add3A_63, %add3A_65 : i32
    %and3A_67 = arith.andi %ge3A_61, %le3A_66 : i1
    %sub3A_68 = arith.subi %add3A_60, %squeeze3A : i32
    %max3A_69 = arith.constant 0 : i32
    %max3A_70 = arith.maxsi %sub3A_68, %max3A_69 : i32
    %convert_element_type3A_71 = arith.extui %and3A_67 : i1 to i32
    %cond3A_72 = arith.constant 0 : i32
    %cond3A_73 = arith.cmpi ne, %convert_element_type3A_71, %cond3A_72 : i32
    scf.if %cond3A_73 {
      %run_scoped3A_80 = arith.constant 0 : i32
      "tpu.region"() ({
        %run_scoped3A_81 = tpu.sem_alloc : memref<!tpu.dma_semaphore, #tpu.memory_space<semaphore_mem>>
        %dma_start3A = arith.constant 0 : i32
        %dma_start3A_82 = arith.constant 0 : i32
        %dma_start3A_83 = tpu.memref_slice %arg3[%run_scoped3A_80, %max3A_70, %dma_start3A, %dma_start3A_82] : memref<1x512x8x128xf32, #tpu.memory_space<hbm>> -> memref<1x32x8x128xf32, #tpu.memory_space<hbm>>
        %dma_start3A_84 = tpu.memref_squeeze %dma_start3A_83 : memref<1x32x8x128xf32, #tpu.memory_space<hbm>> -> memref<32x8x128xf32, #tpu.memory_space<hbm>>
        %dma_start3A_85 = arith.constant 0 : i32
        %dma_start3A_86 = arith.constant 0 : i32
        %dma_start3A_87 = tpu.memref_slice %arg3[%run_scoped3A_80, %max3A_70, %dma_start3A_85, %dma_start3A_86] : memref<1x512x8x128xf32, #tpu.memory_space<hbm>> -> memref<1x32x8x128xf32, #tpu.memory_space<hbm>>
        %dma_start3A_88 = tpu.memref_squeeze %dma_start3A_87 : memref<1x32x8x128xf32, #tpu.memory_space<hbm>> -> memref<32x8x128xf32, #tpu.memory_space<hbm>>
        tpu.enqueue_dma source(%dma_start3A_88 : memref<32x8x128xf32, #tpu.memory_space<hbm>>) target(%arg8 : memref<32x8x128xf32, #tpu.memory_space<vmem>>) target_semaphore(%run_scoped3A_81 : memref<!tpu.dma_semaphore, #tpu.memory_space<semaphore_mem>>)
        %dma_wait3A = arith.constant 0 : i32
        %dma_wait3A_89 = arith.constant 0 : i32
        %dma_wait3A_90 = tpu.memref_slice %arg3[%run_scoped3A_80, %max3A_70, %dma_wait3A, %dma_wait3A_89] : memref<1x512x8x128xf32, #tpu.memory_space<hbm>> -> memref<1x32x8x128xf32, #tpu.memory_space<hbm>>
        %dma_wait3A_91 = tpu.memref_squeeze %dma_wait3A_90 : memref<1x32x8x128xf32, #tpu.memory_space<hbm>> -> memref<32x8x128xf32, #tpu.memory_space<hbm>>
        %dma_wait3A_92 = arith.constant 0 : i32
        %dma_wait3A_93 = arith.constant 0 : i32
        %dma_wait3A_94 = tpu.memref_slice %arg3[%run_scoped3A_80, %max3A_70, %dma_wait3A_92, %dma_wait3A_93] : memref<1x512x8x128xf32, #tpu.memory_space<hbm>> -> memref<1x32x8x128xf32, #tpu.memory_space<hbm>>
        %dma_wait3A_95 = tpu.memref_squeeze %dma_wait3A_94 : memref<1x32x8x128xf32, #tpu.memory_space<hbm>> -> memref<32x8x128xf32, #tpu.memory_space<hbm>>
        tpu.wait_dma2 semaphore(%run_scoped3A_81 : memref<!tpu.dma_semaphore, #tpu.memory_space<semaphore_mem>>) src(%dma_wait3A_95 : memref<32x8x128xf32, #tpu.memory_space<hbm>>) dst(%arg8 : memref<32x8x128xf32, #tpu.memory_space<vmem>>)
        tpu.yield
      }) : () -> ()
    } else {
    }
    %not3A_74 = arith.constant true
    %not3A_75 = arith.xori %and3A_67, %not3A_74 : i1
    %convert_element_type3A_76 = arith.extui %not3A_75 : i1 to i32
    %cond3A_77 = arith.constant 0 : i32
    %cond3A_78 = arith.cmpi ne, %convert_element_type3A_76, %cond3A_77 : i32
    scf.if %cond3A_78 {
      %run_scoped3A_80 = arith.constant 0 : i32
      "tpu.region"() ({
        %run_scoped3A_81 = tpu.sem_alloc : memref<!tpu.dma_semaphore, #tpu.memory_space<semaphore_mem>>
        %dma_start3A = arith.constant 0 : i32
        %dma_start3A_82 = arith.constant 0 : i32
        %dma_start3A_83 = tpu.memref_slice %arg4[%run_scoped3A_80, %add3A_60, %dma_start3A, %dma_start3A_82] : memref<1x8192x8x128xf32, #tpu.memory_space<hbm>> -> memref<1x32x8x128xf32, #tpu.memory_space<hbm>>
        %dma_start3A_84 = tpu.memref_squeeze %dma_start3A_83 : memref<1x32x8x128xf32, #tpu.memory_space<hbm>> -> memref<32x8x128xf32, #tpu.memory_space<hbm>>
        %dma_start3A_85 = arith.constant 0 : i32
        %dma_start3A_86 = arith.constant 0 : i32
        %dma_start3A_87 = tpu.memref_slice %arg4[%run_scoped3A_80, %add3A_60, %dma_start3A_85, %dma_start3A_86] : memref<1x8192x8x128xf32, #tpu.memory_space<hbm>> -> memref<1x32x8x128xf32, #tpu.memory_space<hbm>>
        %dma_start3A_88 = tpu.memref_squeeze %dma_start3A_87 : memref<1x32x8x128xf32, #tpu.memory_space<hbm>> -> memref<32x8x128xf32, #tpu.memory_space<hbm>>
        tpu.enqueue_dma source(%dma_start3A_88 : memref<32x8x128xf32, #tpu.memory_space<hbm>>) target(%arg8 : memref<32x8x128xf32, #tpu.memory_space<vmem>>) target_semaphore(%run_scoped3A_81 : memref<!tpu.dma_semaphore, #tpu.memory_space<semaphore_mem>>)
        %dma_wait3A = arith.constant 0 : i32
        %dma_wait3A_89 = arith.constant 0 : i32
        %dma_wait3A_90 = tpu.memref_slice %arg4[%run_scoped3A_80, %add3A_60, %dma_wait3A, %dma_wait3A_89] : memref<1x8192x8x128xf32, #tpu.memory_space<hbm>> -> memref<1x32x8x128xf32, #tpu.memory_space<hbm>>
        %dma_wait3A_91 = tpu.memref_squeeze %dma_wait3A_90 : memref<1x32x8x128xf32, #tpu.memory_space<hbm>> -> memref<32x8x128xf32, #tpu.memory_space<hbm>>
        %dma_wait3A_92 = arith.constant 0 : i32
        %dma_wait3A_93 = arith.constant 0 : i32
        %dma_wait3A_94 = tpu.memref_slice %arg4[%run_scoped3A_80, %add3A_60, %dma_wait3A_92, %dma_wait3A_93] : memref<1x8192x8x128xf32, #tpu.memory_space<hbm>> -> memref<1x32x8x128xf32, #tpu.memory_space<hbm>>
        %dma_wait3A_95 = tpu.memref_squeeze %dma_wait3A_94 : memref<1x32x8x128xf32, #tpu.memory_space<hbm>> -> memref<32x8x128xf32, #tpu.memory_space<hbm>>
        tpu.wait_dma2 semaphore(%run_scoped3A_81 : memref<!tpu.dma_semaphore, #tpu.memory_space<semaphore_mem>>) src(%dma_wait3A_95 : memref<32x8x128xf32, #tpu.memory_space<hbm>>) dst(%arg8 : memref<32x8x128xf32, #tpu.memory_space<vmem>>)
        tpu.yield
      }) : () -> ()
    } else {
    }
    %run_scoped3A_79 = arith.constant 0 : i32
    "tpu.region"() ({
      %run_scoped3A_80 = tpu.sem_alloc : memref<!tpu.dma_semaphore, #tpu.memory_space<semaphore_mem>>
      %dma_start3A = arith.constant 0 : i32
      %dma_start3A_81 = arith.constant 0 : i32
      %dma_start3A_82 = tpu.memref_slice %arg5[%run_scoped3A_79, %add3A_60, %dma_start3A, %dma_start3A_81] : memref<1x8192x8x128xf32, #tpu.memory_space<hbm>> -> memref<1x32x8x128xf32, #tpu.memory_space<hbm>>
      %dma_start3A_83 = tpu.memref_squeeze %dma_start3A_82 : memref<1x32x8x128xf32, #tpu.memory_space<hbm>> -> memref<32x8x128xf32, #tpu.memory_space<hbm>>
      %dma_start3A_84 = arith.constant 0 : i32
      %dma_start3A_85 = arith.constant 0 : i32
      %dma_start3A_86 = tpu.memref_slice %arg5[%run_scoped3A_79, %add3A_60, %dma_start3A_84, %dma_start3A_85] : memref<1x8192x8x128xf32, #tpu.memory_space<hbm>> -> memref<1x32x8x128xf32, #tpu.memory_space<hbm>>
      %dma_start3A_87 = tpu.memref_squeeze %dma_start3A_86 : memref<1x32x8x128xf32, #tpu.memory_space<hbm>> -> memref<32x8x128xf32, #tpu.memory_space<hbm>>
      tpu.enqueue_dma source(%arg8 : memref<32x8x128xf32, #tpu.memory_space<vmem>>) target(%dma_start3A_87 : memref<32x8x128xf32, #tpu.memory_space<hbm>>) target_semaphore(%run_scoped3A_80 : memref<!tpu.dma_semaphore, #tpu.memory_space<semaphore_mem>>)
      %dma_wait3A = arith.constant 0 : i32
      %dma_wait3A_88 = arith.constant 0 : i32
      %dma_wait3A_89 = tpu.memref_slice %arg5[%run_scoped3A_79, %add3A_60, %dma_wait3A, %dma_wait3A_88] : memref<1x8192x8x128xf32, #tpu.memory_space<hbm>> -> memref<1x32x8x128xf32, #tpu.memory_space<hbm>>
      %dma_wait3A_90 = tpu.memref_squeeze %dma_wait3A_89 : memref<1x32x8x128xf32, #tpu.memory_space<hbm>> -> memref<32x8x128xf32, #tpu.memory_space<hbm>>
      %dma_wait3A_91 = arith.constant 0 : i32
      %dma_wait3A_92 = arith.constant 0 : i32
      %dma_wait3A_93 = tpu.memref_slice %arg5[%run_scoped3A_79, %add3A_60, %dma_wait3A_91, %dma_wait3A_92] : memref<1x8192x8x128xf32, #tpu.memory_space<hbm>> -> memref<1x32x8x128xf32, #tpu.memory_space<hbm>>
      %dma_wait3A_94 = tpu.memref_squeeze %dma_wait3A_93 : memref<1x32x8x128xf32, #tpu.memory_space<hbm>> -> memref<32x8x128xf32, #tpu.memory_space<hbm>>
      tpu.wait_dma2 semaphore(%run_scoped3A_80 : memref<!tpu.dma_semaphore, #tpu.memory_space<semaphore_mem>>) src(%arg8 : memref<32x8x128xf32, #tpu.memory_space<vmem>>) dst(%dma_wait3A_94 : memref<32x8x128xf32, #tpu.memory_space<hbm>>)
      tpu.yield
    }) : () -> ()
    return
  }
}

module attributes {stable_mosaic.version = 14 : i64} {
  func.func @_tc_vtail_body(%arg0: i32, %arg1: memref<1xi32, #tpu.memory_space<smem>>, %arg2: memref<1x512x8x128xf32, #tpu.memory_space<hbm>>, %arg3: memref<1x8192x8x128xf32, #tpu.memory_space<hbm>>, %arg4: memref<1x8192x8x128xf32, #tpu.memory_space<hbm>>, %arg5: memref<1x8192x8x128xf32, #tpu.memory_space<hbm>>, %arg6: memref<8x512x8x128xf32, #tpu.memory_space<vmem>>, %arg7: memref<8x!tpu.dma_semaphore, #tpu.memory_space<semaphore_mem>>, %arg8: memref<8x!tpu.dma_semaphore, #tpu.memory_space<semaphore_mem>>, %arg9: memref<!tpu.dma_semaphore, #tpu.memory_space<semaphore_mem>>) attributes {dimension_semantics = [#tpu.dimension_semantics<arbitrary>], iteration_bounds = array<i64: 1>, scalar_prefetch = 1 : i64, scratch_operands = 4 : i64, tpu.core_type = #tpu.core_type<tc>, window_params = [{}, {}, {}, {}]} {
    %get3A = arith.constant 0 : index
    %get3A_0 = memref.load %arg1[%get3A] : memref<1xi32, #tpu.memory_space<smem>>
    %multiple_of3A = tpu.assume_multiple %get3A_0, 8 : i32
    %le3A = arith.constant 4096 : i32
    %le3A_1 = arith.cmpi sle, %multiple_of3A, %le3A : i32
    %add3A = arith.constant 512 : i32
    %add3A_2 = arith.addi %multiple_of3A, %add3A : i32
    %ge3A = arith.constant 4608 : i32
    %ge3A_3 = arith.cmpi sge, %add3A_2, %ge3A : i32
    %and3A = arith.andi %le3A_1, %ge3A_3 : i1
    %convert_element_type3A = arith.extui %and3A : i1 to i32
    %cond3A = arith.constant 0 : i32
    %cond3A_4 = arith.cmpi ne, %convert_element_type3A, %cond3A : i32
    scf.if %cond3A_4 {
      %dma_start3A_477 = arith.constant 0 : i32
      %dma_start3A_478 = arith.constant 0 : i32
      %dma_start3A_479 = arith.constant 0 : i32
      %dma_start3A_480 = tpu.memref_slice %arg7[%dma_start3A_479] : memref<8x!tpu.dma_semaphore, #tpu.memory_space<semaphore_mem>> -> memref<1x!tpu.dma_semaphore, #tpu.memory_space<semaphore_mem>>
      %dma_start3A_481 = tpu.memref_squeeze %dma_start3A_480 : memref<1x!tpu.dma_semaphore, #tpu.memory_space<semaphore_mem>> -> memref<!tpu.dma_semaphore, #tpu.memory_space<semaphore_mem>>
      %dma_start3A_482 = arith.constant 0 : i32
      %dma_start3A_483 = arith.constant 0 : i32
      %dma_start3A_484 = arith.constant 0 : i32
      %dma_start3A_485 = tpu.memref_slice %arg6[%dma_start3A_478, %dma_start3A_482, %dma_start3A_483, %dma_start3A_484] : memref<8x512x8x128xf32, #tpu.memory_space<vmem>> -> memref<1x512x8x128xf32, #tpu.memory_space<vmem>>
      %dma_start3A_486 = tpu.memref_squeeze %dma_start3A_485 : memref<1x512x8x128xf32, #tpu.memory_space<vmem>> -> memref<512x8x128xf32, #tpu.memory_space<vmem>>
      %dma_start3A_487 = arith.constant 0 : i32
      %dma_start3A_488 = arith.constant 0 : i32
      %dma_start3A_489 = arith.constant 0 : i32
      %dma_start3A_490 = tpu.memref_slice %arg2[%dma_start3A_477, %dma_start3A_487, %dma_start3A_488, %dma_start3A_489] : memref<1x512x8x128xf32, #tpu.memory_space<hbm>> -> memref<1x512x8x128xf32, #tpu.memory_space<hbm>>
      %dma_start3A_491 = tpu.memref_squeeze %dma_start3A_490 : memref<1x512x8x128xf32, #tpu.memory_space<hbm>> -> memref<512x8x128xf32, #tpu.memory_space<hbm>>
      tpu.enqueue_dma source(%dma_start3A_491 : memref<512x8x128xf32, #tpu.memory_space<hbm>>) target(%dma_start3A_486 : memref<512x8x128xf32, #tpu.memory_space<vmem>>) target_semaphore(%dma_start3A_481 : memref<!tpu.dma_semaphore, #tpu.memory_space<semaphore_mem>>)
    } else {
    }
    %not3A = arith.constant true
    %not3A_5 = arith.xori %and3A, %not3A : i1
    %convert_element_type3A_6 = arith.extui %not3A_5 : i1 to i32
    %cond3A_7 = arith.constant 0 : i32
    %cond3A_8 = arith.cmpi ne, %convert_element_type3A_6, %cond3A_7 : i32
    scf.if %cond3A_8 {
      %dma_start3A_477 = arith.constant 0 : i32
      %dma_start3A_478 = arith.constant 0 : i32
      %dma_start3A_479 = arith.constant 0 : i32
      %dma_start3A_480 = tpu.memref_slice %arg7[%dma_start3A_479] : memref<8x!tpu.dma_semaphore, #tpu.memory_space<semaphore_mem>> -> memref<1x!tpu.dma_semaphore, #tpu.memory_space<semaphore_mem>>
      %dma_start3A_481 = tpu.memref_squeeze %dma_start3A_480 : memref<1x!tpu.dma_semaphore, #tpu.memory_space<semaphore_mem>> -> memref<!tpu.dma_semaphore, #tpu.memory_space<semaphore_mem>>
      %dma_start3A_482 = arith.constant 0 : i32
      %dma_start3A_483 = arith.constant 0 : i32
      %dma_start3A_484 = arith.constant 0 : i32
      %dma_start3A_485 = tpu.memref_slice %arg6[%dma_start3A_478, %dma_start3A_482, %dma_start3A_483, %dma_start3A_484] : memref<8x512x8x128xf32, #tpu.memory_space<vmem>> -> memref<1x512x8x128xf32, #tpu.memory_space<vmem>>
      %dma_start3A_486 = tpu.memref_squeeze %dma_start3A_485 : memref<1x512x8x128xf32, #tpu.memory_space<vmem>> -> memref<512x8x128xf32, #tpu.memory_space<vmem>>
      %dma_start3A_487 = arith.constant 4096 : i32
      %dma_start3A_488 = arith.constant 0 : i32
      %dma_start3A_489 = arith.constant 0 : i32
      %dma_start3A_490 = tpu.memref_slice %arg3[%dma_start3A_477, %dma_start3A_487, %dma_start3A_488, %dma_start3A_489] : memref<1x8192x8x128xf32, #tpu.memory_space<hbm>> -> memref<1x512x8x128xf32, #tpu.memory_space<hbm>>
      %dma_start3A_491 = tpu.memref_squeeze %dma_start3A_490 : memref<1x512x8x128xf32, #tpu.memory_space<hbm>> -> memref<512x8x128xf32, #tpu.memory_space<hbm>>
      tpu.enqueue_dma source(%dma_start3A_491 : memref<512x8x128xf32, #tpu.memory_space<hbm>>) target(%dma_start3A_486 : memref<512x8x128xf32, #tpu.memory_space<vmem>>) target_semaphore(%dma_start3A_481 : memref<!tpu.dma_semaphore, #tpu.memory_space<semaphore_mem>>)
    } else {
    }
    %le3A_9 = arith.constant 4608 : i32
    %le3A_10 = arith.cmpi sle, %multiple_of3A, %le3A_9 : i32
    %add3A_11 = arith.constant 512 : i32
    %add3A_12 = arith.addi %multiple_of3A, %add3A_11 : i32
    %ge3A_13 = arith.constant 5120 : i32
    %ge3A_14 = arith.cmpi sge, %add3A_12, %ge3A_13 : i32
    %and3A_15 = arith.andi %le3A_10, %ge3A_14 : i1
    %convert_element_type3A_16 = arith.extui %and3A_15 : i1 to i32
    %cond3A_17 = arith.constant 0 : i32
    %cond3A_18 = arith.cmpi ne, %convert_element_type3A_16, %cond3A_17 : i32
    scf.if %cond3A_18 {
      %dma_start3A_477 = arith.constant 0 : i32
      %dma_start3A_478 = arith.constant 1 : i32
      %dma_start3A_479 = arith.constant 1 : i32
      %dma_start3A_480 = tpu.memref_slice %arg7[%dma_start3A_479] : memref<8x!tpu.dma_semaphore, #tpu.memory_space<semaphore_mem>> -> memref<1x!tpu.dma_semaphore, #tpu.memory_space<semaphore_mem>>
      %dma_start3A_481 = tpu.memref_squeeze %dma_start3A_480 : memref<1x!tpu.dma_semaphore, #tpu.memory_space<semaphore_mem>> -> memref<!tpu.dma_semaphore, #tpu.memory_space<semaphore_mem>>
      %dma_start3A_482 = arith.constant 0 : i32
      %dma_start3A_483 = arith.constant 0 : i32
      %dma_start3A_484 = arith.constant 0 : i32
      %dma_start3A_485 = tpu.memref_slice %arg6[%dma_start3A_478, %dma_start3A_482, %dma_start3A_483, %dma_start3A_484] : memref<8x512x8x128xf32, #tpu.memory_space<vmem>> -> memref<1x512x8x128xf32, #tpu.memory_space<vmem>>
      %dma_start3A_486 = tpu.memref_squeeze %dma_start3A_485 : memref<1x512x8x128xf32, #tpu.memory_space<vmem>> -> memref<512x8x128xf32, #tpu.memory_space<vmem>>
      %dma_start3A_487 = arith.constant 0 : i32
      %dma_start3A_488 = arith.constant 0 : i32
      %dma_start3A_489 = arith.constant 0 : i32
      %dma_start3A_490 = tpu.memref_slice %arg2[%dma_start3A_477, %dma_start3A_487, %dma_start3A_488, %dma_start3A_489] : memref<1x512x8x128xf32, #tpu.memory_space<hbm>> -> memref<1x512x8x128xf32, #tpu.memory_space<hbm>>
      %dma_start3A_491 = tpu.memref_squeeze %dma_start3A_490 : memref<1x512x8x128xf32, #tpu.memory_space<hbm>> -> memref<512x8x128xf32, #tpu.memory_space<hbm>>
      tpu.enqueue_dma source(%dma_start3A_491 : memref<512x8x128xf32, #tpu.memory_space<hbm>>) target(%dma_start3A_486 : memref<512x8x128xf32, #tpu.memory_space<vmem>>) target_semaphore(%dma_start3A_481 : memref<!tpu.dma_semaphore, #tpu.memory_space<semaphore_mem>>)
    } else {
    }
    %not3A_19 = arith.constant true
    %not3A_20 = arith.xori %and3A_15, %not3A_19 : i1
    %convert_element_type3A_21 = arith.extui %not3A_20 : i1 to i32
    %cond3A_22 = arith.constant 0 : i32
    %cond3A_23 = arith.cmpi ne, %convert_element_type3A_21, %cond3A_22 : i32
    scf.if %cond3A_23 {
      %dma_start3A_477 = arith.constant 0 : i32
      %dma_start3A_478 = arith.constant 1 : i32
      %dma_start3A_479 = arith.constant 1 : i32
      %dma_start3A_480 = tpu.memref_slice %arg7[%dma_start3A_479] : memref<8x!tpu.dma_semaphore, #tpu.memory_space<semaphore_mem>> -> memref<1x!tpu.dma_semaphore, #tpu.memory_space<semaphore_mem>>
      %dma_start3A_481 = tpu.memref_squeeze %dma_start3A_480 : memref<1x!tpu.dma_semaphore, #tpu.memory_space<semaphore_mem>> -> memref<!tpu.dma_semaphore, #tpu.memory_space<semaphore_mem>>
      %dma_start3A_482 = arith.constant 0 : i32
      %dma_start3A_483 = arith.constant 0 : i32
      %dma_start3A_484 = arith.constant 0 : i32
      %dma_start3A_485 = tpu.memref_slice %arg6[%dma_start3A_478, %dma_start3A_482, %dma_start3A_483, %dma_start3A_484] : memref<8x512x8x128xf32, #tpu.memory_space<vmem>> -> memref<1x512x8x128xf32, #tpu.memory_space<vmem>>
      %dma_start3A_486 = tpu.memref_squeeze %dma_start3A_485 : memref<1x512x8x128xf32, #tpu.memory_space<vmem>> -> memref<512x8x128xf32, #tpu.memory_space<vmem>>
      %dma_start3A_487 = arith.constant 4608 : i32
      %dma_start3A_488 = arith.constant 0 : i32
      %dma_start3A_489 = arith.constant 0 : i32
      %dma_start3A_490 = tpu.memref_slice %arg3[%dma_start3A_477, %dma_start3A_487, %dma_start3A_488, %dma_start3A_489] : memref<1x8192x8x128xf32, #tpu.memory_space<hbm>> -> memref<1x512x8x128xf32, #tpu.memory_space<hbm>>
      %dma_start3A_491 = tpu.memref_squeeze %dma_start3A_490 : memref<1x512x8x128xf32, #tpu.memory_space<hbm>> -> memref<512x8x128xf32, #tpu.memory_space<hbm>>
      tpu.enqueue_dma source(%dma_start3A_491 : memref<512x8x128xf32, #tpu.memory_space<hbm>>) target(%dma_start3A_486 : memref<512x8x128xf32, #tpu.memory_space<vmem>>) target_semaphore(%dma_start3A_481 : memref<!tpu.dma_semaphore, #tpu.memory_space<semaphore_mem>>)
    } else {
    }
    %le3A_24 = arith.constant 5120 : i32
    %le3A_25 = arith.cmpi sle, %multiple_of3A, %le3A_24 : i32
    %add3A_26 = arith.constant 512 : i32
    %add3A_27 = arith.addi %multiple_of3A, %add3A_26 : i32
    %ge3A_28 = arith.constant 5632 : i32
    %ge3A_29 = arith.cmpi sge, %add3A_27, %ge3A_28 : i32
    %and3A_30 = arith.andi %le3A_25, %ge3A_29 : i1
    %convert_element_type3A_31 = arith.extui %and3A_30 : i1 to i32
    %cond3A_32 = arith.constant 0 : i32
    %cond3A_33 = arith.cmpi ne, %convert_element_type3A_31, %cond3A_32 : i32
    scf.if %cond3A_33 {
      %dma_start3A_477 = arith.constant 0 : i32
      %dma_start3A_478 = arith.constant 2 : i32
      %dma_start3A_479 = arith.constant 2 : i32
      %dma_start3A_480 = tpu.memref_slice %arg7[%dma_start3A_479] : memref<8x!tpu.dma_semaphore, #tpu.memory_space<semaphore_mem>> -> memref<1x!tpu.dma_semaphore, #tpu.memory_space<semaphore_mem>>
      %dma_start3A_481 = tpu.memref_squeeze %dma_start3A_480 : memref<1x!tpu.dma_semaphore, #tpu.memory_space<semaphore_mem>> -> memref<!tpu.dma_semaphore, #tpu.memory_space<semaphore_mem>>
      %dma_start3A_482 = arith.constant 0 : i32
      %dma_start3A_483 = arith.constant 0 : i32
      %dma_start3A_484 = arith.constant 0 : i32
      %dma_start3A_485 = tpu.memref_slice %arg6[%dma_start3A_478, %dma_start3A_482, %dma_start3A_483, %dma_start3A_484] : memref<8x512x8x128xf32, #tpu.memory_space<vmem>> -> memref<1x512x8x128xf32, #tpu.memory_space<vmem>>
      %dma_start3A_486 = tpu.memref_squeeze %dma_start3A_485 : memref<1x512x8x128xf32, #tpu.memory_space<vmem>> -> memref<512x8x128xf32, #tpu.memory_space<vmem>>
      %dma_start3A_487 = arith.constant 0 : i32
      %dma_start3A_488 = arith.constant 0 : i32
      %dma_start3A_489 = arith.constant 0 : i32
      %dma_start3A_490 = tpu.memref_slice %arg2[%dma_start3A_477, %dma_start3A_487, %dma_start3A_488, %dma_start3A_489] : memref<1x512x8x128xf32, #tpu.memory_space<hbm>> -> memref<1x512x8x128xf32, #tpu.memory_space<hbm>>
      %dma_start3A_491 = tpu.memref_squeeze %dma_start3A_490 : memref<1x512x8x128xf32, #tpu.memory_space<hbm>> -> memref<512x8x128xf32, #tpu.memory_space<hbm>>
      tpu.enqueue_dma source(%dma_start3A_491 : memref<512x8x128xf32, #tpu.memory_space<hbm>>) target(%dma_start3A_486 : memref<512x8x128xf32, #tpu.memory_space<vmem>>) target_semaphore(%dma_start3A_481 : memref<!tpu.dma_semaphore, #tpu.memory_space<semaphore_mem>>)
    } else {
    }
    %not3A_34 = arith.constant true
    %not3A_35 = arith.xori %and3A_30, %not3A_34 : i1
    %convert_element_type3A_36 = arith.extui %not3A_35 : i1 to i32
    %cond3A_37 = arith.constant 0 : i32
    %cond3A_38 = arith.cmpi ne, %convert_element_type3A_36, %cond3A_37 : i32
    scf.if %cond3A_38 {
      %dma_start3A_477 = arith.constant 0 : i32
      %dma_start3A_478 = arith.constant 2 : i32
      %dma_start3A_479 = arith.constant 2 : i32
      %dma_start3A_480 = tpu.memref_slice %arg7[%dma_start3A_479] : memref<8x!tpu.dma_semaphore, #tpu.memory_space<semaphore_mem>> -> memref<1x!tpu.dma_semaphore, #tpu.memory_space<semaphore_mem>>
      %dma_start3A_481 = tpu.memref_squeeze %dma_start3A_480 : memref<1x!tpu.dma_semaphore, #tpu.memory_space<semaphore_mem>> -> memref<!tpu.dma_semaphore, #tpu.memory_space<semaphore_mem>>
      %dma_start3A_482 = arith.constant 0 : i32
      %dma_start3A_483 = arith.constant 0 : i32
      %dma_start3A_484 = arith.constant 0 : i32
      %dma_start3A_485 = tpu.memref_slice %arg6[%dma_start3A_478, %dma_start3A_482, %dma_start3A_483, %dma_start3A_484] : memref<8x512x8x128xf32, #tpu.memory_space<vmem>> -> memref<1x512x8x128xf32, #tpu.memory_space<vmem>>
      %dma_start3A_486 = tpu.memref_squeeze %dma_start3A_485 : memref<1x512x8x128xf32, #tpu.memory_space<vmem>> -> memref<512x8x128xf32, #tpu.memory_space<vmem>>
      %dma_start3A_487 = arith.constant 5120 : i32
      %dma_start3A_488 = arith.constant 0 : i32
      %dma_start3A_489 = arith.constant 0 : i32
      %dma_start3A_490 = tpu.memref_slice %arg3[%dma_start3A_477, %dma_start3A_487, %dma_start3A_488, %dma_start3A_489] : memref<1x8192x8x128xf32, #tpu.memory_space<hbm>> -> memref<1x512x8x128xf32, #tpu.memory_space<hbm>>
      %dma_start3A_491 = tpu.memref_squeeze %dma_start3A_490 : memref<1x512x8x128xf32, #tpu.memory_space<hbm>> -> memref<512x8x128xf32, #tpu.memory_space<hbm>>
      tpu.enqueue_dma source(%dma_start3A_491 : memref<512x8x128xf32, #tpu.memory_space<hbm>>) target(%dma_start3A_486 : memref<512x8x128xf32, #tpu.memory_space<vmem>>) target_semaphore(%dma_start3A_481 : memref<!tpu.dma_semaphore, #tpu.memory_space<semaphore_mem>>)
    } else {
    }
    %le3A_39 = arith.constant 5632 : i32
    %le3A_40 = arith.cmpi sle, %multiple_of3A, %le3A_39 : i32
    %add3A_41 = arith.constant 512 : i32
    %add3A_42 = arith.addi %multiple_of3A, %add3A_41 : i32
    %ge3A_43 = arith.constant 6144 : i32
    %ge3A_44 = arith.cmpi sge, %add3A_42, %ge3A_43 : i32
    %and3A_45 = arith.andi %le3A_40, %ge3A_44 : i1
    %convert_element_type3A_46 = arith.extui %and3A_45 : i1 to i32
    %cond3A_47 = arith.constant 0 : i32
    %cond3A_48 = arith.cmpi ne, %convert_element_type3A_46, %cond3A_47 : i32
    scf.if %cond3A_48 {
      %dma_start3A_477 = arith.constant 0 : i32
      %dma_start3A_478 = arith.constant 3 : i32
      %dma_start3A_479 = arith.constant 3 : i32
      %dma_start3A_480 = tpu.memref_slice %arg7[%dma_start3A_479] : memref<8x!tpu.dma_semaphore, #tpu.memory_space<semaphore_mem>> -> memref<1x!tpu.dma_semaphore, #tpu.memory_space<semaphore_mem>>
      %dma_start3A_481 = tpu.memref_squeeze %dma_start3A_480 : memref<1x!tpu.dma_semaphore, #tpu.memory_space<semaphore_mem>> -> memref<!tpu.dma_semaphore, #tpu.memory_space<semaphore_mem>>
      %dma_start3A_482 = arith.constant 0 : i32
      %dma_start3A_483 = arith.constant 0 : i32
      %dma_start3A_484 = arith.constant 0 : i32
      %dma_start3A_485 = tpu.memref_slice %arg6[%dma_start3A_478, %dma_start3A_482, %dma_start3A_483, %dma_start3A_484] : memref<8x512x8x128xf32, #tpu.memory_space<vmem>> -> memref<1x512x8x128xf32, #tpu.memory_space<vmem>>
      %dma_start3A_486 = tpu.memref_squeeze %dma_start3A_485 : memref<1x512x8x128xf32, #tpu.memory_space<vmem>> -> memref<512x8x128xf32, #tpu.memory_space<vmem>>
      %dma_start3A_487 = arith.constant 0 : i32
      %dma_start3A_488 = arith.constant 0 : i32
      %dma_start3A_489 = arith.constant 0 : i32
      %dma_start3A_490 = tpu.memref_slice %arg2[%dma_start3A_477, %dma_start3A_487, %dma_start3A_488, %dma_start3A_489] : memref<1x512x8x128xf32, #tpu.memory_space<hbm>> -> memref<1x512x8x128xf32, #tpu.memory_space<hbm>>
      %dma_start3A_491 = tpu.memref_squeeze %dma_start3A_490 : memref<1x512x8x128xf32, #tpu.memory_space<hbm>> -> memref<512x8x128xf32, #tpu.memory_space<hbm>>
      tpu.enqueue_dma source(%dma_start3A_491 : memref<512x8x128xf32, #tpu.memory_space<hbm>>) target(%dma_start3A_486 : memref<512x8x128xf32, #tpu.memory_space<vmem>>) target_semaphore(%dma_start3A_481 : memref<!tpu.dma_semaphore, #tpu.memory_space<semaphore_mem>>)
    } else {
    }
    %not3A_49 = arith.constant true
    %not3A_50 = arith.xori %and3A_45, %not3A_49 : i1
    %convert_element_type3A_51 = arith.extui %not3A_50 : i1 to i32
    %cond3A_52 = arith.constant 0 : i32
    %cond3A_53 = arith.cmpi ne, %convert_element_type3A_51, %cond3A_52 : i32
    scf.if %cond3A_53 {
      %dma_start3A_477 = arith.constant 0 : i32
      %dma_start3A_478 = arith.constant 3 : i32
      %dma_start3A_479 = arith.constant 3 : i32
      %dma_start3A_480 = tpu.memref_slice %arg7[%dma_start3A_479] : memref<8x!tpu.dma_semaphore, #tpu.memory_space<semaphore_mem>> -> memref<1x!tpu.dma_semaphore, #tpu.memory_space<semaphore_mem>>
      %dma_start3A_481 = tpu.memref_squeeze %dma_start3A_480 : memref<1x!tpu.dma_semaphore, #tpu.memory_space<semaphore_mem>> -> memref<!tpu.dma_semaphore, #tpu.memory_space<semaphore_mem>>
      %dma_start3A_482 = arith.constant 0 : i32
      %dma_start3A_483 = arith.constant 0 : i32
      %dma_start3A_484 = arith.constant 0 : i32
      %dma_start3A_485 = tpu.memref_slice %arg6[%dma_start3A_478, %dma_start3A_482, %dma_start3A_483, %dma_start3A_484] : memref<8x512x8x128xf32, #tpu.memory_space<vmem>> -> memref<1x512x8x128xf32, #tpu.memory_space<vmem>>
      %dma_start3A_486 = tpu.memref_squeeze %dma_start3A_485 : memref<1x512x8x128xf32, #tpu.memory_space<vmem>> -> memref<512x8x128xf32, #tpu.memory_space<vmem>>
      %dma_start3A_487 = arith.constant 5632 : i32
      %dma_start3A_488 = arith.constant 0 : i32
      %dma_start3A_489 = arith.constant 0 : i32
      %dma_start3A_490 = tpu.memref_slice %arg3[%dma_start3A_477, %dma_start3A_487, %dma_start3A_488, %dma_start3A_489] : memref<1x8192x8x128xf32, #tpu.memory_space<hbm>> -> memref<1x512x8x128xf32, #tpu.memory_space<hbm>>
      %dma_start3A_491 = tpu.memref_squeeze %dma_start3A_490 : memref<1x512x8x128xf32, #tpu.memory_space<hbm>> -> memref<512x8x128xf32, #tpu.memory_space<hbm>>
      tpu.enqueue_dma source(%dma_start3A_491 : memref<512x8x128xf32, #tpu.memory_space<hbm>>) target(%dma_start3A_486 : memref<512x8x128xf32, #tpu.memory_space<vmem>>) target_semaphore(%dma_start3A_481 : memref<!tpu.dma_semaphore, #tpu.memory_space<semaphore_mem>>)
    } else {
    }
    %le3A_54 = arith.constant 6144 : i32
    %le3A_55 = arith.cmpi sle, %multiple_of3A, %le3A_54 : i32
    %add3A_56 = arith.constant 512 : i32
    %add3A_57 = arith.addi %multiple_of3A, %add3A_56 : i32
    %ge3A_58 = arith.constant 6656 : i32
    %ge3A_59 = arith.cmpi sge, %add3A_57, %ge3A_58 : i32
    %and3A_60 = arith.andi %le3A_55, %ge3A_59 : i1
    %convert_element_type3A_61 = arith.extui %and3A_60 : i1 to i32
    %cond3A_62 = arith.constant 0 : i32
    %cond3A_63 = arith.cmpi ne, %convert_element_type3A_61, %cond3A_62 : i32
    scf.if %cond3A_63 {
      %dma_start3A_477 = arith.constant 0 : i32
      %dma_start3A_478 = arith.constant 4 : i32
      %dma_start3A_479 = arith.constant 4 : i32
      %dma_start3A_480 = tpu.memref_slice %arg7[%dma_start3A_479] : memref<8x!tpu.dma_semaphore, #tpu.memory_space<semaphore_mem>> -> memref<1x!tpu.dma_semaphore, #tpu.memory_space<semaphore_mem>>
      %dma_start3A_481 = tpu.memref_squeeze %dma_start3A_480 : memref<1x!tpu.dma_semaphore, #tpu.memory_space<semaphore_mem>> -> memref<!tpu.dma_semaphore, #tpu.memory_space<semaphore_mem>>
      %dma_start3A_482 = arith.constant 0 : i32
      %dma_start3A_483 = arith.constant 0 : i32
      %dma_start3A_484 = arith.constant 0 : i32
      %dma_start3A_485 = tpu.memref_slice %arg6[%dma_start3A_478, %dma_start3A_482, %dma_start3A_483, %dma_start3A_484] : memref<8x512x8x128xf32, #tpu.memory_space<vmem>> -> memref<1x512x8x128xf32, #tpu.memory_space<vmem>>
      %dma_start3A_486 = tpu.memref_squeeze %dma_start3A_485 : memref<1x512x8x128xf32, #tpu.memory_space<vmem>> -> memref<512x8x128xf32, #tpu.memory_space<vmem>>
      %dma_start3A_487 = arith.constant 0 : i32
      %dma_start3A_488 = arith.constant 0 : i32
      %dma_start3A_489 = arith.constant 0 : i32
      %dma_start3A_490 = tpu.memref_slice %arg2[%dma_start3A_477, %dma_start3A_487, %dma_start3A_488, %dma_start3A_489] : memref<1x512x8x128xf32, #tpu.memory_space<hbm>> -> memref<1x512x8x128xf32, #tpu.memory_space<hbm>>
      %dma_start3A_491 = tpu.memref_squeeze %dma_start3A_490 : memref<1x512x8x128xf32, #tpu.memory_space<hbm>> -> memref<512x8x128xf32, #tpu.memory_space<hbm>>
      tpu.enqueue_dma source(%dma_start3A_491 : memref<512x8x128xf32, #tpu.memory_space<hbm>>) target(%dma_start3A_486 : memref<512x8x128xf32, #tpu.memory_space<vmem>>) target_semaphore(%dma_start3A_481 : memref<!tpu.dma_semaphore, #tpu.memory_space<semaphore_mem>>)
    } else {
    }
    %not3A_64 = arith.constant true
    %not3A_65 = arith.xori %and3A_60, %not3A_64 : i1
    %convert_element_type3A_66 = arith.extui %not3A_65 : i1 to i32
    %cond3A_67 = arith.constant 0 : i32
    %cond3A_68 = arith.cmpi ne, %convert_element_type3A_66, %cond3A_67 : i32
    scf.if %cond3A_68 {
      %dma_start3A_477 = arith.constant 0 : i32
      %dma_start3A_478 = arith.constant 4 : i32
      %dma_start3A_479 = arith.constant 4 : i32
      %dma_start3A_480 = tpu.memref_slice %arg7[%dma_start3A_479] : memref<8x!tpu.dma_semaphore, #tpu.memory_space<semaphore_mem>> -> memref<1x!tpu.dma_semaphore, #tpu.memory_space<semaphore_mem>>
      %dma_start3A_481 = tpu.memref_squeeze %dma_start3A_480 : memref<1x!tpu.dma_semaphore, #tpu.memory_space<semaphore_mem>> -> memref<!tpu.dma_semaphore, #tpu.memory_space<semaphore_mem>>
      %dma_start3A_482 = arith.constant 0 : i32
      %dma_start3A_483 = arith.constant 0 : i32
      %dma_start3A_484 = arith.constant 0 : i32
      %dma_start3A_485 = tpu.memref_slice %arg6[%dma_start3A_478, %dma_start3A_482, %dma_start3A_483, %dma_start3A_484] : memref<8x512x8x128xf32, #tpu.memory_space<vmem>> -> memref<1x512x8x128xf32, #tpu.memory_space<vmem>>
      %dma_start3A_486 = tpu.memref_squeeze %dma_start3A_485 : memref<1x512x8x128xf32, #tpu.memory_space<vmem>> -> memref<512x8x128xf32, #tpu.memory_space<vmem>>
      %dma_start3A_487 = arith.constant 6144 : i32
      %dma_start3A_488 = arith.constant 0 : i32
      %dma_start3A_489 = arith.constant 0 : i32
      %dma_start3A_490 = tpu.memref_slice %arg3[%dma_start3A_477, %dma_start3A_487, %dma_start3A_488, %dma_start3A_489] : memref<1x8192x8x128xf32, #tpu.memory_space<hbm>> -> memref<1x512x8x128xf32, #tpu.memory_space<hbm>>
      %dma_start3A_491 = tpu.memref_squeeze %dma_start3A_490 : memref<1x512x8x128xf32, #tpu.memory_space<hbm>> -> memref<512x8x128xf32, #tpu.memory_space<hbm>>
      tpu.enqueue_dma source(%dma_start3A_491 : memref<512x8x128xf32, #tpu.memory_space<hbm>>) target(%dma_start3A_486 : memref<512x8x128xf32, #tpu.memory_space<vmem>>) target_semaphore(%dma_start3A_481 : memref<!tpu.dma_semaphore, #tpu.memory_space<semaphore_mem>>)
    } else {
    }
    %le3A_69 = arith.constant 6656 : i32
    %le3A_70 = arith.cmpi sle, %multiple_of3A, %le3A_69 : i32
    %add3A_71 = arith.constant 512 : i32
    %add3A_72 = arith.addi %multiple_of3A, %add3A_71 : i32
    %ge3A_73 = arith.constant 7168 : i32
    %ge3A_74 = arith.cmpi sge, %add3A_72, %ge3A_73 : i32
    %and3A_75 = arith.andi %le3A_70, %ge3A_74 : i1
    %convert_element_type3A_76 = arith.extui %and3A_75 : i1 to i32
    %cond3A_77 = arith.constant 0 : i32
    %cond3A_78 = arith.cmpi ne, %convert_element_type3A_76, %cond3A_77 : i32
    scf.if %cond3A_78 {
      %dma_start3A_477 = arith.constant 0 : i32
      %dma_start3A_478 = arith.constant 5 : i32
      %dma_start3A_479 = arith.constant 5 : i32
      %dma_start3A_480 = tpu.memref_slice %arg7[%dma_start3A_479] : memref<8x!tpu.dma_semaphore, #tpu.memory_space<semaphore_mem>> -> memref<1x!tpu.dma_semaphore, #tpu.memory_space<semaphore_mem>>
      %dma_start3A_481 = tpu.memref_squeeze %dma_start3A_480 : memref<1x!tpu.dma_semaphore, #tpu.memory_space<semaphore_mem>> -> memref<!tpu.dma_semaphore, #tpu.memory_space<semaphore_mem>>
      %dma_start3A_482 = arith.constant 0 : i32
      %dma_start3A_483 = arith.constant 0 : i32
      %dma_start3A_484 = arith.constant 0 : i32
      %dma_start3A_485 = tpu.memref_slice %arg6[%dma_start3A_478, %dma_start3A_482, %dma_start3A_483, %dma_start3A_484] : memref<8x512x8x128xf32, #tpu.memory_space<vmem>> -> memref<1x512x8x128xf32, #tpu.memory_space<vmem>>
      %dma_start3A_486 = tpu.memref_squeeze %dma_start3A_485 : memref<1x512x8x128xf32, #tpu.memory_space<vmem>> -> memref<512x8x128xf32, #tpu.memory_space<vmem>>
      %dma_start3A_487 = arith.constant 0 : i32
      %dma_start3A_488 = arith.constant 0 : i32
      %dma_start3A_489 = arith.constant 0 : i32
      %dma_start3A_490 = tpu.memref_slice %arg2[%dma_start3A_477, %dma_start3A_487, %dma_start3A_488, %dma_start3A_489] : memref<1x512x8x128xf32, #tpu.memory_space<hbm>> -> memref<1x512x8x128xf32, #tpu.memory_space<hbm>>
      %dma_start3A_491 = tpu.memref_squeeze %dma_start3A_490 : memref<1x512x8x128xf32, #tpu.memory_space<hbm>> -> memref<512x8x128xf32, #tpu.memory_space<hbm>>
      tpu.enqueue_dma source(%dma_start3A_491 : memref<512x8x128xf32, #tpu.memory_space<hbm>>) target(%dma_start3A_486 : memref<512x8x128xf32, #tpu.memory_space<vmem>>) target_semaphore(%dma_start3A_481 : memref<!tpu.dma_semaphore, #tpu.memory_space<semaphore_mem>>)
    } else {
    }
    %not3A_79 = arith.constant true
    %not3A_80 = arith.xori %and3A_75, %not3A_79 : i1
    %convert_element_type3A_81 = arith.extui %not3A_80 : i1 to i32
    %cond3A_82 = arith.constant 0 : i32
    %cond3A_83 = arith.cmpi ne, %convert_element_type3A_81, %cond3A_82 : i32
    scf.if %cond3A_83 {
      %dma_start3A_477 = arith.constant 0 : i32
      %dma_start3A_478 = arith.constant 5 : i32
      %dma_start3A_479 = arith.constant 5 : i32
      %dma_start3A_480 = tpu.memref_slice %arg7[%dma_start3A_479] : memref<8x!tpu.dma_semaphore, #tpu.memory_space<semaphore_mem>> -> memref<1x!tpu.dma_semaphore, #tpu.memory_space<semaphore_mem>>
      %dma_start3A_481 = tpu.memref_squeeze %dma_start3A_480 : memref<1x!tpu.dma_semaphore, #tpu.memory_space<semaphore_mem>> -> memref<!tpu.dma_semaphore, #tpu.memory_space<semaphore_mem>>
      %dma_start3A_482 = arith.constant 0 : i32
      %dma_start3A_483 = arith.constant 0 : i32
      %dma_start3A_484 = arith.constant 0 : i32
      %dma_start3A_485 = tpu.memref_slice %arg6[%dma_start3A_478, %dma_start3A_482, %dma_start3A_483, %dma_start3A_484] : memref<8x512x8x128xf32, #tpu.memory_space<vmem>> -> memref<1x512x8x128xf32, #tpu.memory_space<vmem>>
      %dma_start3A_486 = tpu.memref_squeeze %dma_start3A_485 : memref<1x512x8x128xf32, #tpu.memory_space<vmem>> -> memref<512x8x128xf32, #tpu.memory_space<vmem>>
      %dma_start3A_487 = arith.constant 6656 : i32
      %dma_start3A_488 = arith.constant 0 : i32
      %dma_start3A_489 = arith.constant 0 : i32
      %dma_start3A_490 = tpu.memref_slice %arg3[%dma_start3A_477, %dma_start3A_487, %dma_start3A_488, %dma_start3A_489] : memref<1x8192x8x128xf32, #tpu.memory_space<hbm>> -> memref<1x512x8x128xf32, #tpu.memory_space<hbm>>
      %dma_start3A_491 = tpu.memref_squeeze %dma_start3A_490 : memref<1x512x8x128xf32, #tpu.memory_space<hbm>> -> memref<512x8x128xf32, #tpu.memory_space<hbm>>
      tpu.enqueue_dma source(%dma_start3A_491 : memref<512x8x128xf32, #tpu.memory_space<hbm>>) target(%dma_start3A_486 : memref<512x8x128xf32, #tpu.memory_space<vmem>>) target_semaphore(%dma_start3A_481 : memref<!tpu.dma_semaphore, #tpu.memory_space<semaphore_mem>>)
    } else {
    }
    %le3A_84 = arith.constant 7168 : i32
    %le3A_85 = arith.cmpi sle, %multiple_of3A, %le3A_84 : i32
    %add3A_86 = arith.constant 512 : i32
    %add3A_87 = arith.addi %multiple_of3A, %add3A_86 : i32
    %ge3A_88 = arith.constant 7680 : i32
    %ge3A_89 = arith.cmpi sge, %add3A_87, %ge3A_88 : i32
    %and3A_90 = arith.andi %le3A_85, %ge3A_89 : i1
    %convert_element_type3A_91 = arith.extui %and3A_90 : i1 to i32
    %cond3A_92 = arith.constant 0 : i32
    %cond3A_93 = arith.cmpi ne, %convert_element_type3A_91, %cond3A_92 : i32
    scf.if %cond3A_93 {
      %dma_start3A_477 = arith.constant 0 : i32
      %dma_start3A_478 = arith.constant 6 : i32
      %dma_start3A_479 = arith.constant 6 : i32
      %dma_start3A_480 = tpu.memref_slice %arg7[%dma_start3A_479] : memref<8x!tpu.dma_semaphore, #tpu.memory_space<semaphore_mem>> -> memref<1x!tpu.dma_semaphore, #tpu.memory_space<semaphore_mem>>
      %dma_start3A_481 = tpu.memref_squeeze %dma_start3A_480 : memref<1x!tpu.dma_semaphore, #tpu.memory_space<semaphore_mem>> -> memref<!tpu.dma_semaphore, #tpu.memory_space<semaphore_mem>>
      %dma_start3A_482 = arith.constant 0 : i32
      %dma_start3A_483 = arith.constant 0 : i32
      %dma_start3A_484 = arith.constant 0 : i32
      %dma_start3A_485 = tpu.memref_slice %arg6[%dma_start3A_478, %dma_start3A_482, %dma_start3A_483, %dma_start3A_484] : memref<8x512x8x128xf32, #tpu.memory_space<vmem>> -> memref<1x512x8x128xf32, #tpu.memory_space<vmem>>
      %dma_start3A_486 = tpu.memref_squeeze %dma_start3A_485 : memref<1x512x8x128xf32, #tpu.memory_space<vmem>> -> memref<512x8x128xf32, #tpu.memory_space<vmem>>
      %dma_start3A_487 = arith.constant 0 : i32
      %dma_start3A_488 = arith.constant 0 : i32
      %dma_start3A_489 = arith.constant 0 : i32
      %dma_start3A_490 = tpu.memref_slice %arg2[%dma_start3A_477, %dma_start3A_487, %dma_start3A_488, %dma_start3A_489] : memref<1x512x8x128xf32, #tpu.memory_space<hbm>> -> memref<1x512x8x128xf32, #tpu.memory_space<hbm>>
      %dma_start3A_491 = tpu.memref_squeeze %dma_start3A_490 : memref<1x512x8x128xf32, #tpu.memory_space<hbm>> -> memref<512x8x128xf32, #tpu.memory_space<hbm>>
      tpu.enqueue_dma source(%dma_start3A_491 : memref<512x8x128xf32, #tpu.memory_space<hbm>>) target(%dma_start3A_486 : memref<512x8x128xf32, #tpu.memory_space<vmem>>) target_semaphore(%dma_start3A_481 : memref<!tpu.dma_semaphore, #tpu.memory_space<semaphore_mem>>)
    } else {
    }
    %not3A_94 = arith.constant true
    %not3A_95 = arith.xori %and3A_90, %not3A_94 : i1
    %convert_element_type3A_96 = arith.extui %not3A_95 : i1 to i32
    %cond3A_97 = arith.constant 0 : i32
    %cond3A_98 = arith.cmpi ne, %convert_element_type3A_96, %cond3A_97 : i32
    scf.if %cond3A_98 {
      %dma_start3A_477 = arith.constant 0 : i32
      %dma_start3A_478 = arith.constant 6 : i32
      %dma_start3A_479 = arith.constant 6 : i32
      %dma_start3A_480 = tpu.memref_slice %arg7[%dma_start3A_479] : memref<8x!tpu.dma_semaphore, #tpu.memory_space<semaphore_mem>> -> memref<1x!tpu.dma_semaphore, #tpu.memory_space<semaphore_mem>>
      %dma_start3A_481 = tpu.memref_squeeze %dma_start3A_480 : memref<1x!tpu.dma_semaphore, #tpu.memory_space<semaphore_mem>> -> memref<!tpu.dma_semaphore, #tpu.memory_space<semaphore_mem>>
      %dma_start3A_482 = arith.constant 0 : i32
      %dma_start3A_483 = arith.constant 0 : i32
      %dma_start3A_484 = arith.constant 0 : i32
      %dma_start3A_485 = tpu.memref_slice %arg6[%dma_start3A_478, %dma_start3A_482, %dma_start3A_483, %dma_start3A_484] : memref<8x512x8x128xf32, #tpu.memory_space<vmem>> -> memref<1x512x8x128xf32, #tpu.memory_space<vmem>>
      %dma_start3A_486 = tpu.memref_squeeze %dma_start3A_485 : memref<1x512x8x128xf32, #tpu.memory_space<vmem>> -> memref<512x8x128xf32, #tpu.memory_space<vmem>>
      %dma_start3A_487 = arith.constant 7168 : i32
      %dma_start3A_488 = arith.constant 0 : i32
      %dma_start3A_489 = arith.constant 0 : i32
      %dma_start3A_490 = tpu.memref_slice %arg3[%dma_start3A_477, %dma_start3A_487, %dma_start3A_488, %dma_start3A_489] : memref<1x8192x8x128xf32, #tpu.memory_space<hbm>> -> memref<1x512x8x128xf32, #tpu.memory_space<hbm>>
      %dma_start3A_491 = tpu.memref_squeeze %dma_start3A_490 : memref<1x512x8x128xf32, #tpu.memory_space<hbm>> -> memref<512x8x128xf32, #tpu.memory_space<hbm>>
      tpu.enqueue_dma source(%dma_start3A_491 : memref<512x8x128xf32, #tpu.memory_space<hbm>>) target(%dma_start3A_486 : memref<512x8x128xf32, #tpu.memory_space<vmem>>) target_semaphore(%dma_start3A_481 : memref<!tpu.dma_semaphore, #tpu.memory_space<semaphore_mem>>)
    } else {
    }
    %le3A_99 = arith.constant 7680 : i32
    %le3A_100 = arith.cmpi sle, %multiple_of3A, %le3A_99 : i32
    %add3A_101 = arith.constant 512 : i32
    %add3A_102 = arith.addi %multiple_of3A, %add3A_101 : i32
    %ge3A_103 = arith.constant 8192 : i32
    %ge3A_104 = arith.cmpi sge, %add3A_102, %ge3A_103 : i32
    %and3A_105 = arith.andi %le3A_100, %ge3A_104 : i1
    %convert_element_type3A_106 = arith.extui %and3A_105 : i1 to i32
    %cond3A_107 = arith.constant 0 : i32
    %cond3A_108 = arith.cmpi ne, %convert_element_type3A_106, %cond3A_107 : i32
    scf.if %cond3A_108 {
      %dma_start3A_477 = arith.constant 0 : i32
      %dma_start3A_478 = arith.constant 7 : i32
      %dma_start3A_479 = arith.constant 7 : i32
      %dma_start3A_480 = tpu.memref_slice %arg7[%dma_start3A_479] : memref<8x!tpu.dma_semaphore, #tpu.memory_space<semaphore_mem>> -> memref<1x!tpu.dma_semaphore, #tpu.memory_space<semaphore_mem>>
      %dma_start3A_481 = tpu.memref_squeeze %dma_start3A_480 : memref<1x!tpu.dma_semaphore, #tpu.memory_space<semaphore_mem>> -> memref<!tpu.dma_semaphore, #tpu.memory_space<semaphore_mem>>
      %dma_start3A_482 = arith.constant 0 : i32
      %dma_start3A_483 = arith.constant 0 : i32
      %dma_start3A_484 = arith.constant 0 : i32
      %dma_start3A_485 = tpu.memref_slice %arg6[%dma_start3A_478, %dma_start3A_482, %dma_start3A_483, %dma_start3A_484] : memref<8x512x8x128xf32, #tpu.memory_space<vmem>> -> memref<1x512x8x128xf32, #tpu.memory_space<vmem>>
      %dma_start3A_486 = tpu.memref_squeeze %dma_start3A_485 : memref<1x512x8x128xf32, #tpu.memory_space<vmem>> -> memref<512x8x128xf32, #tpu.memory_space<vmem>>
      %dma_start3A_487 = arith.constant 0 : i32
      %dma_start3A_488 = arith.constant 0 : i32
      %dma_start3A_489 = arith.constant 0 : i32
      %dma_start3A_490 = tpu.memref_slice %arg2[%dma_start3A_477, %dma_start3A_487, %dma_start3A_488, %dma_start3A_489] : memref<1x512x8x128xf32, #tpu.memory_space<hbm>> -> memref<1x512x8x128xf32, #tpu.memory_space<hbm>>
      %dma_start3A_491 = tpu.memref_squeeze %dma_start3A_490 : memref<1x512x8x128xf32, #tpu.memory_space<hbm>> -> memref<512x8x128xf32, #tpu.memory_space<hbm>>
      tpu.enqueue_dma source(%dma_start3A_491 : memref<512x8x128xf32, #tpu.memory_space<hbm>>) target(%dma_start3A_486 : memref<512x8x128xf32, #tpu.memory_space<vmem>>) target_semaphore(%dma_start3A_481 : memref<!tpu.dma_semaphore, #tpu.memory_space<semaphore_mem>>)
    } else {
    }
    %not3A_109 = arith.constant true
    %not3A_110 = arith.xori %and3A_105, %not3A_109 : i1
    %convert_element_type3A_111 = arith.extui %not3A_110 : i1 to i32
    %cond3A_112 = arith.constant 0 : i32
    %cond3A_113 = arith.cmpi ne, %convert_element_type3A_111, %cond3A_112 : i32
    scf.if %cond3A_113 {
      %dma_start3A_477 = arith.constant 0 : i32
      %dma_start3A_478 = arith.constant 7 : i32
      %dma_start3A_479 = arith.constant 7 : i32
      %dma_start3A_480 = tpu.memref_slice %arg7[%dma_start3A_479] : memref<8x!tpu.dma_semaphore, #tpu.memory_space<semaphore_mem>> -> memref<1x!tpu.dma_semaphore, #tpu.memory_space<semaphore_mem>>
      %dma_start3A_481 = tpu.memref_squeeze %dma_start3A_480 : memref<1x!tpu.dma_semaphore, #tpu.memory_space<semaphore_mem>> -> memref<!tpu.dma_semaphore, #tpu.memory_space<semaphore_mem>>
      %dma_start3A_482 = arith.constant 0 : i32
      %dma_start3A_483 = arith.constant 0 : i32
      %dma_start3A_484 = arith.constant 0 : i32
      %dma_start3A_485 = tpu.memref_slice %arg6[%dma_start3A_478, %dma_start3A_482, %dma_start3A_483, %dma_start3A_484] : memref<8x512x8x128xf32, #tpu.memory_space<vmem>> -> memref<1x512x8x128xf32, #tpu.memory_space<vmem>>
      %dma_start3A_486 = tpu.memref_squeeze %dma_start3A_485 : memref<1x512x8x128xf32, #tpu.memory_space<vmem>> -> memref<512x8x128xf32, #tpu.memory_space<vmem>>
      %dma_start3A_487 = arith.constant 7680 : i32
      %dma_start3A_488 = arith.constant 0 : i32
      %dma_start3A_489 = arith.constant 0 : i32
      %dma_start3A_490 = tpu.memref_slice %arg3[%dma_start3A_477, %dma_start3A_487, %dma_start3A_488, %dma_start3A_489] : memref<1x8192x8x128xf32, #tpu.memory_space<hbm>> -> memref<1x512x8x128xf32, #tpu.memory_space<hbm>>
      %dma_start3A_491 = tpu.memref_squeeze %dma_start3A_490 : memref<1x512x8x128xf32, #tpu.memory_space<hbm>> -> memref<512x8x128xf32, #tpu.memory_space<hbm>>
      tpu.enqueue_dma source(%dma_start3A_491 : memref<512x8x128xf32, #tpu.memory_space<hbm>>) target(%dma_start3A_486 : memref<512x8x128xf32, #tpu.memory_space<vmem>>) target_semaphore(%dma_start3A_481 : memref<!tpu.dma_semaphore, #tpu.memory_space<semaphore_mem>>)
    } else {
    }
    %dma_wait3A = arith.constant 0 : i32
    %dma_wait3A_114 = arith.constant 0 : i32
    %dma_wait3A_115 = arith.constant 0 : i32
    %dma_wait3A_116 = tpu.memref_slice %arg7[%dma_wait3A_115] : memref<8x!tpu.dma_semaphore, #tpu.memory_space<semaphore_mem>> -> memref<1x!tpu.dma_semaphore, #tpu.memory_space<semaphore_mem>>
    %dma_wait3A_117 = tpu.memref_squeeze %dma_wait3A_116 : memref<1x!tpu.dma_semaphore, #tpu.memory_space<semaphore_mem>> -> memref<!tpu.dma_semaphore, #tpu.memory_space<semaphore_mem>>
    %dma_wait3A_118 = arith.constant 0 : i32
    %dma_wait3A_119 = arith.constant 0 : i32
    %dma_wait3A_120 = arith.constant 0 : i32
    %dma_wait3A_121 = tpu.memref_slice %arg6[%dma_wait3A_114, %dma_wait3A_118, %dma_wait3A_119, %dma_wait3A_120] : memref<8x512x8x128xf32, #tpu.memory_space<vmem>> -> memref<1x512x8x128xf32, #tpu.memory_space<vmem>>
    %dma_wait3A_122 = tpu.memref_squeeze %dma_wait3A_121 : memref<1x512x8x128xf32, #tpu.memory_space<vmem>> -> memref<512x8x128xf32, #tpu.memory_space<vmem>>
    %dma_wait3A_123 = arith.constant 4096 : i32
    %dma_wait3A_124 = arith.constant 0 : i32
    %dma_wait3A_125 = arith.constant 0 : i32
    %dma_wait3A_126 = tpu.memref_slice %arg3[%dma_wait3A, %dma_wait3A_123, %dma_wait3A_124, %dma_wait3A_125] : memref<1x8192x8x128xf32, #tpu.memory_space<hbm>> -> memref<1x512x8x128xf32, #tpu.memory_space<hbm>>
    %dma_wait3A_127 = tpu.memref_squeeze %dma_wait3A_126 : memref<1x512x8x128xf32, #tpu.memory_space<hbm>> -> memref<512x8x128xf32, #tpu.memory_space<hbm>>
    tpu.wait_dma2 semaphore(%dma_wait3A_117 : memref<!tpu.dma_semaphore, #tpu.memory_space<semaphore_mem>>) src(%dma_wait3A_127 : memref<512x8x128xf32, #tpu.memory_space<hbm>>) dst(%dma_wait3A_122 : memref<512x8x128xf32, #tpu.memory_space<vmem>>)
    %dma_start3A = arith.constant 0 : i32
    %dma_start3A_128 = arith.constant 0 : i32
    %dma_start3A_129 = arith.constant 0 : i32
    %dma_start3A_130 = tpu.memref_slice %arg8[%dma_start3A_129] : memref<8x!tpu.dma_semaphore, #tpu.memory_space<semaphore_mem>> -> memref<1x!tpu.dma_semaphore, #tpu.memory_space<semaphore_mem>>
    %dma_start3A_131 = tpu.memref_squeeze %dma_start3A_130 : memref<1x!tpu.dma_semaphore, #tpu.memory_space<semaphore_mem>> -> memref<!tpu.dma_semaphore, #tpu.memory_space<semaphore_mem>>
    %dma_start3A_132 = arith.constant 4096 : i32
    %dma_start3A_133 = arith.constant 0 : i32
    %dma_start3A_134 = arith.constant 0 : i32
    %dma_start3A_135 = tpu.memref_slice %arg5[%dma_start3A_128, %dma_start3A_132, %dma_start3A_133, %dma_start3A_134] : memref<1x8192x8x128xf32, #tpu.memory_space<hbm>> -> memref<1x512x8x128xf32, #tpu.memory_space<hbm>>
    %dma_start3A_136 = tpu.memref_squeeze %dma_start3A_135 : memref<1x512x8x128xf32, #tpu.memory_space<hbm>> -> memref<512x8x128xf32, #tpu.memory_space<hbm>>
    %dma_start3A_137 = arith.constant 0 : i32
    %dma_start3A_138 = arith.constant 0 : i32
    %dma_start3A_139 = arith.constant 0 : i32
    %dma_start3A_140 = tpu.memref_slice %arg6[%dma_start3A, %dma_start3A_137, %dma_start3A_138, %dma_start3A_139] : memref<8x512x8x128xf32, #tpu.memory_space<vmem>> -> memref<1x512x8x128xf32, #tpu.memory_space<vmem>>
    %dma_start3A_141 = tpu.memref_squeeze %dma_start3A_140 : memref<1x512x8x128xf32, #tpu.memory_space<vmem>> -> memref<512x8x128xf32, #tpu.memory_space<vmem>>
    tpu.enqueue_dma source(%dma_start3A_141 : memref<512x8x128xf32, #tpu.memory_space<vmem>>) target(%dma_start3A_136 : memref<512x8x128xf32, #tpu.memory_space<hbm>>) target_semaphore(%dma_start3A_131 : memref<!tpu.dma_semaphore, #tpu.memory_space<semaphore_mem>>)
    %dma_wait3A_142 = arith.constant 0 : i32
    %dma_wait3A_143 = arith.constant 1 : i32
    %dma_wait3A_144 = arith.constant 1 : i32
    %dma_wait3A_145 = tpu.memref_slice %arg7[%dma_wait3A_144] : memref<8x!tpu.dma_semaphore, #tpu.memory_space<semaphore_mem>> -> memref<1x!tpu.dma_semaphore, #tpu.memory_space<semaphore_mem>>
    %dma_wait3A_146 = tpu.memref_squeeze %dma_wait3A_145 : memref<1x!tpu.dma_semaphore, #tpu.memory_space<semaphore_mem>> -> memref<!tpu.dma_semaphore, #tpu.memory_space<semaphore_mem>>
    %dma_wait3A_147 = arith.constant 0 : i32
    %dma_wait3A_148 = arith.constant 0 : i32
    %dma_wait3A_149 = arith.constant 0 : i32
    %dma_wait3A_150 = tpu.memref_slice %arg6[%dma_wait3A_143, %dma_wait3A_147, %dma_wait3A_148, %dma_wait3A_149] : memref<8x512x8x128xf32, #tpu.memory_space<vmem>> -> memref<1x512x8x128xf32, #tpu.memory_space<vmem>>
    %dma_wait3A_151 = tpu.memref_squeeze %dma_wait3A_150 : memref<1x512x8x128xf32, #tpu.memory_space<vmem>> -> memref<512x8x128xf32, #tpu.memory_space<vmem>>
    %dma_wait3A_152 = arith.constant 4608 : i32
    %dma_wait3A_153 = arith.constant 0 : i32
    %dma_wait3A_154 = arith.constant 0 : i32
    %dma_wait3A_155 = tpu.memref_slice %arg3[%dma_wait3A_142, %dma_wait3A_152, %dma_wait3A_153, %dma_wait3A_154] : memref<1x8192x8x128xf32, #tpu.memory_space<hbm>> -> memref<1x512x8x128xf32, #tpu.memory_space<hbm>>
    %dma_wait3A_156 = tpu.memref_squeeze %dma_wait3A_155 : memref<1x512x8x128xf32, #tpu.memory_space<hbm>> -> memref<512x8x128xf32, #tpu.memory_space<hbm>>
    tpu.wait_dma2 semaphore(%dma_wait3A_146 : memref<!tpu.dma_semaphore, #tpu.memory_space<semaphore_mem>>) src(%dma_wait3A_156 : memref<512x8x128xf32, #tpu.memory_space<hbm>>) dst(%dma_wait3A_151 : memref<512x8x128xf32, #tpu.memory_space<vmem>>)
    %dma_start3A_157 = arith.constant 1 : i32
    %dma_start3A_158 = arith.constant 0 : i32
    %dma_start3A_159 = arith.constant 1 : i32
    %dma_start3A_160 = tpu.memref_slice %arg8[%dma_start3A_159] : memref<8x!tpu.dma_semaphore, #tpu.memory_space<semaphore_mem>> -> memref<1x!tpu.dma_semaphore, #tpu.memory_space<semaphore_mem>>
    %dma_start3A_161 = tpu.memref_squeeze %dma_start3A_160 : memref<1x!tpu.dma_semaphore, #tpu.memory_space<semaphore_mem>> -> memref<!tpu.dma_semaphore, #tpu.memory_space<semaphore_mem>>
    %dma_start3A_162 = arith.constant 4608 : i32
    %dma_start3A_163 = arith.constant 0 : i32
    %dma_start3A_164 = arith.constant 0 : i32
    %dma_start3A_165 = tpu.memref_slice %arg5[%dma_start3A_158, %dma_start3A_162, %dma_start3A_163, %dma_start3A_164] : memref<1x8192x8x128xf32, #tpu.memory_space<hbm>> -> memref<1x512x8x128xf32, #tpu.memory_space<hbm>>
    %dma_start3A_166 = tpu.memref_squeeze %dma_start3A_165 : memref<1x512x8x128xf32, #tpu.memory_space<hbm>> -> memref<512x8x128xf32, #tpu.memory_space<hbm>>
    %dma_start3A_167 = arith.constant 0 : i32
    %dma_start3A_168 = arith.constant 0 : i32
    %dma_start3A_169 = arith.constant 0 : i32
    %dma_start3A_170 = tpu.memref_slice %arg6[%dma_start3A_157, %dma_start3A_167, %dma_start3A_168, %dma_start3A_169] : memref<8x512x8x128xf32, #tpu.memory_space<vmem>> -> memref<1x512x8x128xf32, #tpu.memory_space<vmem>>
    %dma_start3A_171 = tpu.memref_squeeze %dma_start3A_170 : memref<1x512x8x128xf32, #tpu.memory_space<vmem>> -> memref<512x8x128xf32, #tpu.memory_space<vmem>>
    tpu.enqueue_dma source(%dma_start3A_171 : memref<512x8x128xf32, #tpu.memory_space<vmem>>) target(%dma_start3A_166 : memref<512x8x128xf32, #tpu.memory_space<hbm>>) target_semaphore(%dma_start3A_161 : memref<!tpu.dma_semaphore, #tpu.memory_space<semaphore_mem>>)
    %dma_wait3A_172 = arith.constant 0 : i32
    %dma_wait3A_173 = arith.constant 2 : i32
    %dma_wait3A_174 = arith.constant 2 : i32
    %dma_wait3A_175 = tpu.memref_slice %arg7[%dma_wait3A_174] : memref<8x!tpu.dma_semaphore, #tpu.memory_space<semaphore_mem>> -> memref<1x!tpu.dma_semaphore, #tpu.memory_space<semaphore_mem>>
    %dma_wait3A_176 = tpu.memref_squeeze %dma_wait3A_175 : memref<1x!tpu.dma_semaphore, #tpu.memory_space<semaphore_mem>> -> memref<!tpu.dma_semaphore, #tpu.memory_space<semaphore_mem>>
    %dma_wait3A_177 = arith.constant 0 : i32
    %dma_wait3A_178 = arith.constant 0 : i32
    %dma_wait3A_179 = arith.constant 0 : i32
    %dma_wait3A_180 = tpu.memref_slice %arg6[%dma_wait3A_173, %dma_wait3A_177, %dma_wait3A_178, %dma_wait3A_179] : memref<8x512x8x128xf32, #tpu.memory_space<vmem>> -> memref<1x512x8x128xf32, #tpu.memory_space<vmem>>
    %dma_wait3A_181 = tpu.memref_squeeze %dma_wait3A_180 : memref<1x512x8x128xf32, #tpu.memory_space<vmem>> -> memref<512x8x128xf32, #tpu.memory_space<vmem>>
    %dma_wait3A_182 = arith.constant 5120 : i32
    %dma_wait3A_183 = arith.constant 0 : i32
    %dma_wait3A_184 = arith.constant 0 : i32
    %dma_wait3A_185 = tpu.memref_slice %arg3[%dma_wait3A_172, %dma_wait3A_182, %dma_wait3A_183, %dma_wait3A_184] : memref<1x8192x8x128xf32, #tpu.memory_space<hbm>> -> memref<1x512x8x128xf32, #tpu.memory_space<hbm>>
    %dma_wait3A_186 = tpu.memref_squeeze %dma_wait3A_185 : memref<1x512x8x128xf32, #tpu.memory_space<hbm>> -> memref<512x8x128xf32, #tpu.memory_space<hbm>>
    tpu.wait_dma2 semaphore(%dma_wait3A_176 : memref<!tpu.dma_semaphore, #tpu.memory_space<semaphore_mem>>) src(%dma_wait3A_186 : memref<512x8x128xf32, #tpu.memory_space<hbm>>) dst(%dma_wait3A_181 : memref<512x8x128xf32, #tpu.memory_space<vmem>>)
    %dma_start3A_187 = arith.constant 2 : i32
    %dma_start3A_188 = arith.constant 0 : i32
    %dma_start3A_189 = arith.constant 2 : i32
    %dma_start3A_190 = tpu.memref_slice %arg8[%dma_start3A_189] : memref<8x!tpu.dma_semaphore, #tpu.memory_space<semaphore_mem>> -> memref<1x!tpu.dma_semaphore, #tpu.memory_space<semaphore_mem>>
    %dma_start3A_191 = tpu.memref_squeeze %dma_start3A_190 : memref<1x!tpu.dma_semaphore, #tpu.memory_space<semaphore_mem>> -> memref<!tpu.dma_semaphore, #tpu.memory_space<semaphore_mem>>
    %dma_start3A_192 = arith.constant 5120 : i32
    %dma_start3A_193 = arith.constant 0 : i32
    %dma_start3A_194 = arith.constant 0 : i32
    %dma_start3A_195 = tpu.memref_slice %arg5[%dma_start3A_188, %dma_start3A_192, %dma_start3A_193, %dma_start3A_194] : memref<1x8192x8x128xf32, #tpu.memory_space<hbm>> -> memref<1x512x8x128xf32, #tpu.memory_space<hbm>>
    %dma_start3A_196 = tpu.memref_squeeze %dma_start3A_195 : memref<1x512x8x128xf32, #tpu.memory_space<hbm>> -> memref<512x8x128xf32, #tpu.memory_space<hbm>>
    %dma_start3A_197 = arith.constant 0 : i32
    %dma_start3A_198 = arith.constant 0 : i32
    %dma_start3A_199 = arith.constant 0 : i32
    %dma_start3A_200 = tpu.memref_slice %arg6[%dma_start3A_187, %dma_start3A_197, %dma_start3A_198, %dma_start3A_199] : memref<8x512x8x128xf32, #tpu.memory_space<vmem>> -> memref<1x512x8x128xf32, #tpu.memory_space<vmem>>
    %dma_start3A_201 = tpu.memref_squeeze %dma_start3A_200 : memref<1x512x8x128xf32, #tpu.memory_space<vmem>> -> memref<512x8x128xf32, #tpu.memory_space<vmem>>
    tpu.enqueue_dma source(%dma_start3A_201 : memref<512x8x128xf32, #tpu.memory_space<vmem>>) target(%dma_start3A_196 : memref<512x8x128xf32, #tpu.memory_space<hbm>>) target_semaphore(%dma_start3A_191 : memref<!tpu.dma_semaphore, #tpu.memory_space<semaphore_mem>>)
    %dma_wait3A_202 = arith.constant 0 : i32
    %dma_wait3A_203 = arith.constant 3 : i32
    %dma_wait3A_204 = arith.constant 3 : i32
    %dma_wait3A_205 = tpu.memref_slice %arg7[%dma_wait3A_204] : memref<8x!tpu.dma_semaphore, #tpu.memory_space<semaphore_mem>> -> memref<1x!tpu.dma_semaphore, #tpu.memory_space<semaphore_mem>>
    %dma_wait3A_206 = tpu.memref_squeeze %dma_wait3A_205 : memref<1x!tpu.dma_semaphore, #tpu.memory_space<semaphore_mem>> -> memref<!tpu.dma_semaphore, #tpu.memory_space<semaphore_mem>>
    %dma_wait3A_207 = arith.constant 0 : i32
    %dma_wait3A_208 = arith.constant 0 : i32
    %dma_wait3A_209 = arith.constant 0 : i32
    %dma_wait3A_210 = tpu.memref_slice %arg6[%dma_wait3A_203, %dma_wait3A_207, %dma_wait3A_208, %dma_wait3A_209] : memref<8x512x8x128xf32, #tpu.memory_space<vmem>> -> memref<1x512x8x128xf32, #tpu.memory_space<vmem>>
    %dma_wait3A_211 = tpu.memref_squeeze %dma_wait3A_210 : memref<1x512x8x128xf32, #tpu.memory_space<vmem>> -> memref<512x8x128xf32, #tpu.memory_space<vmem>>
    %dma_wait3A_212 = arith.constant 5632 : i32
    %dma_wait3A_213 = arith.constant 0 : i32
    %dma_wait3A_214 = arith.constant 0 : i32
    %dma_wait3A_215 = tpu.memref_slice %arg3[%dma_wait3A_202, %dma_wait3A_212, %dma_wait3A_213, %dma_wait3A_214] : memref<1x8192x8x128xf32, #tpu.memory_space<hbm>> -> memref<1x512x8x128xf32, #tpu.memory_space<hbm>>
    %dma_wait3A_216 = tpu.memref_squeeze %dma_wait3A_215 : memref<1x512x8x128xf32, #tpu.memory_space<hbm>> -> memref<512x8x128xf32, #tpu.memory_space<hbm>>
    tpu.wait_dma2 semaphore(%dma_wait3A_206 : memref<!tpu.dma_semaphore, #tpu.memory_space<semaphore_mem>>) src(%dma_wait3A_216 : memref<512x8x128xf32, #tpu.memory_space<hbm>>) dst(%dma_wait3A_211 : memref<512x8x128xf32, #tpu.memory_space<vmem>>)
    %dma_start3A_217 = arith.constant 3 : i32
    %dma_start3A_218 = arith.constant 0 : i32
    %dma_start3A_219 = arith.constant 3 : i32
    %dma_start3A_220 = tpu.memref_slice %arg8[%dma_start3A_219] : memref<8x!tpu.dma_semaphore, #tpu.memory_space<semaphore_mem>> -> memref<1x!tpu.dma_semaphore, #tpu.memory_space<semaphore_mem>>
    %dma_start3A_221 = tpu.memref_squeeze %dma_start3A_220 : memref<1x!tpu.dma_semaphore, #tpu.memory_space<semaphore_mem>> -> memref<!tpu.dma_semaphore, #tpu.memory_space<semaphore_mem>>
    %dma_start3A_222 = arith.constant 5632 : i32
    %dma_start3A_223 = arith.constant 0 : i32
    %dma_start3A_224 = arith.constant 0 : i32
    %dma_start3A_225 = tpu.memref_slice %arg5[%dma_start3A_218, %dma_start3A_222, %dma_start3A_223, %dma_start3A_224] : memref<1x8192x8x128xf32, #tpu.memory_space<hbm>> -> memref<1x512x8x128xf32, #tpu.memory_space<hbm>>
    %dma_start3A_226 = tpu.memref_squeeze %dma_start3A_225 : memref<1x512x8x128xf32, #tpu.memory_space<hbm>> -> memref<512x8x128xf32, #tpu.memory_space<hbm>>
    %dma_start3A_227 = arith.constant 0 : i32
    %dma_start3A_228 = arith.constant 0 : i32
    %dma_start3A_229 = arith.constant 0 : i32
    %dma_start3A_230 = tpu.memref_slice %arg6[%dma_start3A_217, %dma_start3A_227, %dma_start3A_228, %dma_start3A_229] : memref<8x512x8x128xf32, #tpu.memory_space<vmem>> -> memref<1x512x8x128xf32, #tpu.memory_space<vmem>>
    %dma_start3A_231 = tpu.memref_squeeze %dma_start3A_230 : memref<1x512x8x128xf32, #tpu.memory_space<vmem>> -> memref<512x8x128xf32, #tpu.memory_space<vmem>>
    tpu.enqueue_dma source(%dma_start3A_231 : memref<512x8x128xf32, #tpu.memory_space<vmem>>) target(%dma_start3A_226 : memref<512x8x128xf32, #tpu.memory_space<hbm>>) target_semaphore(%dma_start3A_221 : memref<!tpu.dma_semaphore, #tpu.memory_space<semaphore_mem>>)
    %dma_wait3A_232 = arith.constant 0 : i32
    %dma_wait3A_233 = arith.constant 4 : i32
    %dma_wait3A_234 = arith.constant 4 : i32
    %dma_wait3A_235 = tpu.memref_slice %arg7[%dma_wait3A_234] : memref<8x!tpu.dma_semaphore, #tpu.memory_space<semaphore_mem>> -> memref<1x!tpu.dma_semaphore, #tpu.memory_space<semaphore_mem>>
    %dma_wait3A_236 = tpu.memref_squeeze %dma_wait3A_235 : memref<1x!tpu.dma_semaphore, #tpu.memory_space<semaphore_mem>> -> memref<!tpu.dma_semaphore, #tpu.memory_space<semaphore_mem>>
    %dma_wait3A_237 = arith.constant 0 : i32
    %dma_wait3A_238 = arith.constant 0 : i32
    %dma_wait3A_239 = arith.constant 0 : i32
    %dma_wait3A_240 = tpu.memref_slice %arg6[%dma_wait3A_233, %dma_wait3A_237, %dma_wait3A_238, %dma_wait3A_239] : memref<8x512x8x128xf32, #tpu.memory_space<vmem>> -> memref<1x512x8x128xf32, #tpu.memory_space<vmem>>
    %dma_wait3A_241 = tpu.memref_squeeze %dma_wait3A_240 : memref<1x512x8x128xf32, #tpu.memory_space<vmem>> -> memref<512x8x128xf32, #tpu.memory_space<vmem>>
    %dma_wait3A_242 = arith.constant 6144 : i32
    %dma_wait3A_243 = arith.constant 0 : i32
    %dma_wait3A_244 = arith.constant 0 : i32
    %dma_wait3A_245 = tpu.memref_slice %arg3[%dma_wait3A_232, %dma_wait3A_242, %dma_wait3A_243, %dma_wait3A_244] : memref<1x8192x8x128xf32, #tpu.memory_space<hbm>> -> memref<1x512x8x128xf32, #tpu.memory_space<hbm>>
    %dma_wait3A_246 = tpu.memref_squeeze %dma_wait3A_245 : memref<1x512x8x128xf32, #tpu.memory_space<hbm>> -> memref<512x8x128xf32, #tpu.memory_space<hbm>>
    tpu.wait_dma2 semaphore(%dma_wait3A_236 : memref<!tpu.dma_semaphore, #tpu.memory_space<semaphore_mem>>) src(%dma_wait3A_246 : memref<512x8x128xf32, #tpu.memory_space<hbm>>) dst(%dma_wait3A_241 : memref<512x8x128xf32, #tpu.memory_space<vmem>>)
    %dma_start3A_247 = arith.constant 4 : i32
    %dma_start3A_248 = arith.constant 0 : i32
    %dma_start3A_249 = arith.constant 4 : i32
    %dma_start3A_250 = tpu.memref_slice %arg8[%dma_start3A_249] : memref<8x!tpu.dma_semaphore, #tpu.memory_space<semaphore_mem>> -> memref<1x!tpu.dma_semaphore, #tpu.memory_space<semaphore_mem>>
    %dma_start3A_251 = tpu.memref_squeeze %dma_start3A_250 : memref<1x!tpu.dma_semaphore, #tpu.memory_space<semaphore_mem>> -> memref<!tpu.dma_semaphore, #tpu.memory_space<semaphore_mem>>
    %dma_start3A_252 = arith.constant 6144 : i32
    %dma_start3A_253 = arith.constant 0 : i32
    %dma_start3A_254 = arith.constant 0 : i32
    %dma_start3A_255 = tpu.memref_slice %arg5[%dma_start3A_248, %dma_start3A_252, %dma_start3A_253, %dma_start3A_254] : memref<1x8192x8x128xf32, #tpu.memory_space<hbm>> -> memref<1x512x8x128xf32, #tpu.memory_space<hbm>>
    %dma_start3A_256 = tpu.memref_squeeze %dma_start3A_255 : memref<1x512x8x128xf32, #tpu.memory_space<hbm>> -> memref<512x8x128xf32, #tpu.memory_space<hbm>>
    %dma_start3A_257 = arith.constant 0 : i32
    %dma_start3A_258 = arith.constant 0 : i32
    %dma_start3A_259 = arith.constant 0 : i32
    %dma_start3A_260 = tpu.memref_slice %arg6[%dma_start3A_247, %dma_start3A_257, %dma_start3A_258, %dma_start3A_259] : memref<8x512x8x128xf32, #tpu.memory_space<vmem>> -> memref<1x512x8x128xf32, #tpu.memory_space<vmem>>
    %dma_start3A_261 = tpu.memref_squeeze %dma_start3A_260 : memref<1x512x8x128xf32, #tpu.memory_space<vmem>> -> memref<512x8x128xf32, #tpu.memory_space<vmem>>
    tpu.enqueue_dma source(%dma_start3A_261 : memref<512x8x128xf32, #tpu.memory_space<vmem>>) target(%dma_start3A_256 : memref<512x8x128xf32, #tpu.memory_space<hbm>>) target_semaphore(%dma_start3A_251 : memref<!tpu.dma_semaphore, #tpu.memory_space<semaphore_mem>>)
    %dma_wait3A_262 = arith.constant 0 : i32
    %dma_wait3A_263 = arith.constant 5 : i32
    %dma_wait3A_264 = arith.constant 5 : i32
    %dma_wait3A_265 = tpu.memref_slice %arg7[%dma_wait3A_264] : memref<8x!tpu.dma_semaphore, #tpu.memory_space<semaphore_mem>> -> memref<1x!tpu.dma_semaphore, #tpu.memory_space<semaphore_mem>>
    %dma_wait3A_266 = tpu.memref_squeeze %dma_wait3A_265 : memref<1x!tpu.dma_semaphore, #tpu.memory_space<semaphore_mem>> -> memref<!tpu.dma_semaphore, #tpu.memory_space<semaphore_mem>>
    %dma_wait3A_267 = arith.constant 0 : i32
    %dma_wait3A_268 = arith.constant 0 : i32
    %dma_wait3A_269 = arith.constant 0 : i32
    %dma_wait3A_270 = tpu.memref_slice %arg6[%dma_wait3A_263, %dma_wait3A_267, %dma_wait3A_268, %dma_wait3A_269] : memref<8x512x8x128xf32, #tpu.memory_space<vmem>> -> memref<1x512x8x128xf32, #tpu.memory_space<vmem>>
    %dma_wait3A_271 = tpu.memref_squeeze %dma_wait3A_270 : memref<1x512x8x128xf32, #tpu.memory_space<vmem>> -> memref<512x8x128xf32, #tpu.memory_space<vmem>>
    %dma_wait3A_272 = arith.constant 6656 : i32
    %dma_wait3A_273 = arith.constant 0 : i32
    %dma_wait3A_274 = arith.constant 0 : i32
    %dma_wait3A_275 = tpu.memref_slice %arg3[%dma_wait3A_262, %dma_wait3A_272, %dma_wait3A_273, %dma_wait3A_274] : memref<1x8192x8x128xf32, #tpu.memory_space<hbm>> -> memref<1x512x8x128xf32, #tpu.memory_space<hbm>>
    %dma_wait3A_276 = tpu.memref_squeeze %dma_wait3A_275 : memref<1x512x8x128xf32, #tpu.memory_space<hbm>> -> memref<512x8x128xf32, #tpu.memory_space<hbm>>
    tpu.wait_dma2 semaphore(%dma_wait3A_266 : memref<!tpu.dma_semaphore, #tpu.memory_space<semaphore_mem>>) src(%dma_wait3A_276 : memref<512x8x128xf32, #tpu.memory_space<hbm>>) dst(%dma_wait3A_271 : memref<512x8x128xf32, #tpu.memory_space<vmem>>)
    %dma_start3A_277 = arith.constant 5 : i32
    %dma_start3A_278 = arith.constant 0 : i32
    %dma_start3A_279 = arith.constant 5 : i32
    %dma_start3A_280 = tpu.memref_slice %arg8[%dma_start3A_279] : memref<8x!tpu.dma_semaphore, #tpu.memory_space<semaphore_mem>> -> memref<1x!tpu.dma_semaphore, #tpu.memory_space<semaphore_mem>>
    %dma_start3A_281 = tpu.memref_squeeze %dma_start3A_280 : memref<1x!tpu.dma_semaphore, #tpu.memory_space<semaphore_mem>> -> memref<!tpu.dma_semaphore, #tpu.memory_space<semaphore_mem>>
    %dma_start3A_282 = arith.constant 6656 : i32
    %dma_start3A_283 = arith.constant 0 : i32
    %dma_start3A_284 = arith.constant 0 : i32
    %dma_start3A_285 = tpu.memref_slice %arg5[%dma_start3A_278, %dma_start3A_282, %dma_start3A_283, %dma_start3A_284] : memref<1x8192x8x128xf32, #tpu.memory_space<hbm>> -> memref<1x512x8x128xf32, #tpu.memory_space<hbm>>
    %dma_start3A_286 = tpu.memref_squeeze %dma_start3A_285 : memref<1x512x8x128xf32, #tpu.memory_space<hbm>> -> memref<512x8x128xf32, #tpu.memory_space<hbm>>
    %dma_start3A_287 = arith.constant 0 : i32
    %dma_start3A_288 = arith.constant 0 : i32
    %dma_start3A_289 = arith.constant 0 : i32
    %dma_start3A_290 = tpu.memref_slice %arg6[%dma_start3A_277, %dma_start3A_287, %dma_start3A_288, %dma_start3A_289] : memref<8x512x8x128xf32, #tpu.memory_space<vmem>> -> memref<1x512x8x128xf32, #tpu.memory_space<vmem>>
    %dma_start3A_291 = tpu.memref_squeeze %dma_start3A_290 : memref<1x512x8x128xf32, #tpu.memory_space<vmem>> -> memref<512x8x128xf32, #tpu.memory_space<vmem>>
    tpu.enqueue_dma source(%dma_start3A_291 : memref<512x8x128xf32, #tpu.memory_space<vmem>>) target(%dma_start3A_286 : memref<512x8x128xf32, #tpu.memory_space<hbm>>) target_semaphore(%dma_start3A_281 : memref<!tpu.dma_semaphore, #tpu.memory_space<semaphore_mem>>)
    %dma_wait3A_292 = arith.constant 0 : i32
    %dma_wait3A_293 = arith.constant 6 : i32
    %dma_wait3A_294 = arith.constant 6 : i32
    %dma_wait3A_295 = tpu.memref_slice %arg7[%dma_wait3A_294] : memref<8x!tpu.dma_semaphore, #tpu.memory_space<semaphore_mem>> -> memref<1x!tpu.dma_semaphore, #tpu.memory_space<semaphore_mem>>
    %dma_wait3A_296 = tpu.memref_squeeze %dma_wait3A_295 : memref<1x!tpu.dma_semaphore, #tpu.memory_space<semaphore_mem>> -> memref<!tpu.dma_semaphore, #tpu.memory_space<semaphore_mem>>
    %dma_wait3A_297 = arith.constant 0 : i32
    %dma_wait3A_298 = arith.constant 0 : i32
    %dma_wait3A_299 = arith.constant 0 : i32
    %dma_wait3A_300 = tpu.memref_slice %arg6[%dma_wait3A_293, %dma_wait3A_297, %dma_wait3A_298, %dma_wait3A_299] : memref<8x512x8x128xf32, #tpu.memory_space<vmem>> -> memref<1x512x8x128xf32, #tpu.memory_space<vmem>>
    %dma_wait3A_301 = tpu.memref_squeeze %dma_wait3A_300 : memref<1x512x8x128xf32, #tpu.memory_space<vmem>> -> memref<512x8x128xf32, #tpu.memory_space<vmem>>
    %dma_wait3A_302 = arith.constant 7168 : i32
    %dma_wait3A_303 = arith.constant 0 : i32
    %dma_wait3A_304 = arith.constant 0 : i32
    %dma_wait3A_305 = tpu.memref_slice %arg3[%dma_wait3A_292, %dma_wait3A_302, %dma_wait3A_303, %dma_wait3A_304] : memref<1x8192x8x128xf32, #tpu.memory_space<hbm>> -> memref<1x512x8x128xf32, #tpu.memory_space<hbm>>
    %dma_wait3A_306 = tpu.memref_squeeze %dma_wait3A_305 : memref<1x512x8x128xf32, #tpu.memory_space<hbm>> -> memref<512x8x128xf32, #tpu.memory_space<hbm>>
    tpu.wait_dma2 semaphore(%dma_wait3A_296 : memref<!tpu.dma_semaphore, #tpu.memory_space<semaphore_mem>>) src(%dma_wait3A_306 : memref<512x8x128xf32, #tpu.memory_space<hbm>>) dst(%dma_wait3A_301 : memref<512x8x128xf32, #tpu.memory_space<vmem>>)
    %dma_start3A_307 = arith.constant 6 : i32
    %dma_start3A_308 = arith.constant 0 : i32
    %dma_start3A_309 = arith.constant 6 : i32
    %dma_start3A_310 = tpu.memref_slice %arg8[%dma_start3A_309] : memref<8x!tpu.dma_semaphore, #tpu.memory_space<semaphore_mem>> -> memref<1x!tpu.dma_semaphore, #tpu.memory_space<semaphore_mem>>
    %dma_start3A_311 = tpu.memref_squeeze %dma_start3A_310 : memref<1x!tpu.dma_semaphore, #tpu.memory_space<semaphore_mem>> -> memref<!tpu.dma_semaphore, #tpu.memory_space<semaphore_mem>>
    %dma_start3A_312 = arith.constant 7168 : i32
    %dma_start3A_313 = arith.constant 0 : i32
    %dma_start3A_314 = arith.constant 0 : i32
    %dma_start3A_315 = tpu.memref_slice %arg5[%dma_start3A_308, %dma_start3A_312, %dma_start3A_313, %dma_start3A_314] : memref<1x8192x8x128xf32, #tpu.memory_space<hbm>> -> memref<1x512x8x128xf32, #tpu.memory_space<hbm>>
    %dma_start3A_316 = tpu.memref_squeeze %dma_start3A_315 : memref<1x512x8x128xf32, #tpu.memory_space<hbm>> -> memref<512x8x128xf32, #tpu.memory_space<hbm>>
    %dma_start3A_317 = arith.constant 0 : i32
    %dma_start3A_318 = arith.constant 0 : i32
    %dma_start3A_319 = arith.constant 0 : i32
    %dma_start3A_320 = tpu.memref_slice %arg6[%dma_start3A_307, %dma_start3A_317, %dma_start3A_318, %dma_start3A_319] : memref<8x512x8x128xf32, #tpu.memory_space<vmem>> -> memref<1x512x8x128xf32, #tpu.memory_space<vmem>>
    %dma_start3A_321 = tpu.memref_squeeze %dma_start3A_320 : memref<1x512x8x128xf32, #tpu.memory_space<vmem>> -> memref<512x8x128xf32, #tpu.memory_space<vmem>>
    tpu.enqueue_dma source(%dma_start3A_321 : memref<512x8x128xf32, #tpu.memory_space<vmem>>) target(%dma_start3A_316 : memref<512x8x128xf32, #tpu.memory_space<hbm>>) target_semaphore(%dma_start3A_311 : memref<!tpu.dma_semaphore, #tpu.memory_space<semaphore_mem>>)
    %dma_wait3A_322 = arith.constant 0 : i32
    %dma_wait3A_323 = arith.constant 7 : i32
    %dma_wait3A_324 = arith.constant 7 : i32
    %dma_wait3A_325 = tpu.memref_slice %arg7[%dma_wait3A_324] : memref<8x!tpu.dma_semaphore, #tpu.memory_space<semaphore_mem>> -> memref<1x!tpu.dma_semaphore, #tpu.memory_space<semaphore_mem>>
    %dma_wait3A_326 = tpu.memref_squeeze %dma_wait3A_325 : memref<1x!tpu.dma_semaphore, #tpu.memory_space<semaphore_mem>> -> memref<!tpu.dma_semaphore, #tpu.memory_space<semaphore_mem>>
    %dma_wait3A_327 = arith.constant 0 : i32
    %dma_wait3A_328 = arith.constant 0 : i32
    %dma_wait3A_329 = arith.constant 0 : i32
    %dma_wait3A_330 = tpu.memref_slice %arg6[%dma_wait3A_323, %dma_wait3A_327, %dma_wait3A_328, %dma_wait3A_329] : memref<8x512x8x128xf32, #tpu.memory_space<vmem>> -> memref<1x512x8x128xf32, #tpu.memory_space<vmem>>
    %dma_wait3A_331 = tpu.memref_squeeze %dma_wait3A_330 : memref<1x512x8x128xf32, #tpu.memory_space<vmem>> -> memref<512x8x128xf32, #tpu.memory_space<vmem>>
    %dma_wait3A_332 = arith.constant 7680 : i32
    %dma_wait3A_333 = arith.constant 0 : i32
    %dma_wait3A_334 = arith.constant 0 : i32
    %dma_wait3A_335 = tpu.memref_slice %arg3[%dma_wait3A_322, %dma_wait3A_332, %dma_wait3A_333, %dma_wait3A_334] : memref<1x8192x8x128xf32, #tpu.memory_space<hbm>> -> memref<1x512x8x128xf32, #tpu.memory_space<hbm>>
    %dma_wait3A_336 = tpu.memref_squeeze %dma_wait3A_335 : memref<1x512x8x128xf32, #tpu.memory_space<hbm>> -> memref<512x8x128xf32, #tpu.memory_space<hbm>>
    tpu.wait_dma2 semaphore(%dma_wait3A_326 : memref<!tpu.dma_semaphore, #tpu.memory_space<semaphore_mem>>) src(%dma_wait3A_336 : memref<512x8x128xf32, #tpu.memory_space<hbm>>) dst(%dma_wait3A_331 : memref<512x8x128xf32, #tpu.memory_space<vmem>>)
    %dma_start3A_337 = arith.constant 7 : i32
    %dma_start3A_338 = arith.constant 0 : i32
    %dma_start3A_339 = arith.constant 7 : i32
    %dma_start3A_340 = tpu.memref_slice %arg8[%dma_start3A_339] : memref<8x!tpu.dma_semaphore, #tpu.memory_space<semaphore_mem>> -> memref<1x!tpu.dma_semaphore, #tpu.memory_space<semaphore_mem>>
    %dma_start3A_341 = tpu.memref_squeeze %dma_start3A_340 : memref<1x!tpu.dma_semaphore, #tpu.memory_space<semaphore_mem>> -> memref<!tpu.dma_semaphore, #tpu.memory_space<semaphore_mem>>
    %dma_start3A_342 = arith.constant 7680 : i32
    %dma_start3A_343 = arith.constant 0 : i32
    %dma_start3A_344 = arith.constant 0 : i32
    %dma_start3A_345 = tpu.memref_slice %arg5[%dma_start3A_338, %dma_start3A_342, %dma_start3A_343, %dma_start3A_344] : memref<1x8192x8x128xf32, #tpu.memory_space<hbm>> -> memref<1x512x8x128xf32, #tpu.memory_space<hbm>>
    %dma_start3A_346 = tpu.memref_squeeze %dma_start3A_345 : memref<1x512x8x128xf32, #tpu.memory_space<hbm>> -> memref<512x8x128xf32, #tpu.memory_space<hbm>>
    %dma_start3A_347 = arith.constant 0 : i32
    %dma_start3A_348 = arith.constant 0 : i32
    %dma_start3A_349 = arith.constant 0 : i32
    %dma_start3A_350 = tpu.memref_slice %arg6[%dma_start3A_337, %dma_start3A_347, %dma_start3A_348, %dma_start3A_349] : memref<8x512x8x128xf32, #tpu.memory_space<vmem>> -> memref<1x512x8x128xf32, #tpu.memory_space<vmem>>
    %dma_start3A_351 = tpu.memref_squeeze %dma_start3A_350 : memref<1x512x8x128xf32, #tpu.memory_space<vmem>> -> memref<512x8x128xf32, #tpu.memory_space<vmem>>
    tpu.enqueue_dma source(%dma_start3A_351 : memref<512x8x128xf32, #tpu.memory_space<vmem>>) target(%dma_start3A_346 : memref<512x8x128xf32, #tpu.memory_space<hbm>>) target_semaphore(%dma_start3A_341 : memref<!tpu.dma_semaphore, #tpu.memory_space<semaphore_mem>>)
    %dma_wait3A_352 = arith.constant 0 : i32
    %dma_wait3A_353 = arith.constant 0 : i32
    %dma_wait3A_354 = arith.constant 0 : i32
    %dma_wait3A_355 = tpu.memref_slice %arg8[%dma_wait3A_354] : memref<8x!tpu.dma_semaphore, #tpu.memory_space<semaphore_mem>> -> memref<1x!tpu.dma_semaphore, #tpu.memory_space<semaphore_mem>>
    %dma_wait3A_356 = tpu.memref_squeeze %dma_wait3A_355 : memref<1x!tpu.dma_semaphore, #tpu.memory_space<semaphore_mem>> -> memref<!tpu.dma_semaphore, #tpu.memory_space<semaphore_mem>>
    %dma_wait3A_357 = arith.constant 4096 : i32
    %dma_wait3A_358 = arith.constant 0 : i32
    %dma_wait3A_359 = arith.constant 0 : i32
    %dma_wait3A_360 = tpu.memref_slice %arg5[%dma_wait3A_353, %dma_wait3A_357, %dma_wait3A_358, %dma_wait3A_359] : memref<1x8192x8x128xf32, #tpu.memory_space<hbm>> -> memref<1x512x8x128xf32, #tpu.memory_space<hbm>>
    %dma_wait3A_361 = tpu.memref_squeeze %dma_wait3A_360 : memref<1x512x8x128xf32, #tpu.memory_space<hbm>> -> memref<512x8x128xf32, #tpu.memory_space<hbm>>
    %dma_wait3A_362 = arith.constant 0 : i32
    %dma_wait3A_363 = arith.constant 0 : i32
    %dma_wait3A_364 = arith.constant 0 : i32
    %dma_wait3A_365 = tpu.memref_slice %arg6[%dma_wait3A_352, %dma_wait3A_362, %dma_wait3A_363, %dma_wait3A_364] : memref<8x512x8x128xf32, #tpu.memory_space<vmem>> -> memref<1x512x8x128xf32, #tpu.memory_space<vmem>>
    %dma_wait3A_366 = tpu.memref_squeeze %dma_wait3A_365 : memref<1x512x8x128xf32, #tpu.memory_space<vmem>> -> memref<512x8x128xf32, #tpu.memory_space<vmem>>
    tpu.wait_dma2 semaphore(%dma_wait3A_356 : memref<!tpu.dma_semaphore, #tpu.memory_space<semaphore_mem>>) src(%dma_wait3A_366 : memref<512x8x128xf32, #tpu.memory_space<vmem>>) dst(%dma_wait3A_361 : memref<512x8x128xf32, #tpu.memory_space<hbm>>)
    %dma_wait3A_367 = arith.constant 1 : i32
    %dma_wait3A_368 = arith.constant 0 : i32
    %dma_wait3A_369 = arith.constant 1 : i32
    %dma_wait3A_370 = tpu.memref_slice %arg8[%dma_wait3A_369] : memref<8x!tpu.dma_semaphore, #tpu.memory_space<semaphore_mem>> -> memref<1x!tpu.dma_semaphore, #tpu.memory_space<semaphore_mem>>
    %dma_wait3A_371 = tpu.memref_squeeze %dma_wait3A_370 : memref<1x!tpu.dma_semaphore, #tpu.memory_space<semaphore_mem>> -> memref<!tpu.dma_semaphore, #tpu.memory_space<semaphore_mem>>
    %dma_wait3A_372 = arith.constant 4608 : i32
    %dma_wait3A_373 = arith.constant 0 : i32
    %dma_wait3A_374 = arith.constant 0 : i32
    %dma_wait3A_375 = tpu.memref_slice %arg5[%dma_wait3A_368, %dma_wait3A_372, %dma_wait3A_373, %dma_wait3A_374] : memref<1x8192x8x128xf32, #tpu.memory_space<hbm>> -> memref<1x512x8x128xf32, #tpu.memory_space<hbm>>
    %dma_wait3A_376 = tpu.memref_squeeze %dma_wait3A_375 : memref<1x512x8x128xf32, #tpu.memory_space<hbm>> -> memref<512x8x128xf32, #tpu.memory_space<hbm>>
    %dma_wait3A_377 = arith.constant 0 : i32
    %dma_wait3A_378 = arith.constant 0 : i32
    %dma_wait3A_379 = arith.constant 0 : i32
    %dma_wait3A_380 = tpu.memref_slice %arg6[%dma_wait3A_367, %dma_wait3A_377, %dma_wait3A_378, %dma_wait3A_379] : memref<8x512x8x128xf32, #tpu.memory_space<vmem>> -> memref<1x512x8x128xf32, #tpu.memory_space<vmem>>
    %dma_wait3A_381 = tpu.memref_squeeze %dma_wait3A_380 : memref<1x512x8x128xf32, #tpu.memory_space<vmem>> -> memref<512x8x128xf32, #tpu.memory_space<vmem>>
    tpu.wait_dma2 semaphore(%dma_wait3A_371 : memref<!tpu.dma_semaphore, #tpu.memory_space<semaphore_mem>>) src(%dma_wait3A_381 : memref<512x8x128xf32, #tpu.memory_space<vmem>>) dst(%dma_wait3A_376 : memref<512x8x128xf32, #tpu.memory_space<hbm>>)
    %dma_wait3A_382 = arith.constant 2 : i32
    %dma_wait3A_383 = arith.constant 0 : i32
    %dma_wait3A_384 = arith.constant 2 : i32
    %dma_wait3A_385 = tpu.memref_slice %arg8[%dma_wait3A_384] : memref<8x!tpu.dma_semaphore, #tpu.memory_space<semaphore_mem>> -> memref<1x!tpu.dma_semaphore, #tpu.memory_space<semaphore_mem>>
    %dma_wait3A_386 = tpu.memref_squeeze %dma_wait3A_385 : memref<1x!tpu.dma_semaphore, #tpu.memory_space<semaphore_mem>> -> memref<!tpu.dma_semaphore, #tpu.memory_space<semaphore_mem>>
    %dma_wait3A_387 = arith.constant 5120 : i32
    %dma_wait3A_388 = arith.constant 0 : i32
    %dma_wait3A_389 = arith.constant 0 : i32
    %dma_wait3A_390 = tpu.memref_slice %arg5[%dma_wait3A_383, %dma_wait3A_387, %dma_wait3A_388, %dma_wait3A_389] : memref<1x8192x8x128xf32, #tpu.memory_space<hbm>> -> memref<1x512x8x128xf32, #tpu.memory_space<hbm>>
    %dma_wait3A_391 = tpu.memref_squeeze %dma_wait3A_390 : memref<1x512x8x128xf32, #tpu.memory_space<hbm>> -> memref<512x8x128xf32, #tpu.memory_space<hbm>>
    %dma_wait3A_392 = arith.constant 0 : i32
    %dma_wait3A_393 = arith.constant 0 : i32
    %dma_wait3A_394 = arith.constant 0 : i32
    %dma_wait3A_395 = tpu.memref_slice %arg6[%dma_wait3A_382, %dma_wait3A_392, %dma_wait3A_393, %dma_wait3A_394] : memref<8x512x8x128xf32, #tpu.memory_space<vmem>> -> memref<1x512x8x128xf32, #tpu.memory_space<vmem>>
    %dma_wait3A_396 = tpu.memref_squeeze %dma_wait3A_395 : memref<1x512x8x128xf32, #tpu.memory_space<vmem>> -> memref<512x8x128xf32, #tpu.memory_space<vmem>>
    tpu.wait_dma2 semaphore(%dma_wait3A_386 : memref<!tpu.dma_semaphore, #tpu.memory_space<semaphore_mem>>) src(%dma_wait3A_396 : memref<512x8x128xf32, #tpu.memory_space<vmem>>) dst(%dma_wait3A_391 : memref<512x8x128xf32, #tpu.memory_space<hbm>>)
    %dma_wait3A_397 = arith.constant 3 : i32
    %dma_wait3A_398 = arith.constant 0 : i32
    %dma_wait3A_399 = arith.constant 3 : i32
    %dma_wait3A_400 = tpu.memref_slice %arg8[%dma_wait3A_399] : memref<8x!tpu.dma_semaphore, #tpu.memory_space<semaphore_mem>> -> memref<1x!tpu.dma_semaphore, #tpu.memory_space<semaphore_mem>>
    %dma_wait3A_401 = tpu.memref_squeeze %dma_wait3A_400 : memref<1x!tpu.dma_semaphore, #tpu.memory_space<semaphore_mem>> -> memref<!tpu.dma_semaphore, #tpu.memory_space<semaphore_mem>>
    %dma_wait3A_402 = arith.constant 5632 : i32
    %dma_wait3A_403 = arith.constant 0 : i32
    %dma_wait3A_404 = arith.constant 0 : i32
    %dma_wait3A_405 = tpu.memref_slice %arg5[%dma_wait3A_398, %dma_wait3A_402, %dma_wait3A_403, %dma_wait3A_404] : memref<1x8192x8x128xf32, #tpu.memory_space<hbm>> -> memref<1x512x8x128xf32, #tpu.memory_space<hbm>>
    %dma_wait3A_406 = tpu.memref_squeeze %dma_wait3A_405 : memref<1x512x8x128xf32, #tpu.memory_space<hbm>> -> memref<512x8x128xf32, #tpu.memory_space<hbm>>
    %dma_wait3A_407 = arith.constant 0 : i32
    %dma_wait3A_408 = arith.constant 0 : i32
    %dma_wait3A_409 = arith.constant 0 : i32
    %dma_wait3A_410 = tpu.memref_slice %arg6[%dma_wait3A_397, %dma_wait3A_407, %dma_wait3A_408, %dma_wait3A_409] : memref<8x512x8x128xf32, #tpu.memory_space<vmem>> -> memref<1x512x8x128xf32, #tpu.memory_space<vmem>>
    %dma_wait3A_411 = tpu.memref_squeeze %dma_wait3A_410 : memref<1x512x8x128xf32, #tpu.memory_space<vmem>> -> memref<512x8x128xf32, #tpu.memory_space<vmem>>
    tpu.wait_dma2 semaphore(%dma_wait3A_401 : memref<!tpu.dma_semaphore, #tpu.memory_space<semaphore_mem>>) src(%dma_wait3A_411 : memref<512x8x128xf32, #tpu.memory_space<vmem>>) dst(%dma_wait3A_406 : memref<512x8x128xf32, #tpu.memory_space<hbm>>)
    %dma_wait3A_412 = arith.constant 4 : i32
    %dma_wait3A_413 = arith.constant 0 : i32
    %dma_wait3A_414 = arith.constant 4 : i32
    %dma_wait3A_415 = tpu.memref_slice %arg8[%dma_wait3A_414] : memref<8x!tpu.dma_semaphore, #tpu.memory_space<semaphore_mem>> -> memref<1x!tpu.dma_semaphore, #tpu.memory_space<semaphore_mem>>
    %dma_wait3A_416 = tpu.memref_squeeze %dma_wait3A_415 : memref<1x!tpu.dma_semaphore, #tpu.memory_space<semaphore_mem>> -> memref<!tpu.dma_semaphore, #tpu.memory_space<semaphore_mem>>
    %dma_wait3A_417 = arith.constant 6144 : i32
    %dma_wait3A_418 = arith.constant 0 : i32
    %dma_wait3A_419 = arith.constant 0 : i32
    %dma_wait3A_420 = tpu.memref_slice %arg5[%dma_wait3A_413, %dma_wait3A_417, %dma_wait3A_418, %dma_wait3A_419] : memref<1x8192x8x128xf32, #tpu.memory_space<hbm>> -> memref<1x512x8x128xf32, #tpu.memory_space<hbm>>
    %dma_wait3A_421 = tpu.memref_squeeze %dma_wait3A_420 : memref<1x512x8x128xf32, #tpu.memory_space<hbm>> -> memref<512x8x128xf32, #tpu.memory_space<hbm>>
    %dma_wait3A_422 = arith.constant 0 : i32
    %dma_wait3A_423 = arith.constant 0 : i32
    %dma_wait3A_424 = arith.constant 0 : i32
    %dma_wait3A_425 = tpu.memref_slice %arg6[%dma_wait3A_412, %dma_wait3A_422, %dma_wait3A_423, %dma_wait3A_424] : memref<8x512x8x128xf32, #tpu.memory_space<vmem>> -> memref<1x512x8x128xf32, #tpu.memory_space<vmem>>
    %dma_wait3A_426 = tpu.memref_squeeze %dma_wait3A_425 : memref<1x512x8x128xf32, #tpu.memory_space<vmem>> -> memref<512x8x128xf32, #tpu.memory_space<vmem>>
    tpu.wait_dma2 semaphore(%dma_wait3A_416 : memref<!tpu.dma_semaphore, #tpu.memory_space<semaphore_mem>>) src(%dma_wait3A_426 : memref<512x8x128xf32, #tpu.memory_space<vmem>>) dst(%dma_wait3A_421 : memref<512x8x128xf32, #tpu.memory_space<hbm>>)
    %dma_wait3A_427 = arith.constant 5 : i32
    %dma_wait3A_428 = arith.constant 0 : i32
    %dma_wait3A_429 = arith.constant 5 : i32
    %dma_wait3A_430 = tpu.memref_slice %arg8[%dma_wait3A_429] : memref<8x!tpu.dma_semaphore, #tpu.memory_space<semaphore_mem>> -> memref<1x!tpu.dma_semaphore, #tpu.memory_space<semaphore_mem>>
    %dma_wait3A_431 = tpu.memref_squeeze %dma_wait3A_430 : memref<1x!tpu.dma_semaphore, #tpu.memory_space<semaphore_mem>> -> memref<!tpu.dma_semaphore, #tpu.memory_space<semaphore_mem>>
    %dma_wait3A_432 = arith.constant 6656 : i32
    %dma_wait3A_433 = arith.constant 0 : i32
    %dma_wait3A_434 = arith.constant 0 : i32
    %dma_wait3A_435 = tpu.memref_slice %arg5[%dma_wait3A_428, %dma_wait3A_432, %dma_wait3A_433, %dma_wait3A_434] : memref<1x8192x8x128xf32, #tpu.memory_space<hbm>> -> memref<1x512x8x128xf32, #tpu.memory_space<hbm>>
    %dma_wait3A_436 = tpu.memref_squeeze %dma_wait3A_435 : memref<1x512x8x128xf32, #tpu.memory_space<hbm>> -> memref<512x8x128xf32, #tpu.memory_space<hbm>>
    %dma_wait3A_437 = arith.constant 0 : i32
    %dma_wait3A_438 = arith.constant 0 : i32
    %dma_wait3A_439 = arith.constant 0 : i32
    %dma_wait3A_440 = tpu.memref_slice %arg6[%dma_wait3A_427, %dma_wait3A_437, %dma_wait3A_438, %dma_wait3A_439] : memref<8x512x8x128xf32, #tpu.memory_space<vmem>> -> memref<1x512x8x128xf32, #tpu.memory_space<vmem>>
    %dma_wait3A_441 = tpu.memref_squeeze %dma_wait3A_440 : memref<1x512x8x128xf32, #tpu.memory_space<vmem>> -> memref<512x8x128xf32, #tpu.memory_space<vmem>>
    tpu.wait_dma2 semaphore(%dma_wait3A_431 : memref<!tpu.dma_semaphore, #tpu.memory_space<semaphore_mem>>) src(%dma_wait3A_441 : memref<512x8x128xf32, #tpu.memory_space<vmem>>) dst(%dma_wait3A_436 : memref<512x8x128xf32, #tpu.memory_space<hbm>>)
    %dma_wait3A_442 = arith.constant 6 : i32
    %dma_wait3A_443 = arith.constant 0 : i32
    %dma_wait3A_444 = arith.constant 6 : i32
    %dma_wait3A_445 = tpu.memref_slice %arg8[%dma_wait3A_444] : memref<8x!tpu.dma_semaphore, #tpu.memory_space<semaphore_mem>> -> memref<1x!tpu.dma_semaphore, #tpu.memory_space<semaphore_mem>>
    %dma_wait3A_446 = tpu.memref_squeeze %dma_wait3A_445 : memref<1x!tpu.dma_semaphore, #tpu.memory_space<semaphore_mem>> -> memref<!tpu.dma_semaphore, #tpu.memory_space<semaphore_mem>>
    %dma_wait3A_447 = arith.constant 7168 : i32
    %dma_wait3A_448 = arith.constant 0 : i32
    %dma_wait3A_449 = arith.constant 0 : i32
    %dma_wait3A_450 = tpu.memref_slice %arg5[%dma_wait3A_443, %dma_wait3A_447, %dma_wait3A_448, %dma_wait3A_449] : memref<1x8192x8x128xf32, #tpu.memory_space<hbm>> -> memref<1x512x8x128xf32, #tpu.memory_space<hbm>>
    %dma_wait3A_451 = tpu.memref_squeeze %dma_wait3A_450 : memref<1x512x8x128xf32, #tpu.memory_space<hbm>> -> memref<512x8x128xf32, #tpu.memory_space<hbm>>
    %dma_wait3A_452 = arith.constant 0 : i32
    %dma_wait3A_453 = arith.constant 0 : i32
    %dma_wait3A_454 = arith.constant 0 : i32
    %dma_wait3A_455 = tpu.memref_slice %arg6[%dma_wait3A_442, %dma_wait3A_452, %dma_wait3A_453, %dma_wait3A_454] : memref<8x512x8x128xf32, #tpu.memory_space<vmem>> -> memref<1x512x8x128xf32, #tpu.memory_space<vmem>>
    %dma_wait3A_456 = tpu.memref_squeeze %dma_wait3A_455 : memref<1x512x8x128xf32, #tpu.memory_space<vmem>> -> memref<512x8x128xf32, #tpu.memory_space<vmem>>
    tpu.wait_dma2 semaphore(%dma_wait3A_446 : memref<!tpu.dma_semaphore, #tpu.memory_space<semaphore_mem>>) src(%dma_wait3A_456 : memref<512x8x128xf32, #tpu.memory_space<vmem>>) dst(%dma_wait3A_451 : memref<512x8x128xf32, #tpu.memory_space<hbm>>)
    %dma_wait3A_457 = arith.constant 7 : i32
    %dma_wait3A_458 = arith.constant 0 : i32
    %dma_wait3A_459 = arith.constant 7 : i32
    %dma_wait3A_460 = tpu.memref_slice %arg8[%dma_wait3A_459] : memref<8x!tpu.dma_semaphore, #tpu.memory_space<semaphore_mem>> -> memref<1x!tpu.dma_semaphore, #tpu.memory_space<semaphore_mem>>
    %dma_wait3A_461 = tpu.memref_squeeze %dma_wait3A_460 : memref<1x!tpu.dma_semaphore, #tpu.memory_space<semaphore_mem>> -> memref<!tpu.dma_semaphore, #tpu.memory_space<semaphore_mem>>
    %dma_wait3A_462 = arith.constant 7680 : i32
    %dma_wait3A_463 = arith.constant 0 : i32
    %dma_wait3A_464 = arith.constant 0 : i32
    %dma_wait3A_465 = tpu.memref_slice %arg5[%dma_wait3A_458, %dma_wait3A_462, %dma_wait3A_463, %dma_wait3A_464] : memref<1x8192x8x128xf32, #tpu.memory_space<hbm>> -> memref<1x512x8x128xf32, #tpu.memory_space<hbm>>
    %dma_wait3A_466 = tpu.memref_squeeze %dma_wait3A_465 : memref<1x512x8x128xf32, #tpu.memory_space<hbm>> -> memref<512x8x128xf32, #tpu.memory_space<hbm>>
    %dma_wait3A_467 = arith.constant 0 : i32
    %dma_wait3A_468 = arith.constant 0 : i32
    %dma_wait3A_469 = arith.constant 0 : i32
    %dma_wait3A_470 = tpu.memref_slice %arg6[%dma_wait3A_457, %dma_wait3A_467, %dma_wait3A_468, %dma_wait3A_469] : memref<8x512x8x128xf32, #tpu.memory_space<vmem>> -> memref<1x512x8x128xf32, #tpu.memory_space<vmem>>
    %dma_wait3A_471 = tpu.memref_squeeze %dma_wait3A_470 : memref<1x512x8x128xf32, #tpu.memory_space<vmem>> -> memref<512x8x128xf32, #tpu.memory_space<vmem>>
    tpu.wait_dma2 semaphore(%dma_wait3A_461 : memref<!tpu.dma_semaphore, #tpu.memory_space<semaphore_mem>>) src(%dma_wait3A_471 : memref<512x8x128xf32, #tpu.memory_space<vmem>>) dst(%dma_wait3A_466 : memref<512x8x128xf32, #tpu.memory_space<hbm>>)
    %rem3A = arith.constant 512 : i32
    %rem3A_472 = arith.remsi %multiple_of3A, %rem3A : i32
    %ne3A = arith.constant 0 : i32
    %ne3A_473 = arith.cmpi ne, %rem3A_472, %ne3A : i32
    %convert_element_type3A_474 = arith.extui %ne3A_473 : i1 to i32
    %cond3A_475 = arith.constant 0 : i32
    %cond3A_476 = arith.cmpi ne, %convert_element_type3A_474, %cond3A_475 : i32
    scf.if %cond3A_476 {
      %dma_start3A_477 = arith.constant 0 : i32
      %dma_start3A_478 = arith.constant 0 : i32
      %dma_start3A_479 = arith.constant 0 : i32
      %dma_start3A_480 = arith.constant 0 : i32
      %dma_start3A_481 = tpu.memref_slice %arg5[%dma_start3A_478, %multiple_of3A, %dma_start3A_479, %dma_start3A_480] : memref<1x8192x8x128xf32, #tpu.memory_space<hbm>> -> memref<1x512x8x128xf32, #tpu.memory_space<hbm>>
      %dma_start3A_482 = tpu.memref_squeeze %dma_start3A_481 : memref<1x512x8x128xf32, #tpu.memory_space<hbm>> -> memref<512x8x128xf32, #tpu.memory_space<hbm>>
      %dma_start3A_483 = arith.constant 0 : i32
      %dma_start3A_484 = arith.constant 0 : i32
      %dma_start3A_485 = arith.constant 0 : i32
      %dma_start3A_486 = tpu.memref_slice %arg2[%dma_start3A_477, %dma_start3A_483, %dma_start3A_484, %dma_start3A_485] : memref<1x512x8x128xf32, #tpu.memory_space<hbm>> -> memref<1x512x8x128xf32, #tpu.memory_space<hbm>>
      %dma_start3A_487 = tpu.memref_squeeze %dma_start3A_486 : memref<1x512x8x128xf32, #tpu.memory_space<hbm>> -> memref<512x8x128xf32, #tpu.memory_space<hbm>>
      tpu.enqueue_dma source(%dma_start3A_487 : memref<512x8x128xf32, #tpu.memory_space<hbm>>) target(%dma_start3A_482 : memref<512x8x128xf32, #tpu.memory_space<hbm>>) target_semaphore(%arg9 : memref<!tpu.dma_semaphore, #tpu.memory_space<semaphore_mem>>)
      %dma_wait3A_488 = arith.constant 0 : i32
      %dma_wait3A_489 = arith.constant 0 : i32
      %dma_wait3A_490 = arith.constant 0 : i32
      %dma_wait3A_491 = arith.constant 0 : i32
      %dma_wait3A_492 = tpu.memref_slice %arg5[%dma_wait3A_489, %multiple_of3A, %dma_wait3A_490, %dma_wait3A_491] : memref<1x8192x8x128xf32, #tpu.memory_space<hbm>> -> memref<1x512x8x128xf32, #tpu.memory_space<hbm>>
      %dma_wait3A_493 = tpu.memref_squeeze %dma_wait3A_492 : memref<1x512x8x128xf32, #tpu.memory_space<hbm>> -> memref<512x8x128xf32, #tpu.memory_space<hbm>>
      %dma_wait3A_494 = arith.constant 0 : i32
      %dma_wait3A_495 = arith.constant 0 : i32
      %dma_wait3A_496 = arith.constant 0 : i32
      %dma_wait3A_497 = tpu.memref_slice %arg2[%dma_wait3A_488, %dma_wait3A_494, %dma_wait3A_495, %dma_wait3A_496] : memref<1x512x8x128xf32, #tpu.memory_space<hbm>> -> memref<1x512x8x128xf32, #tpu.memory_space<hbm>>
      %dma_wait3A_498 = tpu.memref_squeeze %dma_wait3A_497 : memref<1x512x8x128xf32, #tpu.memory_space<hbm>> -> memref<512x8x128xf32, #tpu.memory_space<hbm>>
      tpu.wait_dma2 semaphore(%arg9 : memref<!tpu.dma_semaphore, #tpu.memory_space<semaphore_mem>>) src(%dma_wait3A_498 : memref<512x8x128xf32, #tpu.memory_space<hbm>>) dst(%dma_wait3A_493 : memref<512x8x128xf32, #tpu.memory_space<hbm>>)
    } else {
    }
    return
  }
}

module attributes {stable_mosaic.version = 14 : i64} {
  func.func @_tc_k_body(%arg0: i32, %arg1: memref<1xi32, #tpu.memory_space<smem>>, %arg2: memref<1x512x8x128xf32, #tpu.memory_space<hbm>>, %arg3: memref<1x8192x8x128xf32, #tpu.memory_space<hbm>>, %arg4: memref<1x8192x8x128xf32, #tpu.memory_space<hbm>>, %arg5: memref<12x512x8x128xf32, #tpu.memory_space<vmem>>, %arg6: memref<12x!tpu.dma_semaphore, #tpu.memory_space<semaphore_mem>>, %arg7: memref<12x!tpu.dma_semaphore, #tpu.memory_space<semaphore_mem>>, %arg8: memref<!tpu.dma_semaphore, #tpu.memory_space<semaphore_mem>>) attributes {dimension_semantics = [#tpu.dimension_semantics<arbitrary>], iteration_bounds = array<i64: 1>, scalar_prefetch = 1 : i64, scratch_operands = 4 : i64, tpu.core_type = #tpu.core_type<tc>, window_params = [{}, {}, {}]} {
    %get3A = arith.constant 0 : index
    %get3A_0 = memref.load %arg1[%get3A] : memref<1xi32, #tpu.memory_space<smem>>
    %multiple_of3A = tpu.assume_multiple %get3A_0, 8 : i32
    %le3A = arith.constant 0 : i32
    %le3A_1 = arith.cmpi sle, %multiple_of3A, %le3A : i32
    %add3A = arith.constant 512 : i32
    %add3A_2 = arith.addi %multiple_of3A, %add3A : i32
    %ge3A = arith.constant 512 : i32
    %ge3A_3 = arith.cmpi sge, %add3A_2, %ge3A : i32
    %and3A = arith.andi %le3A_1, %ge3A_3 : i1
    %convert_element_type3A = arith.extui %and3A : i1 to i32
    %cond3A = arith.constant 0 : i32
    %cond3A_4 = arith.cmpi ne, %convert_element_type3A, %cond3A : i32
    scf.if %cond3A_4 {
      %dma_start3A_957 = arith.constant 0 : i32
      %dma_start3A_958 = arith.constant 0 : i32
      %dma_start3A_959 = arith.constant 0 : i32
      %dma_start3A_960 = tpu.memref_slice %arg6[%dma_start3A_959] : memref<12x!tpu.dma_semaphore, #tpu.memory_space<semaphore_mem>> -> memref<1x!tpu.dma_semaphore, #tpu.memory_space<semaphore_mem>>
      %dma_start3A_961 = tpu.memref_squeeze %dma_start3A_960 : memref<1x!tpu.dma_semaphore, #tpu.memory_space<semaphore_mem>> -> memref<!tpu.dma_semaphore, #tpu.memory_space<semaphore_mem>>
      %dma_start3A_962 = arith.constant 0 : i32
      %dma_start3A_963 = arith.constant 0 : i32
      %dma_start3A_964 = arith.constant 0 : i32
      %dma_start3A_965 = tpu.memref_slice %arg5[%dma_start3A_958, %dma_start3A_962, %dma_start3A_963, %dma_start3A_964] : memref<12x512x8x128xf32, #tpu.memory_space<vmem>> -> memref<1x512x8x128xf32, #tpu.memory_space<vmem>>
      %dma_start3A_966 = tpu.memref_squeeze %dma_start3A_965 : memref<1x512x8x128xf32, #tpu.memory_space<vmem>> -> memref<512x8x128xf32, #tpu.memory_space<vmem>>
      %dma_start3A_967 = arith.constant 0 : i32
      %dma_start3A_968 = arith.constant 0 : i32
      %dma_start3A_969 = arith.constant 0 : i32
      %dma_start3A_970 = tpu.memref_slice %arg2[%dma_start3A_957, %dma_start3A_967, %dma_start3A_968, %dma_start3A_969] : memref<1x512x8x128xf32, #tpu.memory_space<hbm>> -> memref<1x512x8x128xf32, #tpu.memory_space<hbm>>
      %dma_start3A_971 = tpu.memref_squeeze %dma_start3A_970 : memref<1x512x8x128xf32, #tpu.memory_space<hbm>> -> memref<512x8x128xf32, #tpu.memory_space<hbm>>
      tpu.enqueue_dma source(%dma_start3A_971 : memref<512x8x128xf32, #tpu.memory_space<hbm>>) target(%dma_start3A_966 : memref<512x8x128xf32, #tpu.memory_space<vmem>>) target_semaphore(%dma_start3A_961 : memref<!tpu.dma_semaphore, #tpu.memory_space<semaphore_mem>>)
    } else {
    }
    %not3A = arith.constant true
    %not3A_5 = arith.xori %and3A, %not3A : i1
    %convert_element_type3A_6 = arith.extui %not3A_5 : i1 to i32
    %cond3A_7 = arith.constant 0 : i32
    %cond3A_8 = arith.cmpi ne, %convert_element_type3A_6, %cond3A_7 : i32
    scf.if %cond3A_8 {
      %dma_start3A_957 = arith.constant 0 : i32
      %dma_start3A_958 = arith.constant 0 : i32
      %dma_start3A_959 = arith.constant 0 : i32
      %dma_start3A_960 = tpu.memref_slice %arg6[%dma_start3A_959] : memref<12x!tpu.dma_semaphore, #tpu.memory_space<semaphore_mem>> -> memref<1x!tpu.dma_semaphore, #tpu.memory_space<semaphore_mem>>
      %dma_start3A_961 = tpu.memref_squeeze %dma_start3A_960 : memref<1x!tpu.dma_semaphore, #tpu.memory_space<semaphore_mem>> -> memref<!tpu.dma_semaphore, #tpu.memory_space<semaphore_mem>>
      %dma_start3A_962 = arith.constant 0 : i32
      %dma_start3A_963 = arith.constant 0 : i32
      %dma_start3A_964 = arith.constant 0 : i32
      %dma_start3A_965 = tpu.memref_slice %arg5[%dma_start3A_958, %dma_start3A_962, %dma_start3A_963, %dma_start3A_964] : memref<12x512x8x128xf32, #tpu.memory_space<vmem>> -> memref<1x512x8x128xf32, #tpu.memory_space<vmem>>
      %dma_start3A_966 = tpu.memref_squeeze %dma_start3A_965 : memref<1x512x8x128xf32, #tpu.memory_space<vmem>> -> memref<512x8x128xf32, #tpu.memory_space<vmem>>
      %dma_start3A_967 = arith.constant 0 : i32
      %dma_start3A_968 = arith.constant 0 : i32
      %dma_start3A_969 = arith.constant 0 : i32
      %dma_start3A_970 = tpu.memref_slice %arg3[%dma_start3A_957, %dma_start3A_967, %dma_start3A_968, %dma_start3A_969] : memref<1x8192x8x128xf32, #tpu.memory_space<hbm>> -> memref<1x512x8x128xf32, #tpu.memory_space<hbm>>
      %dma_start3A_971 = tpu.memref_squeeze %dma_start3A_970 : memref<1x512x8x128xf32, #tpu.memory_space<hbm>> -> memref<512x8x128xf32, #tpu.memory_space<hbm>>
      tpu.enqueue_dma source(%dma_start3A_971 : memref<512x8x128xf32, #tpu.memory_space<hbm>>) target(%dma_start3A_966 : memref<512x8x128xf32, #tpu.memory_space<vmem>>) target_semaphore(%dma_start3A_961 : memref<!tpu.dma_semaphore, #tpu.memory_space<semaphore_mem>>)
    } else {
    }
    %le3A_9 = arith.constant 512 : i32
    %le3A_10 = arith.cmpi sle, %multiple_of3A, %le3A_9 : i32
    %add3A_11 = arith.constant 512 : i32
    %add3A_12 = arith.addi %multiple_of3A, %add3A_11 : i32
    %ge3A_13 = arith.constant 1024 : i32
    %ge3A_14 = arith.cmpi sge, %add3A_12, %ge3A_13 : i32
    %and3A_15 = arith.andi %le3A_10, %ge3A_14 : i1
    %convert_element_type3A_16 = arith.extui %and3A_15 : i1 to i32
    %cond3A_17 = arith.constant 0 : i32
    %cond3A_18 = arith.cmpi ne, %convert_element_type3A_16, %cond3A_17 : i32
    scf.if %cond3A_18 {
      %dma_start3A_957 = arith.constant 0 : i32
      %dma_start3A_958 = arith.constant 1 : i32
      %dma_start3A_959 = arith.constant 1 : i32
      %dma_start3A_960 = tpu.memref_slice %arg6[%dma_start3A_959] : memref<12x!tpu.dma_semaphore, #tpu.memory_space<semaphore_mem>> -> memref<1x!tpu.dma_semaphore, #tpu.memory_space<semaphore_mem>>
      %dma_start3A_961 = tpu.memref_squeeze %dma_start3A_960 : memref<1x!tpu.dma_semaphore, #tpu.memory_space<semaphore_mem>> -> memref<!tpu.dma_semaphore, #tpu.memory_space<semaphore_mem>>
      %dma_start3A_962 = arith.constant 0 : i32
      %dma_start3A_963 = arith.constant 0 : i32
      %dma_start3A_964 = arith.constant 0 : i32
      %dma_start3A_965 = tpu.memref_slice %arg5[%dma_start3A_958, %dma_start3A_962, %dma_start3A_963, %dma_start3A_964] : memref<12x512x8x128xf32, #tpu.memory_space<vmem>> -> memref<1x512x8x128xf32, #tpu.memory_space<vmem>>
      %dma_start3A_966 = tpu.memref_squeeze %dma_start3A_965 : memref<1x512x8x128xf32, #tpu.memory_space<vmem>> -> memref<512x8x128xf32, #tpu.memory_space<vmem>>
      %dma_start3A_967 = arith.constant 0 : i32
      %dma_start3A_968 = arith.constant 0 : i32
      %dma_start3A_969 = arith.constant 0 : i32
      %dma_start3A_970 = tpu.memref_slice %arg2[%dma_start3A_957, %dma_start3A_967, %dma_start3A_968, %dma_start3A_969] : memref<1x512x8x128xf32, #tpu.memory_space<hbm>> -> memref<1x512x8x128xf32, #tpu.memory_space<hbm>>
      %dma_start3A_971 = tpu.memref_squeeze %dma_start3A_970 : memref<1x512x8x128xf32, #tpu.memory_space<hbm>> -> memref<512x8x128xf32, #tpu.memory_space<hbm>>
      tpu.enqueue_dma source(%dma_start3A_971 : memref<512x8x128xf32, #tpu.memory_space<hbm>>) target(%dma_start3A_966 : memref<512x8x128xf32, #tpu.memory_space<vmem>>) target_semaphore(%dma_start3A_961 : memref<!tpu.dma_semaphore, #tpu.memory_space<semaphore_mem>>)
    } else {
    }
    %not3A_19 = arith.constant true
    %not3A_20 = arith.xori %and3A_15, %not3A_19 : i1
    %convert_element_type3A_21 = arith.extui %not3A_20 : i1 to i32
    %cond3A_22 = arith.constant 0 : i32
    %cond3A_23 = arith.cmpi ne, %convert_element_type3A_21, %cond3A_22 : i32
    scf.if %cond3A_23 {
      %dma_start3A_957 = arith.constant 0 : i32
      %dma_start3A_958 = arith.constant 1 : i32
      %dma_start3A_959 = arith.constant 1 : i32
      %dma_start3A_960 = tpu.memref_slice %arg6[%dma_start3A_959] : memref<12x!tpu.dma_semaphore, #tpu.memory_space<semaphore_mem>> -> memref<1x!tpu.dma_semaphore, #tpu.memory_space<semaphore_mem>>
      %dma_start3A_961 = tpu.memref_squeeze %dma_start3A_960 : memref<1x!tpu.dma_semaphore, #tpu.memory_space<semaphore_mem>> -> memref<!tpu.dma_semaphore, #tpu.memory_space<semaphore_mem>>
      %dma_start3A_962 = arith.constant 0 : i32
      %dma_start3A_963 = arith.constant 0 : i32
      %dma_start3A_964 = arith.constant 0 : i32
      %dma_start3A_965 = tpu.memref_slice %arg5[%dma_start3A_958, %dma_start3A_962, %dma_start3A_963, %dma_start3A_964] : memref<12x512x8x128xf32, #tpu.memory_space<vmem>> -> memref<1x512x8x128xf32, #tpu.memory_space<vmem>>
      %dma_start3A_966 = tpu.memref_squeeze %dma_start3A_965 : memref<1x512x8x128xf32, #tpu.memory_space<vmem>> -> memref<512x8x128xf32, #tpu.memory_space<vmem>>
      %dma_start3A_967 = arith.constant 512 : i32
      %dma_start3A_968 = arith.constant 0 : i32
      %dma_start3A_969 = arith.constant 0 : i32
      %dma_start3A_970 = tpu.memref_slice %arg3[%dma_start3A_957, %dma_start3A_967, %dma_start3A_968, %dma_start3A_969] : memref<1x8192x8x128xf32, #tpu.memory_space<hbm>> -> memref<1x512x8x128xf32, #tpu.memory_space<hbm>>
      %dma_start3A_971 = tpu.memref_squeeze %dma_start3A_970 : memref<1x512x8x128xf32, #tpu.memory_space<hbm>> -> memref<512x8x128xf32, #tpu.memory_space<hbm>>
      tpu.enqueue_dma source(%dma_start3A_971 : memref<512x8x128xf32, #tpu.memory_space<hbm>>) target(%dma_start3A_966 : memref<512x8x128xf32, #tpu.memory_space<vmem>>) target_semaphore(%dma_start3A_961 : memref<!tpu.dma_semaphore, #tpu.memory_space<semaphore_mem>>)
    } else {
    }
    %le3A_24 = arith.constant 1024 : i32
    %le3A_25 = arith.cmpi sle, %multiple_of3A, %le3A_24 : i32
    %add3A_26 = arith.constant 512 : i32
    %add3A_27 = arith.addi %multiple_of3A, %add3A_26 : i32
    %ge3A_28 = arith.constant 1536 : i32
    %ge3A_29 = arith.cmpi sge, %add3A_27, %ge3A_28 : i32
    %and3A_30 = arith.andi %le3A_25, %ge3A_29 : i1
    %convert_element_type3A_31 = arith.extui %and3A_30 : i1 to i32
    %cond3A_32 = arith.constant 0 : i32
    %cond3A_33 = arith.cmpi ne, %convert_element_type3A_31, %cond3A_32 : i32
    scf.if %cond3A_33 {
      %dma_start3A_957 = arith.constant 0 : i32
      %dma_start3A_958 = arith.constant 2 : i32
      %dma_start3A_959 = arith.constant 2 : i32
      %dma_start3A_960 = tpu.memref_slice %arg6[%dma_start3A_959] : memref<12x!tpu.dma_semaphore, #tpu.memory_space<semaphore_mem>> -> memref<1x!tpu.dma_semaphore, #tpu.memory_space<semaphore_mem>>
      %dma_start3A_961 = tpu.memref_squeeze %dma_start3A_960 : memref<1x!tpu.dma_semaphore, #tpu.memory_space<semaphore_mem>> -> memref<!tpu.dma_semaphore, #tpu.memory_space<semaphore_mem>>
      %dma_start3A_962 = arith.constant 0 : i32
      %dma_start3A_963 = arith.constant 0 : i32
      %dma_start3A_964 = arith.constant 0 : i32
      %dma_start3A_965 = tpu.memref_slice %arg5[%dma_start3A_958, %dma_start3A_962, %dma_start3A_963, %dma_start3A_964] : memref<12x512x8x128xf32, #tpu.memory_space<vmem>> -> memref<1x512x8x128xf32, #tpu.memory_space<vmem>>
      %dma_start3A_966 = tpu.memref_squeeze %dma_start3A_965 : memref<1x512x8x128xf32, #tpu.memory_space<vmem>> -> memref<512x8x128xf32, #tpu.memory_space<vmem>>
      %dma_start3A_967 = arith.constant 0 : i32
      %dma_start3A_968 = arith.constant 0 : i32
      %dma_start3A_969 = arith.constant 0 : i32
      %dma_start3A_970 = tpu.memref_slice %arg2[%dma_start3A_957, %dma_start3A_967, %dma_start3A_968, %dma_start3A_969] : memref<1x512x8x128xf32, #tpu.memory_space<hbm>> -> memref<1x512x8x128xf32, #tpu.memory_space<hbm>>
      %dma_start3A_971 = tpu.memref_squeeze %dma_start3A_970 : memref<1x512x8x128xf32, #tpu.memory_space<hbm>> -> memref<512x8x128xf32, #tpu.memory_space<hbm>>
      tpu.enqueue_dma source(%dma_start3A_971 : memref<512x8x128xf32, #tpu.memory_space<hbm>>) target(%dma_start3A_966 : memref<512x8x128xf32, #tpu.memory_space<vmem>>) target_semaphore(%dma_start3A_961 : memref<!tpu.dma_semaphore, #tpu.memory_space<semaphore_mem>>)
    } else {
    }
    %not3A_34 = arith.constant true
    %not3A_35 = arith.xori %and3A_30, %not3A_34 : i1
    %convert_element_type3A_36 = arith.extui %not3A_35 : i1 to i32
    %cond3A_37 = arith.constant 0 : i32
    %cond3A_38 = arith.cmpi ne, %convert_element_type3A_36, %cond3A_37 : i32
    scf.if %cond3A_38 {
      %dma_start3A_957 = arith.constant 0 : i32
      %dma_start3A_958 = arith.constant 2 : i32
      %dma_start3A_959 = arith.constant 2 : i32
      %dma_start3A_960 = tpu.memref_slice %arg6[%dma_start3A_959] : memref<12x!tpu.dma_semaphore, #tpu.memory_space<semaphore_mem>> -> memref<1x!tpu.dma_semaphore, #tpu.memory_space<semaphore_mem>>
      %dma_start3A_961 = tpu.memref_squeeze %dma_start3A_960 : memref<1x!tpu.dma_semaphore, #tpu.memory_space<semaphore_mem>> -> memref<!tpu.dma_semaphore, #tpu.memory_space<semaphore_mem>>
      %dma_start3A_962 = arith.constant 0 : i32
      %dma_start3A_963 = arith.constant 0 : i32
      %dma_start3A_964 = arith.constant 0 : i32
      %dma_start3A_965 = tpu.memref_slice %arg5[%dma_start3A_958, %dma_start3A_962, %dma_start3A_963, %dma_start3A_964] : memref<12x512x8x128xf32, #tpu.memory_space<vmem>> -> memref<1x512x8x128xf32, #tpu.memory_space<vmem>>
      %dma_start3A_966 = tpu.memref_squeeze %dma_start3A_965 : memref<1x512x8x128xf32, #tpu.memory_space<vmem>> -> memref<512x8x128xf32, #tpu.memory_space<vmem>>
      %dma_start3A_967 = arith.constant 1024 : i32
      %dma_start3A_968 = arith.constant 0 : i32
      %dma_start3A_969 = arith.constant 0 : i32
      %dma_start3A_970 = tpu.memref_slice %arg3[%dma_start3A_957, %dma_start3A_967, %dma_start3A_968, %dma_start3A_969] : memref<1x8192x8x128xf32, #tpu.memory_space<hbm>> -> memref<1x512x8x128xf32, #tpu.memory_space<hbm>>
      %dma_start3A_971 = tpu.memref_squeeze %dma_start3A_970 : memref<1x512x8x128xf32, #tpu.memory_space<hbm>> -> memref<512x8x128xf32, #tpu.memory_space<hbm>>
      tpu.enqueue_dma source(%dma_start3A_971 : memref<512x8x128xf32, #tpu.memory_space<hbm>>) target(%dma_start3A_966 : memref<512x8x128xf32, #tpu.memory_space<vmem>>) target_semaphore(%dma_start3A_961 : memref<!tpu.dma_semaphore, #tpu.memory_space<semaphore_mem>>)
    } else {
    }
    %le3A_39 = arith.constant 1536 : i32
    %le3A_40 = arith.cmpi sle, %multiple_of3A, %le3A_39 : i32
    %add3A_41 = arith.constant 512 : i32
    %add3A_42 = arith.addi %multiple_of3A, %add3A_41 : i32
    %ge3A_43 = arith.constant 2048 : i32
    %ge3A_44 = arith.cmpi sge, %add3A_42, %ge3A_43 : i32
    %and3A_45 = arith.andi %le3A_40, %ge3A_44 : i1
    %convert_element_type3A_46 = arith.extui %and3A_45 : i1 to i32
    %cond3A_47 = arith.constant 0 : i32
    %cond3A_48 = arith.cmpi ne, %convert_element_type3A_46, %cond3A_47 : i32
    scf.if %cond3A_48 {
      %dma_start3A_957 = arith.constant 0 : i32
      %dma_start3A_958 = arith.constant 3 : i32
      %dma_start3A_959 = arith.constant 3 : i32
      %dma_start3A_960 = tpu.memref_slice %arg6[%dma_start3A_959] : memref<12x!tpu.dma_semaphore, #tpu.memory_space<semaphore_mem>> -> memref<1x!tpu.dma_semaphore, #tpu.memory_space<semaphore_mem>>
      %dma_start3A_961 = tpu.memref_squeeze %dma_start3A_960 : memref<1x!tpu.dma_semaphore, #tpu.memory_space<semaphore_mem>> -> memref<!tpu.dma_semaphore, #tpu.memory_space<semaphore_mem>>
      %dma_start3A_962 = arith.constant 0 : i32
      %dma_start3A_963 = arith.constant 0 : i32
      %dma_start3A_964 = arith.constant 0 : i32
      %dma_start3A_965 = tpu.memref_slice %arg5[%dma_start3A_958, %dma_start3A_962, %dma_start3A_963, %dma_start3A_964] : memref<12x512x8x128xf32, #tpu.memory_space<vmem>> -> memref<1x512x8x128xf32, #tpu.memory_space<vmem>>
      %dma_start3A_966 = tpu.memref_squeeze %dma_start3A_965 : memref<1x512x8x128xf32, #tpu.memory_space<vmem>> -> memref<512x8x128xf32, #tpu.memory_space<vmem>>
      %dma_start3A_967 = arith.constant 0 : i32
      %dma_start3A_968 = arith.constant 0 : i32
      %dma_start3A_969 = arith.constant 0 : i32
      %dma_start3A_970 = tpu.memref_slice %arg2[%dma_start3A_957, %dma_start3A_967, %dma_start3A_968, %dma_start3A_969] : memref<1x512x8x128xf32, #tpu.memory_space<hbm>> -> memref<1x512x8x128xf32, #tpu.memory_space<hbm>>
      %dma_start3A_971 = tpu.memref_squeeze %dma_start3A_970 : memref<1x512x8x128xf32, #tpu.memory_space<hbm>> -> memref<512x8x128xf32, #tpu.memory_space<hbm>>
      tpu.enqueue_dma source(%dma_start3A_971 : memref<512x8x128xf32, #tpu.memory_space<hbm>>) target(%dma_start3A_966 : memref<512x8x128xf32, #tpu.memory_space<vmem>>) target_semaphore(%dma_start3A_961 : memref<!tpu.dma_semaphore, #tpu.memory_space<semaphore_mem>>)
    } else {
    }
    %not3A_49 = arith.constant true
    %not3A_50 = arith.xori %and3A_45, %not3A_49 : i1
    %convert_element_type3A_51 = arith.extui %not3A_50 : i1 to i32
    %cond3A_52 = arith.constant 0 : i32
    %cond3A_53 = arith.cmpi ne, %convert_element_type3A_51, %cond3A_52 : i32
    scf.if %cond3A_53 {
      %dma_start3A_957 = arith.constant 0 : i32
      %dma_start3A_958 = arith.constant 3 : i32
      %dma_start3A_959 = arith.constant 3 : i32
      %dma_start3A_960 = tpu.memref_slice %arg6[%dma_start3A_959] : memref<12x!tpu.dma_semaphore, #tpu.memory_space<semaphore_mem>> -> memref<1x!tpu.dma_semaphore, #tpu.memory_space<semaphore_mem>>
      %dma_start3A_961 = tpu.memref_squeeze %dma_start3A_960 : memref<1x!tpu.dma_semaphore, #tpu.memory_space<semaphore_mem>> -> memref<!tpu.dma_semaphore, #tpu.memory_space<semaphore_mem>>
      %dma_start3A_962 = arith.constant 0 : i32
      %dma_start3A_963 = arith.constant 0 : i32
      %dma_start3A_964 = arith.constant 0 : i32
      %dma_start3A_965 = tpu.memref_slice %arg5[%dma_start3A_958, %dma_start3A_962, %dma_start3A_963, %dma_start3A_964] : memref<12x512x8x128xf32, #tpu.memory_space<vmem>> -> memref<1x512x8x128xf32, #tpu.memory_space<vmem>>
      %dma_start3A_966 = tpu.memref_squeeze %dma_start3A_965 : memref<1x512x8x128xf32, #tpu.memory_space<vmem>> -> memref<512x8x128xf32, #tpu.memory_space<vmem>>
      %dma_start3A_967 = arith.constant 1536 : i32
      %dma_start3A_968 = arith.constant 0 : i32
      %dma_start3A_969 = arith.constant 0 : i32
      %dma_start3A_970 = tpu.memref_slice %arg3[%dma_start3A_957, %dma_start3A_967, %dma_start3A_968, %dma_start3A_969] : memref<1x8192x8x128xf32, #tpu.memory_space<hbm>> -> memref<1x512x8x128xf32, #tpu.memory_space<hbm>>
      %dma_start3A_971 = tpu.memref_squeeze %dma_start3A_970 : memref<1x512x8x128xf32, #tpu.memory_space<hbm>> -> memref<512x8x128xf32, #tpu.memory_space<hbm>>
      tpu.enqueue_dma source(%dma_start3A_971 : memref<512x8x128xf32, #tpu.memory_space<hbm>>) target(%dma_start3A_966 : memref<512x8x128xf32, #tpu.memory_space<vmem>>) target_semaphore(%dma_start3A_961 : memref<!tpu.dma_semaphore, #tpu.memory_space<semaphore_mem>>)
    } else {
    }
    %le3A_54 = arith.constant 2048 : i32
    %le3A_55 = arith.cmpi sle, %multiple_of3A, %le3A_54 : i32
    %add3A_56 = arith.constant 512 : i32
    %add3A_57 = arith.addi %multiple_of3A, %add3A_56 : i32
    %ge3A_58 = arith.constant 2560 : i32
    %ge3A_59 = arith.cmpi sge, %add3A_57, %ge3A_58 : i32
    %and3A_60 = arith.andi %le3A_55, %ge3A_59 : i1
    %convert_element_type3A_61 = arith.extui %and3A_60 : i1 to i32
    %cond3A_62 = arith.constant 0 : i32
    %cond3A_63 = arith.cmpi ne, %convert_element_type3A_61, %cond3A_62 : i32
    scf.if %cond3A_63 {
      %dma_start3A_957 = arith.constant 0 : i32
      %dma_start3A_958 = arith.constant 4 : i32
      %dma_start3A_959 = arith.constant 4 : i32
      %dma_start3A_960 = tpu.memref_slice %arg6[%dma_start3A_959] : memref<12x!tpu.dma_semaphore, #tpu.memory_space<semaphore_mem>> -> memref<1x!tpu.dma_semaphore, #tpu.memory_space<semaphore_mem>>
      %dma_start3A_961 = tpu.memref_squeeze %dma_start3A_960 : memref<1x!tpu.dma_semaphore, #tpu.memory_space<semaphore_mem>> -> memref<!tpu.dma_semaphore, #tpu.memory_space<semaphore_mem>>
      %dma_start3A_962 = arith.constant 0 : i32
      %dma_start3A_963 = arith.constant 0 : i32
      %dma_start3A_964 = arith.constant 0 : i32
      %dma_start3A_965 = tpu.memref_slice %arg5[%dma_start3A_958, %dma_start3A_962, %dma_start3A_963, %dma_start3A_964] : memref<12x512x8x128xf32, #tpu.memory_space<vmem>> -> memref<1x512x8x128xf32, #tpu.memory_space<vmem>>
      %dma_start3A_966 = tpu.memref_squeeze %dma_start3A_965 : memref<1x512x8x128xf32, #tpu.memory_space<vmem>> -> memref<512x8x128xf32, #tpu.memory_space<vmem>>
      %dma_start3A_967 = arith.constant 0 : i32
      %dma_start3A_968 = arith.constant 0 : i32
      %dma_start3A_969 = arith.constant 0 : i32
      %dma_start3A_970 = tpu.memref_slice %arg2[%dma_start3A_957, %dma_start3A_967, %dma_start3A_968, %dma_start3A_969] : memref<1x512x8x128xf32, #tpu.memory_space<hbm>> -> memref<1x512x8x128xf32, #tpu.memory_space<hbm>>
      %dma_start3A_971 = tpu.memref_squeeze %dma_start3A_970 : memref<1x512x8x128xf32, #tpu.memory_space<hbm>> -> memref<512x8x128xf32, #tpu.memory_space<hbm>>
      tpu.enqueue_dma source(%dma_start3A_971 : memref<512x8x128xf32, #tpu.memory_space<hbm>>) target(%dma_start3A_966 : memref<512x8x128xf32, #tpu.memory_space<vmem>>) target_semaphore(%dma_start3A_961 : memref<!tpu.dma_semaphore, #tpu.memory_space<semaphore_mem>>)
    } else {
    }
    %not3A_64 = arith.constant true
    %not3A_65 = arith.xori %and3A_60, %not3A_64 : i1
    %convert_element_type3A_66 = arith.extui %not3A_65 : i1 to i32
    %cond3A_67 = arith.constant 0 : i32
    %cond3A_68 = arith.cmpi ne, %convert_element_type3A_66, %cond3A_67 : i32
    scf.if %cond3A_68 {
      %dma_start3A_957 = arith.constant 0 : i32
      %dma_start3A_958 = arith.constant 4 : i32
      %dma_start3A_959 = arith.constant 4 : i32
      %dma_start3A_960 = tpu.memref_slice %arg6[%dma_start3A_959] : memref<12x!tpu.dma_semaphore, #tpu.memory_space<semaphore_mem>> -> memref<1x!tpu.dma_semaphore, #tpu.memory_space<semaphore_mem>>
      %dma_start3A_961 = tpu.memref_squeeze %dma_start3A_960 : memref<1x!tpu.dma_semaphore, #tpu.memory_space<semaphore_mem>> -> memref<!tpu.dma_semaphore, #tpu.memory_space<semaphore_mem>>
      %dma_start3A_962 = arith.constant 0 : i32
      %dma_start3A_963 = arith.constant 0 : i32
      %dma_start3A_964 = arith.constant 0 : i32
      %dma_start3A_965 = tpu.memref_slice %arg5[%dma_start3A_958, %dma_start3A_962, %dma_start3A_963, %dma_start3A_964] : memref<12x512x8x128xf32, #tpu.memory_space<vmem>> -> memref<1x512x8x128xf32, #tpu.memory_space<vmem>>
      %dma_start3A_966 = tpu.memref_squeeze %dma_start3A_965 : memref<1x512x8x128xf32, #tpu.memory_space<vmem>> -> memref<512x8x128xf32, #tpu.memory_space<vmem>>
      %dma_start3A_967 = arith.constant 2048 : i32
      %dma_start3A_968 = arith.constant 0 : i32
      %dma_start3A_969 = arith.constant 0 : i32
      %dma_start3A_970 = tpu.memref_slice %arg3[%dma_start3A_957, %dma_start3A_967, %dma_start3A_968, %dma_start3A_969] : memref<1x8192x8x128xf32, #tpu.memory_space<hbm>> -> memref<1x512x8x128xf32, #tpu.memory_space<hbm>>
      %dma_start3A_971 = tpu.memref_squeeze %dma_start3A_970 : memref<1x512x8x128xf32, #tpu.memory_space<hbm>> -> memref<512x8x128xf32, #tpu.memory_space<hbm>>
      tpu.enqueue_dma source(%dma_start3A_971 : memref<512x8x128xf32, #tpu.memory_space<hbm>>) target(%dma_start3A_966 : memref<512x8x128xf32, #tpu.memory_space<vmem>>) target_semaphore(%dma_start3A_961 : memref<!tpu.dma_semaphore, #tpu.memory_space<semaphore_mem>>)
    } else {
    }
    %le3A_69 = arith.constant 2560 : i32
    %le3A_70 = arith.cmpi sle, %multiple_of3A, %le3A_69 : i32
    %add3A_71 = arith.constant 512 : i32
    %add3A_72 = arith.addi %multiple_of3A, %add3A_71 : i32
    %ge3A_73 = arith.constant 3072 : i32
    %ge3A_74 = arith.cmpi sge, %add3A_72, %ge3A_73 : i32
    %and3A_75 = arith.andi %le3A_70, %ge3A_74 : i1
    %convert_element_type3A_76 = arith.extui %and3A_75 : i1 to i32
    %cond3A_77 = arith.constant 0 : i32
    %cond3A_78 = arith.cmpi ne, %convert_element_type3A_76, %cond3A_77 : i32
    scf.if %cond3A_78 {
      %dma_start3A_957 = arith.constant 0 : i32
      %dma_start3A_958 = arith.constant 5 : i32
      %dma_start3A_959 = arith.constant 5 : i32
      %dma_start3A_960 = tpu.memref_slice %arg6[%dma_start3A_959] : memref<12x!tpu.dma_semaphore, #tpu.memory_space<semaphore_mem>> -> memref<1x!tpu.dma_semaphore, #tpu.memory_space<semaphore_mem>>
      %dma_start3A_961 = tpu.memref_squeeze %dma_start3A_960 : memref<1x!tpu.dma_semaphore, #tpu.memory_space<semaphore_mem>> -> memref<!tpu.dma_semaphore, #tpu.memory_space<semaphore_mem>>
      %dma_start3A_962 = arith.constant 0 : i32
      %dma_start3A_963 = arith.constant 0 : i32
      %dma_start3A_964 = arith.constant 0 : i32
      %dma_start3A_965 = tpu.memref_slice %arg5[%dma_start3A_958, %dma_start3A_962, %dma_start3A_963, %dma_start3A_964] : memref<12x512x8x128xf32, #tpu.memory_space<vmem>> -> memref<1x512x8x128xf32, #tpu.memory_space<vmem>>
      %dma_start3A_966 = tpu.memref_squeeze %dma_start3A_965 : memref<1x512x8x128xf32, #tpu.memory_space<vmem>> -> memref<512x8x128xf32, #tpu.memory_space<vmem>>
      %dma_start3A_967 = arith.constant 0 : i32
      %dma_start3A_968 = arith.constant 0 : i32
      %dma_start3A_969 = arith.constant 0 : i32
      %dma_start3A_970 = tpu.memref_slice %arg2[%dma_start3A_957, %dma_start3A_967, %dma_start3A_968, %dma_start3A_969] : memref<1x512x8x128xf32, #tpu.memory_space<hbm>> -> memref<1x512x8x128xf32, #tpu.memory_space<hbm>>
      %dma_start3A_971 = tpu.memref_squeeze %dma_start3A_970 : memref<1x512x8x128xf32, #tpu.memory_space<hbm>> -> memref<512x8x128xf32, #tpu.memory_space<hbm>>
      tpu.enqueue_dma source(%dma_start3A_971 : memref<512x8x128xf32, #tpu.memory_space<hbm>>) target(%dma_start3A_966 : memref<512x8x128xf32, #tpu.memory_space<vmem>>) target_semaphore(%dma_start3A_961 : memref<!tpu.dma_semaphore, #tpu.memory_space<semaphore_mem>>)
    } else {
    }
    %not3A_79 = arith.constant true
    %not3A_80 = arith.xori %and3A_75, %not3A_79 : i1
    %convert_element_type3A_81 = arith.extui %not3A_80 : i1 to i32
    %cond3A_82 = arith.constant 0 : i32
    %cond3A_83 = arith.cmpi ne, %convert_element_type3A_81, %cond3A_82 : i32
    scf.if %cond3A_83 {
      %dma_start3A_957 = arith.constant 0 : i32
      %dma_start3A_958 = arith.constant 5 : i32
      %dma_start3A_959 = arith.constant 5 : i32
      %dma_start3A_960 = tpu.memref_slice %arg6[%dma_start3A_959] : memref<12x!tpu.dma_semaphore, #tpu.memory_space<semaphore_mem>> -> memref<1x!tpu.dma_semaphore, #tpu.memory_space<semaphore_mem>>
      %dma_start3A_961 = tpu.memref_squeeze %dma_start3A_960 : memref<1x!tpu.dma_semaphore, #tpu.memory_space<semaphore_mem>> -> memref<!tpu.dma_semaphore, #tpu.memory_space<semaphore_mem>>
      %dma_start3A_962 = arith.constant 0 : i32
      %dma_start3A_963 = arith.constant 0 : i32
      %dma_start3A_964 = arith.constant 0 : i32
      %dma_start3A_965 = tpu.memref_slice %arg5[%dma_start3A_958, %dma_start3A_962, %dma_start3A_963, %dma_start3A_964] : memref<12x512x8x128xf32, #tpu.memory_space<vmem>> -> memref<1x512x8x128xf32, #tpu.memory_space<vmem>>
      %dma_start3A_966 = tpu.memref_squeeze %dma_start3A_965 : memref<1x512x8x128xf32, #tpu.memory_space<vmem>> -> memref<512x8x128xf32, #tpu.memory_space<vmem>>
      %dma_start3A_967 = arith.constant 2560 : i32
      %dma_start3A_968 = arith.constant 0 : i32
      %dma_start3A_969 = arith.constant 0 : i32
      %dma_start3A_970 = tpu.memref_slice %arg3[%dma_start3A_957, %dma_start3A_967, %dma_start3A_968, %dma_start3A_969] : memref<1x8192x8x128xf32, #tpu.memory_space<hbm>> -> memref<1x512x8x128xf32, #tpu.memory_space<hbm>>
      %dma_start3A_971 = tpu.memref_squeeze %dma_start3A_970 : memref<1x512x8x128xf32, #tpu.memory_space<hbm>> -> memref<512x8x128xf32, #tpu.memory_space<hbm>>
      tpu.enqueue_dma source(%dma_start3A_971 : memref<512x8x128xf32, #tpu.memory_space<hbm>>) target(%dma_start3A_966 : memref<512x8x128xf32, #tpu.memory_space<vmem>>) target_semaphore(%dma_start3A_961 : memref<!tpu.dma_semaphore, #tpu.memory_space<semaphore_mem>>)
    } else {
    }
    %le3A_84 = arith.constant 3072 : i32
    %le3A_85 = arith.cmpi sle, %multiple_of3A, %le3A_84 : i32
    %add3A_86 = arith.constant 512 : i32
    %add3A_87 = arith.addi %multiple_of3A, %add3A_86 : i32
    %ge3A_88 = arith.constant 3584 : i32
    %ge3A_89 = arith.cmpi sge, %add3A_87, %ge3A_88 : i32
    %and3A_90 = arith.andi %le3A_85, %ge3A_89 : i1
    %convert_element_type3A_91 = arith.extui %and3A_90 : i1 to i32
    %cond3A_92 = arith.constant 0 : i32
    %cond3A_93 = arith.cmpi ne, %convert_element_type3A_91, %cond3A_92 : i32
    scf.if %cond3A_93 {
      %dma_start3A_957 = arith.constant 0 : i32
      %dma_start3A_958 = arith.constant 6 : i32
      %dma_start3A_959 = arith.constant 6 : i32
      %dma_start3A_960 = tpu.memref_slice %arg6[%dma_start3A_959] : memref<12x!tpu.dma_semaphore, #tpu.memory_space<semaphore_mem>> -> memref<1x!tpu.dma_semaphore, #tpu.memory_space<semaphore_mem>>
      %dma_start3A_961 = tpu.memref_squeeze %dma_start3A_960 : memref<1x!tpu.dma_semaphore, #tpu.memory_space<semaphore_mem>> -> memref<!tpu.dma_semaphore, #tpu.memory_space<semaphore_mem>>
      %dma_start3A_962 = arith.constant 0 : i32
      %dma_start3A_963 = arith.constant 0 : i32
      %dma_start3A_964 = arith.constant 0 : i32
      %dma_start3A_965 = tpu.memref_slice %arg5[%dma_start3A_958, %dma_start3A_962, %dma_start3A_963, %dma_start3A_964] : memref<12x512x8x128xf32, #tpu.memory_space<vmem>> -> memref<1x512x8x128xf32, #tpu.memory_space<vmem>>
      %dma_start3A_966 = tpu.memref_squeeze %dma_start3A_965 : memref<1x512x8x128xf32, #tpu.memory_space<vmem>> -> memref<512x8x128xf32, #tpu.memory_space<vmem>>
      %dma_start3A_967 = arith.constant 0 : i32
      %dma_start3A_968 = arith.constant 0 : i32
      %dma_start3A_969 = arith.constant 0 : i32
      %dma_start3A_970 = tpu.memref_slice %arg2[%dma_start3A_957, %dma_start3A_967, %dma_start3A_968, %dma_start3A_969] : memref<1x512x8x128xf32, #tpu.memory_space<hbm>> -> memref<1x512x8x128xf32, #tpu.memory_space<hbm>>
      %dma_start3A_971 = tpu.memref_squeeze %dma_start3A_970 : memref<1x512x8x128xf32, #tpu.memory_space<hbm>> -> memref<512x8x128xf32, #tpu.memory_space<hbm>>
      tpu.enqueue_dma source(%dma_start3A_971 : memref<512x8x128xf32, #tpu.memory_space<hbm>>) target(%dma_start3A_966 : memref<512x8x128xf32, #tpu.memory_space<vmem>>) target_semaphore(%dma_start3A_961 : memref<!tpu.dma_semaphore, #tpu.memory_space<semaphore_mem>>)
    } else {
    }
    %not3A_94 = arith.constant true
    %not3A_95 = arith.xori %and3A_90, %not3A_94 : i1
    %convert_element_type3A_96 = arith.extui %not3A_95 : i1 to i32
    %cond3A_97 = arith.constant 0 : i32
    %cond3A_98 = arith.cmpi ne, %convert_element_type3A_96, %cond3A_97 : i32
    scf.if %cond3A_98 {
      %dma_start3A_957 = arith.constant 0 : i32
      %dma_start3A_958 = arith.constant 6 : i32
      %dma_start3A_959 = arith.constant 6 : i32
      %dma_start3A_960 = tpu.memref_slice %arg6[%dma_start3A_959] : memref<12x!tpu.dma_semaphore, #tpu.memory_space<semaphore_mem>> -> memref<1x!tpu.dma_semaphore, #tpu.memory_space<semaphore_mem>>
      %dma_start3A_961 = tpu.memref_squeeze %dma_start3A_960 : memref<1x!tpu.dma_semaphore, #tpu.memory_space<semaphore_mem>> -> memref<!tpu.dma_semaphore, #tpu.memory_space<semaphore_mem>>
      %dma_start3A_962 = arith.constant 0 : i32
      %dma_start3A_963 = arith.constant 0 : i32
      %dma_start3A_964 = arith.constant 0 : i32
      %dma_start3A_965 = tpu.memref_slice %arg5[%dma_start3A_958, %dma_start3A_962, %dma_start3A_963, %dma_start3A_964] : memref<12x512x8x128xf32, #tpu.memory_space<vmem>> -> memref<1x512x8x128xf32, #tpu.memory_space<vmem>>
      %dma_start3A_966 = tpu.memref_squeeze %dma_start3A_965 : memref<1x512x8x128xf32, #tpu.memory_space<vmem>> -> memref<512x8x128xf32, #tpu.memory_space<vmem>>
      %dma_start3A_967 = arith.constant 3072 : i32
      %dma_start3A_968 = arith.constant 0 : i32
      %dma_start3A_969 = arith.constant 0 : i32
      %dma_start3A_970 = tpu.memref_slice %arg3[%dma_start3A_957, %dma_start3A_967, %dma_start3A_968, %dma_start3A_969] : memref<1x8192x8x128xf32, #tpu.memory_space<hbm>> -> memref<1x512x8x128xf32, #tpu.memory_space<hbm>>
      %dma_start3A_971 = tpu.memref_squeeze %dma_start3A_970 : memref<1x512x8x128xf32, #tpu.memory_space<hbm>> -> memref<512x8x128xf32, #tpu.memory_space<hbm>>
      tpu.enqueue_dma source(%dma_start3A_971 : memref<512x8x128xf32, #tpu.memory_space<hbm>>) target(%dma_start3A_966 : memref<512x8x128xf32, #tpu.memory_space<vmem>>) target_semaphore(%dma_start3A_961 : memref<!tpu.dma_semaphore, #tpu.memory_space<semaphore_mem>>)
    } else {
    }
    %le3A_99 = arith.constant 3584 : i32
    %le3A_100 = arith.cmpi sle, %multiple_of3A, %le3A_99 : i32
    %add3A_101 = arith.constant 512 : i32
    %add3A_102 = arith.addi %multiple_of3A, %add3A_101 : i32
    %ge3A_103 = arith.constant 4096 : i32
    %ge3A_104 = arith.cmpi sge, %add3A_102, %ge3A_103 : i32
    %and3A_105 = arith.andi %le3A_100, %ge3A_104 : i1
    %convert_element_type3A_106 = arith.extui %and3A_105 : i1 to i32
    %cond3A_107 = arith.constant 0 : i32
    %cond3A_108 = arith.cmpi ne, %convert_element_type3A_106, %cond3A_107 : i32
    scf.if %cond3A_108 {
      %dma_start3A_957 = arith.constant 0 : i32
      %dma_start3A_958 = arith.constant 7 : i32
      %dma_start3A_959 = arith.constant 7 : i32
      %dma_start3A_960 = tpu.memref_slice %arg6[%dma_start3A_959] : memref<12x!tpu.dma_semaphore, #tpu.memory_space<semaphore_mem>> -> memref<1x!tpu.dma_semaphore, #tpu.memory_space<semaphore_mem>>
      %dma_start3A_961 = tpu.memref_squeeze %dma_start3A_960 : memref<1x!tpu.dma_semaphore, #tpu.memory_space<semaphore_mem>> -> memref<!tpu.dma_semaphore, #tpu.memory_space<semaphore_mem>>
      %dma_start3A_962 = arith.constant 0 : i32
      %dma_start3A_963 = arith.constant 0 : i32
      %dma_start3A_964 = arith.constant 0 : i32
      %dma_start3A_965 = tpu.memref_slice %arg5[%dma_start3A_958, %dma_start3A_962, %dma_start3A_963, %dma_start3A_964] : memref<12x512x8x128xf32, #tpu.memory_space<vmem>> -> memref<1x512x8x128xf32, #tpu.memory_space<vmem>>
      %dma_start3A_966 = tpu.memref_squeeze %dma_start3A_965 : memref<1x512x8x128xf32, #tpu.memory_space<vmem>> -> memref<512x8x128xf32, #tpu.memory_space<vmem>>
      %dma_start3A_967 = arith.constant 0 : i32
      %dma_start3A_968 = arith.constant 0 : i32
      %dma_start3A_969 = arith.constant 0 : i32
      %dma_start3A_970 = tpu.memref_slice %arg2[%dma_start3A_957, %dma_start3A_967, %dma_start3A_968, %dma_start3A_969] : memref<1x512x8x128xf32, #tpu.memory_space<hbm>> -> memref<1x512x8x128xf32, #tpu.memory_space<hbm>>
      %dma_start3A_971 = tpu.memref_squeeze %dma_start3A_970 : memref<1x512x8x128xf32, #tpu.memory_space<hbm>> -> memref<512x8x128xf32, #tpu.memory_space<hbm>>
      tpu.enqueue_dma source(%dma_start3A_971 : memref<512x8x128xf32, #tpu.memory_space<hbm>>) target(%dma_start3A_966 : memref<512x8x128xf32, #tpu.memory_space<vmem>>) target_semaphore(%dma_start3A_961 : memref<!tpu.dma_semaphore, #tpu.memory_space<semaphore_mem>>)
    } else {
    }
    %not3A_109 = arith.constant true
    %not3A_110 = arith.xori %and3A_105, %not3A_109 : i1
    %convert_element_type3A_111 = arith.extui %not3A_110 : i1 to i32
    %cond3A_112 = arith.constant 0 : i32
    %cond3A_113 = arith.cmpi ne, %convert_element_type3A_111, %cond3A_112 : i32
    scf.if %cond3A_113 {
      %dma_start3A_957 = arith.constant 0 : i32
      %dma_start3A_958 = arith.constant 7 : i32
      %dma_start3A_959 = arith.constant 7 : i32
      %dma_start3A_960 = tpu.memref_slice %arg6[%dma_start3A_959] : memref<12x!tpu.dma_semaphore, #tpu.memory_space<semaphore_mem>> -> memref<1x!tpu.dma_semaphore, #tpu.memory_space<semaphore_mem>>
      %dma_start3A_961 = tpu.memref_squeeze %dma_start3A_960 : memref<1x!tpu.dma_semaphore, #tpu.memory_space<semaphore_mem>> -> memref<!tpu.dma_semaphore, #tpu.memory_space<semaphore_mem>>
      %dma_start3A_962 = arith.constant 0 : i32
      %dma_start3A_963 = arith.constant 0 : i32
      %dma_start3A_964 = arith.constant 0 : i32
      %dma_start3A_965 = tpu.memref_slice %arg5[%dma_start3A_958, %dma_start3A_962, %dma_start3A_963, %dma_start3A_964] : memref<12x512x8x128xf32, #tpu.memory_space<vmem>> -> memref<1x512x8x128xf32, #tpu.memory_space<vmem>>
      %dma_start3A_966 = tpu.memref_squeeze %dma_start3A_965 : memref<1x512x8x128xf32, #tpu.memory_space<vmem>> -> memref<512x8x128xf32, #tpu.memory_space<vmem>>
      %dma_start3A_967 = arith.constant 3584 : i32
      %dma_start3A_968 = arith.constant 0 : i32
      %dma_start3A_969 = arith.constant 0 : i32
      %dma_start3A_970 = tpu.memref_slice %arg3[%dma_start3A_957, %dma_start3A_967, %dma_start3A_968, %dma_start3A_969] : memref<1x8192x8x128xf32, #tpu.memory_space<hbm>> -> memref<1x512x8x128xf32, #tpu.memory_space<hbm>>
      %dma_start3A_971 = tpu.memref_squeeze %dma_start3A_970 : memref<1x512x8x128xf32, #tpu.memory_space<hbm>> -> memref<512x8x128xf32, #tpu.memory_space<hbm>>
      tpu.enqueue_dma source(%dma_start3A_971 : memref<512x8x128xf32, #tpu.memory_space<hbm>>) target(%dma_start3A_966 : memref<512x8x128xf32, #tpu.memory_space<vmem>>) target_semaphore(%dma_start3A_961 : memref<!tpu.dma_semaphore, #tpu.memory_space<semaphore_mem>>)
    } else {
    }
    %le3A_114 = arith.constant 4096 : i32
    %le3A_115 = arith.cmpi sle, %multiple_of3A, %le3A_114 : i32
    %add3A_116 = arith.constant 512 : i32
    %add3A_117 = arith.addi %multiple_of3A, %add3A_116 : i32
    %ge3A_118 = arith.constant 4608 : i32
    %ge3A_119 = arith.cmpi sge, %add3A_117, %ge3A_118 : i32
    %and3A_120 = arith.andi %le3A_115, %ge3A_119 : i1
    %convert_element_type3A_121 = arith.extui %and3A_120 : i1 to i32
    %cond3A_122 = arith.constant 0 : i32
    %cond3A_123 = arith.cmpi ne, %convert_element_type3A_121, %cond3A_122 : i32
    scf.if %cond3A_123 {
      %dma_start3A_957 = arith.constant 0 : i32
      %dma_start3A_958 = arith.constant 8 : i32
      %dma_start3A_959 = arith.constant 8 : i32
      %dma_start3A_960 = tpu.memref_slice %arg6[%dma_start3A_959] : memref<12x!tpu.dma_semaphore, #tpu.memory_space<semaphore_mem>> -> memref<1x!tpu.dma_semaphore, #tpu.memory_space<semaphore_mem>>
      %dma_start3A_961 = tpu.memref_squeeze %dma_start3A_960 : memref<1x!tpu.dma_semaphore, #tpu.memory_space<semaphore_mem>> -> memref<!tpu.dma_semaphore, #tpu.memory_space<semaphore_mem>>
      %dma_start3A_962 = arith.constant 0 : i32
      %dma_start3A_963 = arith.constant 0 : i32
      %dma_start3A_964 = arith.constant 0 : i32
      %dma_start3A_965 = tpu.memref_slice %arg5[%dma_start3A_958, %dma_start3A_962, %dma_start3A_963, %dma_start3A_964] : memref<12x512x8x128xf32, #tpu.memory_space<vmem>> -> memref<1x512x8x128xf32, #tpu.memory_space<vmem>>
      %dma_start3A_966 = tpu.memref_squeeze %dma_start3A_965 : memref<1x512x8x128xf32, #tpu.memory_space<vmem>> -> memref<512x8x128xf32, #tpu.memory_space<vmem>>
      %dma_start3A_967 = arith.constant 0 : i32
      %dma_start3A_968 = arith.constant 0 : i32
      %dma_start3A_969 = arith.constant 0 : i32
      %dma_start3A_970 = tpu.memref_slice %arg2[%dma_start3A_957, %dma_start3A_967, %dma_start3A_968, %dma_start3A_969] : memref<1x512x8x128xf32, #tpu.memory_space<hbm>> -> memref<1x512x8x128xf32, #tpu.memory_space<hbm>>
      %dma_start3A_971 = tpu.memref_squeeze %dma_start3A_970 : memref<1x512x8x128xf32, #tpu.memory_space<hbm>> -> memref<512x8x128xf32, #tpu.memory_space<hbm>>
      tpu.enqueue_dma source(%dma_start3A_971 : memref<512x8x128xf32, #tpu.memory_space<hbm>>) target(%dma_start3A_966 : memref<512x8x128xf32, #tpu.memory_space<vmem>>) target_semaphore(%dma_start3A_961 : memref<!tpu.dma_semaphore, #tpu.memory_space<semaphore_mem>>)
    } else {
    }
    %not3A_124 = arith.constant true
    %not3A_125 = arith.xori %and3A_120, %not3A_124 : i1
    %convert_element_type3A_126 = arith.extui %not3A_125 : i1 to i32
    %cond3A_127 = arith.constant 0 : i32
    %cond3A_128 = arith.cmpi ne, %convert_element_type3A_126, %cond3A_127 : i32
    scf.if %cond3A_128 {
      %dma_start3A_957 = arith.constant 0 : i32
      %dma_start3A_958 = arith.constant 8 : i32
      %dma_start3A_959 = arith.constant 8 : i32
      %dma_start3A_960 = tpu.memref_slice %arg6[%dma_start3A_959] : memref<12x!tpu.dma_semaphore, #tpu.memory_space<semaphore_mem>> -> memref<1x!tpu.dma_semaphore, #tpu.memory_space<semaphore_mem>>
      %dma_start3A_961 = tpu.memref_squeeze %dma_start3A_960 : memref<1x!tpu.dma_semaphore, #tpu.memory_space<semaphore_mem>> -> memref<!tpu.dma_semaphore, #tpu.memory_space<semaphore_mem>>
      %dma_start3A_962 = arith.constant 0 : i32
      %dma_start3A_963 = arith.constant 0 : i32
      %dma_start3A_964 = arith.constant 0 : i32
      %dma_start3A_965 = tpu.memref_slice %arg5[%dma_start3A_958, %dma_start3A_962, %dma_start3A_963, %dma_start3A_964] : memref<12x512x8x128xf32, #tpu.memory_space<vmem>> -> memref<1x512x8x128xf32, #tpu.memory_space<vmem>>
      %dma_start3A_966 = tpu.memref_squeeze %dma_start3A_965 : memref<1x512x8x128xf32, #tpu.memory_space<vmem>> -> memref<512x8x128xf32, #tpu.memory_space<vmem>>
      %dma_start3A_967 = arith.constant 4096 : i32
      %dma_start3A_968 = arith.constant 0 : i32
      %dma_start3A_969 = arith.constant 0 : i32
      %dma_start3A_970 = tpu.memref_slice %arg3[%dma_start3A_957, %dma_start3A_967, %dma_start3A_968, %dma_start3A_969] : memref<1x8192x8x128xf32, #tpu.memory_space<hbm>> -> memref<1x512x8x128xf32, #tpu.memory_space<hbm>>
      %dma_start3A_971 = tpu.memref_squeeze %dma_start3A_970 : memref<1x512x8x128xf32, #tpu.memory_space<hbm>> -> memref<512x8x128xf32, #tpu.memory_space<hbm>>
      tpu.enqueue_dma source(%dma_start3A_971 : memref<512x8x128xf32, #tpu.memory_space<hbm>>) target(%dma_start3A_966 : memref<512x8x128xf32, #tpu.memory_space<vmem>>) target_semaphore(%dma_start3A_961 : memref<!tpu.dma_semaphore, #tpu.memory_space<semaphore_mem>>)
    } else {
    }
    %le3A_129 = arith.constant 4608 : i32
    %le3A_130 = arith.cmpi sle, %multiple_of3A, %le3A_129 : i32
    %add3A_131 = arith.constant 512 : i32
    %add3A_132 = arith.addi %multiple_of3A, %add3A_131 : i32
    %ge3A_133 = arith.constant 5120 : i32
    %ge3A_134 = arith.cmpi sge, %add3A_132, %ge3A_133 : i32
    %and3A_135 = arith.andi %le3A_130, %ge3A_134 : i1
    %convert_element_type3A_136 = arith.extui %and3A_135 : i1 to i32
    %cond3A_137 = arith.constant 0 : i32
    %cond3A_138 = arith.cmpi ne, %convert_element_type3A_136, %cond3A_137 : i32
    scf.if %cond3A_138 {
      %dma_start3A_957 = arith.constant 0 : i32
      %dma_start3A_958 = arith.constant 9 : i32
      %dma_start3A_959 = arith.constant 9 : i32
      %dma_start3A_960 = tpu.memref_slice %arg6[%dma_start3A_959] : memref<12x!tpu.dma_semaphore, #tpu.memory_space<semaphore_mem>> -> memref<1x!tpu.dma_semaphore, #tpu.memory_space<semaphore_mem>>
      %dma_start3A_961 = tpu.memref_squeeze %dma_start3A_960 : memref<1x!tpu.dma_semaphore, #tpu.memory_space<semaphore_mem>> -> memref<!tpu.dma_semaphore, #tpu.memory_space<semaphore_mem>>
      %dma_start3A_962 = arith.constant 0 : i32
      %dma_start3A_963 = arith.constant 0 : i32
      %dma_start3A_964 = arith.constant 0 : i32
      %dma_start3A_965 = tpu.memref_slice %arg5[%dma_start3A_958, %dma_start3A_962, %dma_start3A_963, %dma_start3A_964] : memref<12x512x8x128xf32, #tpu.memory_space<vmem>> -> memref<1x512x8x128xf32, #tpu.memory_space<vmem>>
      %dma_start3A_966 = tpu.memref_squeeze %dma_start3A_965 : memref<1x512x8x128xf32, #tpu.memory_space<vmem>> -> memref<512x8x128xf32, #tpu.memory_space<vmem>>
      %dma_start3A_967 = arith.constant 0 : i32
      %dma_start3A_968 = arith.constant 0 : i32
      %dma_start3A_969 = arith.constant 0 : i32
      %dma_start3A_970 = tpu.memref_slice %arg2[%dma_start3A_957, %dma_start3A_967, %dma_start3A_968, %dma_start3A_969] : memref<1x512x8x128xf32, #tpu.memory_space<hbm>> -> memref<1x512x8x128xf32, #tpu.memory_space<hbm>>
      %dma_start3A_971 = tpu.memref_squeeze %dma_start3A_970 : memref<1x512x8x128xf32, #tpu.memory_space<hbm>> -> memref<512x8x128xf32, #tpu.memory_space<hbm>>
      tpu.enqueue_dma source(%dma_start3A_971 : memref<512x8x128xf32, #tpu.memory_space<hbm>>) target(%dma_start3A_966 : memref<512x8x128xf32, #tpu.memory_space<vmem>>) target_semaphore(%dma_start3A_961 : memref<!tpu.dma_semaphore, #tpu.memory_space<semaphore_mem>>)
    } else {
    }
    %not3A_139 = arith.constant true
    %not3A_140 = arith.xori %and3A_135, %not3A_139 : i1
    %convert_element_type3A_141 = arith.extui %not3A_140 : i1 to i32
    %cond3A_142 = arith.constant 0 : i32
    %cond3A_143 = arith.cmpi ne, %convert_element_type3A_141, %cond3A_142 : i32
    scf.if %cond3A_143 {
      %dma_start3A_957 = arith.constant 0 : i32
      %dma_start3A_958 = arith.constant 9 : i32
      %dma_start3A_959 = arith.constant 9 : i32
      %dma_start3A_960 = tpu.memref_slice %arg6[%dma_start3A_959] : memref<12x!tpu.dma_semaphore, #tpu.memory_space<semaphore_mem>> -> memref<1x!tpu.dma_semaphore, #tpu.memory_space<semaphore_mem>>
      %dma_start3A_961 = tpu.memref_squeeze %dma_start3A_960 : memref<1x!tpu.dma_semaphore, #tpu.memory_space<semaphore_mem>> -> memref<!tpu.dma_semaphore, #tpu.memory_space<semaphore_mem>>
      %dma_start3A_962 = arith.constant 0 : i32
      %dma_start3A_963 = arith.constant 0 : i32
      %dma_start3A_964 = arith.constant 0 : i32
      %dma_start3A_965 = tpu.memref_slice %arg5[%dma_start3A_958, %dma_start3A_962, %dma_start3A_963, %dma_start3A_964] : memref<12x512x8x128xf32, #tpu.memory_space<vmem>> -> memref<1x512x8x128xf32, #tpu.memory_space<vmem>>
      %dma_start3A_966 = tpu.memref_squeeze %dma_start3A_965 : memref<1x512x8x128xf32, #tpu.memory_space<vmem>> -> memref<512x8x128xf32, #tpu.memory_space<vmem>>
      %dma_start3A_967 = arith.constant 4608 : i32
      %dma_start3A_968 = arith.constant 0 : i32
      %dma_start3A_969 = arith.constant 0 : i32
      %dma_start3A_970 = tpu.memref_slice %arg3[%dma_start3A_957, %dma_start3A_967, %dma_start3A_968, %dma_start3A_969] : memref<1x8192x8x128xf32, #tpu.memory_space<hbm>> -> memref<1x512x8x128xf32, #tpu.memory_space<hbm>>
      %dma_start3A_971 = tpu.memref_squeeze %dma_start3A_970 : memref<1x512x8x128xf32, #tpu.memory_space<hbm>> -> memref<512x8x128xf32, #tpu.memory_space<hbm>>
      tpu.enqueue_dma source(%dma_start3A_971 : memref<512x8x128xf32, #tpu.memory_space<hbm>>) target(%dma_start3A_966 : memref<512x8x128xf32, #tpu.memory_space<vmem>>) target_semaphore(%dma_start3A_961 : memref<!tpu.dma_semaphore, #tpu.memory_space<semaphore_mem>>)
    } else {
    }
    %le3A_144 = arith.constant 5120 : i32
    %le3A_145 = arith.cmpi sle, %multiple_of3A, %le3A_144 : i32
    %add3A_146 = arith.constant 512 : i32
    %add3A_147 = arith.addi %multiple_of3A, %add3A_146 : i32
    %ge3A_148 = arith.constant 5632 : i32
    %ge3A_149 = arith.cmpi sge, %add3A_147, %ge3A_148 : i32
    %and3A_150 = arith.andi %le3A_145, %ge3A_149 : i1
    %convert_element_type3A_151 = arith.extui %and3A_150 : i1 to i32
    %cond3A_152 = arith.constant 0 : i32
    %cond3A_153 = arith.cmpi ne, %convert_element_type3A_151, %cond3A_152 : i32
    scf.if %cond3A_153 {
      %dma_start3A_957 = arith.constant 0 : i32
      %dma_start3A_958 = arith.constant 10 : i32
      %dma_start3A_959 = arith.constant 10 : i32
      %dma_start3A_960 = tpu.memref_slice %arg6[%dma_start3A_959] : memref<12x!tpu.dma_semaphore, #tpu.memory_space<semaphore_mem>> -> memref<1x!tpu.dma_semaphore, #tpu.memory_space<semaphore_mem>>
      %dma_start3A_961 = tpu.memref_squeeze %dma_start3A_960 : memref<1x!tpu.dma_semaphore, #tpu.memory_space<semaphore_mem>> -> memref<!tpu.dma_semaphore, #tpu.memory_space<semaphore_mem>>
      %dma_start3A_962 = arith.constant 0 : i32
      %dma_start3A_963 = arith.constant 0 : i32
      %dma_start3A_964 = arith.constant 0 : i32
      %dma_start3A_965 = tpu.memref_slice %arg5[%dma_start3A_958, %dma_start3A_962, %dma_start3A_963, %dma_start3A_964] : memref<12x512x8x128xf32, #tpu.memory_space<vmem>> -> memref<1x512x8x128xf32, #tpu.memory_space<vmem>>
      %dma_start3A_966 = tpu.memref_squeeze %dma_start3A_965 : memref<1x512x8x128xf32, #tpu.memory_space<vmem>> -> memref<512x8x128xf32, #tpu.memory_space<vmem>>
      %dma_start3A_967 = arith.constant 0 : i32
      %dma_start3A_968 = arith.constant 0 : i32
      %dma_start3A_969 = arith.constant 0 : i32
      %dma_start3A_970 = tpu.memref_slice %arg2[%dma_start3A_957, %dma_start3A_967, %dma_start3A_968, %dma_start3A_969] : memref<1x512x8x128xf32, #tpu.memory_space<hbm>> -> memref<1x512x8x128xf32, #tpu.memory_space<hbm>>
      %dma_start3A_971 = tpu.memref_squeeze %dma_start3A_970 : memref<1x512x8x128xf32, #tpu.memory_space<hbm>> -> memref<512x8x128xf32, #tpu.memory_space<hbm>>
      tpu.enqueue_dma source(%dma_start3A_971 : memref<512x8x128xf32, #tpu.memory_space<hbm>>) target(%dma_start3A_966 : memref<512x8x128xf32, #tpu.memory_space<vmem>>) target_semaphore(%dma_start3A_961 : memref<!tpu.dma_semaphore, #tpu.memory_space<semaphore_mem>>)
    } else {
    }
    %not3A_154 = arith.constant true
    %not3A_155 = arith.xori %and3A_150, %not3A_154 : i1
    %convert_element_type3A_156 = arith.extui %not3A_155 : i1 to i32
    %cond3A_157 = arith.constant 0 : i32
    %cond3A_158 = arith.cmpi ne, %convert_element_type3A_156, %cond3A_157 : i32
    scf.if %cond3A_158 {
      %dma_start3A_957 = arith.constant 0 : i32
      %dma_start3A_958 = arith.constant 10 : i32
      %dma_start3A_959 = arith.constant 10 : i32
      %dma_start3A_960 = tpu.memref_slice %arg6[%dma_start3A_959] : memref<12x!tpu.dma_semaphore, #tpu.memory_space<semaphore_mem>> -> memref<1x!tpu.dma_semaphore, #tpu.memory_space<semaphore_mem>>
      %dma_start3A_961 = tpu.memref_squeeze %dma_start3A_960 : memref<1x!tpu.dma_semaphore, #tpu.memory_space<semaphore_mem>> -> memref<!tpu.dma_semaphore, #tpu.memory_space<semaphore_mem>>
      %dma_start3A_962 = arith.constant 0 : i32
      %dma_start3A_963 = arith.constant 0 : i32
      %dma_start3A_964 = arith.constant 0 : i32
      %dma_start3A_965 = tpu.memref_slice %arg5[%dma_start3A_958, %dma_start3A_962, %dma_start3A_963, %dma_start3A_964] : memref<12x512x8x128xf32, #tpu.memory_space<vmem>> -> memref<1x512x8x128xf32, #tpu.memory_space<vmem>>
      %dma_start3A_966 = tpu.memref_squeeze %dma_start3A_965 : memref<1x512x8x128xf32, #tpu.memory_space<vmem>> -> memref<512x8x128xf32, #tpu.memory_space<vmem>>
      %dma_start3A_967 = arith.constant 5120 : i32
      %dma_start3A_968 = arith.constant 0 : i32
      %dma_start3A_969 = arith.constant 0 : i32
      %dma_start3A_970 = tpu.memref_slice %arg3[%dma_start3A_957, %dma_start3A_967, %dma_start3A_968, %dma_start3A_969] : memref<1x8192x8x128xf32, #tpu.memory_space<hbm>> -> memref<1x512x8x128xf32, #tpu.memory_space<hbm>>
      %dma_start3A_971 = tpu.memref_squeeze %dma_start3A_970 : memref<1x512x8x128xf32, #tpu.memory_space<hbm>> -> memref<512x8x128xf32, #tpu.memory_space<hbm>>
      tpu.enqueue_dma source(%dma_start3A_971 : memref<512x8x128xf32, #tpu.memory_space<hbm>>) target(%dma_start3A_966 : memref<512x8x128xf32, #tpu.memory_space<vmem>>) target_semaphore(%dma_start3A_961 : memref<!tpu.dma_semaphore, #tpu.memory_space<semaphore_mem>>)
    } else {
    }
    %le3A_159 = arith.constant 5632 : i32
    %le3A_160 = arith.cmpi sle, %multiple_of3A, %le3A_159 : i32
    %add3A_161 = arith.constant 512 : i32
    %add3A_162 = arith.addi %multiple_of3A, %add3A_161 : i32
    %ge3A_163 = arith.constant 6144 : i32
    %ge3A_164 = arith.cmpi sge, %add3A_162, %ge3A_163 : i32
    %and3A_165 = arith.andi %le3A_160, %ge3A_164 : i1
    %convert_element_type3A_166 = arith.extui %and3A_165 : i1 to i32
    %cond3A_167 = arith.constant 0 : i32
    %cond3A_168 = arith.cmpi ne, %convert_element_type3A_166, %cond3A_167 : i32
    scf.if %cond3A_168 {
      %dma_start3A_957 = arith.constant 0 : i32
      %dma_start3A_958 = arith.constant 11 : i32
      %dma_start3A_959 = arith.constant 11 : i32
      %dma_start3A_960 = tpu.memref_slice %arg6[%dma_start3A_959] : memref<12x!tpu.dma_semaphore, #tpu.memory_space<semaphore_mem>> -> memref<1x!tpu.dma_semaphore, #tpu.memory_space<semaphore_mem>>
      %dma_start3A_961 = tpu.memref_squeeze %dma_start3A_960 : memref<1x!tpu.dma_semaphore, #tpu.memory_space<semaphore_mem>> -> memref<!tpu.dma_semaphore, #tpu.memory_space<semaphore_mem>>
      %dma_start3A_962 = arith.constant 0 : i32
      %dma_start3A_963 = arith.constant 0 : i32
      %dma_start3A_964 = arith.constant 0 : i32
      %dma_start3A_965 = tpu.memref_slice %arg5[%dma_start3A_958, %dma_start3A_962, %dma_start3A_963, %dma_start3A_964] : memref<12x512x8x128xf32, #tpu.memory_space<vmem>> -> memref<1x512x8x128xf32, #tpu.memory_space<vmem>>
      %dma_start3A_966 = tpu.memref_squeeze %dma_start3A_965 : memref<1x512x8x128xf32, #tpu.memory_space<vmem>> -> memref<512x8x128xf32, #tpu.memory_space<vmem>>
      %dma_start3A_967 = arith.constant 0 : i32
      %dma_start3A_968 = arith.constant 0 : i32
      %dma_start3A_969 = arith.constant 0 : i32
      %dma_start3A_970 = tpu.memref_slice %arg2[%dma_start3A_957, %dma_start3A_967, %dma_start3A_968, %dma_start3A_969] : memref<1x512x8x128xf32, #tpu.memory_space<hbm>> -> memref<1x512x8x128xf32, #tpu.memory_space<hbm>>
      %dma_start3A_971 = tpu.memref_squeeze %dma_start3A_970 : memref<1x512x8x128xf32, #tpu.memory_space<hbm>> -> memref<512x8x128xf32, #tpu.memory_space<hbm>>
      tpu.enqueue_dma source(%dma_start3A_971 : memref<512x8x128xf32, #tpu.memory_space<hbm>>) target(%dma_start3A_966 : memref<512x8x128xf32, #tpu.memory_space<vmem>>) target_semaphore(%dma_start3A_961 : memref<!tpu.dma_semaphore, #tpu.memory_space<semaphore_mem>>)
    } else {
    }
    %not3A_169 = arith.constant true
    %not3A_170 = arith.xori %and3A_165, %not3A_169 : i1
    %convert_element_type3A_171 = arith.extui %not3A_170 : i1 to i32
    %cond3A_172 = arith.constant 0 : i32
    %cond3A_173 = arith.cmpi ne, %convert_element_type3A_171, %cond3A_172 : i32
    scf.if %cond3A_173 {
      %dma_start3A_957 = arith.constant 0 : i32
      %dma_start3A_958 = arith.constant 11 : i32
      %dma_start3A_959 = arith.constant 11 : i32
      %dma_start3A_960 = tpu.memref_slice %arg6[%dma_start3A_959] : memref<12x!tpu.dma_semaphore, #tpu.memory_space<semaphore_mem>> -> memref<1x!tpu.dma_semaphore, #tpu.memory_space<semaphore_mem>>
      %dma_start3A_961 = tpu.memref_squeeze %dma_start3A_960 : memref<1x!tpu.dma_semaphore, #tpu.memory_space<semaphore_mem>> -> memref<!tpu.dma_semaphore, #tpu.memory_space<semaphore_mem>>
      %dma_start3A_962 = arith.constant 0 : i32
      %dma_start3A_963 = arith.constant 0 : i32
      %dma_start3A_964 = arith.constant 0 : i32
      %dma_start3A_965 = tpu.memref_slice %arg5[%dma_start3A_958, %dma_start3A_962, %dma_start3A_963, %dma_start3A_964] : memref<12x512x8x128xf32, #tpu.memory_space<vmem>> -> memref<1x512x8x128xf32, #tpu.memory_space<vmem>>
      %dma_start3A_966 = tpu.memref_squeeze %dma_start3A_965 : memref<1x512x8x128xf32, #tpu.memory_space<vmem>> -> memref<512x8x128xf32, #tpu.memory_space<vmem>>
      %dma_start3A_967 = arith.constant 5632 : i32
      %dma_start3A_968 = arith.constant 0 : i32
      %dma_start3A_969 = arith.constant 0 : i32
      %dma_start3A_970 = tpu.memref_slice %arg3[%dma_start3A_957, %dma_start3A_967, %dma_start3A_968, %dma_start3A_969] : memref<1x8192x8x128xf32, #tpu.memory_space<hbm>> -> memref<1x512x8x128xf32, #tpu.memory_space<hbm>>
      %dma_start3A_971 = tpu.memref_squeeze %dma_start3A_970 : memref<1x512x8x128xf32, #tpu.memory_space<hbm>> -> memref<512x8x128xf32, #tpu.memory_space<hbm>>
      tpu.enqueue_dma source(%dma_start3A_971 : memref<512x8x128xf32, #tpu.memory_space<hbm>>) target(%dma_start3A_966 : memref<512x8x128xf32, #tpu.memory_space<vmem>>) target_semaphore(%dma_start3A_961 : memref<!tpu.dma_semaphore, #tpu.memory_space<semaphore_mem>>)
    } else {
    }
    %dma_wait3A = arith.constant 0 : i32
    %dma_wait3A_174 = arith.constant 0 : i32
    %dma_wait3A_175 = arith.constant 0 : i32
    %dma_wait3A_176 = tpu.memref_slice %arg6[%dma_wait3A_175] : memref<12x!tpu.dma_semaphore, #tpu.memory_space<semaphore_mem>> -> memref<1x!tpu.dma_semaphore, #tpu.memory_space<semaphore_mem>>
    %dma_wait3A_177 = tpu.memref_squeeze %dma_wait3A_176 : memref<1x!tpu.dma_semaphore, #tpu.memory_space<semaphore_mem>> -> memref<!tpu.dma_semaphore, #tpu.memory_space<semaphore_mem>>
    %dma_wait3A_178 = arith.constant 0 : i32
    %dma_wait3A_179 = arith.constant 0 : i32
    %dma_wait3A_180 = arith.constant 0 : i32
    %dma_wait3A_181 = tpu.memref_slice %arg5[%dma_wait3A_174, %dma_wait3A_178, %dma_wait3A_179, %dma_wait3A_180] : memref<12x512x8x128xf32, #tpu.memory_space<vmem>> -> memref<1x512x8x128xf32, #tpu.memory_space<vmem>>
    %dma_wait3A_182 = tpu.memref_squeeze %dma_wait3A_181 : memref<1x512x8x128xf32, #tpu.memory_space<vmem>> -> memref<512x8x128xf32, #tpu.memory_space<vmem>>
    %dma_wait3A_183 = arith.constant 0 : i32
    %dma_wait3A_184 = arith.constant 0 : i32
    %dma_wait3A_185 = arith.constant 0 : i32
    %dma_wait3A_186 = tpu.memref_slice %arg3[%dma_wait3A, %dma_wait3A_183, %dma_wait3A_184, %dma_wait3A_185] : memref<1x8192x8x128xf32, #tpu.memory_space<hbm>> -> memref<1x512x8x128xf32, #tpu.memory_space<hbm>>
    %dma_wait3A_187 = tpu.memref_squeeze %dma_wait3A_186 : memref<1x512x8x128xf32, #tpu.memory_space<hbm>> -> memref<512x8x128xf32, #tpu.memory_space<hbm>>
    tpu.wait_dma2 semaphore(%dma_wait3A_177 : memref<!tpu.dma_semaphore, #tpu.memory_space<semaphore_mem>>) src(%dma_wait3A_187 : memref<512x8x128xf32, #tpu.memory_space<hbm>>) dst(%dma_wait3A_182 : memref<512x8x128xf32, #tpu.memory_space<vmem>>)
    %dma_start3A = arith.constant 0 : i32
    %dma_start3A_188 = arith.constant 0 : i32
    %dma_start3A_189 = arith.constant 0 : i32
    %dma_start3A_190 = tpu.memref_slice %arg7[%dma_start3A_189] : memref<12x!tpu.dma_semaphore, #tpu.memory_space<semaphore_mem>> -> memref<1x!tpu.dma_semaphore, #tpu.memory_space<semaphore_mem>>
    %dma_start3A_191 = tpu.memref_squeeze %dma_start3A_190 : memref<1x!tpu.dma_semaphore, #tpu.memory_space<semaphore_mem>> -> memref<!tpu.dma_semaphore, #tpu.memory_space<semaphore_mem>>
    %dma_start3A_192 = arith.constant 0 : i32
    %dma_start3A_193 = arith.constant 0 : i32
    %dma_start3A_194 = arith.constant 0 : i32
    %dma_start3A_195 = tpu.memref_slice %arg4[%dma_start3A_188, %dma_start3A_192, %dma_start3A_193, %dma_start3A_194] : memref<1x8192x8x128xf32, #tpu.memory_space<hbm>> -> memref<1x512x8x128xf32, #tpu.memory_space<hbm>>
    %dma_start3A_196 = tpu.memref_squeeze %dma_start3A_195 : memref<1x512x8x128xf32, #tpu.memory_space<hbm>> -> memref<512x8x128xf32, #tpu.memory_space<hbm>>
    %dma_start3A_197 = arith.constant 0 : i32
    %dma_start3A_198 = arith.constant 0 : i32
    %dma_start3A_199 = arith.constant 0 : i32
    %dma_start3A_200 = tpu.memref_slice %arg5[%dma_start3A, %dma_start3A_197, %dma_start3A_198, %dma_start3A_199] : memref<12x512x8x128xf32, #tpu.memory_space<vmem>> -> memref<1x512x8x128xf32, #tpu.memory_space<vmem>>
    %dma_start3A_201 = tpu.memref_squeeze %dma_start3A_200 : memref<1x512x8x128xf32, #tpu.memory_space<vmem>> -> memref<512x8x128xf32, #tpu.memory_space<vmem>>
    tpu.enqueue_dma source(%dma_start3A_201 : memref<512x8x128xf32, #tpu.memory_space<vmem>>) target(%dma_start3A_196 : memref<512x8x128xf32, #tpu.memory_space<hbm>>) target_semaphore(%dma_start3A_191 : memref<!tpu.dma_semaphore, #tpu.memory_space<semaphore_mem>>)
    %dma_wait3A_202 = arith.constant 0 : i32
    %dma_wait3A_203 = arith.constant 1 : i32
    %dma_wait3A_204 = arith.constant 1 : i32
    %dma_wait3A_205 = tpu.memref_slice %arg6[%dma_wait3A_204] : memref<12x!tpu.dma_semaphore, #tpu.memory_space<semaphore_mem>> -> memref<1x!tpu.dma_semaphore, #tpu.memory_space<semaphore_mem>>
    %dma_wait3A_206 = tpu.memref_squeeze %dma_wait3A_205 : memref<1x!tpu.dma_semaphore, #tpu.memory_space<semaphore_mem>> -> memref<!tpu.dma_semaphore, #tpu.memory_space<semaphore_mem>>
    %dma_wait3A_207 = arith.constant 0 : i32
    %dma_wait3A_208 = arith.constant 0 : i32
    %dma_wait3A_209 = arith.constant 0 : i32
    %dma_wait3A_210 = tpu.memref_slice %arg5[%dma_wait3A_203, %dma_wait3A_207, %dma_wait3A_208, %dma_wait3A_209] : memref<12x512x8x128xf32, #tpu.memory_space<vmem>> -> memref<1x512x8x128xf32, #tpu.memory_space<vmem>>
    %dma_wait3A_211 = tpu.memref_squeeze %dma_wait3A_210 : memref<1x512x8x128xf32, #tpu.memory_space<vmem>> -> memref<512x8x128xf32, #tpu.memory_space<vmem>>
    %dma_wait3A_212 = arith.constant 512 : i32
    %dma_wait3A_213 = arith.constant 0 : i32
    %dma_wait3A_214 = arith.constant 0 : i32
    %dma_wait3A_215 = tpu.memref_slice %arg3[%dma_wait3A_202, %dma_wait3A_212, %dma_wait3A_213, %dma_wait3A_214] : memref<1x8192x8x128xf32, #tpu.memory_space<hbm>> -> memref<1x512x8x128xf32, #tpu.memory_space<hbm>>
    %dma_wait3A_216 = tpu.memref_squeeze %dma_wait3A_215 : memref<1x512x8x128xf32, #tpu.memory_space<hbm>> -> memref<512x8x128xf32, #tpu.memory_space<hbm>>
    tpu.wait_dma2 semaphore(%dma_wait3A_206 : memref<!tpu.dma_semaphore, #tpu.memory_space<semaphore_mem>>) src(%dma_wait3A_216 : memref<512x8x128xf32, #tpu.memory_space<hbm>>) dst(%dma_wait3A_211 : memref<512x8x128xf32, #tpu.memory_space<vmem>>)
    %dma_start3A_217 = arith.constant 1 : i32
    %dma_start3A_218 = arith.constant 0 : i32
    %dma_start3A_219 = arith.constant 1 : i32
    %dma_start3A_220 = tpu.memref_slice %arg7[%dma_start3A_219] : memref<12x!tpu.dma_semaphore, #tpu.memory_space<semaphore_mem>> -> memref<1x!tpu.dma_semaphore, #tpu.memory_space<semaphore_mem>>
    %dma_start3A_221 = tpu.memref_squeeze %dma_start3A_220 : memref<1x!tpu.dma_semaphore, #tpu.memory_space<semaphore_mem>> -> memref<!tpu.dma_semaphore, #tpu.memory_space<semaphore_mem>>
    %dma_start3A_222 = arith.constant 512 : i32
    %dma_start3A_223 = arith.constant 0 : i32
    %dma_start3A_224 = arith.constant 0 : i32
    %dma_start3A_225 = tpu.memref_slice %arg4[%dma_start3A_218, %dma_start3A_222, %dma_start3A_223, %dma_start3A_224] : memref<1x8192x8x128xf32, #tpu.memory_space<hbm>> -> memref<1x512x8x128xf32, #tpu.memory_space<hbm>>
    %dma_start3A_226 = tpu.memref_squeeze %dma_start3A_225 : memref<1x512x8x128xf32, #tpu.memory_space<hbm>> -> memref<512x8x128xf32, #tpu.memory_space<hbm>>
    %dma_start3A_227 = arith.constant 0 : i32
    %dma_start3A_228 = arith.constant 0 : i32
    %dma_start3A_229 = arith.constant 0 : i32
    %dma_start3A_230 = tpu.memref_slice %arg5[%dma_start3A_217, %dma_start3A_227, %dma_start3A_228, %dma_start3A_229] : memref<12x512x8x128xf32, #tpu.memory_space<vmem>> -> memref<1x512x8x128xf32, #tpu.memory_space<vmem>>
    %dma_start3A_231 = tpu.memref_squeeze %dma_start3A_230 : memref<1x512x8x128xf32, #tpu.memory_space<vmem>> -> memref<512x8x128xf32, #tpu.memory_space<vmem>>
    tpu.enqueue_dma source(%dma_start3A_231 : memref<512x8x128xf32, #tpu.memory_space<vmem>>) target(%dma_start3A_226 : memref<512x8x128xf32, #tpu.memory_space<hbm>>) target_semaphore(%dma_start3A_221 : memref<!tpu.dma_semaphore, #tpu.memory_space<semaphore_mem>>)
    %dma_wait3A_232 = arith.constant 0 : i32
    %dma_wait3A_233 = arith.constant 2 : i32
    %dma_wait3A_234 = arith.constant 2 : i32
    %dma_wait3A_235 = tpu.memref_slice %arg6[%dma_wait3A_234] : memref<12x!tpu.dma_semaphore, #tpu.memory_space<semaphore_mem>> -> memref<1x!tpu.dma_semaphore, #tpu.memory_space<semaphore_mem>>
    %dma_wait3A_236 = tpu.memref_squeeze %dma_wait3A_235 : memref<1x!tpu.dma_semaphore, #tpu.memory_space<semaphore_mem>> -> memref<!tpu.dma_semaphore, #tpu.memory_space<semaphore_mem>>
    %dma_wait3A_237 = arith.constant 0 : i32
    %dma_wait3A_238 = arith.constant 0 : i32
    %dma_wait3A_239 = arith.constant 0 : i32
    %dma_wait3A_240 = tpu.memref_slice %arg5[%dma_wait3A_233, %dma_wait3A_237, %dma_wait3A_238, %dma_wait3A_239] : memref<12x512x8x128xf32, #tpu.memory_space<vmem>> -> memref<1x512x8x128xf32, #tpu.memory_space<vmem>>
    %dma_wait3A_241 = tpu.memref_squeeze %dma_wait3A_240 : memref<1x512x8x128xf32, #tpu.memory_space<vmem>> -> memref<512x8x128xf32, #tpu.memory_space<vmem>>
    %dma_wait3A_242 = arith.constant 1024 : i32
    %dma_wait3A_243 = arith.constant 0 : i32
    %dma_wait3A_244 = arith.constant 0 : i32
    %dma_wait3A_245 = tpu.memref_slice %arg3[%dma_wait3A_232, %dma_wait3A_242, %dma_wait3A_243, %dma_wait3A_244] : memref<1x8192x8x128xf32, #tpu.memory_space<hbm>> -> memref<1x512x8x128xf32, #tpu.memory_space<hbm>>
    %dma_wait3A_246 = tpu.memref_squeeze %dma_wait3A_245 : memref<1x512x8x128xf32, #tpu.memory_space<hbm>> -> memref<512x8x128xf32, #tpu.memory_space<hbm>>
    tpu.wait_dma2 semaphore(%dma_wait3A_236 : memref<!tpu.dma_semaphore, #tpu.memory_space<semaphore_mem>>) src(%dma_wait3A_246 : memref<512x8x128xf32, #tpu.memory_space<hbm>>) dst(%dma_wait3A_241 : memref<512x8x128xf32, #tpu.memory_space<vmem>>)
    %dma_start3A_247 = arith.constant 2 : i32
    %dma_start3A_248 = arith.constant 0 : i32
    %dma_start3A_249 = arith.constant 2 : i32
    %dma_start3A_250 = tpu.memref_slice %arg7[%dma_start3A_249] : memref<12x!tpu.dma_semaphore, #tpu.memory_space<semaphore_mem>> -> memref<1x!tpu.dma_semaphore, #tpu.memory_space<semaphore_mem>>
    %dma_start3A_251 = tpu.memref_squeeze %dma_start3A_250 : memref<1x!tpu.dma_semaphore, #tpu.memory_space<semaphore_mem>> -> memref<!tpu.dma_semaphore, #tpu.memory_space<semaphore_mem>>
    %dma_start3A_252 = arith.constant 1024 : i32
    %dma_start3A_253 = arith.constant 0 : i32
    %dma_start3A_254 = arith.constant 0 : i32
    %dma_start3A_255 = tpu.memref_slice %arg4[%dma_start3A_248, %dma_start3A_252, %dma_start3A_253, %dma_start3A_254] : memref<1x8192x8x128xf32, #tpu.memory_space<hbm>> -> memref<1x512x8x128xf32, #tpu.memory_space<hbm>>
    %dma_start3A_256 = tpu.memref_squeeze %dma_start3A_255 : memref<1x512x8x128xf32, #tpu.memory_space<hbm>> -> memref<512x8x128xf32, #tpu.memory_space<hbm>>
    %dma_start3A_257 = arith.constant 0 : i32
    %dma_start3A_258 = arith.constant 0 : i32
    %dma_start3A_259 = arith.constant 0 : i32
    %dma_start3A_260 = tpu.memref_slice %arg5[%dma_start3A_247, %dma_start3A_257, %dma_start3A_258, %dma_start3A_259] : memref<12x512x8x128xf32, #tpu.memory_space<vmem>> -> memref<1x512x8x128xf32, #tpu.memory_space<vmem>>
    %dma_start3A_261 = tpu.memref_squeeze %dma_start3A_260 : memref<1x512x8x128xf32, #tpu.memory_space<vmem>> -> memref<512x8x128xf32, #tpu.memory_space<vmem>>
    tpu.enqueue_dma source(%dma_start3A_261 : memref<512x8x128xf32, #tpu.memory_space<vmem>>) target(%dma_start3A_256 : memref<512x8x128xf32, #tpu.memory_space<hbm>>) target_semaphore(%dma_start3A_251 : memref<!tpu.dma_semaphore, #tpu.memory_space<semaphore_mem>>)
    %dma_wait3A_262 = arith.constant 0 : i32
    %dma_wait3A_263 = arith.constant 3 : i32
    %dma_wait3A_264 = arith.constant 3 : i32
    %dma_wait3A_265 = tpu.memref_slice %arg6[%dma_wait3A_264] : memref<12x!tpu.dma_semaphore, #tpu.memory_space<semaphore_mem>> -> memref<1x!tpu.dma_semaphore, #tpu.memory_space<semaphore_mem>>
    %dma_wait3A_266 = tpu.memref_squeeze %dma_wait3A_265 : memref<1x!tpu.dma_semaphore, #tpu.memory_space<semaphore_mem>> -> memref<!tpu.dma_semaphore, #tpu.memory_space<semaphore_mem>>
    %dma_wait3A_267 = arith.constant 0 : i32
    %dma_wait3A_268 = arith.constant 0 : i32
    %dma_wait3A_269 = arith.constant 0 : i32
    %dma_wait3A_270 = tpu.memref_slice %arg5[%dma_wait3A_263, %dma_wait3A_267, %dma_wait3A_268, %dma_wait3A_269] : memref<12x512x8x128xf32, #tpu.memory_space<vmem>> -> memref<1x512x8x128xf32, #tpu.memory_space<vmem>>
    %dma_wait3A_271 = tpu.memref_squeeze %dma_wait3A_270 : memref<1x512x8x128xf32, #tpu.memory_space<vmem>> -> memref<512x8x128xf32, #tpu.memory_space<vmem>>
    %dma_wait3A_272 = arith.constant 1536 : i32
    %dma_wait3A_273 = arith.constant 0 : i32
    %dma_wait3A_274 = arith.constant 0 : i32
    %dma_wait3A_275 = tpu.memref_slice %arg3[%dma_wait3A_262, %dma_wait3A_272, %dma_wait3A_273, %dma_wait3A_274] : memref<1x8192x8x128xf32, #tpu.memory_space<hbm>> -> memref<1x512x8x128xf32, #tpu.memory_space<hbm>>
    %dma_wait3A_276 = tpu.memref_squeeze %dma_wait3A_275 : memref<1x512x8x128xf32, #tpu.memory_space<hbm>> -> memref<512x8x128xf32, #tpu.memory_space<hbm>>
    tpu.wait_dma2 semaphore(%dma_wait3A_266 : memref<!tpu.dma_semaphore, #tpu.memory_space<semaphore_mem>>) src(%dma_wait3A_276 : memref<512x8x128xf32, #tpu.memory_space<hbm>>) dst(%dma_wait3A_271 : memref<512x8x128xf32, #tpu.memory_space<vmem>>)
    %dma_start3A_277 = arith.constant 3 : i32
    %dma_start3A_278 = arith.constant 0 : i32
    %dma_start3A_279 = arith.constant 3 : i32
    %dma_start3A_280 = tpu.memref_slice %arg7[%dma_start3A_279] : memref<12x!tpu.dma_semaphore, #tpu.memory_space<semaphore_mem>> -> memref<1x!tpu.dma_semaphore, #tpu.memory_space<semaphore_mem>>
    %dma_start3A_281 = tpu.memref_squeeze %dma_start3A_280 : memref<1x!tpu.dma_semaphore, #tpu.memory_space<semaphore_mem>> -> memref<!tpu.dma_semaphore, #tpu.memory_space<semaphore_mem>>
    %dma_start3A_282 = arith.constant 1536 : i32
    %dma_start3A_283 = arith.constant 0 : i32
    %dma_start3A_284 = arith.constant 0 : i32
    %dma_start3A_285 = tpu.memref_slice %arg4[%dma_start3A_278, %dma_start3A_282, %dma_start3A_283, %dma_start3A_284] : memref<1x8192x8x128xf32, #tpu.memory_space<hbm>> -> memref<1x512x8x128xf32, #tpu.memory_space<hbm>>
    %dma_start3A_286 = tpu.memref_squeeze %dma_start3A_285 : memref<1x512x8x128xf32, #tpu.memory_space<hbm>> -> memref<512x8x128xf32, #tpu.memory_space<hbm>>
    %dma_start3A_287 = arith.constant 0 : i32
    %dma_start3A_288 = arith.constant 0 : i32
    %dma_start3A_289 = arith.constant 0 : i32
    %dma_start3A_290 = tpu.memref_slice %arg5[%dma_start3A_277, %dma_start3A_287, %dma_start3A_288, %dma_start3A_289] : memref<12x512x8x128xf32, #tpu.memory_space<vmem>> -> memref<1x512x8x128xf32, #tpu.memory_space<vmem>>
    %dma_start3A_291 = tpu.memref_squeeze %dma_start3A_290 : memref<1x512x8x128xf32, #tpu.memory_space<vmem>> -> memref<512x8x128xf32, #tpu.memory_space<vmem>>
    tpu.enqueue_dma source(%dma_start3A_291 : memref<512x8x128xf32, #tpu.memory_space<vmem>>) target(%dma_start3A_286 : memref<512x8x128xf32, #tpu.memory_space<hbm>>) target_semaphore(%dma_start3A_281 : memref<!tpu.dma_semaphore, #tpu.memory_space<semaphore_mem>>)
    %dma_wait3A_292 = arith.constant 0 : i32
    %dma_wait3A_293 = arith.constant 4 : i32
    %dma_wait3A_294 = arith.constant 4 : i32
    %dma_wait3A_295 = tpu.memref_slice %arg6[%dma_wait3A_294] : memref<12x!tpu.dma_semaphore, #tpu.memory_space<semaphore_mem>> -> memref<1x!tpu.dma_semaphore, #tpu.memory_space<semaphore_mem>>
    %dma_wait3A_296 = tpu.memref_squeeze %dma_wait3A_295 : memref<1x!tpu.dma_semaphore, #tpu.memory_space<semaphore_mem>> -> memref<!tpu.dma_semaphore, #tpu.memory_space<semaphore_mem>>
    %dma_wait3A_297 = arith.constant 0 : i32
    %dma_wait3A_298 = arith.constant 0 : i32
    %dma_wait3A_299 = arith.constant 0 : i32
    %dma_wait3A_300 = tpu.memref_slice %arg5[%dma_wait3A_293, %dma_wait3A_297, %dma_wait3A_298, %dma_wait3A_299] : memref<12x512x8x128xf32, #tpu.memory_space<vmem>> -> memref<1x512x8x128xf32, #tpu.memory_space<vmem>>
    %dma_wait3A_301 = tpu.memref_squeeze %dma_wait3A_300 : memref<1x512x8x128xf32, #tpu.memory_space<vmem>> -> memref<512x8x128xf32, #tpu.memory_space<vmem>>
    %dma_wait3A_302 = arith.constant 2048 : i32
    %dma_wait3A_303 = arith.constant 0 : i32
    %dma_wait3A_304 = arith.constant 0 : i32
    %dma_wait3A_305 = tpu.memref_slice %arg3[%dma_wait3A_292, %dma_wait3A_302, %dma_wait3A_303, %dma_wait3A_304] : memref<1x8192x8x128xf32, #tpu.memory_space<hbm>> -> memref<1x512x8x128xf32, #tpu.memory_space<hbm>>
    %dma_wait3A_306 = tpu.memref_squeeze %dma_wait3A_305 : memref<1x512x8x128xf32, #tpu.memory_space<hbm>> -> memref<512x8x128xf32, #tpu.memory_space<hbm>>
    tpu.wait_dma2 semaphore(%dma_wait3A_296 : memref<!tpu.dma_semaphore, #tpu.memory_space<semaphore_mem>>) src(%dma_wait3A_306 : memref<512x8x128xf32, #tpu.memory_space<hbm>>) dst(%dma_wait3A_301 : memref<512x8x128xf32, #tpu.memory_space<vmem>>)
    %dma_start3A_307 = arith.constant 4 : i32
    %dma_start3A_308 = arith.constant 0 : i32
    %dma_start3A_309 = arith.constant 4 : i32
    %dma_start3A_310 = tpu.memref_slice %arg7[%dma_start3A_309] : memref<12x!tpu.dma_semaphore, #tpu.memory_space<semaphore_mem>> -> memref<1x!tpu.dma_semaphore, #tpu.memory_space<semaphore_mem>>
    %dma_start3A_311 = tpu.memref_squeeze %dma_start3A_310 : memref<1x!tpu.dma_semaphore, #tpu.memory_space<semaphore_mem>> -> memref<!tpu.dma_semaphore, #tpu.memory_space<semaphore_mem>>
    %dma_start3A_312 = arith.constant 2048 : i32
    %dma_start3A_313 = arith.constant 0 : i32
    %dma_start3A_314 = arith.constant 0 : i32
    %dma_start3A_315 = tpu.memref_slice %arg4[%dma_start3A_308, %dma_start3A_312, %dma_start3A_313, %dma_start3A_314] : memref<1x8192x8x128xf32, #tpu.memory_space<hbm>> -> memref<1x512x8x128xf32, #tpu.memory_space<hbm>>
    %dma_start3A_316 = tpu.memref_squeeze %dma_start3A_315 : memref<1x512x8x128xf32, #tpu.memory_space<hbm>> -> memref<512x8x128xf32, #tpu.memory_space<hbm>>
    %dma_start3A_317 = arith.constant 0 : i32
    %dma_start3A_318 = arith.constant 0 : i32
    %dma_start3A_319 = arith.constant 0 : i32
    %dma_start3A_320 = tpu.memref_slice %arg5[%dma_start3A_307, %dma_start3A_317, %dma_start3A_318, %dma_start3A_319] : memref<12x512x8x128xf32, #tpu.memory_space<vmem>> -> memref<1x512x8x128xf32, #tpu.memory_space<vmem>>
    %dma_start3A_321 = tpu.memref_squeeze %dma_start3A_320 : memref<1x512x8x128xf32, #tpu.memory_space<vmem>> -> memref<512x8x128xf32, #tpu.memory_space<vmem>>
    tpu.enqueue_dma source(%dma_start3A_321 : memref<512x8x128xf32, #tpu.memory_space<vmem>>) target(%dma_start3A_316 : memref<512x8x128xf32, #tpu.memory_space<hbm>>) target_semaphore(%dma_start3A_311 : memref<!tpu.dma_semaphore, #tpu.memory_space<semaphore_mem>>)
    %dma_wait3A_322 = arith.constant 0 : i32
    %dma_wait3A_323 = arith.constant 5 : i32
    %dma_wait3A_324 = arith.constant 5 : i32
    %dma_wait3A_325 = tpu.memref_slice %arg6[%dma_wait3A_324] : memref<12x!tpu.dma_semaphore, #tpu.memory_space<semaphore_mem>> -> memref<1x!tpu.dma_semaphore, #tpu.memory_space<semaphore_mem>>
    %dma_wait3A_326 = tpu.memref_squeeze %dma_wait3A_325 : memref<1x!tpu.dma_semaphore, #tpu.memory_space<semaphore_mem>> -> memref<!tpu.dma_semaphore, #tpu.memory_space<semaphore_mem>>
    %dma_wait3A_327 = arith.constant 0 : i32
    %dma_wait3A_328 = arith.constant 0 : i32
    %dma_wait3A_329 = arith.constant 0 : i32
    %dma_wait3A_330 = tpu.memref_slice %arg5[%dma_wait3A_323, %dma_wait3A_327, %dma_wait3A_328, %dma_wait3A_329] : memref<12x512x8x128xf32, #tpu.memory_space<vmem>> -> memref<1x512x8x128xf32, #tpu.memory_space<vmem>>
    %dma_wait3A_331 = tpu.memref_squeeze %dma_wait3A_330 : memref<1x512x8x128xf32, #tpu.memory_space<vmem>> -> memref<512x8x128xf32, #tpu.memory_space<vmem>>
    %dma_wait3A_332 = arith.constant 2560 : i32
    %dma_wait3A_333 = arith.constant 0 : i32
    %dma_wait3A_334 = arith.constant 0 : i32
    %dma_wait3A_335 = tpu.memref_slice %arg3[%dma_wait3A_322, %dma_wait3A_332, %dma_wait3A_333, %dma_wait3A_334] : memref<1x8192x8x128xf32, #tpu.memory_space<hbm>> -> memref<1x512x8x128xf32, #tpu.memory_space<hbm>>
    %dma_wait3A_336 = tpu.memref_squeeze %dma_wait3A_335 : memref<1x512x8x128xf32, #tpu.memory_space<hbm>> -> memref<512x8x128xf32, #tpu.memory_space<hbm>>
    tpu.wait_dma2 semaphore(%dma_wait3A_326 : memref<!tpu.dma_semaphore, #tpu.memory_space<semaphore_mem>>) src(%dma_wait3A_336 : memref<512x8x128xf32, #tpu.memory_space<hbm>>) dst(%dma_wait3A_331 : memref<512x8x128xf32, #tpu.memory_space<vmem>>)
    %dma_start3A_337 = arith.constant 5 : i32
    %dma_start3A_338 = arith.constant 0 : i32
    %dma_start3A_339 = arith.constant 5 : i32
    %dma_start3A_340 = tpu.memref_slice %arg7[%dma_start3A_339] : memref<12x!tpu.dma_semaphore, #tpu.memory_space<semaphore_mem>> -> memref<1x!tpu.dma_semaphore, #tpu.memory_space<semaphore_mem>>
    %dma_start3A_341 = tpu.memref_squeeze %dma_start3A_340 : memref<1x!tpu.dma_semaphore, #tpu.memory_space<semaphore_mem>> -> memref<!tpu.dma_semaphore, #tpu.memory_space<semaphore_mem>>
    %dma_start3A_342 = arith.constant 2560 : i32
    %dma_start3A_343 = arith.constant 0 : i32
    %dma_start3A_344 = arith.constant 0 : i32
    %dma_start3A_345 = tpu.memref_slice %arg4[%dma_start3A_338, %dma_start3A_342, %dma_start3A_343, %dma_start3A_344] : memref<1x8192x8x128xf32, #tpu.memory_space<hbm>> -> memref<1x512x8x128xf32, #tpu.memory_space<hbm>>
    %dma_start3A_346 = tpu.memref_squeeze %dma_start3A_345 : memref<1x512x8x128xf32, #tpu.memory_space<hbm>> -> memref<512x8x128xf32, #tpu.memory_space<hbm>>
    %dma_start3A_347 = arith.constant 0 : i32
    %dma_start3A_348 = arith.constant 0 : i32
    %dma_start3A_349 = arith.constant 0 : i32
    %dma_start3A_350 = tpu.memref_slice %arg5[%dma_start3A_337, %dma_start3A_347, %dma_start3A_348, %dma_start3A_349] : memref<12x512x8x128xf32, #tpu.memory_space<vmem>> -> memref<1x512x8x128xf32, #tpu.memory_space<vmem>>
    %dma_start3A_351 = tpu.memref_squeeze %dma_start3A_350 : memref<1x512x8x128xf32, #tpu.memory_space<vmem>> -> memref<512x8x128xf32, #tpu.memory_space<vmem>>
    tpu.enqueue_dma source(%dma_start3A_351 : memref<512x8x128xf32, #tpu.memory_space<vmem>>) target(%dma_start3A_346 : memref<512x8x128xf32, #tpu.memory_space<hbm>>) target_semaphore(%dma_start3A_341 : memref<!tpu.dma_semaphore, #tpu.memory_space<semaphore_mem>>)
    %dma_wait3A_352 = arith.constant 0 : i32
    %dma_wait3A_353 = arith.constant 6 : i32
    %dma_wait3A_354 = arith.constant 6 : i32
    %dma_wait3A_355 = tpu.memref_slice %arg6[%dma_wait3A_354] : memref<12x!tpu.dma_semaphore, #tpu.memory_space<semaphore_mem>> -> memref<1x!tpu.dma_semaphore, #tpu.memory_space<semaphore_mem>>
    %dma_wait3A_356 = tpu.memref_squeeze %dma_wait3A_355 : memref<1x!tpu.dma_semaphore, #tpu.memory_space<semaphore_mem>> -> memref<!tpu.dma_semaphore, #tpu.memory_space<semaphore_mem>>
    %dma_wait3A_357 = arith.constant 0 : i32
    %dma_wait3A_358 = arith.constant 0 : i32
    %dma_wait3A_359 = arith.constant 0 : i32
    %dma_wait3A_360 = tpu.memref_slice %arg5[%dma_wait3A_353, %dma_wait3A_357, %dma_wait3A_358, %dma_wait3A_359] : memref<12x512x8x128xf32, #tpu.memory_space<vmem>> -> memref<1x512x8x128xf32, #tpu.memory_space<vmem>>
    %dma_wait3A_361 = tpu.memref_squeeze %dma_wait3A_360 : memref<1x512x8x128xf32, #tpu.memory_space<vmem>> -> memref<512x8x128xf32, #tpu.memory_space<vmem>>
    %dma_wait3A_362 = arith.constant 3072 : i32
    %dma_wait3A_363 = arith.constant 0 : i32
    %dma_wait3A_364 = arith.constant 0 : i32
    %dma_wait3A_365 = tpu.memref_slice %arg3[%dma_wait3A_352, %dma_wait3A_362, %dma_wait3A_363, %dma_wait3A_364] : memref<1x8192x8x128xf32, #tpu.memory_space<hbm>> -> memref<1x512x8x128xf32, #tpu.memory_space<hbm>>
    %dma_wait3A_366 = tpu.memref_squeeze %dma_wait3A_365 : memref<1x512x8x128xf32, #tpu.memory_space<hbm>> -> memref<512x8x128xf32, #tpu.memory_space<hbm>>
    tpu.wait_dma2 semaphore(%dma_wait3A_356 : memref<!tpu.dma_semaphore, #tpu.memory_space<semaphore_mem>>) src(%dma_wait3A_366 : memref<512x8x128xf32, #tpu.memory_space<hbm>>) dst(%dma_wait3A_361 : memref<512x8x128xf32, #tpu.memory_space<vmem>>)
    %dma_start3A_367 = arith.constant 6 : i32
    %dma_start3A_368 = arith.constant 0 : i32
    %dma_start3A_369 = arith.constant 6 : i32
    %dma_start3A_370 = tpu.memref_slice %arg7[%dma_start3A_369] : memref<12x!tpu.dma_semaphore, #tpu.memory_space<semaphore_mem>> -> memref<1x!tpu.dma_semaphore, #tpu.memory_space<semaphore_mem>>
    %dma_start3A_371 = tpu.memref_squeeze %dma_start3A_370 : memref<1x!tpu.dma_semaphore, #tpu.memory_space<semaphore_mem>> -> memref<!tpu.dma_semaphore, #tpu.memory_space<semaphore_mem>>
    %dma_start3A_372 = arith.constant 3072 : i32
    %dma_start3A_373 = arith.constant 0 : i32
    %dma_start3A_374 = arith.constant 0 : i32
    %dma_start3A_375 = tpu.memref_slice %arg4[%dma_start3A_368, %dma_start3A_372, %dma_start3A_373, %dma_start3A_374] : memref<1x8192x8x128xf32, #tpu.memory_space<hbm>> -> memref<1x512x8x128xf32, #tpu.memory_space<hbm>>
    %dma_start3A_376 = tpu.memref_squeeze %dma_start3A_375 : memref<1x512x8x128xf32, #tpu.memory_space<hbm>> -> memref<512x8x128xf32, #tpu.memory_space<hbm>>
    %dma_start3A_377 = arith.constant 0 : i32
    %dma_start3A_378 = arith.constant 0 : i32
    %dma_start3A_379 = arith.constant 0 : i32
    %dma_start3A_380 = tpu.memref_slice %arg5[%dma_start3A_367, %dma_start3A_377, %dma_start3A_378, %dma_start3A_379] : memref<12x512x8x128xf32, #tpu.memory_space<vmem>> -> memref<1x512x8x128xf32, #tpu.memory_space<vmem>>
    %dma_start3A_381 = tpu.memref_squeeze %dma_start3A_380 : memref<1x512x8x128xf32, #tpu.memory_space<vmem>> -> memref<512x8x128xf32, #tpu.memory_space<vmem>>
    tpu.enqueue_dma source(%dma_start3A_381 : memref<512x8x128xf32, #tpu.memory_space<vmem>>) target(%dma_start3A_376 : memref<512x8x128xf32, #tpu.memory_space<hbm>>) target_semaphore(%dma_start3A_371 : memref<!tpu.dma_semaphore, #tpu.memory_space<semaphore_mem>>)
    %dma_wait3A_382 = arith.constant 0 : i32
    %dma_wait3A_383 = arith.constant 0 : i32
    %dma_wait3A_384 = arith.constant 0 : i32
    %dma_wait3A_385 = tpu.memref_slice %arg7[%dma_wait3A_384] : memref<12x!tpu.dma_semaphore, #tpu.memory_space<semaphore_mem>> -> memref<1x!tpu.dma_semaphore, #tpu.memory_space<semaphore_mem>>
    %dma_wait3A_386 = tpu.memref_squeeze %dma_wait3A_385 : memref<1x!tpu.dma_semaphore, #tpu.memory_space<semaphore_mem>> -> memref<!tpu.dma_semaphore, #tpu.memory_space<semaphore_mem>>
    %dma_wait3A_387 = arith.constant 0 : i32
    %dma_wait3A_388 = arith.constant 0 : i32
    %dma_wait3A_389 = arith.constant 0 : i32
    %dma_wait3A_390 = tpu.memref_slice %arg4[%dma_wait3A_383, %dma_wait3A_387, %dma_wait3A_388, %dma_wait3A_389] : memref<1x8192x8x128xf32, #tpu.memory_space<hbm>> -> memref<1x512x8x128xf32, #tpu.memory_space<hbm>>
    %dma_wait3A_391 = tpu.memref_squeeze %dma_wait3A_390 : memref<1x512x8x128xf32, #tpu.memory_space<hbm>> -> memref<512x8x128xf32, #tpu.memory_space<hbm>>
    %dma_wait3A_392 = arith.constant 0 : i32
    %dma_wait3A_393 = arith.constant 0 : i32
    %dma_wait3A_394 = arith.constant 0 : i32
    %dma_wait3A_395 = tpu.memref_slice %arg5[%dma_wait3A_382, %dma_wait3A_392, %dma_wait3A_393, %dma_wait3A_394] : memref<12x512x8x128xf32, #tpu.memory_space<vmem>> -> memref<1x512x8x128xf32, #tpu.memory_space<vmem>>
    %dma_wait3A_396 = tpu.memref_squeeze %dma_wait3A_395 : memref<1x512x8x128xf32, #tpu.memory_space<vmem>> -> memref<512x8x128xf32, #tpu.memory_space<vmem>>
    tpu.wait_dma2 semaphore(%dma_wait3A_386 : memref<!tpu.dma_semaphore, #tpu.memory_space<semaphore_mem>>) src(%dma_wait3A_396 : memref<512x8x128xf32, #tpu.memory_space<vmem>>) dst(%dma_wait3A_391 : memref<512x8x128xf32, #tpu.memory_space<hbm>>)
    %le3A_397 = arith.constant 6144 : i32
    %le3A_398 = arith.cmpi sle, %multiple_of3A, %le3A_397 : i32
    %add3A_399 = arith.constant 512 : i32
    %add3A_400 = arith.addi %multiple_of3A, %add3A_399 : i32
    %ge3A_401 = arith.constant 6656 : i32
    %ge3A_402 = arith.cmpi sge, %add3A_400, %ge3A_401 : i32
    %and3A_403 = arith.andi %le3A_398, %ge3A_402 : i1
    %convert_element_type3A_404 = arith.extui %and3A_403 : i1 to i32
    %cond3A_405 = arith.constant 0 : i32
    %cond3A_406 = arith.cmpi ne, %convert_element_type3A_404, %cond3A_405 : i32
    scf.if %cond3A_406 {
      %dma_start3A_957 = arith.constant 0 : i32
      %dma_start3A_958 = arith.constant 0 : i32
      %dma_start3A_959 = arith.constant 0 : i32
      %dma_start3A_960 = tpu.memref_slice %arg6[%dma_start3A_959] : memref<12x!tpu.dma_semaphore, #tpu.memory_space<semaphore_mem>> -> memref<1x!tpu.dma_semaphore, #tpu.memory_space<semaphore_mem>>
      %dma_start3A_961 = tpu.memref_squeeze %dma_start3A_960 : memref<1x!tpu.dma_semaphore, #tpu.memory_space<semaphore_mem>> -> memref<!tpu.dma_semaphore, #tpu.memory_space<semaphore_mem>>
      %dma_start3A_962 = arith.constant 0 : i32
      %dma_start3A_963 = arith.constant 0 : i32
      %dma_start3A_964 = arith.constant 0 : i32
      %dma_start3A_965 = tpu.memref_slice %arg5[%dma_start3A_958, %dma_start3A_962, %dma_start3A_963, %dma_start3A_964] : memref<12x512x8x128xf32, #tpu.memory_space<vmem>> -> memref<1x512x8x128xf32, #tpu.memory_space<vmem>>
      %dma_start3A_966 = tpu.memref_squeeze %dma_start3A_965 : memref<1x512x8x128xf32, #tpu.memory_space<vmem>> -> memref<512x8x128xf32, #tpu.memory_space<vmem>>
      %dma_start3A_967 = arith.constant 0 : i32
      %dma_start3A_968 = arith.constant 0 : i32
      %dma_start3A_969 = arith.constant 0 : i32
      %dma_start3A_970 = tpu.memref_slice %arg2[%dma_start3A_957, %dma_start3A_967, %dma_start3A_968, %dma_start3A_969] : memref<1x512x8x128xf32, #tpu.memory_space<hbm>> -> memref<1x512x8x128xf32, #tpu.memory_space<hbm>>
      %dma_start3A_971 = tpu.memref_squeeze %dma_start3A_970 : memref<1x512x8x128xf32, #tpu.memory_space<hbm>> -> memref<512x8x128xf32, #tpu.memory_space<hbm>>
      tpu.enqueue_dma source(%dma_start3A_971 : memref<512x8x128xf32, #tpu.memory_space<hbm>>) target(%dma_start3A_966 : memref<512x8x128xf32, #tpu.memory_space<vmem>>) target_semaphore(%dma_start3A_961 : memref<!tpu.dma_semaphore, #tpu.memory_space<semaphore_mem>>)
    } else {
    }
    %not3A_407 = arith.constant true
    %not3A_408 = arith.xori %and3A_403, %not3A_407 : i1
    %convert_element_type3A_409 = arith.extui %not3A_408 : i1 to i32
    %cond3A_410 = arith.constant 0 : i32
    %cond3A_411 = arith.cmpi ne, %convert_element_type3A_409, %cond3A_410 : i32
    scf.if %cond3A_411 {
      %dma_start3A_957 = arith.constant 0 : i32
      %dma_start3A_958 = arith.constant 0 : i32
      %dma_start3A_959 = arith.constant 0 : i32
      %dma_start3A_960 = tpu.memref_slice %arg6[%dma_start3A_959] : memref<12x!tpu.dma_semaphore, #tpu.memory_space<semaphore_mem>> -> memref<1x!tpu.dma_semaphore, #tpu.memory_space<semaphore_mem>>
      %dma_start3A_961 = tpu.memref_squeeze %dma_start3A_960 : memref<1x!tpu.dma_semaphore, #tpu.memory_space<semaphore_mem>> -> memref<!tpu.dma_semaphore, #tpu.memory_space<semaphore_mem>>
      %dma_start3A_962 = arith.constant 0 : i32
      %dma_start3A_963 = arith.constant 0 : i32
      %dma_start3A_964 = arith.constant 0 : i32
      %dma_start3A_965 = tpu.memref_slice %arg5[%dma_start3A_958, %dma_start3A_962, %dma_start3A_963, %dma_start3A_964] : memref<12x512x8x128xf32, #tpu.memory_space<vmem>> -> memref<1x512x8x128xf32, #tpu.memory_space<vmem>>
      %dma_start3A_966 = tpu.memref_squeeze %dma_start3A_965 : memref<1x512x8x128xf32, #tpu.memory_space<vmem>> -> memref<512x8x128xf32, #tpu.memory_space<vmem>>
      %dma_start3A_967 = arith.constant 6144 : i32
      %dma_start3A_968 = arith.constant 0 : i32
      %dma_start3A_969 = arith.constant 0 : i32
      %dma_start3A_970 = tpu.memref_slice %arg3[%dma_start3A_957, %dma_start3A_967, %dma_start3A_968, %dma_start3A_969] : memref<1x8192x8x128xf32, #tpu.memory_space<hbm>> -> memref<1x512x8x128xf32, #tpu.memory_space<hbm>>
      %dma_start3A_971 = tpu.memref_squeeze %dma_start3A_970 : memref<1x512x8x128xf32, #tpu.memory_space<hbm>> -> memref<512x8x128xf32, #tpu.memory_space<hbm>>
      tpu.enqueue_dma source(%dma_start3A_971 : memref<512x8x128xf32, #tpu.memory_space<hbm>>) target(%dma_start3A_966 : memref<512x8x128xf32, #tpu.memory_space<vmem>>) target_semaphore(%dma_start3A_961 : memref<!tpu.dma_semaphore, #tpu.memory_space<semaphore_mem>>)
    } else {
    }
    %dma_wait3A_412 = arith.constant 0 : i32
    %dma_wait3A_413 = arith.constant 7 : i32
    %dma_wait3A_414 = arith.constant 7 : i32
    %dma_wait3A_415 = tpu.memref_slice %arg6[%dma_wait3A_414] : memref<12x!tpu.dma_semaphore, #tpu.memory_space<semaphore_mem>> -> memref<1x!tpu.dma_semaphore, #tpu.memory_space<semaphore_mem>>
    %dma_wait3A_416 = tpu.memref_squeeze %dma_wait3A_415 : memref<1x!tpu.dma_semaphore, #tpu.memory_space<semaphore_mem>> -> memref<!tpu.dma_semaphore, #tpu.memory_space<semaphore_mem>>
    %dma_wait3A_417 = arith.constant 0 : i32
    %dma_wait3A_418 = arith.constant 0 : i32
    %dma_wait3A_419 = arith.constant 0 : i32
    %dma_wait3A_420 = tpu.memref_slice %arg5[%dma_wait3A_413, %dma_wait3A_417, %dma_wait3A_418, %dma_wait3A_419] : memref<12x512x8x128xf32, #tpu.memory_space<vmem>> -> memref<1x512x8x128xf32, #tpu.memory_space<vmem>>
    %dma_wait3A_421 = tpu.memref_squeeze %dma_wait3A_420 : memref<1x512x8x128xf32, #tpu.memory_space<vmem>> -> memref<512x8x128xf32, #tpu.memory_space<vmem>>
    %dma_wait3A_422 = arith.constant 3584 : i32
    %dma_wait3A_423 = arith.constant 0 : i32
    %dma_wait3A_424 = arith.constant 0 : i32
    %dma_wait3A_425 = tpu.memref_slice %arg3[%dma_wait3A_412, %dma_wait3A_422, %dma_wait3A_423, %dma_wait3A_424] : memref<1x8192x8x128xf32, #tpu.memory_space<hbm>> -> memref<1x512x8x128xf32, #tpu.memory_space<hbm>>
    %dma_wait3A_426 = tpu.memref_squeeze %dma_wait3A_425 : memref<1x512x8x128xf32, #tpu.memory_space<hbm>> -> memref<512x8x128xf32, #tpu.memory_space<hbm>>
    tpu.wait_dma2 semaphore(%dma_wait3A_416 : memref<!tpu.dma_semaphore, #tpu.memory_space<semaphore_mem>>) src(%dma_wait3A_426 : memref<512x8x128xf32, #tpu.memory_space<hbm>>) dst(%dma_wait3A_421 : memref<512x8x128xf32, #tpu.memory_space<vmem>>)
    %dma_start3A_427 = arith.constant 7 : i32
    %dma_start3A_428 = arith.constant 0 : i32
    %dma_start3A_429 = arith.constant 7 : i32
    %dma_start3A_430 = tpu.memref_slice %arg7[%dma_start3A_429] : memref<12x!tpu.dma_semaphore, #tpu.memory_space<semaphore_mem>> -> memref<1x!tpu.dma_semaphore, #tpu.memory_space<semaphore_mem>>
    %dma_start3A_431 = tpu.memref_squeeze %dma_start3A_430 : memref<1x!tpu.dma_semaphore, #tpu.memory_space<semaphore_mem>> -> memref<!tpu.dma_semaphore, #tpu.memory_space<semaphore_mem>>
    %dma_start3A_432 = arith.constant 3584 : i32
    %dma_start3A_433 = arith.constant 0 : i32
    %dma_start3A_434 = arith.constant 0 : i32
    %dma_start3A_435 = tpu.memref_slice %arg4[%dma_start3A_428, %dma_start3A_432, %dma_start3A_433, %dma_start3A_434] : memref<1x8192x8x128xf32, #tpu.memory_space<hbm>> -> memref<1x512x8x128xf32, #tpu.memory_space<hbm>>
    %dma_start3A_436 = tpu.memref_squeeze %dma_start3A_435 : memref<1x512x8x128xf32, #tpu.memory_space<hbm>> -> memref<512x8x128xf32, #tpu.memory_space<hbm>>
    %dma_start3A_437 = arith.constant 0 : i32
    %dma_start3A_438 = arith.constant 0 : i32
    %dma_start3A_439 = arith.constant 0 : i32
    %dma_start3A_440 = tpu.memref_slice %arg5[%dma_start3A_427, %dma_start3A_437, %dma_start3A_438, %dma_start3A_439] : memref<12x512x8x128xf32, #tpu.memory_space<vmem>> -> memref<1x512x8x128xf32, #tpu.memory_space<vmem>>
    %dma_start3A_441 = tpu.memref_squeeze %dma_start3A_440 : memref<1x512x8x128xf32, #tpu.memory_space<vmem>> -> memref<512x8x128xf32, #tpu.memory_space<vmem>>
    tpu.enqueue_dma source(%dma_start3A_441 : memref<512x8x128xf32, #tpu.memory_space<vmem>>) target(%dma_start3A_436 : memref<512x8x128xf32, #tpu.memory_space<hbm>>) target_semaphore(%dma_start3A_431 : memref<!tpu.dma_semaphore, #tpu.memory_space<semaphore_mem>>)
    %dma_wait3A_442 = arith.constant 1 : i32
    %dma_wait3A_443 = arith.constant 0 : i32
    %dma_wait3A_444 = arith.constant 1 : i32
    %dma_wait3A_445 = tpu.memref_slice %arg7[%dma_wait3A_444] : memref<12x!tpu.dma_semaphore, #tpu.memory_space<semaphore_mem>> -> memref<1x!tpu.dma_semaphore, #tpu.memory_space<semaphore_mem>>
    %dma_wait3A_446 = tpu.memref_squeeze %dma_wait3A_445 : memref<1x!tpu.dma_semaphore, #tpu.memory_space<semaphore_mem>> -> memref<!tpu.dma_semaphore, #tpu.memory_space<semaphore_mem>>
    %dma_wait3A_447 = arith.constant 512 : i32
    %dma_wait3A_448 = arith.constant 0 : i32
    %dma_wait3A_449 = arith.constant 0 : i32
    %dma_wait3A_450 = tpu.memref_slice %arg4[%dma_wait3A_443, %dma_wait3A_447, %dma_wait3A_448, %dma_wait3A_449] : memref<1x8192x8x128xf32, #tpu.memory_space<hbm>> -> memref<1x512x8x128xf32, #tpu.memory_space<hbm>>
    %dma_wait3A_451 = tpu.memref_squeeze %dma_wait3A_450 : memref<1x512x8x128xf32, #tpu.memory_space<hbm>> -> memref<512x8x128xf32, #tpu.memory_space<hbm>>
    %dma_wait3A_452 = arith.constant 0 : i32
    %dma_wait3A_453 = arith.constant 0 : i32
    %dma_wait3A_454 = arith.constant 0 : i32
    %dma_wait3A_455 = tpu.memref_slice %arg5[%dma_wait3A_442, %dma_wait3A_452, %dma_wait3A_453, %dma_wait3A_454] : memref<12x512x8x128xf32, #tpu.memory_space<vmem>> -> memref<1x512x8x128xf32, #tpu.memory_space<vmem>>
    %dma_wait3A_456 = tpu.memref_squeeze %dma_wait3A_455 : memref<1x512x8x128xf32, #tpu.memory_space<vmem>> -> memref<512x8x128xf32, #tpu.memory_space<vmem>>
    tpu.wait_dma2 semaphore(%dma_wait3A_446 : memref<!tpu.dma_semaphore, #tpu.memory_space<semaphore_mem>>) src(%dma_wait3A_456 : memref<512x8x128xf32, #tpu.memory_space<vmem>>) dst(%dma_wait3A_451 : memref<512x8x128xf32, #tpu.memory_space<hbm>>)
    %le3A_457 = arith.constant 6656 : i32
    %le3A_458 = arith.cmpi sle, %multiple_of3A, %le3A_457 : i32
    %add3A_459 = arith.constant 512 : i32
    %add3A_460 = arith.addi %multiple_of3A, %add3A_459 : i32
    %ge3A_461 = arith.constant 7168 : i32
    %ge3A_462 = arith.cmpi sge, %add3A_460, %ge3A_461 : i32
    %and3A_463 = arith.andi %le3A_458, %ge3A_462 : i1
    %convert_element_type3A_464 = arith.extui %and3A_463 : i1 to i32
    %cond3A_465 = arith.constant 0 : i32
    %cond3A_466 = arith.cmpi ne, %convert_element_type3A_464, %cond3A_465 : i32
    scf.if %cond3A_466 {
      %dma_start3A_957 = arith.constant 0 : i32
      %dma_start3A_958 = arith.constant 1 : i32
      %dma_start3A_959 = arith.constant 1 : i32
      %dma_start3A_960 = tpu.memref_slice %arg6[%dma_start3A_959] : memref<12x!tpu.dma_semaphore, #tpu.memory_space<semaphore_mem>> -> memref<1x!tpu.dma_semaphore, #tpu.memory_space<semaphore_mem>>
      %dma_start3A_961 = tpu.memref_squeeze %dma_start3A_960 : memref<1x!tpu.dma_semaphore, #tpu.memory_space<semaphore_mem>> -> memref<!tpu.dma_semaphore, #tpu.memory_space<semaphore_mem>>
      %dma_start3A_962 = arith.constant 0 : i32
      %dma_start3A_963 = arith.constant 0 : i32
      %dma_start3A_964 = arith.constant 0 : i32
      %dma_start3A_965 = tpu.memref_slice %arg5[%dma_start3A_958, %dma_start3A_962, %dma_start3A_963, %dma_start3A_964] : memref<12x512x8x128xf32, #tpu.memory_space<vmem>> -> memref<1x512x8x128xf32, #tpu.memory_space<vmem>>
      %dma_start3A_966 = tpu.memref_squeeze %dma_start3A_965 : memref<1x512x8x128xf32, #tpu.memory_space<vmem>> -> memref<512x8x128xf32, #tpu.memory_space<vmem>>
      %dma_start3A_967 = arith.constant 0 : i32
      %dma_start3A_968 = arith.constant 0 : i32
      %dma_start3A_969 = arith.constant 0 : i32
      %dma_start3A_970 = tpu.memref_slice %arg2[%dma_start3A_957, %dma_start3A_967, %dma_start3A_968, %dma_start3A_969] : memref<1x512x8x128xf32, #tpu.memory_space<hbm>> -> memref<1x512x8x128xf32, #tpu.memory_space<hbm>>
      %dma_start3A_971 = tpu.memref_squeeze %dma_start3A_970 : memref<1x512x8x128xf32, #tpu.memory_space<hbm>> -> memref<512x8x128xf32, #tpu.memory_space<hbm>>
      tpu.enqueue_dma source(%dma_start3A_971 : memref<512x8x128xf32, #tpu.memory_space<hbm>>) target(%dma_start3A_966 : memref<512x8x128xf32, #tpu.memory_space<vmem>>) target_semaphore(%dma_start3A_961 : memref<!tpu.dma_semaphore, #tpu.memory_space<semaphore_mem>>)
    } else {
    }
    %not3A_467 = arith.constant true
    %not3A_468 = arith.xori %and3A_463, %not3A_467 : i1
    %convert_element_type3A_469 = arith.extui %not3A_468 : i1 to i32
    %cond3A_470 = arith.constant 0 : i32
    %cond3A_471 = arith.cmpi ne, %convert_element_type3A_469, %cond3A_470 : i32
    scf.if %cond3A_471 {
      %dma_start3A_957 = arith.constant 0 : i32
      %dma_start3A_958 = arith.constant 1 : i32
      %dma_start3A_959 = arith.constant 1 : i32
      %dma_start3A_960 = tpu.memref_slice %arg6[%dma_start3A_959] : memref<12x!tpu.dma_semaphore, #tpu.memory_space<semaphore_mem>> -> memref<1x!tpu.dma_semaphore, #tpu.memory_space<semaphore_mem>>
      %dma_start3A_961 = tpu.memref_squeeze %dma_start3A_960 : memref<1x!tpu.dma_semaphore, #tpu.memory_space<semaphore_mem>> -> memref<!tpu.dma_semaphore, #tpu.memory_space<semaphore_mem>>
      %dma_start3A_962 = arith.constant 0 : i32
      %dma_start3A_963 = arith.constant 0 : i32
      %dma_start3A_964 = arith.constant 0 : i32
      %dma_start3A_965 = tpu.memref_slice %arg5[%dma_start3A_958, %dma_start3A_962, %dma_start3A_963, %dma_start3A_964] : memref<12x512x8x128xf32, #tpu.memory_space<vmem>> -> memref<1x512x8x128xf32, #tpu.memory_space<vmem>>
      %dma_start3A_966 = tpu.memref_squeeze %dma_start3A_965 : memref<1x512x8x128xf32, #tpu.memory_space<vmem>> -> memref<512x8x128xf32, #tpu.memory_space<vmem>>
      %dma_start3A_967 = arith.constant 6656 : i32
      %dma_start3A_968 = arith.constant 0 : i32
      %dma_start3A_969 = arith.constant 0 : i32
      %dma_start3A_970 = tpu.memref_slice %arg3[%dma_start3A_957, %dma_start3A_967, %dma_start3A_968, %dma_start3A_969] : memref<1x8192x8x128xf32, #tpu.memory_space<hbm>> -> memref<1x512x8x128xf32, #tpu.memory_space<hbm>>
      %dma_start3A_971 = tpu.memref_squeeze %dma_start3A_970 : memref<1x512x8x128xf32, #tpu.memory_space<hbm>> -> memref<512x8x128xf32, #tpu.memory_space<hbm>>
      tpu.enqueue_dma source(%dma_start3A_971 : memref<512x8x128xf32, #tpu.memory_space<hbm>>) target(%dma_start3A_966 : memref<512x8x128xf32, #tpu.memory_space<vmem>>) target_semaphore(%dma_start3A_961 : memref<!tpu.dma_semaphore, #tpu.memory_space<semaphore_mem>>)
    } else {
    }
    %dma_wait3A_472 = arith.constant 0 : i32
    %dma_wait3A_473 = arith.constant 8 : i32
    %dma_wait3A_474 = arith.constant 8 : i32
    %dma_wait3A_475 = tpu.memref_slice %arg6[%dma_wait3A_474] : memref<12x!tpu.dma_semaphore, #tpu.memory_space<semaphore_mem>> -> memref<1x!tpu.dma_semaphore, #tpu.memory_space<semaphore_mem>>
    %dma_wait3A_476 = tpu.memref_squeeze %dma_wait3A_475 : memref<1x!tpu.dma_semaphore, #tpu.memory_space<semaphore_mem>> -> memref<!tpu.dma_semaphore, #tpu.memory_space<semaphore_mem>>
    %dma_wait3A_477 = arith.constant 0 : i32
    %dma_wait3A_478 = arith.constant 0 : i32
    %dma_wait3A_479 = arith.constant 0 : i32
    %dma_wait3A_480 = tpu.memref_slice %arg5[%dma_wait3A_473, %dma_wait3A_477, %dma_wait3A_478, %dma_wait3A_479] : memref<12x512x8x128xf32, #tpu.memory_space<vmem>> -> memref<1x512x8x128xf32, #tpu.memory_space<vmem>>
    %dma_wait3A_481 = tpu.memref_squeeze %dma_wait3A_480 : memref<1x512x8x128xf32, #tpu.memory_space<vmem>> -> memref<512x8x128xf32, #tpu.memory_space<vmem>>
    %dma_wait3A_482 = arith.constant 4096 : i32
    %dma_wait3A_483 = arith.constant 0 : i32
    %dma_wait3A_484 = arith.constant 0 : i32
    %dma_wait3A_485 = tpu.memref_slice %arg3[%dma_wait3A_472, %dma_wait3A_482, %dma_wait3A_483, %dma_wait3A_484] : memref<1x8192x8x128xf32, #tpu.memory_space<hbm>> -> memref<1x512x8x128xf32, #tpu.memory_space<hbm>>
    %dma_wait3A_486 = tpu.memref_squeeze %dma_wait3A_485 : memref<1x512x8x128xf32, #tpu.memory_space<hbm>> -> memref<512x8x128xf32, #tpu.memory_space<hbm>>
    tpu.wait_dma2 semaphore(%dma_wait3A_476 : memref<!tpu.dma_semaphore, #tpu.memory_space<semaphore_mem>>) src(%dma_wait3A_486 : memref<512x8x128xf32, #tpu.memory_space<hbm>>) dst(%dma_wait3A_481 : memref<512x8x128xf32, #tpu.memory_space<vmem>>)
    %dma_start3A_487 = arith.constant 8 : i32
    %dma_start3A_488 = arith.constant 0 : i32
    %dma_start3A_489 = arith.constant 8 : i32
    %dma_start3A_490 = tpu.memref_slice %arg7[%dma_start3A_489] : memref<12x!tpu.dma_semaphore, #tpu.memory_space<semaphore_mem>> -> memref<1x!tpu.dma_semaphore, #tpu.memory_space<semaphore_mem>>
    %dma_start3A_491 = tpu.memref_squeeze %dma_start3A_490 : memref<1x!tpu.dma_semaphore, #tpu.memory_space<semaphore_mem>> -> memref<!tpu.dma_semaphore, #tpu.memory_space<semaphore_mem>>
    %dma_start3A_492 = arith.constant 4096 : i32
    %dma_start3A_493 = arith.constant 0 : i32
    %dma_start3A_494 = arith.constant 0 : i32
    %dma_start3A_495 = tpu.memref_slice %arg4[%dma_start3A_488, %dma_start3A_492, %dma_start3A_493, %dma_start3A_494] : memref<1x8192x8x128xf32, #tpu.memory_space<hbm>> -> memref<1x512x8x128xf32, #tpu.memory_space<hbm>>
    %dma_start3A_496 = tpu.memref_squeeze %dma_start3A_495 : memref<1x512x8x128xf32, #tpu.memory_space<hbm>> -> memref<512x8x128xf32, #tpu.memory_space<hbm>>
    %dma_start3A_497 = arith.constant 0 : i32
    %dma_start3A_498 = arith.constant 0 : i32
    %dma_start3A_499 = arith.constant 0 : i32
    %dma_start3A_500 = tpu.memref_slice %arg5[%dma_start3A_487, %dma_start3A_497, %dma_start3A_498, %dma_start3A_499] : memref<12x512x8x128xf32, #tpu.memory_space<vmem>> -> memref<1x512x8x128xf32, #tpu.memory_space<vmem>>
    %dma_start3A_501 = tpu.memref_squeeze %dma_start3A_500 : memref<1x512x8x128xf32, #tpu.memory_space<vmem>> -> memref<512x8x128xf32, #tpu.memory_space<vmem>>
    tpu.enqueue_dma source(%dma_start3A_501 : memref<512x8x128xf32, #tpu.memory_space<vmem>>) target(%dma_start3A_496 : memref<512x8x128xf32, #tpu.memory_space<hbm>>) target_semaphore(%dma_start3A_491 : memref<!tpu.dma_semaphore, #tpu.memory_space<semaphore_mem>>)
    %dma_wait3A_502 = arith.constant 2 : i32
    %dma_wait3A_503 = arith.constant 0 : i32
    %dma_wait3A_504 = arith.constant 2 : i32
    %dma_wait3A_505 = tpu.memref_slice %arg7[%dma_wait3A_504] : memref<12x!tpu.dma_semaphore, #tpu.memory_space<semaphore_mem>> -> memref<1x!tpu.dma_semaphore, #tpu.memory_space<semaphore_mem>>
    %dma_wait3A_506 = tpu.memref_squeeze %dma_wait3A_505 : memref<1x!tpu.dma_semaphore, #tpu.memory_space<semaphore_mem>> -> memref<!tpu.dma_semaphore, #tpu.memory_space<semaphore_mem>>
    %dma_wait3A_507 = arith.constant 1024 : i32
    %dma_wait3A_508 = arith.constant 0 : i32
    %dma_wait3A_509 = arith.constant 0 : i32
    %dma_wait3A_510 = tpu.memref_slice %arg4[%dma_wait3A_503, %dma_wait3A_507, %dma_wait3A_508, %dma_wait3A_509] : memref<1x8192x8x128xf32, #tpu.memory_space<hbm>> -> memref<1x512x8x128xf32, #tpu.memory_space<hbm>>
    %dma_wait3A_511 = tpu.memref_squeeze %dma_wait3A_510 : memref<1x512x8x128xf32, #tpu.memory_space<hbm>> -> memref<512x8x128xf32, #tpu.memory_space<hbm>>
    %dma_wait3A_512 = arith.constant 0 : i32
    %dma_wait3A_513 = arith.constant 0 : i32
    %dma_wait3A_514 = arith.constant 0 : i32
    %dma_wait3A_515 = tpu.memref_slice %arg5[%dma_wait3A_502, %dma_wait3A_512, %dma_wait3A_513, %dma_wait3A_514] : memref<12x512x8x128xf32, #tpu.memory_space<vmem>> -> memref<1x512x8x128xf32, #tpu.memory_space<vmem>>
    %dma_wait3A_516 = tpu.memref_squeeze %dma_wait3A_515 : memref<1x512x8x128xf32, #tpu.memory_space<vmem>> -> memref<512x8x128xf32, #tpu.memory_space<vmem>>
    tpu.wait_dma2 semaphore(%dma_wait3A_506 : memref<!tpu.dma_semaphore, #tpu.memory_space<semaphore_mem>>) src(%dma_wait3A_516 : memref<512x8x128xf32, #tpu.memory_space<vmem>>) dst(%dma_wait3A_511 : memref<512x8x128xf32, #tpu.memory_space<hbm>>)
    %le3A_517 = arith.constant 7168 : i32
    %le3A_518 = arith.cmpi sle, %multiple_of3A, %le3A_517 : i32
    %add3A_519 = arith.constant 512 : i32
    %add3A_520 = arith.addi %multiple_of3A, %add3A_519 : i32
    %ge3A_521 = arith.constant 7680 : i32
    %ge3A_522 = arith.cmpi sge, %add3A_520, %ge3A_521 : i32
    %and3A_523 = arith.andi %le3A_518, %ge3A_522 : i1
    %convert_element_type3A_524 = arith.extui %and3A_523 : i1 to i32
    %cond3A_525 = arith.constant 0 : i32
    %cond3A_526 = arith.cmpi ne, %convert_element_type3A_524, %cond3A_525 : i32
    scf.if %cond3A_526 {
      %dma_start3A_957 = arith.constant 0 : i32
      %dma_start3A_958 = arith.constant 2 : i32
      %dma_start3A_959 = arith.constant 2 : i32
      %dma_start3A_960 = tpu.memref_slice %arg6[%dma_start3A_959] : memref<12x!tpu.dma_semaphore, #tpu.memory_space<semaphore_mem>> -> memref<1x!tpu.dma_semaphore, #tpu.memory_space<semaphore_mem>>
      %dma_start3A_961 = tpu.memref_squeeze %dma_start3A_960 : memref<1x!tpu.dma_semaphore, #tpu.memory_space<semaphore_mem>> -> memref<!tpu.dma_semaphore, #tpu.memory_space<semaphore_mem>>
      %dma_start3A_962 = arith.constant 0 : i32
      %dma_start3A_963 = arith.constant 0 : i32
      %dma_start3A_964 = arith.constant 0 : i32
      %dma_start3A_965 = tpu.memref_slice %arg5[%dma_start3A_958, %dma_start3A_962, %dma_start3A_963, %dma_start3A_964] : memref<12x512x8x128xf32, #tpu.memory_space<vmem>> -> memref<1x512x8x128xf32, #tpu.memory_space<vmem>>
      %dma_start3A_966 = tpu.memref_squeeze %dma_start3A_965 : memref<1x512x8x128xf32, #tpu.memory_space<vmem>> -> memref<512x8x128xf32, #tpu.memory_space<vmem>>
      %dma_start3A_967 = arith.constant 0 : i32
      %dma_start3A_968 = arith.constant 0 : i32
      %dma_start3A_969 = arith.constant 0 : i32
      %dma_start3A_970 = tpu.memref_slice %arg2[%dma_start3A_957, %dma_start3A_967, %dma_start3A_968, %dma_start3A_969] : memref<1x512x8x128xf32, #tpu.memory_space<hbm>> -> memref<1x512x8x128xf32, #tpu.memory_space<hbm>>
      %dma_start3A_971 = tpu.memref_squeeze %dma_start3A_970 : memref<1x512x8x128xf32, #tpu.memory_space<hbm>> -> memref<512x8x128xf32, #tpu.memory_space<hbm>>
      tpu.enqueue_dma source(%dma_start3A_971 : memref<512x8x128xf32, #tpu.memory_space<hbm>>) target(%dma_start3A_966 : memref<512x8x128xf32, #tpu.memory_space<vmem>>) target_semaphore(%dma_start3A_961 : memref<!tpu.dma_semaphore, #tpu.memory_space<semaphore_mem>>)
    } else {
    }
    %not3A_527 = arith.constant true
    %not3A_528 = arith.xori %and3A_523, %not3A_527 : i1
    %convert_element_type3A_529 = arith.extui %not3A_528 : i1 to i32
    %cond3A_530 = arith.constant 0 : i32
    %cond3A_531 = arith.cmpi ne, %convert_element_type3A_529, %cond3A_530 : i32
    scf.if %cond3A_531 {
      %dma_start3A_957 = arith.constant 0 : i32
      %dma_start3A_958 = arith.constant 2 : i32
      %dma_start3A_959 = arith.constant 2 : i32
      %dma_start3A_960 = tpu.memref_slice %arg6[%dma_start3A_959] : memref<12x!tpu.dma_semaphore, #tpu.memory_space<semaphore_mem>> -> memref<1x!tpu.dma_semaphore, #tpu.memory_space<semaphore_mem>>
      %dma_start3A_961 = tpu.memref_squeeze %dma_start3A_960 : memref<1x!tpu.dma_semaphore, #tpu.memory_space<semaphore_mem>> -> memref<!tpu.dma_semaphore, #tpu.memory_space<semaphore_mem>>
      %dma_start3A_962 = arith.constant 0 : i32
      %dma_start3A_963 = arith.constant 0 : i32
      %dma_start3A_964 = arith.constant 0 : i32
      %dma_start3A_965 = tpu.memref_slice %arg5[%dma_start3A_958, %dma_start3A_962, %dma_start3A_963, %dma_start3A_964] : memref<12x512x8x128xf32, #tpu.memory_space<vmem>> -> memref<1x512x8x128xf32, #tpu.memory_space<vmem>>
      %dma_start3A_966 = tpu.memref_squeeze %dma_start3A_965 : memref<1x512x8x128xf32, #tpu.memory_space<vmem>> -> memref<512x8x128xf32, #tpu.memory_space<vmem>>
      %dma_start3A_967 = arith.constant 7168 : i32
      %dma_start3A_968 = arith.constant 0 : i32
      %dma_start3A_969 = arith.constant 0 : i32
      %dma_start3A_970 = tpu.memref_slice %arg3[%dma_start3A_957, %dma_start3A_967, %dma_start3A_968, %dma_start3A_969] : memref<1x8192x8x128xf32, #tpu.memory_space<hbm>> -> memref<1x512x8x128xf32, #tpu.memory_space<hbm>>
      %dma_start3A_971 = tpu.memref_squeeze %dma_start3A_970 : memref<1x512x8x128xf32, #tpu.memory_space<hbm>> -> memref<512x8x128xf32, #tpu.memory_space<hbm>>
      tpu.enqueue_dma source(%dma_start3A_971 : memref<512x8x128xf32, #tpu.memory_space<hbm>>) target(%dma_start3A_966 : memref<512x8x128xf32, #tpu.memory_space<vmem>>) target_semaphore(%dma_start3A_961 : memref<!tpu.dma_semaphore, #tpu.memory_space<semaphore_mem>>)
    } else {
    }
    %dma_wait3A_532 = arith.constant 0 : i32
    %dma_wait3A_533 = arith.constant 9 : i32
    %dma_wait3A_534 = arith.constant 9 : i32
    %dma_wait3A_535 = tpu.memref_slice %arg6[%dma_wait3A_534] : memref<12x!tpu.dma_semaphore, #tpu.memory_space<semaphore_mem>> -> memref<1x!tpu.dma_semaphore, #tpu.memory_space<semaphore_mem>>
    %dma_wait3A_536 = tpu.memref_squeeze %dma_wait3A_535 : memref<1x!tpu.dma_semaphore, #tpu.memory_space<semaphore_mem>> -> memref<!tpu.dma_semaphore, #tpu.memory_space<semaphore_mem>>
    %dma_wait3A_537 = arith.constant 0 : i32
    %dma_wait3A_538 = arith.constant 0 : i32
    %dma_wait3A_539 = arith.constant 0 : i32
    %dma_wait3A_540 = tpu.memref_slice %arg5[%dma_wait3A_533, %dma_wait3A_537, %dma_wait3A_538, %dma_wait3A_539] : memref<12x512x8x128xf32, #tpu.memory_space<vmem>> -> memref<1x512x8x128xf32, #tpu.memory_space<vmem>>
    %dma_wait3A_541 = tpu.memref_squeeze %dma_wait3A_540 : memref<1x512x8x128xf32, #tpu.memory_space<vmem>> -> memref<512x8x128xf32, #tpu.memory_space<vmem>>
    %dma_wait3A_542 = arith.constant 4608 : i32
    %dma_wait3A_543 = arith.constant 0 : i32
    %dma_wait3A_544 = arith.constant 0 : i32
    %dma_wait3A_545 = tpu.memref_slice %arg3[%dma_wait3A_532, %dma_wait3A_542, %dma_wait3A_543, %dma_wait3A_544] : memref<1x8192x8x128xf32, #tpu.memory_space<hbm>> -> memref<1x512x8x128xf32, #tpu.memory_space<hbm>>
    %dma_wait3A_546 = tpu.memref_squeeze %dma_wait3A_545 : memref<1x512x8x128xf32, #tpu.memory_space<hbm>> -> memref<512x8x128xf32, #tpu.memory_space<hbm>>
    tpu.wait_dma2 semaphore(%dma_wait3A_536 : memref<!tpu.dma_semaphore, #tpu.memory_space<semaphore_mem>>) src(%dma_wait3A_546 : memref<512x8x128xf32, #tpu.memory_space<hbm>>) dst(%dma_wait3A_541 : memref<512x8x128xf32, #tpu.memory_space<vmem>>)
    %dma_start3A_547 = arith.constant 9 : i32
    %dma_start3A_548 = arith.constant 0 : i32
    %dma_start3A_549 = arith.constant 9 : i32
    %dma_start3A_550 = tpu.memref_slice %arg7[%dma_start3A_549] : memref<12x!tpu.dma_semaphore, #tpu.memory_space<semaphore_mem>> -> memref<1x!tpu.dma_semaphore, #tpu.memory_space<semaphore_mem>>
    %dma_start3A_551 = tpu.memref_squeeze %dma_start3A_550 : memref<1x!tpu.dma_semaphore, #tpu.memory_space<semaphore_mem>> -> memref<!tpu.dma_semaphore, #tpu.memory_space<semaphore_mem>>
    %dma_start3A_552 = arith.constant 4608 : i32
    %dma_start3A_553 = arith.constant 0 : i32
    %dma_start3A_554 = arith.constant 0 : i32
    %dma_start3A_555 = tpu.memref_slice %arg4[%dma_start3A_548, %dma_start3A_552, %dma_start3A_553, %dma_start3A_554] : memref<1x8192x8x128xf32, #tpu.memory_space<hbm>> -> memref<1x512x8x128xf32, #tpu.memory_space<hbm>>
    %dma_start3A_556 = tpu.memref_squeeze %dma_start3A_555 : memref<1x512x8x128xf32, #tpu.memory_space<hbm>> -> memref<512x8x128xf32, #tpu.memory_space<hbm>>
    %dma_start3A_557 = arith.constant 0 : i32
    %dma_start3A_558 = arith.constant 0 : i32
    %dma_start3A_559 = arith.constant 0 : i32
    %dma_start3A_560 = tpu.memref_slice %arg5[%dma_start3A_547, %dma_start3A_557, %dma_start3A_558, %dma_start3A_559] : memref<12x512x8x128xf32, #tpu.memory_space<vmem>> -> memref<1x512x8x128xf32, #tpu.memory_space<vmem>>
    %dma_start3A_561 = tpu.memref_squeeze %dma_start3A_560 : memref<1x512x8x128xf32, #tpu.memory_space<vmem>> -> memref<512x8x128xf32, #tpu.memory_space<vmem>>
    tpu.enqueue_dma source(%dma_start3A_561 : memref<512x8x128xf32, #tpu.memory_space<vmem>>) target(%dma_start3A_556 : memref<512x8x128xf32, #tpu.memory_space<hbm>>) target_semaphore(%dma_start3A_551 : memref<!tpu.dma_semaphore, #tpu.memory_space<semaphore_mem>>)
    %dma_wait3A_562 = arith.constant 3 : i32
    %dma_wait3A_563 = arith.constant 0 : i32
    %dma_wait3A_564 = arith.constant 3 : i32
    %dma_wait3A_565 = tpu.memref_slice %arg7[%dma_wait3A_564] : memref<12x!tpu.dma_semaphore, #tpu.memory_space<semaphore_mem>> -> memref<1x!tpu.dma_semaphore, #tpu.memory_space<semaphore_mem>>
    %dma_wait3A_566 = tpu.memref_squeeze %dma_wait3A_565 : memref<1x!tpu.dma_semaphore, #tpu.memory_space<semaphore_mem>> -> memref<!tpu.dma_semaphore, #tpu.memory_space<semaphore_mem>>
    %dma_wait3A_567 = arith.constant 1536 : i32
    %dma_wait3A_568 = arith.constant 0 : i32
    %dma_wait3A_569 = arith.constant 0 : i32
    %dma_wait3A_570 = tpu.memref_slice %arg4[%dma_wait3A_563, %dma_wait3A_567, %dma_wait3A_568, %dma_wait3A_569] : memref<1x8192x8x128xf32, #tpu.memory_space<hbm>> -> memref<1x512x8x128xf32, #tpu.memory_space<hbm>>
    %dma_wait3A_571 = tpu.memref_squeeze %dma_wait3A_570 : memref<1x512x8x128xf32, #tpu.memory_space<hbm>> -> memref<512x8x128xf32, #tpu.memory_space<hbm>>
    %dma_wait3A_572 = arith.constant 0 : i32
    %dma_wait3A_573 = arith.constant 0 : i32
    %dma_wait3A_574 = arith.constant 0 : i32
    %dma_wait3A_575 = tpu.memref_slice %arg5[%dma_wait3A_562, %dma_wait3A_572, %dma_wait3A_573, %dma_wait3A_574] : memref<12x512x8x128xf32, #tpu.memory_space<vmem>> -> memref<1x512x8x128xf32, #tpu.memory_space<vmem>>
    %dma_wait3A_576 = tpu.memref_squeeze %dma_wait3A_575 : memref<1x512x8x128xf32, #tpu.memory_space<vmem>> -> memref<512x8x128xf32, #tpu.memory_space<vmem>>
    tpu.wait_dma2 semaphore(%dma_wait3A_566 : memref<!tpu.dma_semaphore, #tpu.memory_space<semaphore_mem>>) src(%dma_wait3A_576 : memref<512x8x128xf32, #tpu.memory_space<vmem>>) dst(%dma_wait3A_571 : memref<512x8x128xf32, #tpu.memory_space<hbm>>)
    %le3A_577 = arith.constant 7680 : i32
    %le3A_578 = arith.cmpi sle, %multiple_of3A, %le3A_577 : i32
    %add3A_579 = arith.constant 512 : i32
    %add3A_580 = arith.addi %multiple_of3A, %add3A_579 : i32
    %ge3A_581 = arith.constant 8192 : i32
    %ge3A_582 = arith.cmpi sge, %add3A_580, %ge3A_581 : i32
    %and3A_583 = arith.andi %le3A_578, %ge3A_582 : i1
    %convert_element_type3A_584 = arith.extui %and3A_583 : i1 to i32
    %cond3A_585 = arith.constant 0 : i32
    %cond3A_586 = arith.cmpi ne, %convert_element_type3A_584, %cond3A_585 : i32
    scf.if %cond3A_586 {
      %dma_start3A_957 = arith.constant 0 : i32
      %dma_start3A_958 = arith.constant 3 : i32
      %dma_start3A_959 = arith.constant 3 : i32
      %dma_start3A_960 = tpu.memref_slice %arg6[%dma_start3A_959] : memref<12x!tpu.dma_semaphore, #tpu.memory_space<semaphore_mem>> -> memref<1x!tpu.dma_semaphore, #tpu.memory_space<semaphore_mem>>
      %dma_start3A_961 = tpu.memref_squeeze %dma_start3A_960 : memref<1x!tpu.dma_semaphore, #tpu.memory_space<semaphore_mem>> -> memref<!tpu.dma_semaphore, #tpu.memory_space<semaphore_mem>>
      %dma_start3A_962 = arith.constant 0 : i32
      %dma_start3A_963 = arith.constant 0 : i32
      %dma_start3A_964 = arith.constant 0 : i32
      %dma_start3A_965 = tpu.memref_slice %arg5[%dma_start3A_958, %dma_start3A_962, %dma_start3A_963, %dma_start3A_964] : memref<12x512x8x128xf32, #tpu.memory_space<vmem>> -> memref<1x512x8x128xf32, #tpu.memory_space<vmem>>
      %dma_start3A_966 = tpu.memref_squeeze %dma_start3A_965 : memref<1x512x8x128xf32, #tpu.memory_space<vmem>> -> memref<512x8x128xf32, #tpu.memory_space<vmem>>
      %dma_start3A_967 = arith.constant 0 : i32
      %dma_start3A_968 = arith.constant 0 : i32
      %dma_start3A_969 = arith.constant 0 : i32
      %dma_start3A_970 = tpu.memref_slice %arg2[%dma_start3A_957, %dma_start3A_967, %dma_start3A_968, %dma_start3A_969] : memref<1x512x8x128xf32, #tpu.memory_space<hbm>> -> memref<1x512x8x128xf32, #tpu.memory_space<hbm>>
      %dma_start3A_971 = tpu.memref_squeeze %dma_start3A_970 : memref<1x512x8x128xf32, #tpu.memory_space<hbm>> -> memref<512x8x128xf32, #tpu.memory_space<hbm>>
      tpu.enqueue_dma source(%dma_start3A_971 : memref<512x8x128xf32, #tpu.memory_space<hbm>>) target(%dma_start3A_966 : memref<512x8x128xf32, #tpu.memory_space<vmem>>) target_semaphore(%dma_start3A_961 : memref<!tpu.dma_semaphore, #tpu.memory_space<semaphore_mem>>)
    } else {
    }
    %not3A_587 = arith.constant true
    %not3A_588 = arith.xori %and3A_583, %not3A_587 : i1
    %convert_element_type3A_589 = arith.extui %not3A_588 : i1 to i32
    %cond3A_590 = arith.constant 0 : i32
    %cond3A_591 = arith.cmpi ne, %convert_element_type3A_589, %cond3A_590 : i32
    scf.if %cond3A_591 {
      %dma_start3A_957 = arith.constant 0 : i32
      %dma_start3A_958 = arith.constant 3 : i32
      %dma_start3A_959 = arith.constant 3 : i32
      %dma_start3A_960 = tpu.memref_slice %arg6[%dma_start3A_959] : memref<12x!tpu.dma_semaphore, #tpu.memory_space<semaphore_mem>> -> memref<1x!tpu.dma_semaphore, #tpu.memory_space<semaphore_mem>>
      %dma_start3A_961 = tpu.memref_squeeze %dma_start3A_960 : memref<1x!tpu.dma_semaphore, #tpu.memory_space<semaphore_mem>> -> memref<!tpu.dma_semaphore, #tpu.memory_space<semaphore_mem>>
      %dma_start3A_962 = arith.constant 0 : i32
      %dma_start3A_963 = arith.constant 0 : i32
      %dma_start3A_964 = arith.constant 0 : i32
      %dma_start3A_965 = tpu.memref_slice %arg5[%dma_start3A_958, %dma_start3A_962, %dma_start3A_963, %dma_start3A_964] : memref<12x512x8x128xf32, #tpu.memory_space<vmem>> -> memref<1x512x8x128xf32, #tpu.memory_space<vmem>>
      %dma_start3A_966 = tpu.memref_squeeze %dma_start3A_965 : memref<1x512x8x128xf32, #tpu.memory_space<vmem>> -> memref<512x8x128xf32, #tpu.memory_space<vmem>>
      %dma_start3A_967 = arith.constant 7680 : i32
      %dma_start3A_968 = arith.constant 0 : i32
      %dma_start3A_969 = arith.constant 0 : i32
      %dma_start3A_970 = tpu.memref_slice %arg3[%dma_start3A_957, %dma_start3A_967, %dma_start3A_968, %dma_start3A_969] : memref<1x8192x8x128xf32, #tpu.memory_space<hbm>> -> memref<1x512x8x128xf32, #tpu.memory_space<hbm>>
      %dma_start3A_971 = tpu.memref_squeeze %dma_start3A_970 : memref<1x512x8x128xf32, #tpu.memory_space<hbm>> -> memref<512x8x128xf32, #tpu.memory_space<hbm>>
      tpu.enqueue_dma source(%dma_start3A_971 : memref<512x8x128xf32, #tpu.memory_space<hbm>>) target(%dma_start3A_966 : memref<512x8x128xf32, #tpu.memory_space<vmem>>) target_semaphore(%dma_start3A_961 : memref<!tpu.dma_semaphore, #tpu.memory_space<semaphore_mem>>)
    } else {
    }
    %dma_wait3A_592 = arith.constant 0 : i32
    %dma_wait3A_593 = arith.constant 10 : i32
    %dma_wait3A_594 = arith.constant 10 : i32
    %dma_wait3A_595 = tpu.memref_slice %arg6[%dma_wait3A_594] : memref<12x!tpu.dma_semaphore, #tpu.memory_space<semaphore_mem>> -> memref<1x!tpu.dma_semaphore, #tpu.memory_space<semaphore_mem>>
    %dma_wait3A_596 = tpu.memref_squeeze %dma_wait3A_595 : memref<1x!tpu.dma_semaphore, #tpu.memory_space<semaphore_mem>> -> memref<!tpu.dma_semaphore, #tpu.memory_space<semaphore_mem>>
    %dma_wait3A_597 = arith.constant 0 : i32
    %dma_wait3A_598 = arith.constant 0 : i32
    %dma_wait3A_599 = arith.constant 0 : i32
    %dma_wait3A_600 = tpu.memref_slice %arg5[%dma_wait3A_593, %dma_wait3A_597, %dma_wait3A_598, %dma_wait3A_599] : memref<12x512x8x128xf32, #tpu.memory_space<vmem>> -> memref<1x512x8x128xf32, #tpu.memory_space<vmem>>
    %dma_wait3A_601 = tpu.memref_squeeze %dma_wait3A_600 : memref<1x512x8x128xf32, #tpu.memory_space<vmem>> -> memref<512x8x128xf32, #tpu.memory_space<vmem>>
    %dma_wait3A_602 = arith.constant 5120 : i32
    %dma_wait3A_603 = arith.constant 0 : i32
    %dma_wait3A_604 = arith.constant 0 : i32
    %dma_wait3A_605 = tpu.memref_slice %arg3[%dma_wait3A_592, %dma_wait3A_602, %dma_wait3A_603, %dma_wait3A_604] : memref<1x8192x8x128xf32, #tpu.memory_space<hbm>> -> memref<1x512x8x128xf32, #tpu.memory_space<hbm>>
    %dma_wait3A_606 = tpu.memref_squeeze %dma_wait3A_605 : memref<1x512x8x128xf32, #tpu.memory_space<hbm>> -> memref<512x8x128xf32, #tpu.memory_space<hbm>>
    tpu.wait_dma2 semaphore(%dma_wait3A_596 : memref<!tpu.dma_semaphore, #tpu.memory_space<semaphore_mem>>) src(%dma_wait3A_606 : memref<512x8x128xf32, #tpu.memory_space<hbm>>) dst(%dma_wait3A_601 : memref<512x8x128xf32, #tpu.memory_space<vmem>>)
    %dma_start3A_607 = arith.constant 10 : i32
    %dma_start3A_608 = arith.constant 0 : i32
    %dma_start3A_609 = arith.constant 10 : i32
    %dma_start3A_610 = tpu.memref_slice %arg7[%dma_start3A_609] : memref<12x!tpu.dma_semaphore, #tpu.memory_space<semaphore_mem>> -> memref<1x!tpu.dma_semaphore, #tpu.memory_space<semaphore_mem>>
    %dma_start3A_611 = tpu.memref_squeeze %dma_start3A_610 : memref<1x!tpu.dma_semaphore, #tpu.memory_space<semaphore_mem>> -> memref<!tpu.dma_semaphore, #tpu.memory_space<semaphore_mem>>
    %dma_start3A_612 = arith.constant 5120 : i32
    %dma_start3A_613 = arith.constant 0 : i32
    %dma_start3A_614 = arith.constant 0 : i32
    %dma_start3A_615 = tpu.memref_slice %arg4[%dma_start3A_608, %dma_start3A_612, %dma_start3A_613, %dma_start3A_614] : memref<1x8192x8x128xf32, #tpu.memory_space<hbm>> -> memref<1x512x8x128xf32, #tpu.memory_space<hbm>>
    %dma_start3A_616 = tpu.memref_squeeze %dma_start3A_615 : memref<1x512x8x128xf32, #tpu.memory_space<hbm>> -> memref<512x8x128xf32, #tpu.memory_space<hbm>>
    %dma_start3A_617 = arith.constant 0 : i32
    %dma_start3A_618 = arith.constant 0 : i32
    %dma_start3A_619 = arith.constant 0 : i32
    %dma_start3A_620 = tpu.memref_slice %arg5[%dma_start3A_607, %dma_start3A_617, %dma_start3A_618, %dma_start3A_619] : memref<12x512x8x128xf32, #tpu.memory_space<vmem>> -> memref<1x512x8x128xf32, #tpu.memory_space<vmem>>
    %dma_start3A_621 = tpu.memref_squeeze %dma_start3A_620 : memref<1x512x8x128xf32, #tpu.memory_space<vmem>> -> memref<512x8x128xf32, #tpu.memory_space<vmem>>
    tpu.enqueue_dma source(%dma_start3A_621 : memref<512x8x128xf32, #tpu.memory_space<vmem>>) target(%dma_start3A_616 : memref<512x8x128xf32, #tpu.memory_space<hbm>>) target_semaphore(%dma_start3A_611 : memref<!tpu.dma_semaphore, #tpu.memory_space<semaphore_mem>>)
    %dma_wait3A_622 = arith.constant 0 : i32
    %dma_wait3A_623 = arith.constant 11 : i32
    %dma_wait3A_624 = arith.constant 11 : i32
    %dma_wait3A_625 = tpu.memref_slice %arg6[%dma_wait3A_624] : memref<12x!tpu.dma_semaphore, #tpu.memory_space<semaphore_mem>> -> memref<1x!tpu.dma_semaphore, #tpu.memory_space<semaphore_mem>>
    %dma_wait3A_626 = tpu.memref_squeeze %dma_wait3A_625 : memref<1x!tpu.dma_semaphore, #tpu.memory_space<semaphore_mem>> -> memref<!tpu.dma_semaphore, #tpu.memory_space<semaphore_mem>>
    %dma_wait3A_627 = arith.constant 0 : i32
    %dma_wait3A_628 = arith.constant 0 : i32
    %dma_wait3A_629 = arith.constant 0 : i32
    %dma_wait3A_630 = tpu.memref_slice %arg5[%dma_wait3A_623, %dma_wait3A_627, %dma_wait3A_628, %dma_wait3A_629] : memref<12x512x8x128xf32, #tpu.memory_space<vmem>> -> memref<1x512x8x128xf32, #tpu.memory_space<vmem>>
    %dma_wait3A_631 = tpu.memref_squeeze %dma_wait3A_630 : memref<1x512x8x128xf32, #tpu.memory_space<vmem>> -> memref<512x8x128xf32, #tpu.memory_space<vmem>>
    %dma_wait3A_632 = arith.constant 5632 : i32
    %dma_wait3A_633 = arith.constant 0 : i32
    %dma_wait3A_634 = arith.constant 0 : i32
    %dma_wait3A_635 = tpu.memref_slice %arg3[%dma_wait3A_622, %dma_wait3A_632, %dma_wait3A_633, %dma_wait3A_634] : memref<1x8192x8x128xf32, #tpu.memory_space<hbm>> -> memref<1x512x8x128xf32, #tpu.memory_space<hbm>>
    %dma_wait3A_636 = tpu.memref_squeeze %dma_wait3A_635 : memref<1x512x8x128xf32, #tpu.memory_space<hbm>> -> memref<512x8x128xf32, #tpu.memory_space<hbm>>
    tpu.wait_dma2 semaphore(%dma_wait3A_626 : memref<!tpu.dma_semaphore, #tpu.memory_space<semaphore_mem>>) src(%dma_wait3A_636 : memref<512x8x128xf32, #tpu.memory_space<hbm>>) dst(%dma_wait3A_631 : memref<512x8x128xf32, #tpu.memory_space<vmem>>)
    %dma_start3A_637 = arith.constant 11 : i32
    %dma_start3A_638 = arith.constant 0 : i32
    %dma_start3A_639 = arith.constant 11 : i32
    %dma_start3A_640 = tpu.memref_slice %arg7[%dma_start3A_639] : memref<12x!tpu.dma_semaphore, #tpu.memory_space<semaphore_mem>> -> memref<1x!tpu.dma_semaphore, #tpu.memory_space<semaphore_mem>>
    %dma_start3A_641 = tpu.memref_squeeze %dma_start3A_640 : memref<1x!tpu.dma_semaphore, #tpu.memory_space<semaphore_mem>> -> memref<!tpu.dma_semaphore, #tpu.memory_space<semaphore_mem>>
    %dma_start3A_642 = arith.constant 5632 : i32
    %dma_start3A_643 = arith.constant 0 : i32
    %dma_start3A_644 = arith.constant 0 : i32
    %dma_start3A_645 = tpu.memref_slice %arg4[%dma_start3A_638, %dma_start3A_642, %dma_start3A_643, %dma_start3A_644] : memref<1x8192x8x128xf32, #tpu.memory_space<hbm>> -> memref<1x512x8x128xf32, #tpu.memory_space<hbm>>
    %dma_start3A_646 = tpu.memref_squeeze %dma_start3A_645 : memref<1x512x8x128xf32, #tpu.memory_space<hbm>> -> memref<512x8x128xf32, #tpu.memory_space<hbm>>
    %dma_start3A_647 = arith.constant 0 : i32
    %dma_start3A_648 = arith.constant 0 : i32
    %dma_start3A_649 = arith.constant 0 : i32
    %dma_start3A_650 = tpu.memref_slice %arg5[%dma_start3A_637, %dma_start3A_647, %dma_start3A_648, %dma_start3A_649] : memref<12x512x8x128xf32, #tpu.memory_space<vmem>> -> memref<1x512x8x128xf32, #tpu.memory_space<vmem>>
    %dma_start3A_651 = tpu.memref_squeeze %dma_start3A_650 : memref<1x512x8x128xf32, #tpu.memory_space<vmem>> -> memref<512x8x128xf32, #tpu.memory_space<vmem>>
    tpu.enqueue_dma source(%dma_start3A_651 : memref<512x8x128xf32, #tpu.memory_space<vmem>>) target(%dma_start3A_646 : memref<512x8x128xf32, #tpu.memory_space<hbm>>) target_semaphore(%dma_start3A_641 : memref<!tpu.dma_semaphore, #tpu.memory_space<semaphore_mem>>)
    %dma_wait3A_652 = arith.constant 0 : i32
    %dma_wait3A_653 = arith.constant 0 : i32
    %dma_wait3A_654 = arith.constant 0 : i32
    %dma_wait3A_655 = tpu.memref_slice %arg6[%dma_wait3A_654] : memref<12x!tpu.dma_semaphore, #tpu.memory_space<semaphore_mem>> -> memref<1x!tpu.dma_semaphore, #tpu.memory_space<semaphore_mem>>
    %dma_wait3A_656 = tpu.memref_squeeze %dma_wait3A_655 : memref<1x!tpu.dma_semaphore, #tpu.memory_space<semaphore_mem>> -> memref<!tpu.dma_semaphore, #tpu.memory_space<semaphore_mem>>
    %dma_wait3A_657 = arith.constant 0 : i32
    %dma_wait3A_658 = arith.constant 0 : i32
    %dma_wait3A_659 = arith.constant 0 : i32
    %dma_wait3A_660 = tpu.memref_slice %arg5[%dma_wait3A_653, %dma_wait3A_657, %dma_wait3A_658, %dma_wait3A_659] : memref<12x512x8x128xf32, #tpu.memory_space<vmem>> -> memref<1x512x8x128xf32, #tpu.memory_space<vmem>>
    %dma_wait3A_661 = tpu.memref_squeeze %dma_wait3A_660 : memref<1x512x8x128xf32, #tpu.memory_space<vmem>> -> memref<512x8x128xf32, #tpu.memory_space<vmem>>
    %dma_wait3A_662 = arith.constant 6144 : i32
    %dma_wait3A_663 = arith.constant 0 : i32
    %dma_wait3A_664 = arith.constant 0 : i32
    %dma_wait3A_665 = tpu.memref_slice %arg3[%dma_wait3A_652, %dma_wait3A_662, %dma_wait3A_663, %dma_wait3A_664] : memref<1x8192x8x128xf32, #tpu.memory_space<hbm>> -> memref<1x512x8x128xf32, #tpu.memory_space<hbm>>
    %dma_wait3A_666 = tpu.memref_squeeze %dma_wait3A_665 : memref<1x512x8x128xf32, #tpu.memory_space<hbm>> -> memref<512x8x128xf32, #tpu.memory_space<hbm>>
    tpu.wait_dma2 semaphore(%dma_wait3A_656 : memref<!tpu.dma_semaphore, #tpu.memory_space<semaphore_mem>>) src(%dma_wait3A_666 : memref<512x8x128xf32, #tpu.memory_space<hbm>>) dst(%dma_wait3A_661 : memref<512x8x128xf32, #tpu.memory_space<vmem>>)
    %dma_start3A_667 = arith.constant 0 : i32
    %dma_start3A_668 = arith.constant 0 : i32
    %dma_start3A_669 = arith.constant 0 : i32
    %dma_start3A_670 = tpu.memref_slice %arg7[%dma_start3A_669] : memref<12x!tpu.dma_semaphore, #tpu.memory_space<semaphore_mem>> -> memref<1x!tpu.dma_semaphore, #tpu.memory_space<semaphore_mem>>
    %dma_start3A_671 = tpu.memref_squeeze %dma_start3A_670 : memref<1x!tpu.dma_semaphore, #tpu.memory_space<semaphore_mem>> -> memref<!tpu.dma_semaphore, #tpu.memory_space<semaphore_mem>>
    %dma_start3A_672 = arith.constant 6144 : i32
    %dma_start3A_673 = arith.constant 0 : i32
    %dma_start3A_674 = arith.constant 0 : i32
    %dma_start3A_675 = tpu.memref_slice %arg4[%dma_start3A_668, %dma_start3A_672, %dma_start3A_673, %dma_start3A_674] : memref<1x8192x8x128xf32, #tpu.memory_space<hbm>> -> memref<1x512x8x128xf32, #tpu.memory_space<hbm>>
    %dma_start3A_676 = tpu.memref_squeeze %dma_start3A_675 : memref<1x512x8x128xf32, #tpu.memory_space<hbm>> -> memref<512x8x128xf32, #tpu.memory_space<hbm>>
    %dma_start3A_677 = arith.constant 0 : i32
    %dma_start3A_678 = arith.constant 0 : i32
    %dma_start3A_679 = arith.constant 0 : i32
    %dma_start3A_680 = tpu.memref_slice %arg5[%dma_start3A_667, %dma_start3A_677, %dma_start3A_678, %dma_start3A_679] : memref<12x512x8x128xf32, #tpu.memory_space<vmem>> -> memref<1x512x8x128xf32, #tpu.memory_space<vmem>>
    %dma_start3A_681 = tpu.memref_squeeze %dma_start3A_680 : memref<1x512x8x128xf32, #tpu.memory_space<vmem>> -> memref<512x8x128xf32, #tpu.memory_space<vmem>>
    tpu.enqueue_dma source(%dma_start3A_681 : memref<512x8x128xf32, #tpu.memory_space<vmem>>) target(%dma_start3A_676 : memref<512x8x128xf32, #tpu.memory_space<hbm>>) target_semaphore(%dma_start3A_671 : memref<!tpu.dma_semaphore, #tpu.memory_space<semaphore_mem>>)
    %dma_wait3A_682 = arith.constant 0 : i32
    %dma_wait3A_683 = arith.constant 1 : i32
    %dma_wait3A_684 = arith.constant 1 : i32
    %dma_wait3A_685 = tpu.memref_slice %arg6[%dma_wait3A_684] : memref<12x!tpu.dma_semaphore, #tpu.memory_space<semaphore_mem>> -> memref<1x!tpu.dma_semaphore, #tpu.memory_space<semaphore_mem>>
    %dma_wait3A_686 = tpu.memref_squeeze %dma_wait3A_685 : memref<1x!tpu.dma_semaphore, #tpu.memory_space<semaphore_mem>> -> memref<!tpu.dma_semaphore, #tpu.memory_space<semaphore_mem>>
    %dma_wait3A_687 = arith.constant 0 : i32
    %dma_wait3A_688 = arith.constant 0 : i32
    %dma_wait3A_689 = arith.constant 0 : i32
    %dma_wait3A_690 = tpu.memref_slice %arg5[%dma_wait3A_683, %dma_wait3A_687, %dma_wait3A_688, %dma_wait3A_689] : memref<12x512x8x128xf32, #tpu.memory_space<vmem>> -> memref<1x512x8x128xf32, #tpu.memory_space<vmem>>
    %dma_wait3A_691 = tpu.memref_squeeze %dma_wait3A_690 : memref<1x512x8x128xf32, #tpu.memory_space<vmem>> -> memref<512x8x128xf32, #tpu.memory_space<vmem>>
    %dma_wait3A_692 = arith.constant 6656 : i32
    %dma_wait3A_693 = arith.constant 0 : i32
    %dma_wait3A_694 = arith.constant 0 : i32
    %dma_wait3A_695 = tpu.memref_slice %arg3[%dma_wait3A_682, %dma_wait3A_692, %dma_wait3A_693, %dma_wait3A_694] : memref<1x8192x8x128xf32, #tpu.memory_space<hbm>> -> memref<1x512x8x128xf32, #tpu.memory_space<hbm>>
    %dma_wait3A_696 = tpu.memref_squeeze %dma_wait3A_695 : memref<1x512x8x128xf32, #tpu.memory_space<hbm>> -> memref<512x8x128xf32, #tpu.memory_space<hbm>>
    tpu.wait_dma2 semaphore(%dma_wait3A_686 : memref<!tpu.dma_semaphore, #tpu.memory_space<semaphore_mem>>) src(%dma_wait3A_696 : memref<512x8x128xf32, #tpu.memory_space<hbm>>) dst(%dma_wait3A_691 : memref<512x8x128xf32, #tpu.memory_space<vmem>>)
    %dma_start3A_697 = arith.constant 1 : i32
    %dma_start3A_698 = arith.constant 0 : i32
    %dma_start3A_699 = arith.constant 1 : i32
    %dma_start3A_700 = tpu.memref_slice %arg7[%dma_start3A_699] : memref<12x!tpu.dma_semaphore, #tpu.memory_space<semaphore_mem>> -> memref<1x!tpu.dma_semaphore, #tpu.memory_space<semaphore_mem>>
    %dma_start3A_701 = tpu.memref_squeeze %dma_start3A_700 : memref<1x!tpu.dma_semaphore, #tpu.memory_space<semaphore_mem>> -> memref<!tpu.dma_semaphore, #tpu.memory_space<semaphore_mem>>
    %dma_start3A_702 = arith.constant 6656 : i32
    %dma_start3A_703 = arith.constant 0 : i32
    %dma_start3A_704 = arith.constant 0 : i32
    %dma_start3A_705 = tpu.memref_slice %arg4[%dma_start3A_698, %dma_start3A_702, %dma_start3A_703, %dma_start3A_704] : memref<1x8192x8x128xf32, #tpu.memory_space<hbm>> -> memref<1x512x8x128xf32, #tpu.memory_space<hbm>>
    %dma_start3A_706 = tpu.memref_squeeze %dma_start3A_705 : memref<1x512x8x128xf32, #tpu.memory_space<hbm>> -> memref<512x8x128xf32, #tpu.memory_space<hbm>>
    %dma_start3A_707 = arith.constant 0 : i32
    %dma_start3A_708 = arith.constant 0 : i32
    %dma_start3A_709 = arith.constant 0 : i32
    %dma_start3A_710 = tpu.memref_slice %arg5[%dma_start3A_697, %dma_start3A_707, %dma_start3A_708, %dma_start3A_709] : memref<12x512x8x128xf32, #tpu.memory_space<vmem>> -> memref<1x512x8x128xf32, #tpu.memory_space<vmem>>
    %dma_start3A_711 = tpu.memref_squeeze %dma_start3A_710 : memref<1x512x8x128xf32, #tpu.memory_space<vmem>> -> memref<512x8x128xf32, #tpu.memory_space<vmem>>
    tpu.enqueue_dma source(%dma_start3A_711 : memref<512x8x128xf32, #tpu.memory_space<vmem>>) target(%dma_start3A_706 : memref<512x8x128xf32, #tpu.memory_space<hbm>>) target_semaphore(%dma_start3A_701 : memref<!tpu.dma_semaphore, #tpu.memory_space<semaphore_mem>>)
    %dma_wait3A_712 = arith.constant 0 : i32
    %dma_wait3A_713 = arith.constant 2 : i32
    %dma_wait3A_714 = arith.constant 2 : i32
    %dma_wait3A_715 = tpu.memref_slice %arg6[%dma_wait3A_714] : memref<12x!tpu.dma_semaphore, #tpu.memory_space<semaphore_mem>> -> memref<1x!tpu.dma_semaphore, #tpu.memory_space<semaphore_mem>>
    %dma_wait3A_716 = tpu.memref_squeeze %dma_wait3A_715 : memref<1x!tpu.dma_semaphore, #tpu.memory_space<semaphore_mem>> -> memref<!tpu.dma_semaphore, #tpu.memory_space<semaphore_mem>>
    %dma_wait3A_717 = arith.constant 0 : i32
    %dma_wait3A_718 = arith.constant 0 : i32
    %dma_wait3A_719 = arith.constant 0 : i32
    %dma_wait3A_720 = tpu.memref_slice %arg5[%dma_wait3A_713, %dma_wait3A_717, %dma_wait3A_718, %dma_wait3A_719] : memref<12x512x8x128xf32, #tpu.memory_space<vmem>> -> memref<1x512x8x128xf32, #tpu.memory_space<vmem>>
    %dma_wait3A_721 = tpu.memref_squeeze %dma_wait3A_720 : memref<1x512x8x128xf32, #tpu.memory_space<vmem>> -> memref<512x8x128xf32, #tpu.memory_space<vmem>>
    %dma_wait3A_722 = arith.constant 7168 : i32
    %dma_wait3A_723 = arith.constant 0 : i32
    %dma_wait3A_724 = arith.constant 0 : i32
    %dma_wait3A_725 = tpu.memref_slice %arg3[%dma_wait3A_712, %dma_wait3A_722, %dma_wait3A_723, %dma_wait3A_724] : memref<1x8192x8x128xf32, #tpu.memory_space<hbm>> -> memref<1x512x8x128xf32, #tpu.memory_space<hbm>>
    %dma_wait3A_726 = tpu.memref_squeeze %dma_wait3A_725 : memref<1x512x8x128xf32, #tpu.memory_space<hbm>> -> memref<512x8x128xf32, #tpu.memory_space<hbm>>
    tpu.wait_dma2 semaphore(%dma_wait3A_716 : memref<!tpu.dma_semaphore, #tpu.memory_space<semaphore_mem>>) src(%dma_wait3A_726 : memref<512x8x128xf32, #tpu.memory_space<hbm>>) dst(%dma_wait3A_721 : memref<512x8x128xf32, #tpu.memory_space<vmem>>)
    %dma_start3A_727 = arith.constant 2 : i32
    %dma_start3A_728 = arith.constant 0 : i32
    %dma_start3A_729 = arith.constant 2 : i32
    %dma_start3A_730 = tpu.memref_slice %arg7[%dma_start3A_729] : memref<12x!tpu.dma_semaphore, #tpu.memory_space<semaphore_mem>> -> memref<1x!tpu.dma_semaphore, #tpu.memory_space<semaphore_mem>>
    %dma_start3A_731 = tpu.memref_squeeze %dma_start3A_730 : memref<1x!tpu.dma_semaphore, #tpu.memory_space<semaphore_mem>> -> memref<!tpu.dma_semaphore, #tpu.memory_space<semaphore_mem>>
    %dma_start3A_732 = arith.constant 7168 : i32
    %dma_start3A_733 = arith.constant 0 : i32
    %dma_start3A_734 = arith.constant 0 : i32
    %dma_start3A_735 = tpu.memref_slice %arg4[%dma_start3A_728, %dma_start3A_732, %dma_start3A_733, %dma_start3A_734] : memref<1x8192x8x128xf32, #tpu.memory_space<hbm>> -> memref<1x512x8x128xf32, #tpu.memory_space<hbm>>
    %dma_start3A_736 = tpu.memref_squeeze %dma_start3A_735 : memref<1x512x8x128xf32, #tpu.memory_space<hbm>> -> memref<512x8x128xf32, #tpu.memory_space<hbm>>
    %dma_start3A_737 = arith.constant 0 : i32
    %dma_start3A_738 = arith.constant 0 : i32
    %dma_start3A_739 = arith.constant 0 : i32
    %dma_start3A_740 = tpu.memref_slice %arg5[%dma_start3A_727, %dma_start3A_737, %dma_start3A_738, %dma_start3A_739] : memref<12x512x8x128xf32, #tpu.memory_space<vmem>> -> memref<1x512x8x128xf32, #tpu.memory_space<vmem>>
    %dma_start3A_741 = tpu.memref_squeeze %dma_start3A_740 : memref<1x512x8x128xf32, #tpu.memory_space<vmem>> -> memref<512x8x128xf32, #tpu.memory_space<vmem>>
    tpu.enqueue_dma source(%dma_start3A_741 : memref<512x8x128xf32, #tpu.memory_space<vmem>>) target(%dma_start3A_736 : memref<512x8x128xf32, #tpu.memory_space<hbm>>) target_semaphore(%dma_start3A_731 : memref<!tpu.dma_semaphore, #tpu.memory_space<semaphore_mem>>)
    %dma_wait3A_742 = arith.constant 0 : i32
    %dma_wait3A_743 = arith.constant 3 : i32
    %dma_wait3A_744 = arith.constant 3 : i32
    %dma_wait3A_745 = tpu.memref_slice %arg6[%dma_wait3A_744] : memref<12x!tpu.dma_semaphore, #tpu.memory_space<semaphore_mem>> -> memref<1x!tpu.dma_semaphore, #tpu.memory_space<semaphore_mem>>
    %dma_wait3A_746 = tpu.memref_squeeze %dma_wait3A_745 : memref<1x!tpu.dma_semaphore, #tpu.memory_space<semaphore_mem>> -> memref<!tpu.dma_semaphore, #tpu.memory_space<semaphore_mem>>
    %dma_wait3A_747 = arith.constant 0 : i32
    %dma_wait3A_748 = arith.constant 0 : i32
    %dma_wait3A_749 = arith.constant 0 : i32
    %dma_wait3A_750 = tpu.memref_slice %arg5[%dma_wait3A_743, %dma_wait3A_747, %dma_wait3A_748, %dma_wait3A_749] : memref<12x512x8x128xf32, #tpu.memory_space<vmem>> -> memref<1x512x8x128xf32, #tpu.memory_space<vmem>>
    %dma_wait3A_751 = tpu.memref_squeeze %dma_wait3A_750 : memref<1x512x8x128xf32, #tpu.memory_space<vmem>> -> memref<512x8x128xf32, #tpu.memory_space<vmem>>
    %dma_wait3A_752 = arith.constant 7680 : i32
    %dma_wait3A_753 = arith.constant 0 : i32
    %dma_wait3A_754 = arith.constant 0 : i32
    %dma_wait3A_755 = tpu.memref_slice %arg3[%dma_wait3A_742, %dma_wait3A_752, %dma_wait3A_753, %dma_wait3A_754] : memref<1x8192x8x128xf32, #tpu.memory_space<hbm>> -> memref<1x512x8x128xf32, #tpu.memory_space<hbm>>
    %dma_wait3A_756 = tpu.memref_squeeze %dma_wait3A_755 : memref<1x512x8x128xf32, #tpu.memory_space<hbm>> -> memref<512x8x128xf32, #tpu.memory_space<hbm>>
    tpu.wait_dma2 semaphore(%dma_wait3A_746 : memref<!tpu.dma_semaphore, #tpu.memory_space<semaphore_mem>>) src(%dma_wait3A_756 : memref<512x8x128xf32, #tpu.memory_space<hbm>>) dst(%dma_wait3A_751 : memref<512x8x128xf32, #tpu.memory_space<vmem>>)
    %dma_start3A_757 = arith.constant 3 : i32
    %dma_start3A_758 = arith.constant 0 : i32
    %dma_start3A_759 = arith.constant 3 : i32
    %dma_start3A_760 = tpu.memref_slice %arg7[%dma_start3A_759] : memref<12x!tpu.dma_semaphore, #tpu.memory_space<semaphore_mem>> -> memref<1x!tpu.dma_semaphore, #tpu.memory_space<semaphore_mem>>
    %dma_start3A_761 = tpu.memref_squeeze %dma_start3A_760 : memref<1x!tpu.dma_semaphore, #tpu.memory_space<semaphore_mem>> -> memref<!tpu.dma_semaphore, #tpu.memory_space<semaphore_mem>>
    %dma_start3A_762 = arith.constant 7680 : i32
    %dma_start3A_763 = arith.constant 0 : i32
    %dma_start3A_764 = arith.constant 0 : i32
    %dma_start3A_765 = tpu.memref_slice %arg4[%dma_start3A_758, %dma_start3A_762, %dma_start3A_763, %dma_start3A_764] : memref<1x8192x8x128xf32, #tpu.memory_space<hbm>> -> memref<1x512x8x128xf32, #tpu.memory_space<hbm>>
    %dma_start3A_766 = tpu.memref_squeeze %dma_start3A_765 : memref<1x512x8x128xf32, #tpu.memory_space<hbm>> -> memref<512x8x128xf32, #tpu.memory_space<hbm>>
    %dma_start3A_767 = arith.constant 0 : i32
    %dma_start3A_768 = arith.constant 0 : i32
    %dma_start3A_769 = arith.constant 0 : i32
    %dma_start3A_770 = tpu.memref_slice %arg5[%dma_start3A_757, %dma_start3A_767, %dma_start3A_768, %dma_start3A_769] : memref<12x512x8x128xf32, #tpu.memory_space<vmem>> -> memref<1x512x8x128xf32, #tpu.memory_space<vmem>>
    %dma_start3A_771 = tpu.memref_squeeze %dma_start3A_770 : memref<1x512x8x128xf32, #tpu.memory_space<vmem>> -> memref<512x8x128xf32, #tpu.memory_space<vmem>>
    tpu.enqueue_dma source(%dma_start3A_771 : memref<512x8x128xf32, #tpu.memory_space<vmem>>) target(%dma_start3A_766 : memref<512x8x128xf32, #tpu.memory_space<hbm>>) target_semaphore(%dma_start3A_761 : memref<!tpu.dma_semaphore, #tpu.memory_space<semaphore_mem>>)
    %dma_wait3A_772 = arith.constant 4 : i32
    %dma_wait3A_773 = arith.constant 0 : i32
    %dma_wait3A_774 = arith.constant 4 : i32
    %dma_wait3A_775 = tpu.memref_slice %arg7[%dma_wait3A_774] : memref<12x!tpu.dma_semaphore, #tpu.memory_space<semaphore_mem>> -> memref<1x!tpu.dma_semaphore, #tpu.memory_space<semaphore_mem>>
    %dma_wait3A_776 = tpu.memref_squeeze %dma_wait3A_775 : memref<1x!tpu.dma_semaphore, #tpu.memory_space<semaphore_mem>> -> memref<!tpu.dma_semaphore, #tpu.memory_space<semaphore_mem>>
    %dma_wait3A_777 = arith.constant 2048 : i32
    %dma_wait3A_778 = arith.constant 0 : i32
    %dma_wait3A_779 = arith.constant 0 : i32
    %dma_wait3A_780 = tpu.memref_slice %arg4[%dma_wait3A_773, %dma_wait3A_777, %dma_wait3A_778, %dma_wait3A_779] : memref<1x8192x8x128xf32, #tpu.memory_space<hbm>> -> memref<1x512x8x128xf32, #tpu.memory_space<hbm>>
    %dma_wait3A_781 = tpu.memref_squeeze %dma_wait3A_780 : memref<1x512x8x128xf32, #tpu.memory_space<hbm>> -> memref<512x8x128xf32, #tpu.memory_space<hbm>>
    %dma_wait3A_782 = arith.constant 0 : i32
    %dma_wait3A_783 = arith.constant 0 : i32
    %dma_wait3A_784 = arith.constant 0 : i32
    %dma_wait3A_785 = tpu.memref_slice %arg5[%dma_wait3A_772, %dma_wait3A_782, %dma_wait3A_783, %dma_wait3A_784] : memref<12x512x8x128xf32, #tpu.memory_space<vmem>> -> memref<1x512x8x128xf32, #tpu.memory_space<vmem>>
    %dma_wait3A_786 = tpu.memref_squeeze %dma_wait3A_785 : memref<1x512x8x128xf32, #tpu.memory_space<vmem>> -> memref<512x8x128xf32, #tpu.memory_space<vmem>>
    tpu.wait_dma2 semaphore(%dma_wait3A_776 : memref<!tpu.dma_semaphore, #tpu.memory_space<semaphore_mem>>) src(%dma_wait3A_786 : memref<512x8x128xf32, #tpu.memory_space<vmem>>) dst(%dma_wait3A_781 : memref<512x8x128xf32, #tpu.memory_space<hbm>>)
    %dma_wait3A_787 = arith.constant 5 : i32
    %dma_wait3A_788 = arith.constant 0 : i32
    %dma_wait3A_789 = arith.constant 5 : i32
    %dma_wait3A_790 = tpu.memref_slice %arg7[%dma_wait3A_789] : memref<12x!tpu.dma_semaphore, #tpu.memory_space<semaphore_mem>> -> memref<1x!tpu.dma_semaphore, #tpu.memory_space<semaphore_mem>>
    %dma_wait3A_791 = tpu.memref_squeeze %dma_wait3A_790 : memref<1x!tpu.dma_semaphore, #tpu.memory_space<semaphore_mem>> -> memref<!tpu.dma_semaphore, #tpu.memory_space<semaphore_mem>>
    %dma_wait3A_792 = arith.constant 2560 : i32
    %dma_wait3A_793 = arith.constant 0 : i32
    %dma_wait3A_794 = arith.constant 0 : i32
    %dma_wait3A_795 = tpu.memref_slice %arg4[%dma_wait3A_788, %dma_wait3A_792, %dma_wait3A_793, %dma_wait3A_794] : memref<1x8192x8x128xf32, #tpu.memory_space<hbm>> -> memref<1x512x8x128xf32, #tpu.memory_space<hbm>>
    %dma_wait3A_796 = tpu.memref_squeeze %dma_wait3A_795 : memref<1x512x8x128xf32, #tpu.memory_space<hbm>> -> memref<512x8x128xf32, #tpu.memory_space<hbm>>
    %dma_wait3A_797 = arith.constant 0 : i32
    %dma_wait3A_798 = arith.constant 0 : i32
    %dma_wait3A_799 = arith.constant 0 : i32
    %dma_wait3A_800 = tpu.memref_slice %arg5[%dma_wait3A_787, %dma_wait3A_797, %dma_wait3A_798, %dma_wait3A_799] : memref<12x512x8x128xf32, #tpu.memory_space<vmem>> -> memref<1x512x8x128xf32, #tpu.memory_space<vmem>>
    %dma_wait3A_801 = tpu.memref_squeeze %dma_wait3A_800 : memref<1x512x8x128xf32, #tpu.memory_space<vmem>> -> memref<512x8x128xf32, #tpu.memory_space<vmem>>
    tpu.wait_dma2 semaphore(%dma_wait3A_791 : memref<!tpu.dma_semaphore, #tpu.memory_space<semaphore_mem>>) src(%dma_wait3A_801 : memref<512x8x128xf32, #tpu.memory_space<vmem>>) dst(%dma_wait3A_796 : memref<512x8x128xf32, #tpu.memory_space<hbm>>)
    %dma_wait3A_802 = arith.constant 6 : i32
    %dma_wait3A_803 = arith.constant 0 : i32
    %dma_wait3A_804 = arith.constant 6 : i32
    %dma_wait3A_805 = tpu.memref_slice %arg7[%dma_wait3A_804] : memref<12x!tpu.dma_semaphore, #tpu.memory_space<semaphore_mem>> -> memref<1x!tpu.dma_semaphore, #tpu.memory_space<semaphore_mem>>
    %dma_wait3A_806 = tpu.memref_squeeze %dma_wait3A_805 : memref<1x!tpu.dma_semaphore, #tpu.memory_space<semaphore_mem>> -> memref<!tpu.dma_semaphore, #tpu.memory_space<semaphore_mem>>
    %dma_wait3A_807 = arith.constant 3072 : i32
    %dma_wait3A_808 = arith.constant 0 : i32
    %dma_wait3A_809 = arith.constant 0 : i32
    %dma_wait3A_810 = tpu.memref_slice %arg4[%dma_wait3A_803, %dma_wait3A_807, %dma_wait3A_808, %dma_wait3A_809] : memref<1x8192x8x128xf32, #tpu.memory_space<hbm>> -> memref<1x512x8x128xf32, #tpu.memory_space<hbm>>
    %dma_wait3A_811 = tpu.memref_squeeze %dma_wait3A_810 : memref<1x512x8x128xf32, #tpu.memory_space<hbm>> -> memref<512x8x128xf32, #tpu.memory_space<hbm>>
    %dma_wait3A_812 = arith.constant 0 : i32
    %dma_wait3A_813 = arith.constant 0 : i32
    %dma_wait3A_814 = arith.constant 0 : i32
    %dma_wait3A_815 = tpu.memref_slice %arg5[%dma_wait3A_802, %dma_wait3A_812, %dma_wait3A_813, %dma_wait3A_814] : memref<12x512x8x128xf32, #tpu.memory_space<vmem>> -> memref<1x512x8x128xf32, #tpu.memory_space<vmem>>
    %dma_wait3A_816 = tpu.memref_squeeze %dma_wait3A_815 : memref<1x512x8x128xf32, #tpu.memory_space<vmem>> -> memref<512x8x128xf32, #tpu.memory_space<vmem>>
    tpu.wait_dma2 semaphore(%dma_wait3A_806 : memref<!tpu.dma_semaphore, #tpu.memory_space<semaphore_mem>>) src(%dma_wait3A_816 : memref<512x8x128xf32, #tpu.memory_space<vmem>>) dst(%dma_wait3A_811 : memref<512x8x128xf32, #tpu.memory_space<hbm>>)
    %dma_wait3A_817 = arith.constant 7 : i32
    %dma_wait3A_818 = arith.constant 0 : i32
    %dma_wait3A_819 = arith.constant 7 : i32
    %dma_wait3A_820 = tpu.memref_slice %arg7[%dma_wait3A_819] : memref<12x!tpu.dma_semaphore, #tpu.memory_space<semaphore_mem>> -> memref<1x!tpu.dma_semaphore, #tpu.memory_space<semaphore_mem>>
    %dma_wait3A_821 = tpu.memref_squeeze %dma_wait3A_820 : memref<1x!tpu.dma_semaphore, #tpu.memory_space<semaphore_mem>> -> memref<!tpu.dma_semaphore, #tpu.memory_space<semaphore_mem>>
    %dma_wait3A_822 = arith.constant 3584 : i32
    %dma_wait3A_823 = arith.constant 0 : i32
    %dma_wait3A_824 = arith.constant 0 : i32
    %dma_wait3A_825 = tpu.memref_slice %arg4[%dma_wait3A_818, %dma_wait3A_822, %dma_wait3A_823, %dma_wait3A_824] : memref<1x8192x8x128xf32, #tpu.memory_space<hbm>> -> memref<1x512x8x128xf32, #tpu.memory_space<hbm>>
    %dma_wait3A_826 = tpu.memref_squeeze %dma_wait3A_825 : memref<1x512x8x128xf32, #tpu.memory_space<hbm>> -> memref<512x8x128xf32, #tpu.memory_space<hbm>>
    %dma_wait3A_827 = arith.constant 0 : i32
    %dma_wait3A_828 = arith.constant 0 : i32
    %dma_wait3A_829 = arith.constant 0 : i32
    %dma_wait3A_830 = tpu.memref_slice %arg5[%dma_wait3A_817, %dma_wait3A_827, %dma_wait3A_828, %dma_wait3A_829] : memref<12x512x8x128xf32, #tpu.memory_space<vmem>> -> memref<1x512x8x128xf32, #tpu.memory_space<vmem>>
    %dma_wait3A_831 = tpu.memref_squeeze %dma_wait3A_830 : memref<1x512x8x128xf32, #tpu.memory_space<vmem>> -> memref<512x8x128xf32, #tpu.memory_space<vmem>>
    tpu.wait_dma2 semaphore(%dma_wait3A_821 : memref<!tpu.dma_semaphore, #tpu.memory_space<semaphore_mem>>) src(%dma_wait3A_831 : memref<512x8x128xf32, #tpu.memory_space<vmem>>) dst(%dma_wait3A_826 : memref<512x8x128xf32, #tpu.memory_space<hbm>>)
    %dma_wait3A_832 = arith.constant 8 : i32
    %dma_wait3A_833 = arith.constant 0 : i32
    %dma_wait3A_834 = arith.constant 8 : i32
    %dma_wait3A_835 = tpu.memref_slice %arg7[%dma_wait3A_834] : memref<12x!tpu.dma_semaphore, #tpu.memory_space<semaphore_mem>> -> memref<1x!tpu.dma_semaphore, #tpu.memory_space<semaphore_mem>>
    %dma_wait3A_836 = tpu.memref_squeeze %dma_wait3A_835 : memref<1x!tpu.dma_semaphore, #tpu.memory_space<semaphore_mem>> -> memref<!tpu.dma_semaphore, #tpu.memory_space<semaphore_mem>>
    %dma_wait3A_837 = arith.constant 4096 : i32
    %dma_wait3A_838 = arith.constant 0 : i32
    %dma_wait3A_839 = arith.constant 0 : i32
    %dma_wait3A_840 = tpu.memref_slice %arg4[%dma_wait3A_833, %dma_wait3A_837, %dma_wait3A_838, %dma_wait3A_839] : memref<1x8192x8x128xf32, #tpu.memory_space<hbm>> -> memref<1x512x8x128xf32, #tpu.memory_space<hbm>>
    %dma_wait3A_841 = tpu.memref_squeeze %dma_wait3A_840 : memref<1x512x8x128xf32, #tpu.memory_space<hbm>> -> memref<512x8x128xf32, #tpu.memory_space<hbm>>
    %dma_wait3A_842 = arith.constant 0 : i32
    %dma_wait3A_843 = arith.constant 0 : i32
    %dma_wait3A_844 = arith.constant 0 : i32
    %dma_wait3A_845 = tpu.memref_slice %arg5[%dma_wait3A_832, %dma_wait3A_842, %dma_wait3A_843, %dma_wait3A_844] : memref<12x512x8x128xf32, #tpu.memory_space<vmem>> -> memref<1x512x8x128xf32, #tpu.memory_space<vmem>>
    %dma_wait3A_846 = tpu.memref_squeeze %dma_wait3A_845 : memref<1x512x8x128xf32, #tpu.memory_space<vmem>> -> memref<512x8x128xf32, #tpu.memory_space<vmem>>
    tpu.wait_dma2 semaphore(%dma_wait3A_836 : memref<!tpu.dma_semaphore, #tpu.memory_space<semaphore_mem>>) src(%dma_wait3A_846 : memref<512x8x128xf32, #tpu.memory_space<vmem>>) dst(%dma_wait3A_841 : memref<512x8x128xf32, #tpu.memory_space<hbm>>)
    %dma_wait3A_847 = arith.constant 9 : i32
    %dma_wait3A_848 = arith.constant 0 : i32
    %dma_wait3A_849 = arith.constant 9 : i32
    %dma_wait3A_850 = tpu.memref_slice %arg7[%dma_wait3A_849] : memref<12x!tpu.dma_semaphore, #tpu.memory_space<semaphore_mem>> -> memref<1x!tpu.dma_semaphore, #tpu.memory_space<semaphore_mem>>
    %dma_wait3A_851 = tpu.memref_squeeze %dma_wait3A_850 : memref<1x!tpu.dma_semaphore, #tpu.memory_space<semaphore_mem>> -> memref<!tpu.dma_semaphore, #tpu.memory_space<semaphore_mem>>
    %dma_wait3A_852 = arith.constant 4608 : i32
    %dma_wait3A_853 = arith.constant 0 : i32
    %dma_wait3A_854 = arith.constant 0 : i32
    %dma_wait3A_855 = tpu.memref_slice %arg4[%dma_wait3A_848, %dma_wait3A_852, %dma_wait3A_853, %dma_wait3A_854] : memref<1x8192x8x128xf32, #tpu.memory_space<hbm>> -> memref<1x512x8x128xf32, #tpu.memory_space<hbm>>
    %dma_wait3A_856 = tpu.memref_squeeze %dma_wait3A_855 : memref<1x512x8x128xf32, #tpu.memory_space<hbm>> -> memref<512x8x128xf32, #tpu.memory_space<hbm>>
    %dma_wait3A_857 = arith.constant 0 : i32
    %dma_wait3A_858 = arith.constant 0 : i32
    %dma_wait3A_859 = arith.constant 0 : i32
    %dma_wait3A_860 = tpu.memref_slice %arg5[%dma_wait3A_847, %dma_wait3A_857, %dma_wait3A_858, %dma_wait3A_859] : memref<12x512x8x128xf32, #tpu.memory_space<vmem>> -> memref<1x512x8x128xf32, #tpu.memory_space<vmem>>
    %dma_wait3A_861 = tpu.memref_squeeze %dma_wait3A_860 : memref<1x512x8x128xf32, #tpu.memory_space<vmem>> -> memref<512x8x128xf32, #tpu.memory_space<vmem>>
    tpu.wait_dma2 semaphore(%dma_wait3A_851 : memref<!tpu.dma_semaphore, #tpu.memory_space<semaphore_mem>>) src(%dma_wait3A_861 : memref<512x8x128xf32, #tpu.memory_space<vmem>>) dst(%dma_wait3A_856 : memref<512x8x128xf32, #tpu.memory_space<hbm>>)
    %dma_wait3A_862 = arith.constant 10 : i32
    %dma_wait3A_863 = arith.constant 0 : i32
    %dma_wait3A_864 = arith.constant 10 : i32
    %dma_wait3A_865 = tpu.memref_slice %arg7[%dma_wait3A_864] : memref<12x!tpu.dma_semaphore, #tpu.memory_space<semaphore_mem>> -> memref<1x!tpu.dma_semaphore, #tpu.memory_space<semaphore_mem>>
    %dma_wait3A_866 = tpu.memref_squeeze %dma_wait3A_865 : memref<1x!tpu.dma_semaphore, #tpu.memory_space<semaphore_mem>> -> memref<!tpu.dma_semaphore, #tpu.memory_space<semaphore_mem>>
    %dma_wait3A_867 = arith.constant 5120 : i32
    %dma_wait3A_868 = arith.constant 0 : i32
    %dma_wait3A_869 = arith.constant 0 : i32
    %dma_wait3A_870 = tpu.memref_slice %arg4[%dma_wait3A_863, %dma_wait3A_867, %dma_wait3A_868, %dma_wait3A_869] : memref<1x8192x8x128xf32, #tpu.memory_space<hbm>> -> memref<1x512x8x128xf32, #tpu.memory_space<hbm>>
    %dma_wait3A_871 = tpu.memref_squeeze %dma_wait3A_870 : memref<1x512x8x128xf32, #tpu.memory_space<hbm>> -> memref<512x8x128xf32, #tpu.memory_space<hbm>>
    %dma_wait3A_872 = arith.constant 0 : i32
    %dma_wait3A_873 = arith.constant 0 : i32
    %dma_wait3A_874 = arith.constant 0 : i32
    %dma_wait3A_875 = tpu.memref_slice %arg5[%dma_wait3A_862, %dma_wait3A_872, %dma_wait3A_873, %dma_wait3A_874] : memref<12x512x8x128xf32, #tpu.memory_space<vmem>> -> memref<1x512x8x128xf32, #tpu.memory_space<vmem>>
    %dma_wait3A_876 = tpu.memref_squeeze %dma_wait3A_875 : memref<1x512x8x128xf32, #tpu.memory_space<vmem>> -> memref<512x8x128xf32, #tpu.memory_space<vmem>>
    tpu.wait_dma2 semaphore(%dma_wait3A_866 : memref<!tpu.dma_semaphore, #tpu.memory_space<semaphore_mem>>) src(%dma_wait3A_876 : memref<512x8x128xf32, #tpu.memory_space<vmem>>) dst(%dma_wait3A_871 : memref<512x8x128xf32, #tpu.memory_space<hbm>>)
    %dma_wait3A_877 = arith.constant 11 : i32
    %dma_wait3A_878 = arith.constant 0 : i32
    %dma_wait3A_879 = arith.constant 11 : i32
    %dma_wait3A_880 = tpu.memref_slice %arg7[%dma_wait3A_879] : memref<12x!tpu.dma_semaphore, #tpu.memory_space<semaphore_mem>> -> memref<1x!tpu.dma_semaphore, #tpu.memory_space<semaphore_mem>>
    %dma_wait3A_881 = tpu.memref_squeeze %dma_wait3A_880 : memref<1x!tpu.dma_semaphore, #tpu.memory_space<semaphore_mem>> -> memref<!tpu.dma_semaphore, #tpu.memory_space<semaphore_mem>>
    %dma_wait3A_882 = arith.constant 5632 : i32
    %dma_wait3A_883 = arith.constant 0 : i32
    %dma_wait3A_884 = arith.constant 0 : i32
    %dma_wait3A_885 = tpu.memref_slice %arg4[%dma_wait3A_878, %dma_wait3A_882, %dma_wait3A_883, %dma_wait3A_884] : memref<1x8192x8x128xf32, #tpu.memory_space<hbm>> -> memref<1x512x8x128xf32, #tpu.memory_space<hbm>>
    %dma_wait3A_886 = tpu.memref_squeeze %dma_wait3A_885 : memref<1x512x8x128xf32, #tpu.memory_space<hbm>> -> memref<512x8x128xf32, #tpu.memory_space<hbm>>
    %dma_wait3A_887 = arith.constant 0 : i32
    %dma_wait3A_888 = arith.constant 0 : i32
    %dma_wait3A_889 = arith.constant 0 : i32
    %dma_wait3A_890 = tpu.memref_slice %arg5[%dma_wait3A_877, %dma_wait3A_887, %dma_wait3A_888, %dma_wait3A_889] : memref<12x512x8x128xf32, #tpu.memory_space<vmem>> -> memref<1x512x8x128xf32, #tpu.memory_space<vmem>>
    %dma_wait3A_891 = tpu.memref_squeeze %dma_wait3A_890 : memref<1x512x8x128xf32, #tpu.memory_space<vmem>> -> memref<512x8x128xf32, #tpu.memory_space<vmem>>
    tpu.wait_dma2 semaphore(%dma_wait3A_881 : memref<!tpu.dma_semaphore, #tpu.memory_space<semaphore_mem>>) src(%dma_wait3A_891 : memref<512x8x128xf32, #tpu.memory_space<vmem>>) dst(%dma_wait3A_886 : memref<512x8x128xf32, #tpu.memory_space<hbm>>)
    %dma_wait3A_892 = arith.constant 0 : i32
    %dma_wait3A_893 = arith.constant 0 : i32
    %dma_wait3A_894 = arith.constant 0 : i32
    %dma_wait3A_895 = tpu.memref_slice %arg7[%dma_wait3A_894] : memref<12x!tpu.dma_semaphore, #tpu.memory_space<semaphore_mem>> -> memref<1x!tpu.dma_semaphore, #tpu.memory_space<semaphore_mem>>
    %dma_wait3A_896 = tpu.memref_squeeze %dma_wait3A_895 : memref<1x!tpu.dma_semaphore, #tpu.memory_space<semaphore_mem>> -> memref<!tpu.dma_semaphore, #tpu.memory_space<semaphore_mem>>
    %dma_wait3A_897 = arith.constant 6144 : i32
    %dma_wait3A_898 = arith.constant 0 : i32
    %dma_wait3A_899 = arith.constant 0 : i32
    %dma_wait3A_900 = tpu.memref_slice %arg4[%dma_wait3A_893, %dma_wait3A_897, %dma_wait3A_898, %dma_wait3A_899] : memref<1x8192x8x128xf32, #tpu.memory_space<hbm>> -> memref<1x512x8x128xf32, #tpu.memory_space<hbm>>
    %dma_wait3A_901 = tpu.memref_squeeze %dma_wait3A_900 : memref<1x512x8x128xf32, #tpu.memory_space<hbm>> -> memref<512x8x128xf32, #tpu.memory_space<hbm>>
    %dma_wait3A_902 = arith.constant 0 : i32
    %dma_wait3A_903 = arith.constant 0 : i32
    %dma_wait3A_904 = arith.constant 0 : i32
    %dma_wait3A_905 = tpu.memref_slice %arg5[%dma_wait3A_892, %dma_wait3A_902, %dma_wait3A_903, %dma_wait3A_904] : memref<12x512x8x128xf32, #tpu.memory_space<vmem>> -> memref<1x512x8x128xf32, #tpu.memory_space<vmem>>
    %dma_wait3A_906 = tpu.memref_squeeze %dma_wait3A_905 : memref<1x512x8x128xf32, #tpu.memory_space<vmem>> -> memref<512x8x128xf32, #tpu.memory_space<vmem>>
    tpu.wait_dma2 semaphore(%dma_wait3A_896 : memref<!tpu.dma_semaphore, #tpu.memory_space<semaphore_mem>>) src(%dma_wait3A_906 : memref<512x8x128xf32, #tpu.memory_space<vmem>>) dst(%dma_wait3A_901 : memref<512x8x128xf32, #tpu.memory_space<hbm>>)
    %dma_wait3A_907 = arith.constant 1 : i32
    %dma_wait3A_908 = arith.constant 0 : i32
    %dma_wait3A_909 = arith.constant 1 : i32
    %dma_wait3A_910 = tpu.memref_slice %arg7[%dma_wait3A_909] : memref<12x!tpu.dma_semaphore, #tpu.memory_space<semaphore_mem>> -> memref<1x!tpu.dma_semaphore, #tpu.memory_space<semaphore_mem>>
    %dma_wait3A_911 = tpu.memref_squeeze %dma_wait3A_910 : memref<1x!tpu.dma_semaphore, #tpu.memory_space<semaphore_mem>> -> memref<!tpu.dma_semaphore, #tpu.memory_space<semaphore_mem>>
    %dma_wait3A_912 = arith.constant 6656 : i32
    %dma_wait3A_913 = arith.constant 0 : i32
    %dma_wait3A_914 = arith.constant 0 : i32
    %dma_wait3A_915 = tpu.memref_slice %arg4[%dma_wait3A_908, %dma_wait3A_912, %dma_wait3A_913, %dma_wait3A_914] : memref<1x8192x8x128xf32, #tpu.memory_space<hbm>> -> memref<1x512x8x128xf32, #tpu.memory_space<hbm>>
    %dma_wait3A_916 = tpu.memref_squeeze %dma_wait3A_915 : memref<1x512x8x128xf32, #tpu.memory_space<hbm>> -> memref<512x8x128xf32, #tpu.memory_space<hbm>>
    %dma_wait3A_917 = arith.constant 0 : i32
    %dma_wait3A_918 = arith.constant 0 : i32
    %dma_wait3A_919 = arith.constant 0 : i32
    %dma_wait3A_920 = tpu.memref_slice %arg5[%dma_wait3A_907, %dma_wait3A_917, %dma_wait3A_918, %dma_wait3A_919] : memref<12x512x8x128xf32, #tpu.memory_space<vmem>> -> memref<1x512x8x128xf32, #tpu.memory_space<vmem>>
    %dma_wait3A_921 = tpu.memref_squeeze %dma_wait3A_920 : memref<1x512x8x128xf32, #tpu.memory_space<vmem>> -> memref<512x8x128xf32, #tpu.memory_space<vmem>>
    tpu.wait_dma2 semaphore(%dma_wait3A_911 : memref<!tpu.dma_semaphore, #tpu.memory_space<semaphore_mem>>) src(%dma_wait3A_921 : memref<512x8x128xf32, #tpu.memory_space<vmem>>) dst(%dma_wait3A_916 : memref<512x8x128xf32, #tpu.memory_space<hbm>>)
    %dma_wait3A_922 = arith.constant 2 : i32
    %dma_wait3A_923 = arith.constant 0 : i32
    %dma_wait3A_924 = arith.constant 2 : i32
    %dma_wait3A_925 = tpu.memref_slice %arg7[%dma_wait3A_924] : memref<12x!tpu.dma_semaphore, #tpu.memory_space<semaphore_mem>> -> memref<1x!tpu.dma_semaphore, #tpu.memory_space<semaphore_mem>>
    %dma_wait3A_926 = tpu.memref_squeeze %dma_wait3A_925 : memref<1x!tpu.dma_semaphore, #tpu.memory_space<semaphore_mem>> -> memref<!tpu.dma_semaphore, #tpu.memory_space<semaphore_mem>>
    %dma_wait3A_927 = arith.constant 7168 : i32
    %dma_wait3A_928 = arith.constant 0 : i32
    %dma_wait3A_929 = arith.constant 0 : i32
    %dma_wait3A_930 = tpu.memref_slice %arg4[%dma_wait3A_923, %dma_wait3A_927, %dma_wait3A_928, %dma_wait3A_929] : memref<1x8192x8x128xf32, #tpu.memory_space<hbm>> -> memref<1x512x8x128xf32, #tpu.memory_space<hbm>>
    %dma_wait3A_931 = tpu.memref_squeeze %dma_wait3A_930 : memref<1x512x8x128xf32, #tpu.memory_space<hbm>> -> memref<512x8x128xf32, #tpu.memory_space<hbm>>
    %dma_wait3A_932 = arith.constant 0 : i32
    %dma_wait3A_933 = arith.constant 0 : i32
    %dma_wait3A_934 = arith.constant 0 : i32
    %dma_wait3A_935 = tpu.memref_slice %arg5[%dma_wait3A_922, %dma_wait3A_932, %dma_wait3A_933, %dma_wait3A_934] : memref<12x512x8x128xf32, #tpu.memory_space<vmem>> -> memref<1x512x8x128xf32, #tpu.memory_space<vmem>>
    %dma_wait3A_936 = tpu.memref_squeeze %dma_wait3A_935 : memref<1x512x8x128xf32, #tpu.memory_space<vmem>> -> memref<512x8x128xf32, #tpu.memory_space<vmem>>
    tpu.wait_dma2 semaphore(%dma_wait3A_926 : memref<!tpu.dma_semaphore, #tpu.memory_space<semaphore_mem>>) src(%dma_wait3A_936 : memref<512x8x128xf32, #tpu.memory_space<vmem>>) dst(%dma_wait3A_931 : memref<512x8x128xf32, #tpu.memory_space<hbm>>)
    %dma_wait3A_937 = arith.constant 3 : i32
    %dma_wait3A_938 = arith.constant 0 : i32
    %dma_wait3A_939 = arith.constant 3 : i32
    %dma_wait3A_940 = tpu.memref_slice %arg7[%dma_wait3A_939] : memref<12x!tpu.dma_semaphore, #tpu.memory_space<semaphore_mem>> -> memref<1x!tpu.dma_semaphore, #tpu.memory_space<semaphore_mem>>
    %dma_wait3A_941 = tpu.memref_squeeze %dma_wait3A_940 : memref<1x!tpu.dma_semaphore, #tpu.memory_space<semaphore_mem>> -> memref<!tpu.dma_semaphore, #tpu.memory_space<semaphore_mem>>
    %dma_wait3A_942 = arith.constant 7680 : i32
    %dma_wait3A_943 = arith.constant 0 : i32
    %dma_wait3A_944 = arith.constant 0 : i32
    %dma_wait3A_945 = tpu.memref_slice %arg4[%dma_wait3A_938, %dma_wait3A_942, %dma_wait3A_943, %dma_wait3A_944] : memref<1x8192x8x128xf32, #tpu.memory_space<hbm>> -> memref<1x512x8x128xf32, #tpu.memory_space<hbm>>
    %dma_wait3A_946 = tpu.memref_squeeze %dma_wait3A_945 : memref<1x512x8x128xf32, #tpu.memory_space<hbm>> -> memref<512x8x128xf32, #tpu.memory_space<hbm>>
    %dma_wait3A_947 = arith.constant 0 : i32
    %dma_wait3A_948 = arith.constant 0 : i32
    %dma_wait3A_949 = arith.constant 0 : i32
    %dma_wait3A_950 = tpu.memref_slice %arg5[%dma_wait3A_937, %dma_wait3A_947, %dma_wait3A_948, %dma_wait3A_949] : memref<12x512x8x128xf32, #tpu.memory_space<vmem>> -> memref<1x512x8x128xf32, #tpu.memory_space<vmem>>
    %dma_wait3A_951 = tpu.memref_squeeze %dma_wait3A_950 : memref<1x512x8x128xf32, #tpu.memory_space<vmem>> -> memref<512x8x128xf32, #tpu.memory_space<vmem>>
    tpu.wait_dma2 semaphore(%dma_wait3A_941 : memref<!tpu.dma_semaphore, #tpu.memory_space<semaphore_mem>>) src(%dma_wait3A_951 : memref<512x8x128xf32, #tpu.memory_space<vmem>>) dst(%dma_wait3A_946 : memref<512x8x128xf32, #tpu.memory_space<hbm>>)
    %rem3A = arith.constant 512 : i32
    %rem3A_952 = arith.remsi %multiple_of3A, %rem3A : i32
    %ne3A = arith.constant 0 : i32
    %ne3A_953 = arith.cmpi ne, %rem3A_952, %ne3A : i32
    %convert_element_type3A_954 = arith.extui %ne3A_953 : i1 to i32
    %cond3A_955 = arith.constant 0 : i32
    %cond3A_956 = arith.cmpi ne, %convert_element_type3A_954, %cond3A_955 : i32
    scf.if %cond3A_956 {
      %dma_start3A_957 = arith.constant 0 : i32
      %dma_start3A_958 = arith.constant 0 : i32
      %dma_start3A_959 = arith.constant 0 : i32
      %dma_start3A_960 = arith.constant 0 : i32
      %dma_start3A_961 = tpu.memref_slice %arg4[%dma_start3A_958, %multiple_of3A, %dma_start3A_959, %dma_start3A_960] : memref<1x8192x8x128xf32, #tpu.memory_space<hbm>> -> memref<1x512x8x128xf32, #tpu.memory_space<hbm>>
      %dma_start3A_962 = tpu.memref_squeeze %dma_start3A_961 : memref<1x512x8x128xf32, #tpu.memory_space<hbm>> -> memref<512x8x128xf32, #tpu.memory_space<hbm>>
      %dma_start3A_963 = arith.constant 0 : i32
      %dma_start3A_964 = arith.constant 0 : i32
      %dma_start3A_965 = arith.constant 0 : i32
      %dma_start3A_966 = tpu.memref_slice %arg2[%dma_start3A_957, %dma_start3A_963, %dma_start3A_964, %dma_start3A_965] : memref<1x512x8x128xf32, #tpu.memory_space<hbm>> -> memref<1x512x8x128xf32, #tpu.memory_space<hbm>>
      %dma_start3A_967 = tpu.memref_squeeze %dma_start3A_966 : memref<1x512x8x128xf32, #tpu.memory_space<hbm>> -> memref<512x8x128xf32, #tpu.memory_space<hbm>>
      tpu.enqueue_dma source(%dma_start3A_967 : memref<512x8x128xf32, #tpu.memory_space<hbm>>) target(%dma_start3A_962 : memref<512x8x128xf32, #tpu.memory_space<hbm>>) target_semaphore(%arg8 : memref<!tpu.dma_semaphore, #tpu.memory_space<semaphore_mem>>)
      %dma_wait3A_968 = arith.constant 0 : i32
      %dma_wait3A_969 = arith.constant 0 : i32
      %dma_wait3A_970 = arith.constant 0 : i32
      %dma_wait3A_971 = arith.constant 0 : i32
      %dma_wait3A_972 = tpu.memref_slice %arg4[%dma_wait3A_969, %multiple_of3A, %dma_wait3A_970, %dma_wait3A_971] : memref<1x8192x8x128xf32, #tpu.memory_space<hbm>> -> memref<1x512x8x128xf32, #tpu.memory_space<hbm>>
      %dma_wait3A_973 = tpu.memref_squeeze %dma_wait3A_972 : memref<1x512x8x128xf32, #tpu.memory_space<hbm>> -> memref<512x8x128xf32, #tpu.memory_space<hbm>>
      %dma_wait3A_974 = arith.constant 0 : i32
      %dma_wait3A_975 = arith.constant 0 : i32
      %dma_wait3A_976 = arith.constant 0 : i32
      %dma_wait3A_977 = tpu.memref_slice %arg2[%dma_wait3A_968, %dma_wait3A_974, %dma_wait3A_975, %dma_wait3A_976] : memref<1x512x8x128xf32, #tpu.memory_space<hbm>> -> memref<1x512x8x128xf32, #tpu.memory_space<hbm>>
      %dma_wait3A_978 = tpu.memref_squeeze %dma_wait3A_977 : memref<1x512x8x128xf32, #tpu.memory_space<hbm>> -> memref<512x8x128xf32, #tpu.memory_space<hbm>>
      tpu.wait_dma2 semaphore(%arg8 : memref<!tpu.dma_semaphore, #tpu.memory_space<semaphore_mem>>) src(%dma_wait3A_978 : memref<512x8x128xf32, #tpu.memory_space<hbm>>) dst(%dma_wait3A_973 : memref<512x8x128xf32, #tpu.memory_space<hbm>>)
    } else {
    }
    return
  }
}

</mosaic_0001>

<sc_bundles>
// kernel: kernel.5.cloned.1.call-start
scs
__scs_entry_jumppad:
0x0: {  	(pc) =	sbr.rel $0x88, $3  }
0x1: {  	(tag) =	ssettag $0x0;
	lr =	simm.s32 $0x1  }
0x2: {  	[smem:$0x3F9C] =	sst lr;
	_ =	strace $0xD0000000  }
0x3: {  	_ = 	snop  }
0x4: {  	_ = 	snop  }
0x5: {  	_ = 	snop  }
0x6: {  	_ = 	snop  }
0x7: {  	_ = 	snop  }
__scs_overlays_trampoline_lowered:
0x8: {  	[smem:$0x3FAB] =	sst s0  }
0x9: {  	[smem:$0x3FAC] =	sst s1  }
0xa: {  	[smem:$0x3FAD] =	sst s2  }
0xb: {  	[smem:$0x3FAE] =	sst s3  }
0xc: {  	[smem:$0x3FAF] =	sst s4  }
0xd: {  	[smem:$0x3FB0] =	sst s5  }
0xe: {  	[smem:$0x3FB1] =	sst s6  }
0xf: {  	[smem:$0x3FB2] =	sst s7  }
0x10: {  	[smem:$0x3FB3] =	sst s8  }
0x11: {  	[smem:$0x3FB4] =	sst s9;
	s0 =	simm.s32 @!p0 $0x0  }
0x12: {  	s1 =	sld [smem:$0x3F9A];
	s0 =	simm.s32 @p0 $0x1  }
0x13: {  	[smem:$0x3FB5] =	sst s0;
	s0 =	simm.s32 @!p1 $0x0  }
0x14: {  	s2 =	sld [smem:$0x3F99];
	s0 =	simm.s32 @p1 $0x1  }
0x15: {  	[smem:$0x3FB6] =	sst s0;
	s0 =	simm.s32 @!p2 $0x0  }
0x16: {  	s3 =	sld [smem:$0x3FDB];
	s0 =	simm.s32 @p2 $0x1  }
0x17: {  	s4 =	simm.s32 $0x1BF5;
	[smem:$0x3FB8] =	sst s0  }
0x18: {  	s0 =	sld [smem:$0x3F9B];
	_ =	swait.ge [sflag:s4], $0x0  }
0x19: {  	s7 =	sld [smem:$0x3F9C]  }
0x1a: {  	s8 =	sadd.s32 $0xFFFFE003, lr  }
0x1b: {  	s9 =	sadd.s32 $0xFFFFFEF7, lr;
	s5 =	simm.s32 $0xFFFFFFFF;
	p2 =	slt.u32 s8, $0xFFFFF086  }
0x1c: {  	p1 =	slt.u32 s9, $0xF7A;
	s5 =	simm.s32 @!p2 $0x0  }
0x1d: {  	s5 =	simm.s32 @p1 $0x1;
	p0 =	seq.s32 s7, s2  }
0x1e: {  	s7 =	smul.u32 @!p0 $0xF7A, s2;
	p2 =	seq.s32 @!p0 s5, $0x0  }
0x1f: {  	s9 =	smul.u32 $0xF7A, s1;
	s8 =	simm.s32 @!p0 $0x1BF5;
	p2 =	por !p2, p0  }
0x20: {  	[sflag:s8] =	ssyncset.s32 @!p0 $0xFFFFF086;
	s6 =	sadd.s32 @!p0 s3, s7;
	s7 =	simm.s32 @!p0 $0x108  }
0x21: {  	s3 =	sadd.s32 s3, s9;
	s6 =	sadd.s32 @!p0 $0x88, s6;
	s7 =	simm.s32 @p2 $0x1082  }
0x22: {  	[simem:s7], [sflag:s8] =	dma.local @!p0 [hbm:s6], $0xF7A  }
0x23: {  	s9 =	sor.u32 $0xD0000000, s2;
	s6 =	simm.s32 $0x108;
	_ =	swait.ge @!p0 [sflag:s8], $0x0  }
0x24: {  	s3 =	sadd.s32 $0x88, s3;
	s6 =	simm.s32 @!p1 $0x1082;
	[sflag:s4] =	ssyncset.s32 $0xFFFFF086  }
0x25: {  	[simem:s6], [sflag:s4] =	dma.local [hbm:s3], $0xF7A  }
0x26: {  	[smem:$0x3F9C] =	sst s1;
	(tag) =	ssettag s2;
	_ =	strace s9  }
0x27: {  	s1 =	sld [smem:$0x3FAC]  }
0x28: {  	s2 =	sld [smem:$0x3FAD]  }
0x29: {  	s4 =	sld [smem:$0x3FAF]  }
0x2a: {  	p0 =	seq.s32 s5, $0x0;
	s5 =	sld [smem:$0x3FB0]  }
0x2b: {  	s6 =	sld [smem:$0x3FB1]  }
0x2c: {  	s7 =	sld [smem:$0x3FB2]  }
0x2d: {  	s3 =	simm.s32 $0x108;
	s8 =	sld [smem:$0x3FB3]  }
0x2e: {  	s3 =	simm.s32 @!p0 $0x1082;
	s9 =	sld [smem:$0x3FB4]  }
0x2f: {  	lr =	sadd.s32 s0, s3;
	s0 =	sld [smem:$0x3FAB]  }
0x30: {  	s3 =	sld [smem:$0x3FAE]  }
0x31: {  	[smem:$0x3FB7] =	sst s10  }
0x32: {  	s10 =	sld [smem:$0x3FB5];
	_ =	sdelay $0x3  }
0x33: {  	p0 =	seq.s32 s10, $0x1;
	s10 =	sld [smem:$0x3FB7];
	_ =	sdelay $0x3  }
0x34: {  	[smem:$0x3FB7] =	sst s10  }
0x35: {  	s10 =	sld [smem:$0x3FB6];
	_ =	sdelay $0x3  }
0x36: {  	p1 =	seq.s32 s10, $0x1;
	s10 =	sld [smem:$0x3FB7];
	_ =	sdelay $0x3  }
0x37: {  	[smem:$0x3FB7] =	sst s10  }
0x38: {  	s10 =	sld [smem:$0x3FB8]  }
0x39: {  	_ = 	snop;
	(pc) =	sbr.ind lr, $3  }
0x3a: {  	_ = 	snop  }
0x3b: {  	_ = 	snop  }
0x3c: {  	p2 =	seq.s32 s10, $0x1;
	s10 =	sld [smem:$0x3FB7]  }
0x3d: {  	_ =	shalt  }
0x3e: {  	_ =	shalt  }
0x3f: {  	_ =	shalt  }
0x40: {  	_ =	shalt  }
0x41: {  	_ =	shalt  }
0x42: {  	_ =	shalt  }
0x43: {  	_ =	shalt  }
0x44: {  	_ =	shalt  }
0x45: {  	_ =	shalt  }
0x46: {  	_ =	shalt  }
0x47: {  	_ =	shalt  }
0x48: {  	_ =	shalt  }
0x49: {  	_ =	shalt  }
0x4a: {  	_ =	shalt  }
0x4b: {  	_ =	shalt  }
0x4c: {  	_ =	shalt  }
0x4d: {  	_ =	shalt  }
0x4e: {  	_ =	shalt  }
0x4f: {  	_ =	shalt  }
0x50: {  	_ =	shalt  }
0x51: {  	_ =	shalt  }
0x52: {  	_ =	shalt  }
0x53: {  	_ =	shalt  }
0x54: {  	_ =	shalt  }
0x55: {  	_ =	shalt  }
0x56: {  	_ =	shalt  }
0x57: {  	_ =	shalt  }
0x58: {  	_ =	shalt  }
0x59: {  	_ =	shalt  }
0x5a: {  	_ =	shalt  }
0x5b: {  	_ =	shalt  }
0x5c: {  	_ =	shalt  }
0x5d: {  	_ =	shalt  }
0x5e: {  	_ =	shalt  }
0x5f: {  	_ =	shalt  }
0x60: {  	_ =	shalt  }
0x61: {  	_ =	shalt  }
0x62: {  	_ =	shalt  }
0x63: {  	_ =	shalt  }
0x64: {  	_ =	shalt  }
0x65: {  	_ =	shalt  }
0x66: {  	_ =	shalt  }
0x67: {  	_ =	shalt  }
0x68: {  	_ =	shalt  }
0x69: {  	_ =	shalt  }
0x6a: {  	_ =	shalt  }
0x6b: {  	_ =	shalt  }
0x6c: {  	_ =	shalt  }
0x6d: {  	_ =	shalt  }
0x6e: {  	_ =	shalt  }
0x6f: {  	_ =	shalt  }
0x70: {  	_ =	shalt  }
0x71: {  	_ =	shalt  }
0x72: {  	_ =	shalt  }
0x73: {  	_ =	shalt  }
0x74: {  	_ =	shalt  }
0x75: {  	_ =	shalt  }
0x76: {  	_ =	shalt  }
0x77: {  	_ =	shalt  }
0x78: {  	_ =	shalt  }
0x79: {  	_ =	shalt  }
0x7a: {  	_ =	shalt  }
0x7b: {  	_ =	shalt  }
0x7c: {  	_ =	shalt  }
0x7d: {  	_ =	shalt  }
0x7e: {  	_ =	shalt  }
0x7f: {  	_ =	shalt  }
0x80: {  	_ =	shalt  }
0x81: {  	_ =	shalt  }
0x82: {  	_ =	shalt  }
0x83: {  	_ =	shalt  }
0x84: {  	_ =	shalt  }
0x85: {  	_ =	shalt  }
0x86: {  	_ =	shalt  }
0x87: {  	_ =	shalt  }
.Lfunc_end0:
.L_simem_size_0:
called_computation_lowered:
.L_overlay_start_0:
0x88: {  	s2 =	sld [smem:$0x3FD9]  }
0x89: {  	s3 =	sld [smem:$0x3FFE];
	_ =	sdelay $0x1  }
0x8a: {  	s1 =	srdreg.scid  }
0x8b: {  	s0 =	sand.u32 $0x1, s1  }
0x8c: {  	s15 =	sshll.u32 s0, $0xA;
	s2 =	sadd.s32 s3, s2  }
0x8d: {  	s2 =	sadd.s32 s2, s15  }
0x8e: {  	[smem:$0x3FC3] =	sst s2  }
0x8f: {  	_ = 	snop  }
0x90: {  	s2 =	sld [smem:$0x3FD0]  }
0x91: {  	s16 =	sld [smem:$0x3FC9]  }
0x92: {  	s4 =	sld [smem:$0x3FC7]  }
0x93: {  	s6 =	simm.s32 $0xA;
	s7 =	simm.s32 $0x10;
	s5 =	sld [smem:$0x3FC5]  }
0x94: {  	[smem:s7], [sflag:s6] =	dma.local [hbm:s2], $0x1  }
0x95: {  	_ =	swait.eq [sflag:s6], $0x1  }
0x96: {  	[sflag:s6] =	ssyncset.done $0x0  }
0x97: {  	[sflag:s6] =	ssyncadd.s32 $0xFFFFFFFF  }
0x98: {  	s17 =	sld [smem:$0x11];
	(tm) =	ssettm $0x1  }
0x99: {  	s18 =	sld [smem:$0x3FFB];
	_ =	sdelay $0x3  }
0x9a: {  	_ =	strace s18  }
0x9b: {  	s6 =	sld [smem:$0x3FFC];
	_ =	sdelay $0x3  }
0x9c: {  	_ =	strace s6  }
0x9d: {  	s6 =	sld [smem:$0x3FFD];
	_ =	sdelay $0x3  }
0x9e: {  	_ =	strace s6  }
0x9f: {  	_ =	strace $0x8FFFFFFF  }
0xa0: {  	s19 =	sld [smem:$0x3FDB];
	_ =	sdelay $0x1  }
0xa1: {  	s20 =	simm.s32 $_scs_section_size  }
0xa2: {  	s8 =	simm.s32 $_size__tile_overlayer_lowered;
	s9 =	simm.s32 $_tile_overlayer_lowered  }
0xa3: {  	s23 =	simm.s32 $0x1BFF;
	s22 =	sshll.u32 s9, $0x1;
	s6 =	sadd.s32 s20, s19  }
0xa4: {  	s10 =	simm.s32 $0x0;
	s21 =	sshll.u32 s8, $0x1;
	s8 =	sadd.s32 s22, s6  }
0xa5: {  	[timem:s10], [sflag:s23] =	dma.local [hbm:s8], s21  }
0xa6: {  	_ =	swait.ge [sflag:s23], s21  }
0xa7: {  	s7 =	ssub.s32 $0x0, s21;
	[sflag:s23] =	ssyncset.done $0x0  }
0xa8: {  	[sflag:s23] =	ssyncadd.s32 s7;
	_ =	sdelay $0x1  }
0xa9: {  	s24 =	simm.s32 $0x1B8B  }
0xaa: {  	_ =	swait.ge [sflag:s24], $0x1  }
0xab: {  	[sflag:s24] =	ssyncset.done $0x0  }
0xac: {  	s25 =	simm.s32 $0x1B8E;
	[sflag:s24] =	ssyncadd.s32 $0xFFFFFFFF  }
0xad: {  	s26 =	simm.s32 $execute0_lowered;
	[smem:$0x3FD2] =	sst s25  }
0xae: {  	s7 =	sshll.u32 s26, $0x1;
	_ =	strace $0x80000046;
	[dreg:$0x1] =	wrdreg $0xFFFFFFFF  }
0xaf: {  	s28 =	simm.s32 $_size_execute0_lowered;
	s6 =	sadd.s32 s6, s7;
	[dreg:$0x0] =	wrdreg $0x0  }
0xb0: {  	s7 =	sshll.u32 s28, $0x1;
	[dreg:$0x2] =	wrdreg s6  }
0xb1: {  	[dreg:$0x3] =	wrdreg s7  }
0xb2: {  	[dreg:$0x4] =	wrdreg $0xC0  }
0xb3: {  	_ =	task [dreg:s10], $0x5FFFF  }
0xb4: {  	[dreg:$0x1] =	wrdreg $0xFFFFFFFF  }
0xb5: {  	[dreg:$0x0] =	wrdreg $0x60  }
0xb6: {  	[dreg:$0x2] =	wrdreg s16  }
0xb7: {  	[dreg:$0x3] =	wrdreg s4  }
0xb8: {  	[dreg:$0x4] =	wrdreg s5  }
0xb9: {  	[dreg:$0x5] =	wrdreg s17  }
0xba: {  	[dreg:$0x6] =	wrdreg $0x9  }
0xbb: {  	_ =	task.clear_ibuf [dreg:s10], $0x7FFFF;
	_ =	strace $0x90000046  }
0xbc: {  	s29 =	simm.s32 $0x9;
	_ =	strace $0x80000048  }
0xbd: {  	_ =	swait.ge [sflag:s29], $0x1  }
0xbe: {  	[sflag:s29] =	ssyncadd.s32 $0xFFFFFFFF  }
0xbf: {  	_ =	strace $0x90000048  }
0xc0: {  	_ =	sfence  }
0xc1: {  	s30 =	sld [smem:$0x0];
	_ =	sdelay $0x2  }
0xc2: {  	s31 =	sshll.u32 s1, $0xD;
	s1 =	sshrl.u32 s1, $0x2  }
0xc3: {  	s3 =	sand.u32 $0x4000, s31;
	s1 =	sadd.s32 s1, s30  }
0xc4: {  	s0 =	sor.u32 s3, s0;
	s1 =	sshll.u32 s1, $0x11  }
0xc5: {  	s0 =	sor.u32 s1, s0  }
0xc6: {  	s0 =	sadd.s32 $0x8F2B, s0  }
0xc7: {  	[sflag:s0] =	ssyncadd.remote.s32 $0x1  }
0xc8: {  	_ =	sfence.sel $0xFFFF  }
0xc9: {  	[dreg:$0x0] =	wrdreg $0xFFFFFFFF;
	(pc) =	sbr.abs _section_cstart, $3  }
0xca: {  	[dreg:$0x1] =	wrdreg $0xFFFFFFFF  }
0xcb: {  	_ =	task.clear_ibuf [dreg:s10], $0x2FFFF;
	_ =	strace $0x9FFFFFFF  }
0xcc: {  	(tm) =	ssettm $0x7FFFFFFF  }
0xcd: {  	_ =	shalt  }
tec
execute0_lowered:
.L_overlay_start_1:
0x0: {  	(tag) =	ssettag $0x1  }
0x1: {  	s0 =	rddreg [dreg:$0x0]  }
0x2: {  	s3 =	rddreg [dreg:$0x1]  }
0x3: {  	s4 =	rddreg [dreg:$0x2]  }
0x4: {  	s5 =	rddreg [dreg:$0x3]  }
0x5: {  	s6 =	srdreg.scid;
	[dreg:$0x5] =	wrdreg s0  }
0x6: {  	s2 =	simm.s32 $0x0;
	s0 =	rddreg [dreg:$0x4];
	s6 =	sand.u32 $0x1, s6  }
0x7: {  	s1 =	stileid.u32;
	[smem:$0x7FF] =	sst s2;
	s7 =	ssub.s32 $0x2, s6  }
0x8: {  	s8 =	sshll.u32 s1, $0x8;
	s6 =	sshll.u32 s6, $0x7;
	s9 =	sshrl.u32 s7, $0x1  }
0x9: {  	_ =	strace $0x80000047;
	s14 =	sor.u32 s6, s8;
	s24 =	ssub.s32 s7, s9  }
0xa: {  	s13 =	sor.u32 $0x20, s14;
	s25 =	sshll.u32 s14, $0x7;
	s11 =	sor.u32 $0x40, s14  }
0xb: {  	s7 =	sadd.s32 s5, s25;
	s26 =	sshll.u32 s13, $0x7;
	s29 =	sshll.u32 s11, $0x7  }
0xc: {  	s6 =	smax.u32 s24, $0x1;
	[dreg:$0x6] =	wrdreg s7;
	s7 =	sor.u32 $0x60, s14  }
0xd: {  	s28 =	sadd.s32 s5, s26;
	s9 =	sadd.s32 s5, s29;
	s15 =	sshll.u32 s7, $0x7  }
0xe: {  	s31 =	sadd.s32 s5, s15;
	s5 =	sadd.s32 s4, s15;
	s15 =	sadd.s32 $0xFFFFFFFF, s6  }
0xf: {  	p0 =	sne.s32 s15, $0x0  }
.Ltmp0:
0x10: {  	s16 =	rddreg [dreg:$0x5];
	s30 =	sadd.s32 $0x80, s14;
	(pc) =	sbr.rel @!p0 .LBB2_5-.Ltmp0, $4  }
0x11: {  	p1 =	por $0x0, $0x0;
	[dreg:$0x9] =	wrdreg s30  }
0x12: {  	s12 =	sadd.s32 s4, s25;
	s10 =	sadd.s32 s4, s26;
	[dreg:$0x7] =	wrdreg s28  }
0x13: {  	s8 =	sadd.s32 s4, s29;
	[dreg:$0x8] =	wrdreg s9;
	s9 =	simm.s32 $0x80  }
0x14: {  	s4 =	simm.s32 $0x1;
	s6 =	simm.s32 $0x8080;
	[dreg:$0xa] =	wrdreg s31  }
0x15: {  	[tilespmem:s2], [sflag:$0x1] =	stream.linear.gather [hbm4b:s16+s2], $0x10, $0x38;
	[tilespmem:$0x10080] =	vst v63  }
0x16: {  	_ =	swait.ge [sflag:s4], $0x10  }
0x17: {  	[sflag:s4] =	ssyncset.done $0x0  }
0x18: {  	[sflag:s4] =	ssyncadd.s32 $0xFFFFFFF0  }
0x19: {  	v0 =	vld [tilespmem:$0x0];
	_ =	sdelay $0x4  }
0x1a: {  	(v2sf) =	vpush v0, $0x0;
	_ =	sdelay $0xe  }
0x1b: {  	s16 =	spop (v2sf)  }
0x1c: {  	p1 =	slt.s32 s14, s16;
	s17 =	sadd.s32 $0x200, s16  }
0x1d: {  	p2 =	sgt.s32 @!p1 s13, s17  }
0x1e: {  	p5 =	por p2, p1  }
0x1f: {  	s18 =	ssub.s32 @!p5 s14, s16  }
0x20: {  	p0 =	sgt.s32 @!p5 s18, $0x0  }
0x21: {  	p3 =	por @!p1 !p0, p2  }
0x22: {  	p0 =	slt.s32 s13, s16;
	p4 =	por !p3, p1  }
0x23: {  	p3 =	sgt.s32 @!p0 s11, s17;
	s18 =	simm.s32 @!p4 $0x0  }
0x24: {  	p4 =	por p3, p0;
	s18 =	sshll.u32 @!p5 s18, $0x7  }
0x25: {  	s20 =	smov.u32 s12;
	s19 =	ssub.s32 @!p4 s13, s16;
	s18 =	sand.u32 @!p5 $0x1FFFFF80, s18  }
0x26: {  	p2 =	por !p2, p1;
	s18 =	sadd.s32 @!p5 s3, s18;
	p5 =	sgt.s32 @!p4 s19, $0x0  }
0x27: {  	s20 =	smov.u32 @p2 s18;
	p2 =	por @!p0 !p5, p3  }
0x28: {  	p2 =	por !p2, p0;
	s20 =	smov.u32 @p1 s12  }
0x29: {  	[tilespmem:s9], [sflag:$0x1] =	stream.linear.gather [hbm4b:s20+s2], $0x8000, $0x38;
	[tilespmem:$0x10080] =	vst v63  }
0x2a: {  	p1 =	slt.s32 s11, s16;
	s19 =	simm.s32 @!p2 $0x0  }
0x2b: {  	p2 =	sgt.s32 @!p1 s7, s17;
	_ =	swait.ge [sflag:s4], $0x8000;
	s18 =	sshll.u32 @!p4 s19, $0x7  }
0x2c: {  	s28 =	rddreg [dreg:$0x6];
	s18 =	sand.u32 @!p4 $0x1FFFFF80, s18;
	[sflag:s4] =	ssyncset.done $0x0  }
0x2d: {  	s18 =	sadd.s32 @!p4 s3, s18;
	p4 =	por p2, p1;
	[sflag:s4] =	ssyncadd.s32 $0xFFFF8000  }
0x2e: {  	[hbm4b:s28+s2] =	stream.linear.scatter [tilespmem:s9], [sflag:$0x1], $0x8000, $0x38;
	[tilespmem:$0x10080] =	vst v63  }
0x2f: {  	p3 =	por !p3, p0;
	s20 =	smov.u32 s10;
	s19 =	ssub.s32 @!p4 s11, s16  }
0x30: {  	s20 =	smov.u32 @p3 s18;
	_ =	swait.ge [sflag:s4], $0x8000;
	p3 =	sgt.s32 @!p4 s19, $0x0  }
0x31: {  	s20 =	smov.u32 @p0 s10;
	[sflag:s4] =	ssyncset.done $0x0;
	p0 =	por @!p1 !p3, p2  }
0x32: {  	[sflag:s4] =	ssyncadd.s32 $0xFFFF8000;
	p0 =	por !p0, p1  }
0x33: {  	[tilespmem:s6], [sflag:$0x1] =	stream.linear.gather [hbm4b:s20+s2], $0x8000, $0x38;
	[tilespmem:$0x10080] =	vst v63  }
0x34: {  	s19 =	simm.s32 @!p0 $0x0;
	_ =	swait.ge [sflag:s4], $0x8000  }
0x35: {  	p0 =	por !p2, p1;
	s19 =	sshll.u32 @!p4 s19, $0x7;
	[sflag:s4] =	ssyncset.done $0x0  }
0x36: {  	s29 =	rddreg [dreg:$0x7];
	s19 =	sand.u32 @!p4 $0x1FFFFF80, s19;
	[sflag:s4] =	ssyncadd.s32 $0xFFFF8000  }
0x37: {  	[hbm4b:s29+s2] =	stream.linear.scatter [tilespmem:s6], [sflag:$0x1], $0x8000, $0x38;
	[tilespmem:$0x10080] =	vst v63  }
0x38: {  	s18 =	sadd.s32 @!p4 s3, s19;
	s19 =	smov.u32 s8;
	_ =	swait.ge [sflag:s4], $0x8000  }
0x39: {  	s19 =	smov.u32 @p0 s18;
	[sflag:s4] =	ssyncset.done $0x0  }
0x3a: {  	s19 =	smov.u32 @p1 s8;
	[sflag:s4] =	ssyncadd.s32 $0xFFFF8000  }
0x3b: {  	[tilespmem:s9], [sflag:$0x1] =	stream.linear.gather [hbm4b:s19+s2], $0x8000, $0x38;
	[tilespmem:$0x10080] =	vst v63  }
0x3c: {  	_ =	swait.ge [sflag:s4], $0x8000  }
0x3d: {  	[sflag:s4] =	ssyncset.done $0x0  }
0x3e: {  	s30 =	rddreg [dreg:$0x8];
	[sflag:s4] =	ssyncadd.s32 $0xFFFF8000  }
0x3f: {  	[hbm4b:s30+s2] =	stream.linear.scatter [tilespmem:s9], [sflag:$0x1], $0x8000, $0x38;
	[tilespmem:$0x10080] =	vst v63  }
0x40: {  	_ =	swait.ge [sflag:s4], $0x8000  }
0x41: {  	p0 =	slt.s32 s7, s16;
	s18 =	rddreg [dreg:$0x9]  }
0x42: {  	p1 =	sgt.s32 @!p0 s18, s17  }
0x43: {  	p2 =	por p1, p0  }
0x44: {  	s16 =	ssub.s32 @!p2 s7, s16  }
0x45: {  	p3 =	sgt.s32 @!p2 s16, $0x0  }
0x46: {  	p3 =	por @!p0 !p3, p1  }
0x47: {  	p3 =	por !p3, p0  }
0x48: {  	s16 =	simm.s32 @!p3 $0x0  }
0x49: {  	s16 =	sshll.u32 @!p2 s16, $0x7  }
0x4a: {  	s16 =	sand.u32 @!p2 $0x1FFFFF80, s16  }
0x4b: {  	s17 =	smov.u32 s5;
	p1 =	por !p1, p0;
	s16 =	sadd.s32 @!p2 s3, s16  }
0x4c: {  	[sflag:s4] =	ssyncset.done $0x0;
	s17 =	smov.u32 @p1 s16  }
0x4d: {  	s15 =	sadd.s32 $0xFFFFFFFF, s15;
	[sflag:s4] =	ssyncadd.s32 $0xFFFF8000;
	s17 =	smov.u32 @p0 s5  }
0x4e: {  	[tilespmem:s6], [sflag:$0x1] =	stream.linear.gather [hbm4b:s17+s2], $0x8000, $0x38;
	[tilespmem:$0x10080] =	vst v63  }
0x4f: {  	p0 =	sne.s32 s15, $0x0;
	_ =	swait.ge [sflag:s4], $0x8000  }
.Ltmp1:
0x50: {  	[sflag:s4] =	ssyncset.done $0x0;
	(pc) =	sbr.rel @!p0 .LBB2_2-.Ltmp1, $4  }
0x51: {  	s31 =	rddreg [dreg:$0xa];
	[sflag:s4] =	ssyncadd.s32 $0xFFFF8000  }
0x52: {  	[hbm4b:s31+s2] =	stream.linear.scatter [tilespmem:s6], [sflag:$0x1], $0x8000, $0x38;
	[tilespmem:$0x10080] =	vst v63  }
0x53: {  	_ =	swait.ge [sflag:s4], $0x8000  }
0x54: {  	s16 =	rddreg [dreg:$0x5];
	[sflag:s4] =	ssyncset.done $0x0  }
.LBB2_3:
0x55: {  	s15 =	sadd.s32 $0xFFFFFFFF, s15  }
0x56: {  	[sflag:s4] =	ssyncadd.s32 $0xFFFF8000;
	p0 =	sne.s32 s15, $0x0  }
0x57: {  	[tilespmem:s2], [sflag:$0x1] =	stream.linear.gather [hbm4b:s16+s2], $0x10, $0x38;
	[tilespmem:$0x10080] =	vst v63  }
0x58: {  	s17 =	simm.s32 @!p0 $0x0  }
0x59: {  	s17 =	simm.s32 @p0 $0x1  }
0x5a: {  	[smem:$0x7FD] =	sst s17  }
0x5b: {  	_ =	swait.ge [sflag:s4], $0x10  }
0x5c: {  	[sflag:s4] =	ssyncset.done $0x0  }
0x5d: {  	[sflag:s4] =	ssyncadd.s32 $0xFFFFFFF0  }
0x5e: {  	v0 =	vld [tilespmem:$0x0];
	_ =	sdelay $0x4  }
0x5f: {  	(v2sf) =	vpush v0, $0x0;
	_ =	sdelay $0xe  }
0x60: {  	s16 =	spop (v2sf)  }
0x61: {  	s17 =	sadd.s32 $0x200, s16;
	p5 =	slt.s32 s13, s16  }
0x62: {  	p4 =	sgt.s32 @!p5 s11, s17  }
0x63: {  	s18 =	simm.s32 @!p4 $0x0  }
0x64: {  	p2 =	slt.s32 s14, s16;
	p0 =	slt.s32 s11, s16;
	s18 =	simm.s32 @p4 $0x1  }
0x65: {  	p1 =	sgt.s32 @!p2 s13, s17;
	[smem:$0x7F1] =	sst s18;
	s18 =	simm.s32 @!p0 $0x0  }
0x66: {  	s18 =	simm.s32 @p0 $0x1;
	p0 =	por !p1, p2  }
0x67: {  	p6 =	por !p4, p5;
	[smem:$0x7EF] =	sst s18;
	s18 =	simm.s32 @!p0 $0x0  }
0x68: {  	p3 =	por p1, p2;
	s20 =	simm.s32 @!p6 $0x0;
	s18 =	simm.s32 @p0 $0x1  }
0x69: {  	s20 =	simm.s32 @p6 $0x1;
	[smem:$0x7F8] =	sst s18;
	s18 =	ssub.s32 @!p3 s14, s16  }
0x6a: {  	[smem:$0x7F9] =	sst s20;
	p6 =	sgt.s32 @!p3 s18, $0x0  }
0x6b: {  	p0 =	por p4, p5;
	s22 =	sld [smem:$0x7EF];
	s20 =	simm.s32 @!p6 $0x0  }
0x6c: {  	s19 =	ssub.s32 @!p0 s13, s16;
	s20 =	simm.s32 @p6 $0x1  }
0x6d: {  	p4 =	por p5, p5;
	p5 =	sgt.s32 @!p0 s19, $0x0;
	[smem:$0x7F0] =	sst s20  }
0x6e: {  	p6 =	seq.s32 s22, $0x1;
	s20 =	simm.s32 @!p5 $0x0;
	s23 =	sld [smem:$0x7F0]  }
0x6f: {  	s24 =	sld [smem:$0x7F1];
	s20 =	simm.s32 @p5 $0x1;
	p5 =	sgt.s32 @!p6 s7, s17  }
0x70: {  	[smem:$0x7F2] =	sst s20;
	s20 =	simm.s32 @!p5 $0x0  }
0x71: {  	s20 =	simm.s32 @p5 $0x1;
	s25 =	sld [smem:$0x7F2];
	p5 =	seq.s32 s23, $0x1  }
0x72: {  	[smem:$0x7FC] =	sst s20;
	p1 =	por @!p2 !p5, p1  }
0x73: {  	s26 =	sld [smem:$0x7FC];
	s20 =	simm.s32 @!p1 $0x0  }
0x74: {  	p5 =	seq.s32 s25, $0x1;
	s20 =	simm.s32 @p1 $0x1;
	p1 =	seq.s32 s24, $0x1  }
0x75: {  	p1 =	por @!p4 !p5, p1  }
0x76: {  	[smem:$0x7F3] =	sst s20;
	s20 =	simm.s32 @!p1 $0x0  }
0x77: {  	s20 =	simm.s32 @p1 $0x1;
	p1 =	seq.s32 s26, $0x1  }
0x78: {  	s28 =	sld [smem:$0x7F3];
	p5 =	por p1, p6  }
0x79: {  	[smem:$0x7F4] =	sst s20;
	s20 =	simm.s32 @!p5 $0x0  }
0x7a: {  	s29 =	sld [smem:$0x7F4];
	s20 =	simm.s32 @p5 $0x1  }
0x7b: {  	p5 =	seq.s32 s28, $0x1;
	[smem:$0x7F5] =	sst s20;
	s20 =	simm.s32 @!p2 $0x0  }
0x7c: {  	s20 =	simm.s32 @p2 $0x1;
	p2 =	por !p5, p2;
	s30 =	sld [smem:$0x7F5]  }
0x7d: {  	[smem:$0x7FA] =	sst s20;
	s20 =	simm.s32 @!p2 $0x0  }
0x7e: {  	p5 =	seq.s32 s29, $0x1;
	s20 =	simm.s32 @p2 $0x1  }
0x7f: {  	p2 =	por !p5, p4;
	[smem:$0x7F6] =	sst s20;
	s20 =	simm.s32 @!p4 $0x0  }
0x80: {  	p5 =	seq.s32 s30, $0x1;
	s20 =	simm.s32 @p4 $0x1;
	s21 =	sld [smem:$0x7F6]  }
0x81: {  	[smem:$0x7FB] =	sst s20;
	s20 =	ssub.s32 @!p5 s11, s16  }
0x82: {  	s19 =	simm.s32 @!p2 $0x0;
	p2 =	sgt.s32 @!p5 s20, $0x0  }
0x83: {  	s31 =	sld [smem:$0x7F9];
	p4 =	seq.s32 s21, $0x1;
	s21 =	simm.s32 @!p2 $0x0  }
0x84: {  	s22 =	sld [smem:$0x7F8];
	s21 =	simm.s32 @p2 $0x1  }
0x85: {  	[smem:$0x7F7] =	sst s21  }
0x86: {  	s19 =	sshll.u32 @!p0 s19, $0x7;
	s18 =	simm.s32 @!p4 $0x0;
	s21 =	sld [smem:$0x7F7]  }
0x87: {  	s23 =	sld [smem:$0x7FA];
	s19 =	sand.u32 @!p0 $0x1FFFFF80, s19;
	s18 =	sshll.u32 @!p3 s18, $0x7  }
0x88: {  	s19 =	sadd.s32 @!p0 s3, s19;
	p0 =	seq.s32 s22, $0x1;
	s18 =	sand.u32 @!p3 $0x1FFFFF80, s18  }
0x89: {  	s18 =	sadd.s32 @!p3 s3, s18;
	p2 =	seq.s32 s21, $0x1;
	s21 =	smov.u32 s12  }
0x8a: {  	s21 =	smov.u32 @p0 s18;
	s18 =	smov.u32 s10;
	p0 =	seq.s32 s31, $0x1  }
0x8b: {  	s18 =	smov.u32 @p0 s19;
	p0 =	seq.s32 s23, $0x1  }
0x8c: {  	s21 =	smov.u32 @p0 s12  }
0x8d: {  	[tilespmem:s9], [sflag:$0x1] =	stream.linear.gather [hbm4b:s21+s2], $0x8000, $0x38;
	[tilespmem:$0x10080] =	vst v63  }
0x8e: {  	s24 =	sld [smem:$0x7FB];
	_ =	swait.ge [sflag:s4], $0x8000  }
0x8f: {  	[sflag:s4] =	ssyncset.done $0x0  }
0x90: {  	p1 =	por @!p6 !p2, p1;
	s26 =	rddreg [dreg:$0x6];
	[sflag:s4] =	ssyncadd.s32 $0xFFFF8000  }
0x91: {  	[hbm4b:s26+s2] =	stream.linear.scatter [tilespmem:s9], [sflag:$0x1], $0x8000, $0x38;
	[tilespmem:$0x10080] =	vst v63  }
0x92: {  	p1 =	por !p1, p6;
	s25 =	sld [smem:$0x7FC];
	_ =	swait.ge [sflag:s4], $0x8000  }
0x93: {  	s20 =	simm.s32 @!p1 $0x0;
	p0 =	seq.s32 s24, $0x1;
	[sflag:s4] =	ssyncset.done $0x0  }
0x94: {  	s19 =	sshll.u32 @!p5 s20, $0x7;
	s18 =	smov.u32 @p0 s10;
	[sflag:s4] =	ssyncadd.s32 $0xFFFF8000  }
0x95: {  	[tilespmem:s6], [sflag:$0x1] =	stream.linear.gather [hbm4b:s18+s2], $0x8000, $0x38;
	[tilespmem:$0x10080] =	vst v63  }
0x96: {  	s19 =	sand.u32 @!p5 $0x1FFFFF80, s19;
	_ =	swait.ge [sflag:s4], $0x8000  }
0x97: {  	s19 =	sadd.s32 @!p5 s3, s19;
	[sflag:s4] =	ssyncset.done $0x0  }
0x98: {  	p5 =	seq.s32 s25, $0x1;
	s28 =	rddreg [dreg:$0x7];
	[sflag:s4] =	ssyncadd.s32 $0xFFFF8000  }
0x99: {  	[hbm4b:s28+s2] =	stream.linear.scatter [tilespmem:s6], [sflag:$0x1], $0x8000, $0x38;
	[tilespmem:$0x10080] =	vst v63  }
0x9a: {  	s21 =	smov.u32 s8;
	p0 =	por !p5, p6;
	_ =	swait.ge [sflag:s4], $0x8000  }
0x9b: {  	s21 =	smov.u32 @p0 s19;
	[sflag:s4] =	ssyncset.done $0x0  }
0x9c: {  	s21 =	smov.u32 @p6 s8;
	[sflag:s4] =	ssyncadd.s32 $0xFFFF8000  }
0x9d: {  	[tilespmem:s9], [sflag:$0x1] =	stream.linear.gather [hbm4b:s21+s2], $0x8000, $0x38;
	[tilespmem:$0x10080] =	vst v63  }
0x9e: {  	_ =	swait.ge [sflag:s4], $0x8000  }
0x9f: {  	[sflag:s4] =	ssyncset.done $0x0  }
0xa0: {  	s29 =	rddreg [dreg:$0x8];
	[sflag:s4] =	ssyncadd.s32 $0xFFFF8000  }
0xa1: {  	[hbm4b:s29+s2] =	stream.linear.scatter [tilespmem:s9], [sflag:$0x1], $0x8000, $0x38;
	[tilespmem:$0x10080] =	vst v63  }
0xa2: {  	_ =	swait.ge [sflag:s4], $0x8000  }
0xa3: {  	p0 =	slt.s32 s7, s16;
	s18 =	rddreg [dreg:$0x9]  }
0xa4: {  	p1 =	sgt.s32 @!p0 s18, s17  }
0xa5: {  	p2 =	por p1, p0  }
0xa6: {  	s16 =	ssub.s32 @!p2 s7, s16  }
0xa7: {  	p3 =	sgt.s32 @!p2 s16, $0x0  }
0xa8: {  	p3 =	por @!p0 !p3, p1  }
0xa9: {  	p3 =	por !p3, p0  }
0xaa: {  	s16 =	simm.s32 @!p3 $0x0  }
0xab: {  	s16 =	sshll.u32 @!p2 s16, $0x7  }
0xac: {  	s16 =	sand.u32 @!p2 $0x1FFFFF80, s16  }
0xad: {  	s17 =	smov.u32 s5;
	p1 =	por !p1, p0;
	s16 =	sadd.s32 @!p2 s3, s16  }
0xae: {  	[sflag:s4] =	ssyncset.done $0x0;
	s17 =	smov.u32 @p1 s16  }
0xaf: {  	[sflag:s4] =	ssyncadd.s32 $0xFFFF8000;
	s17 =	smov.u32 @p0 s5  }
0xb0: {  	[tilespmem:s6], [sflag:$0x1] =	stream.linear.gather [hbm4b:s17+s2], $0x8000, $0x38;
	[tilespmem:$0x10080] =	vst v63  }
0xb1: {  	_ =	swait.ge [sflag:s4], $0x8000  }
0xb2: {  	[sflag:s4] =	ssyncset.done $0x0  }
0xb3: {  	s30 =	rddreg [dreg:$0xa];
	[sflag:s4] =	ssyncadd.s32 $0xFFFF8000  }
0xb4: {  	[hbm4b:s30+s2] =	stream.linear.scatter [tilespmem:s6], [sflag:$0x1], $0x8000, $0x38;
	[tilespmem:$0x10080] =	vst v63  }
0xb5: {  	_ =	swait.ge [sflag:s4], $0x8000  }
0xb6: {  	s31 =	sld [smem:$0x7FD];
	_ =	sdelay $0x2  }
0xb7: {  	p0 =	seq.s32 s31, $0x1  }
.Ltmp2:
0xb8: {  	_ = 	snop;
	(pc) =	sbr.rel @p0 .LBB2_3-.Ltmp2, $2  }
0xb9: {  	_ =	sdelay $0x2  }
0xba: {  	s16 =	rddreg [dreg:$0x5];
	[sflag:s4] =	ssyncset.done $0x0  }
0xbb: {  	p1 =	por $0x1, $0x1  }
.LBB2_5:
0xbc: {  	[sflag:s4] =	ssyncadd.s32 @p1 $0xFFFF8000  }
0xbd: {  	[tilespmem:s2], [sflag:$0x1] =	stream.linear.gather [hbm4b:s16+s2], $0x10, $0x38;
	[tilespmem:$0x10080] =	vst v63  }
0xbe: {  	_ =	swait.ge [sflag:s4], $0x10  }
0xbf: {  	[sflag:s4] =	ssyncset.done $0x0  }
0xc0: {  	[sflag:s4] =	ssyncadd.s32 $0xFFFFFFF0  }
0xc1: {  	v0 =	vld [tilespmem:$0x0];
	_ =	sdelay $0x4  }
0xc2: {  	(v2sf) =	vpush v0, $0x0;
	_ =	sdelay $0xe  }
0xc3: {  	s15 =	spop (v2sf)  }
0xc4: {  	p1 =	slt.s32 s14, s15;
	s16 =	sadd.s32 $0x200, s15  }
0xc5: {  	p2 =	sgt.s32 @!p1 s13, s16  }
0xc6: {  	p5 =	por p2, p1  }
0xc7: {  	s14 =	ssub.s32 @!p5 s14, s15  }
0xc8: {  	p0 =	sgt.s32 @!p5 s14, $0x0  }
0xc9: {  	p3 =	por @!p1 !p0, p2  }
0xca: {  	p0 =	slt.s32 s13, s15;
	p4 =	por !p3, p1  }
0xcb: {  	p3 =	sgt.s32 @!p0 s11, s16;
	s14 =	simm.s32 @!p4 $0x0  }
0xcc: {  	p4 =	por p3, p0;
	s14 =	sshll.u32 @!p5 s14, $0x7  }
0xcd: {  	s17 =	smov.u32 s12;
	s13 =	ssub.s32 @!p4 s13, s15;
	s14 =	sand.u32 @!p5 $0x1FFFFF80, s14  }
0xce: {  	p2 =	por !p2, p1;
	s14 =	sadd.s32 @!p5 s3, s14;
	p5 =	sgt.s32 @!p4 s13, $0x0  }
0xcf: {  	s17 =	smov.u32 @p2 s14;
	p2 =	por @!p0 !p5, p3  }
0xd0: {  	p2 =	por !p2, p0;
	s17 =	smov.u32 @p1 s12  }
0xd1: {  	[tilespmem:s9], [sflag:$0x1] =	stream.linear.gather [hbm4b:s17+s2], $0x8000, $0x38;
	[tilespmem:$0x10080] =	vst v63  }
0xd2: {  	p1 =	slt.s32 s11, s15;
	s13 =	simm.s32 @!p2 $0x0  }
0xd3: {  	p2 =	sgt.s32 @!p1 s7, s16;
	_ =	swait.ge [sflag:s4], $0x8000;
	s12 =	sshll.u32 @!p4 s13, $0x7  }
0xd4: {  	s28 =	rddreg [dreg:$0x6];
	s12 =	sand.u32 @!p4 $0x1FFFFF80, s12;
	[sflag:s4] =	ssyncset.done $0x0  }
0xd5: {  	s12 =	sadd.s32 @!p4 s3, s12;
	p4 =	por p2, p1;
	[sflag:s4] =	ssyncadd.s32 $0xFFFF8000  }
0xd6: {  	[hbm4b:s28+s2] =	stream.linear.scatter [tilespmem:s9], [sflag:$0x1], $0x8000, $0x38;
	[tilespmem:$0x10080] =	vst v63  }
0xd7: {  	p3 =	por !p3, p0;
	s13 =	smov.u32 s10;
	s11 =	ssub.s32 @!p4 s11, s15  }
0xd8: {  	s13 =	smov.u32 @p3 s12;
	_ =	swait.ge [sflag:s4], $0x8000;
	p3 =	sgt.s32 @!p4 s11, $0x0  }
0xd9: {  	s13 =	smov.u32 @p0 s10;
	[sflag:s4] =	ssyncset.done $0x0;
	p0 =	por @!p1 !p3, p2  }
0xda: {  	[sflag:s4] =	ssyncadd.s32 $0xFFFF8000;
	p0 =	por !p0, p1  }
0xdb: {  	[tilespmem:s6], [sflag:$0x1] =	stream.linear.gather [hbm4b:s13+s2], $0x8000, $0x38;
	[tilespmem:$0x10080] =	vst v63  }
0xdc: {  	s11 =	simm.s32 @!p0 $0x0;
	_ =	swait.ge [sflag:s4], $0x8000  }
0xdd: {  	p0 =	por !p2, p1;
	s11 =	sshll.u32 @!p4 s11, $0x7;
	[sflag:s4] =	ssyncset.done $0x0  }
0xde: {  	s29 =	rddreg [dreg:$0x7];
	s11 =	sand.u32 @!p4 $0x1FFFFF80, s11;
	[sflag:s4] =	ssyncadd.s32 $0xFFFF8000  }
0xdf: {  	[hbm4b:s29+s2] =	stream.linear.scatter [tilespmem:s6], [sflag:$0x1], $0x8000, $0x38;
	[tilespmem:$0x10080] =	vst v63  }
0xe0: {  	s10 =	sadd.s32 @!p4 s3, s11;
	s11 =	smov.u32 s8;
	_ =	swait.ge [sflag:s4], $0x8000  }
0xe1: {  	s11 =	smov.u32 @p0 s10;
	[sflag:s4] =	ssyncset.done $0x0  }
0xe2: {  	s11 =	smov.u32 @p1 s8;
	[sflag:s4] =	ssyncadd.s32 $0xFFFF8000  }
0xe3: {  	[tilespmem:s9], [sflag:$0x1] =	stream.linear.gather [hbm4b:s11+s2], $0x8000, $0x38;
	[tilespmem:$0x10080] =	vst v63  }
0xe4: {  	_ =	swait.ge [sflag:s4], $0x8000  }
0xe5: {  	[sflag:s4] =	ssyncset.done $0x0  }
0xe6: {  	s30 =	rddreg [dreg:$0x8];
	[sflag:s4] =	ssyncadd.s32 $0xFFFF8000  }
0xe7: {  	[hbm4b:s30+s2] =	stream.linear.scatter [tilespmem:s9], [sflag:$0x1], $0x8000, $0x38;
	[tilespmem:$0x10080] =	vst v63  }
0xe8: {  	_ =	swait.ge [sflag:s4], $0x8000  }
0xe9: {  	p0 =	slt.s32 s7, s15;
	s8 =	rddreg [dreg:$0x9]  }
0xea: {  	p1 =	sgt.s32 @!p0 s8, s16  }
0xeb: {  	p2 =	por p1, p0  }
0xec: {  	s7 =	ssub.s32 @!p2 s7, s15  }
0xed: {  	p3 =	sgt.s32 @!p2 s7, $0x0  }
0xee: {  	p3 =	por @!p0 !p3, p1  }
0xef: {  	p3 =	por !p3, p0  }
0xf0: {  	s7 =	simm.s32 @!p3 $0x0  }
0xf1: {  	s7 =	sshll.u32 @!p2 s7, $0x7  }
0xf2: {  	s7 =	sand.u32 @!p2 $0x1FFFFF80, s7  }
0xf3: {  	p1 =	por !p1, p0;
	s3 =	sadd.s32 @!p2 s3, s7;
	s7 =	smov.u32 s5  }
0xf4: {  	[sflag:s4] =	ssyncset.done $0x0;
	s7 =	smov.u32 @p1 s3  }
0xf5: {  	[sflag:s4] =	ssyncadd.s32 $0xFFFF8000;
	s7 =	smov.u32 @p0 s5  }
0xf6: {  	[tilespmem:s6], [sflag:$0x1] =	stream.linear.gather [hbm4b:s7+s2], $0x8000, $0x38;
	[tilespmem:$0x10080] =	vst v63  }
0xf7: {  	_ =	swait.ge [sflag:s4], $0x8000  }
0xf8: {  	[sflag:s4] =	ssyncset.done $0x0  }
0xf9: {  	s31 =	rddreg [dreg:$0xa];
	[sflag:s4] =	ssyncadd.s32 $0xFFFF8000  }
0xfa: {  	[hbm4b:s31+s2] =	stream.linear.scatter [tilespmem:s6], [sflag:$0x1], $0x8000, $0x38;
	[tilespmem:$0x10080] =	vst v63  }
0xfb: {  	_ =	swait.ge [sflag:s4], $0x8000  }
0xfc: {  	[sflag:s4] =	ssyncset.done $0x0  }
0xfd: {  	[sflag:s4] =	ssyncadd.s32 $0xFFFF8000  }
0xfe: {  	_ =	sfence.sel $0x180000  }
0xff: {  	[bflag:$0x0] =	sbarrier.arrive $0xFFFF  }
0x100: {  	p0 =	sne.s32 s1, $0x0;
	_ =	strace $0x90000047  }
0x101: {  	s0 =	sadd.s32 @!p0 $0x100000, s0;
	[bflag:$0x2] =	sbarrier.arrive $0xFFFF  }
0x102: {  	[sflag:s0] =	ssyncadd.tile.s32 @!p0 $0x1;
	_ =	shalt  }
.LBB2_2:
.Ltmp3:
0x103: {  	(pc) =	sbr.rel .LBB2_5-.Ltmp3, $2  }
0x104: {  	_ =	sdelay $0x2  }
0x105: {  	p1 =	por $0x1, $0x1  }
.Lfunc_end2:
_tile_overlayer_lowered:
.L_overlay_start_2:
0x106: {  	(tag) =	ssettag $0x2  }
0x107: {  	s0 =	rddreg [dreg:$0x0];
	s2 =	stileid.u32  }
0x108: {  	s1 =	rddreg [dreg:$0x1];
	p0 =	sne.s32 s2, $0x0  }
0x109: {  	s3 =	rddreg [dreg:$0x2];
	[bflag:$0x3] =	sbarrier.arrive $0xFFFF;
	s2 =	simm.s32 @!p0 $0x1C01  }
0x10a: {  	[timem:s3], [sflag:s2] =	dma.local @!p0 [hbm:s0], s1  }
0x10b: {  	s0 =	simm.s32 @!p0 $0x1  }
0x10c: {  	_ =	swait.ge @!p0 [sflag:s0], s1  }
0x10d: {  	s1 =	ssub.s32 @!p0 $0x0, s1;
	[sflag:s0] =	ssyncset.done @!p0 $0x0  }
0x10e: {  	[sflag:s0] =	ssyncadd.s32 @!p0 s1  }
0x10f: {  	[bflag:$0x3] =	sbarrier.arrive $0xFFFF  }
0x110: {  	_ =	shalt  }

</sc_bundles>
